<compile_context>
chip_gen: v7x
topology: tpu7x:2x2x1
jax: 0.10.2.dev20260603
libtpu: 0.0.44.dev20260713+nightly
codegen_flags: <defaults>
</compile_context>

<pallas_src>
import functools

import jax
import jax.numpy as jnp
from jax import lax
from jax.experimental import pallas as pl
from jax.experimental.pallas import tpu as pltpu
from jax.experimental.pallas import tpu_sc as plsc

N = 10000
NUM_POS = 640000
NUM_NEG = 640000
NE = NUM_POS + NUM_NEG

NC, NS, L = 2, 16, 16
NW = NC * NS
CH = NUM_POS // NS
NWIN = 20
WIN = CH // NWIN


def _softplus16(z):
    u = jnp.exp(-jnp.abs(z))
    s = u / (u + 2.0)
    t = s * s
    log1p = 2.0 * s * (1.0 + t * (1.0 / 3.0 + t * (0.2 + t * (1.0 / 7.0))))
    return jnp.maximum(z, 0.0) + log1p


def _sc_body(flat_ref, pos_ref, neg_ref, out_ref, rbuf, cbuf, vbuf, abuf, sem, isem):
    wid = lax.axis_index("s") * NC + lax.axis_index("c")
    half = wid // NS
    slot = wid % NS
    base = slot * CH

    @pl.when(half == 0)
    def _():
        c1 = pltpu.async_copy(pos_ref.at[pl.ds(base, CH)], rbuf, isem)
        c2 = pltpu.async_copy(pos_ref.at[pl.ds(NUM_POS + base, CH)], cbuf, isem)
        c1.wait()
        c2.wait()

    @pl.when(half == 1)
    def _():
        c1 = pltpu.async_copy(neg_ref.at[pl.ds(base, CH)], rbuf, isem)
        c2 = pltpu.async_copy(neg_ref.at[pl.ds(NUM_NEG + base, CH)], cbuf, isem)
        c1.wait()
        c2.wait()

    sign = jnp.where(half == 0, -1.0, 1.0)

    gathers = []
    for j in range(NWIN):
        o = j * WIN

        @plsc.parallel_loop(o, o + WIN, step=L, unroll=5)
        def _flat(i):
            rbuf[pl.ds(i, L)] = rbuf[pl.ds(i, L)] * N + cbuf[pl.ds(i, L)]

        gathers.append(
            pltpu.async_copy(
                flat_ref.at[rbuf.at[pl.ds(o, WIN)]], vbuf.at[pl.ds(o, WIN)], sem))

    acc = jnp.zeros((L,), jnp.float32)
    for j, g in enumerate(gathers):
        o = j * WIN
        g.wait()

        @plsc.parallel_loop(o, o + WIN, step=L, unroll=5, carry=acc)
        def _acc(i, a):
            z = vbuf[pl.ds(i, L)] * sign
            return a + _softplus16(z)

        acc = _acc

    abuf[...] = acc
    pltpu.sync_copy(abuf, out_ref.at[pl.ds(wid * L, L)])


@functools.partial(
    pl.kernel,
    out_type=jax.ShapeDtypeStruct((NW * L,), jnp.float32),
    mesh=plsc.VectorSubcoreMesh(core_axis_name="c", subcore_axis_name="s"),
    scratch_types=[
        pltpu.VMEM((CH,), jnp.int32),
        pltpu.VMEM((CH,), jnp.int32),
        pltpu.VMEM((CH,), jnp.float32),
        pltpu.VMEM((L,), jnp.float32),
        pltpu.SemaphoreType.DMA,
        pltpu.SemaphoreType.DMA,
    ],
)
def _sc_loss(flat_ref, pos_ref, neg_ref, out_ref, rbuf, cbuf, vbuf, abuf, sem, isem):
    _sc_body(flat_ref, pos_ref, neg_ref, out_ref, rbuf, cbuf, vbuf, abuf, sem, isem)


def kernel(input, pos_edge_index, neg_edge_index):
    flat = input.reshape(-1)
    pos = pos_edge_index.astype(jnp.int32).reshape(-1)
    neg = neg_edge_index.astype(jnp.int32).reshape(-1)
    partials = _sc_loss(flat, pos, neg)
    return jnp.sum(partials) / NE

# --- scband reference (transcript-rebuilt; emitter-appended) ---
"""Pipeline reference for scband-masked-reconstruction-loss-3075196584532 (READ-ONLY COPY).

The authoritative reference and input builder live on the scoring server;
editing this copy changes nothing except your own understanding.
"""

import jax, jax.numpy as jnp
import numpy as np

N_NODES = 10000
NUM_POS = 640000
NUM_NEG = 640000


def setup_inputs(seed: int = 0) -> dict:
    key = jax.random.key(seed)
    k1, k2, k3 = jax.random.split(key, 3)
    inp = jax.random.normal(k1, (N_NODES, N_NODES), dtype=jnp.float32)
    pos_edge_index = jax.random.randint(k2, (2, NUM_POS), 0, N_NODES, dtype=jnp.int64)
    neg_edge_index = jax.random.randint(k3, (2, NUM_NEG), 0, N_NODES, dtype=jnp.int64)
    return {"input": inp, "pos_edge_index": pos_edge_index, "neg_edge_index": neg_edge_index}


def _bce_with_logits(logits, targets):
    # numerically stable binary cross entropy with logits, mean reduction
    return jnp.mean(jnp.maximum(logits, 0.0) - logits * targets + jnp.log1p(jnp.exp(-jnp.abs(logits))))


def reference(input, pos_edge_index, neg_edge_index):
    num_pos = pos_edge_index.shape[1]
    num_neg = neg_edge_index.shape[1]
    loss_edge_index = jnp.concatenate((pos_edge_index, neg_edge_index), axis=-1)
    loss_target = jnp.concatenate((jnp.ones((num_pos,), dtype=jnp.float32), jnp.zeros((num_neg,), dtype=jnp.float32)), axis=-1)
    logits = input[loss_edge_index[0], loss_edge_index[1]]
    loss = _bce_with_logits(logits, loss_target)
    # original does .mean() on an already-mean-reduced scalar (no-op)
    return jnp.mean(loss)

if __name__ == "__main__":
    import jax
    _d = setup_inputs()
    print(jax.jit(kernel)(*tuple(_d.values())))

</pallas_src>

<mosaic_0001>
#map = affine_map<(d0, d1) -> (0)>
module attributes {stable_mosaic.version = 14 : i64} {
  func.func @_sc_loss(%arg0: i32, %arg1: i32, %arg2: memref<100000000xf32, #tpu.memory_space<hbm>>, %arg3: memref<1280000xi32, #tpu.memory_space<hbm>>, %arg4: memref<1280000xi32, #tpu.memory_space<hbm>>, %arg5: memref<512xf32, #tpu.memory_space<hbm>>, %arg6: memref<40000xi32, #tpu.memory_space<vmem>>, %arg7: memref<40000xi32, #tpu.memory_space<vmem>>, %arg8: memref<40000xf32, #tpu.memory_space<vmem>>, %arg9: memref<16xf32, #tpu.memory_space<vmem>>, %arg10: memref<!tpu.dma_semaphore, #tpu.memory_space<semaphore_mem>>, %arg11: memref<!tpu.dma_semaphore, #tpu.memory_space<semaphore_mem>>) attributes {dimension_semantics = [#tpu.dimension_semantics<core_parallel>, #tpu.dimension_semantics<subcore_parallel>], iteration_bounds = array<i64: 2, 16>, scalar_prefetch = 0 : i64, scratch_operands = 6 : i64, tpu.core_type = #tpu.core_type<sc_vector_subcore>, window_params = [{transform_indices = #map}, {transform_indices = #map}, {transform_indices = #map}, {transform_indices = #map}]} {
    %mul3A = arith.constant 2 : i32
    %mul3A_0 = arith.muli %arg1, %mul3A : i32
    %add3A = arith.addi %mul3A_0, %arg0 : i32
    %jit3A = arith.constant 16 : i32
    %div3A = arith.divsi %add3A, %jit3A : i32
    %sign3A = arith.constant 0 : i32
    %sign3A_1 = arith.cmpi sgt, %add3A, %sign3A : i32
    %sign3A_2 = arith.extui %sign3A_1 : i1 to i32
    %sign3A_3 = arith.constant 0 : i32
    %sign3A_4 = arith.cmpi slt, %add3A, %sign3A_3 : i32
    %sign3A_5 = arith.extui %sign3A_4 : i1 to i32
    %sign3A_6 = arith.subi %sign3A_2, %sign3A_5 : i32
    %sign3A_7 = arith.constant 0 : i32
    %sign3A_8 = arith.cmpi sgt, %jit3A, %sign3A_7 : i32
    %sign3A_9 = arith.extui %sign3A_8 : i1 to i32
    %sign3A_10 = arith.constant 0 : i32
    %sign3A_11 = arith.cmpi slt, %jit3A, %sign3A_10 : i32
    %sign3A_12 = arith.extui %sign3A_11 : i1 to i32
    %sign3A_13 = arith.subi %sign3A_9, %sign3A_12 : i32
    %ne3A = arith.cmpi ne, %sign3A_6, %sign3A_13 : i32
    %rem3A = arith.remsi %add3A, %jit3A : i32
    %ne3A_14 = arith.constant 0 : i32
    %ne3A_15 = arith.cmpi ne, %rem3A, %ne3A_14 : i32
    %and3A = arith.andi %ne3A, %ne3A_15 : i1
    %sub3A = arith.constant 1 : i32
    %sub3A_16 = arith.subi %div3A, %sub3A : i32
    %select_n3A = arith.select %and3A, %sub3A_16, %div3A : i32
    %jit3A_17 = arith.constant 16 : i32
    %eq3A = arith.constant 0 : i32
    %eq3A_18 = arith.cmpi eq, %jit3A_17, %eq3A : i32
    %jit3A_19 = arith.constant 1 : i32
    %select_n3A_20 = arith.select %eq3A_18, %jit3A_19, %jit3A_17 : i32
    %rem3A_21 = arith.remsi %add3A, %select_n3A_20 : i32
    %ne3A_22 = arith.constant 0 : i32
    %ne3A_23 = arith.cmpi ne, %rem3A_21, %ne3A_22 : i32
    %lt3A = arith.constant 0 : i32
    %lt3A_24 = arith.cmpi slt, %rem3A_21, %lt3A : i32
    %lt3A_25 = arith.constant 0 : i32
    %lt3A_26 = arith.cmpi slt, %select_n3A_20, %lt3A_25 : i32
    %ne3A_27 = arith.xori %lt3A_24, %lt3A_26 : i1
    %and3A_28 = arith.andi %ne3A_27, %ne3A_23 : i1
    %add3A_29 = arith.addi %rem3A_21, %select_n3A_20 : i32
    %select_n3A_30 = arith.select %and3A_28, %add3A_29, %rem3A_21 : i32
    %mul3A_31 = arith.constant 40000 : i32
    %mul3A_32 = arith.muli %select_n3A_30, %mul3A_31 : i32
    %eq3A_33 = arith.constant 0 : i32
    %eq3A_34 = arith.cmpi eq, %select_n3A, %eq3A_33 : i32
    %convert_element_type3A = arith.extui %eq3A_34 : i1 to i32
    %cond3A = arith.constant 0 : i32
    %cond3A_35 = arith.cmpi ne, %convert_element_type3A, %cond3A : i32
    scf.if %cond3A_35 {
      %dma_start3A_429 = tpu.memref_slice %arg3[%mul3A_32] : memref<1280000xi32, #tpu.memory_space<hbm>> -> memref<40000xi32, #tpu.memory_space<hbm>>
      %dma_start3A_430 = tpu.memref_slice %arg3[%mul3A_32] : memref<1280000xi32, #tpu.memory_space<hbm>> -> memref<40000xi32, #tpu.memory_space<hbm>>
      tpu.enqueue_dma source(%dma_start3A_430 : memref<40000xi32, #tpu.memory_space<hbm>>) target(%arg6 : memref<40000xi32, #tpu.memory_space<vmem>>) target_semaphore(%arg11 : memref<!tpu.dma_semaphore, #tpu.memory_space<semaphore_mem>>)
      %add3A_431 = arith.constant 640000 : i32
      %add3A_432 = arith.addi %add3A_431, %mul3A_32 : i32
      %dma_start3A_433 = tpu.memref_slice %arg3[%add3A_432] : memref<1280000xi32, #tpu.memory_space<hbm>> -> memref<40000xi32, #tpu.memory_space<hbm>>
      %dma_start3A_434 = tpu.memref_slice %arg3[%add3A_432] : memref<1280000xi32, #tpu.memory_space<hbm>> -> memref<40000xi32, #tpu.memory_space<hbm>>
      tpu.enqueue_dma source(%dma_start3A_434 : memref<40000xi32, #tpu.memory_space<hbm>>) target(%arg7 : memref<40000xi32, #tpu.memory_space<vmem>>) target_semaphore(%arg11 : memref<!tpu.dma_semaphore, #tpu.memory_space<semaphore_mem>>)
      %dma_wait3A_435 = tpu.memref_slice %arg3[%mul3A_32] : memref<1280000xi32, #tpu.memory_space<hbm>> -> memref<40000xi32, #tpu.memory_space<hbm>>
      %dma_wait3A_436 = tpu.memref_slice %arg3[%mul3A_32] : memref<1280000xi32, #tpu.memory_space<hbm>> -> memref<40000xi32, #tpu.memory_space<hbm>>
      tpu.wait_dma2 semaphore(%arg11 : memref<!tpu.dma_semaphore, #tpu.memory_space<semaphore_mem>>) src(%dma_wait3A_436 : memref<40000xi32, #tpu.memory_space<hbm>>) dst(%arg6 : memref<40000xi32, #tpu.memory_space<vmem>>)
      %dma_wait3A_437 = tpu.memref_slice %arg3[%add3A_432] : memref<1280000xi32, #tpu.memory_space<hbm>> -> memref<40000xi32, #tpu.memory_space<hbm>>
      %dma_wait3A_438 = tpu.memref_slice %arg3[%add3A_432] : memref<1280000xi32, #tpu.memory_space<hbm>> -> memref<40000xi32, #tpu.memory_space<hbm>>
      tpu.wait_dma2 semaphore(%arg11 : memref<!tpu.dma_semaphore, #tpu.memory_space<semaphore_mem>>) src(%dma_wait3A_438 : memref<40000xi32, #tpu.memory_space<hbm>>) dst(%arg7 : memref<40000xi32, #tpu.memory_space<vmem>>)
    } else {
    }
    %eq3A_36 = arith.constant 1 : i32
    %eq3A_37 = arith.cmpi eq, %select_n3A, %eq3A_36 : i32
    %convert_element_type3A_38 = arith.extui %eq3A_37 : i1 to i32
    %cond3A_39 = arith.constant 0 : i32
    %cond3A_40 = arith.cmpi ne, %convert_element_type3A_38, %cond3A_39 : i32
    scf.if %cond3A_40 {
      %dma_start3A_429 = tpu.memref_slice %arg4[%mul3A_32] : memref<1280000xi32, #tpu.memory_space<hbm>> -> memref<40000xi32, #tpu.memory_space<hbm>>
      %dma_start3A_430 = tpu.memref_slice %arg4[%mul3A_32] : memref<1280000xi32, #tpu.memory_space<hbm>> -> memref<40000xi32, #tpu.memory_space<hbm>>
      tpu.enqueue_dma source(%dma_start3A_430 : memref<40000xi32, #tpu.memory_space<hbm>>) target(%arg6 : memref<40000xi32, #tpu.memory_space<vmem>>) target_semaphore(%arg11 : memref<!tpu.dma_semaphore, #tpu.memory_space<semaphore_mem>>)
      %add3A_431 = arith.constant 640000 : i32
      %add3A_432 = arith.addi %add3A_431, %mul3A_32 : i32
      %dma_start3A_433 = tpu.memref_slice %arg4[%add3A_432] : memref<1280000xi32, #tpu.memory_space<hbm>> -> memref<40000xi32, #tpu.memory_space<hbm>>
      %dma_start3A_434 = tpu.memref_slice %arg4[%add3A_432] : memref<1280000xi32, #tpu.memory_space<hbm>> -> memref<40000xi32, #tpu.memory_space<hbm>>
      tpu.enqueue_dma source(%dma_start3A_434 : memref<40000xi32, #tpu.memory_space<hbm>>) target(%arg7 : memref<40000xi32, #tpu.memory_space<vmem>>) target_semaphore(%arg11 : memref<!tpu.dma_semaphore, #tpu.memory_space<semaphore_mem>>)
      %dma_wait3A_435 = tpu.memref_slice %arg4[%mul3A_32] : memref<1280000xi32, #tpu.memory_space<hbm>> -> memref<40000xi32, #tpu.memory_space<hbm>>
      %dma_wait3A_436 = tpu.memref_slice %arg4[%mul3A_32] : memref<1280000xi32, #tpu.memory_space<hbm>> -> memref<40000xi32, #tpu.memory_space<hbm>>
      tpu.wait_dma2 semaphore(%arg11 : memref<!tpu.dma_semaphore, #tpu.memory_space<semaphore_mem>>) src(%dma_wait3A_436 : memref<40000xi32, #tpu.memory_space<hbm>>) dst(%arg6 : memref<40000xi32, #tpu.memory_space<vmem>>)
      %dma_wait3A_437 = tpu.memref_slice %arg4[%add3A_432] : memref<1280000xi32, #tpu.memory_space<hbm>> -> memref<40000xi32, #tpu.memory_space<hbm>>
      %dma_wait3A_438 = tpu.memref_slice %arg4[%add3A_432] : memref<1280000xi32, #tpu.memory_space<hbm>> -> memref<40000xi32, #tpu.memory_space<hbm>>
      tpu.wait_dma2 semaphore(%arg11 : memref<!tpu.dma_semaphore, #tpu.memory_space<semaphore_mem>>) src(%dma_wait3A_438 : memref<40000xi32, #tpu.memory_space<hbm>>) dst(%arg7 : memref<40000xi32, #tpu.memory_space<vmem>>)
    } else {
    }
    %eq3A_41 = arith.constant 0 : i32
    %eq3A_42 = arith.cmpi eq, %select_n3A, %eq3A_41 : i32
    %jit3A_43 = arith.constant -1.000000e+00 : f32
    %jit3A_44 = arith.constant 1.000000e+00 : f32
    %select_n3A_45 = arith.select %eq3A_42, %jit3A_43, %jit3A_44 : f32
    %parallel_loop3A = arith.constant 0 : i32
    %parallel_loop3A_46 = arith.constant 2000 : i32
    %parallel_loop3A_47 = arith.constant 16 : i32
    scf.for %parallel_loop3A_429 = %parallel_loop3A to %parallel_loop3A_46 step %parallel_loop3A_47  : i32 {
      %parallel_loop3A_430 = arith.index_cast %parallel_loop3A_429 : i32 to index
      %parallel_loop3A_431 = tpu.vector_load %arg6[%parallel_loop3A_430] {strides = array<i32>} : memref<40000xi32, #tpu.memory_space<vmem>>, vector<16xi32>,
      %parallel_loop3A_432 = vector.shape_cast %parallel_loop3A_431 : vector<16xi32> to vector<16xi32>
      %parallel_loop3A_433 = arith.constant 10000 : i32
      %parallel_loop3A_434 = vector.broadcast %parallel_loop3A_433 : i32 to vector<16xi32>
      %parallel_loop3A_435 = arith.muli %parallel_loop3A_432, %parallel_loop3A_434 : vector<16xi32>
      %parallel_loop3A_436 = arith.index_cast %parallel_loop3A_429 : i32 to index
      %parallel_loop3A_437 = tpu.vector_load %arg7[%parallel_loop3A_436] {strides = array<i32>} : memref<40000xi32, #tpu.memory_space<vmem>>, vector<16xi32>,
      %parallel_loop3A_438 = vector.shape_cast %parallel_loop3A_437 : vector<16xi32> to vector<16xi32>
      %parallel_loop3A_439 = arith.addi %parallel_loop3A_435, %parallel_loop3A_438 : vector<16xi32>
      %parallel_loop3A_440 = arith.index_cast %parallel_loop3A_429 : i32 to index
      %parallel_loop3A_441 = tpu.vector_load %arg6[%parallel_loop3A_440] {strides = array<i32>} : memref<40000xi32, #tpu.memory_space<vmem>>, vector<16xi32>,
      %parallel_loop3A_442 = vector.shape_cast %parallel_loop3A_441 : vector<16xi32> to vector<16xi32>
      %parallel_loop3A_443 = vector.shape_cast %parallel_loop3A_439 : vector<16xi32> to vector<16xi32>
      tpu.vector_store %arg6[%parallel_loop3A_440], %parallel_loop3A_443 {strides = array<i32>} : memref<40000xi32, #tpu.memory_space<vmem>>, vector<16xi32>,
    } {sc.loop_unroll_factor = 5 : i64, sc.parallel_access}
    %dma_start3A = arith.constant 0 : i32
    %dma_start3A_48 = tpu.memref_slice %arg8[%dma_start3A] : memref<40000xf32, #tpu.memory_space<vmem>> -> memref<2000xf32, #tpu.memory_space<vmem>>
    %dma_start3A_49 = arith.constant 0 : i32
    %dma_start3A_50 = tpu.memref_slice %arg6[%dma_start3A_49] : memref<40000xi32, #tpu.memory_space<vmem>> -> memref<2000xi32, #tpu.memory_space<vmem>>
    %dma_start3A_51 = arith.constant 0 : i32
    %dma_start3A_52 = tpu.memref_slice %arg2[%dma_start3A_51] : memref<100000000xf32, #tpu.memory_space<hbm>> -> memref<100000000xf32, #tpu.memory_space<hbm>>
    tpu.enqueue_indirect_dma source(%dma_start3A_52 : memref<100000000xf32, #tpu.memory_space<hbm>>) target(%dma_start3A_48 : memref<2000xf32, #tpu.memory_space<vmem>>) offsets(%dma_start3A_50 : memref<2000xi32, #tpu.memory_space<vmem>>) semaphore(%arg10 : memref<!tpu.dma_semaphore, #tpu.memory_space<semaphore_mem>>)
    %parallel_loop3A_53 = arith.constant 2000 : i32
    %parallel_loop3A_54 = arith.constant 4000 : i32
    %parallel_loop3A_55 = arith.constant 16 : i32
    scf.for %parallel_loop3A_429 = %parallel_loop3A_53 to %parallel_loop3A_54 step %parallel_loop3A_55  : i32 {
      %parallel_loop3A_430 = arith.index_cast %parallel_loop3A_429 : i32 to index
      %parallel_loop3A_431 = tpu.vector_load %arg6[%parallel_loop3A_430] {strides = array<i32>} : memref<40000xi32, #tpu.memory_space<vmem>>, vector<16xi32>,
      %parallel_loop3A_432 = vector.shape_cast %parallel_loop3A_431 : vector<16xi32> to vector<16xi32>
      %parallel_loop3A_433 = arith.constant 10000 : i32
      %parallel_loop3A_434 = vector.broadcast %parallel_loop3A_433 : i32 to vector<16xi32>
      %parallel_loop3A_435 = arith.muli %parallel_loop3A_432, %parallel_loop3A_434 : vector<16xi32>
      %parallel_loop3A_436 = arith.index_cast %parallel_loop3A_429 : i32 to index
      %parallel_loop3A_437 = tpu.vector_load %arg7[%parallel_loop3A_436] {strides = array<i32>} : memref<40000xi32, #tpu.memory_space<vmem>>, vector<16xi32>,
      %parallel_loop3A_438 = vector.shape_cast %parallel_loop3A_437 : vector<16xi32> to vector<16xi32>
      %parallel_loop3A_439 = arith.addi %parallel_loop3A_435, %parallel_loop3A_438 : vector<16xi32>
      %parallel_loop3A_440 = arith.index_cast %parallel_loop3A_429 : i32 to index
      %parallel_loop3A_441 = tpu.vector_load %arg6[%parallel_loop3A_440] {strides = array<i32>} : memref<40000xi32, #tpu.memory_space<vmem>>, vector<16xi32>,
      %parallel_loop3A_442 = vector.shape_cast %parallel_loop3A_441 : vector<16xi32> to vector<16xi32>
      %parallel_loop3A_443 = vector.shape_cast %parallel_loop3A_439 : vector<16xi32> to vector<16xi32>
      tpu.vector_store %arg6[%parallel_loop3A_440], %parallel_loop3A_443 {strides = array<i32>} : memref<40000xi32, #tpu.memory_space<vmem>>, vector<16xi32>,
    } {sc.loop_unroll_factor = 5 : i64, sc.parallel_access}
    %dma_start3A_56 = arith.constant 2000 : i32
    %dma_start3A_57 = tpu.memref_slice %arg8[%dma_start3A_56] : memref<40000xf32, #tpu.memory_space<vmem>> -> memref<2000xf32, #tpu.memory_space<vmem>>
    %dma_start3A_58 = arith.constant 2000 : i32
    %dma_start3A_59 = tpu.memref_slice %arg6[%dma_start3A_58] : memref<40000xi32, #tpu.memory_space<vmem>> -> memref<2000xi32, #tpu.memory_space<vmem>>
    %dma_start3A_60 = arith.constant 0 : i32
    %dma_start3A_61 = tpu.memref_slice %arg2[%dma_start3A_60] : memref<100000000xf32, #tpu.memory_space<hbm>> -> memref<100000000xf32, #tpu.memory_space<hbm>>
    tpu.enqueue_indirect_dma source(%dma_start3A_61 : memref<100000000xf32, #tpu.memory_space<hbm>>) target(%dma_start3A_57 : memref<2000xf32, #tpu.memory_space<vmem>>) offsets(%dma_start3A_59 : memref<2000xi32, #tpu.memory_space<vmem>>) semaphore(%arg10 : memref<!tpu.dma_semaphore, #tpu.memory_space<semaphore_mem>>)
    %parallel_loop3A_62 = arith.constant 4000 : i32
    %parallel_loop3A_63 = arith.constant 6000 : i32
    %parallel_loop3A_64 = arith.constant 16 : i32
    scf.for %parallel_loop3A_429 = %parallel_loop3A_62 to %parallel_loop3A_63 step %parallel_loop3A_64  : i32 {
      %parallel_loop3A_430 = arith.index_cast %parallel_loop3A_429 : i32 to index
      %parallel_loop3A_431 = tpu.vector_load %arg6[%parallel_loop3A_430] {strides = array<i32>} : memref<40000xi32, #tpu.memory_space<vmem>>, vector<16xi32>,
      %parallel_loop3A_432 = vector.shape_cast %parallel_loop3A_431 : vector<16xi32> to vector<16xi32>
      %parallel_loop3A_433 = arith.constant 10000 : i32
      %parallel_loop3A_434 = vector.broadcast %parallel_loop3A_433 : i32 to vector<16xi32>
      %parallel_loop3A_435 = arith.muli %parallel_loop3A_432, %parallel_loop3A_434 : vector<16xi32>
      %parallel_loop3A_436 = arith.index_cast %parallel_loop3A_429 : i32 to index
      %parallel_loop3A_437 = tpu.vector_load %arg7[%parallel_loop3A_436] {strides = array<i32>} : memref<40000xi32, #tpu.memory_space<vmem>>, vector<16xi32>,
      %parallel_loop3A_438 = vector.shape_cast %parallel_loop3A_437 : vector<16xi32> to vector<16xi32>
      %parallel_loop3A_439 = arith.addi %parallel_loop3A_435, %parallel_loop3A_438 : vector<16xi32>
      %parallel_loop3A_440 = arith.index_cast %parallel_loop3A_429 : i32 to index
      %parallel_loop3A_441 = tpu.vector_load %arg6[%parallel_loop3A_440] {strides = array<i32>} : memref<40000xi32, #tpu.memory_space<vmem>>, vector<16xi32>,
      %parallel_loop3A_442 = vector.shape_cast %parallel_loop3A_441 : vector<16xi32> to vector<16xi32>
      %parallel_loop3A_443 = vector.shape_cast %parallel_loop3A_439 : vector<16xi32> to vector<16xi32>
      tpu.vector_store %arg6[%parallel_loop3A_440], %parallel_loop3A_443 {strides = array<i32>} : memref<40000xi32, #tpu.memory_space<vmem>>, vector<16xi32>,
    } {sc.loop_unroll_factor = 5 : i64, sc.parallel_access}
    %dma_start3A_65 = arith.constant 4000 : i32
    %dma_start3A_66 = tpu.memref_slice %arg8[%dma_start3A_65] : memref<40000xf32, #tpu.memory_space<vmem>> -> memref<2000xf32, #tpu.memory_space<vmem>>
    %dma_start3A_67 = arith.constant 4000 : i32
    %dma_start3A_68 = tpu.memref_slice %arg6[%dma_start3A_67] : memref<40000xi32, #tpu.memory_space<vmem>> -> memref<2000xi32, #tpu.memory_space<vmem>>
    %dma_start3A_69 = arith.constant 0 : i32
    %dma_start3A_70 = tpu.memref_slice %arg2[%dma_start3A_69] : memref<100000000xf32, #tpu.memory_space<hbm>> -> memref<100000000xf32, #tpu.memory_space<hbm>>
    tpu.enqueue_indirect_dma source(%dma_start3A_70 : memref<100000000xf32, #tpu.memory_space<hbm>>) target(%dma_start3A_66 : memref<2000xf32, #tpu.memory_space<vmem>>) offsets(%dma_start3A_68 : memref<2000xi32, #tpu.memory_space<vmem>>) semaphore(%arg10 : memref<!tpu.dma_semaphore, #tpu.memory_space<semaphore_mem>>)
    %parallel_loop3A_71 = arith.constant 6000 : i32
    %parallel_loop3A_72 = arith.constant 8000 : i32
    %parallel_loop3A_73 = arith.constant 16 : i32
    scf.for %parallel_loop3A_429 = %parallel_loop3A_71 to %parallel_loop3A_72 step %parallel_loop3A_73  : i32 {
      %parallel_loop3A_430 = arith.index_cast %parallel_loop3A_429 : i32 to index
      %parallel_loop3A_431 = tpu.vector_load %arg6[%parallel_loop3A_430] {strides = array<i32>} : memref<40000xi32, #tpu.memory_space<vmem>>, vector<16xi32>,
      %parallel_loop3A_432 = vector.shape_cast %parallel_loop3A_431 : vector<16xi32> to vector<16xi32>
      %parallel_loop3A_433 = arith.constant 10000 : i32
      %parallel_loop3A_434 = vector.broadcast %parallel_loop3A_433 : i32 to vector<16xi32>
      %parallel_loop3A_435 = arith.muli %parallel_loop3A_432, %parallel_loop3A_434 : vector<16xi32>
      %parallel_loop3A_436 = arith.index_cast %parallel_loop3A_429 : i32 to index
      %parallel_loop3A_437 = tpu.vector_load %arg7[%parallel_loop3A_436] {strides = array<i32>} : memref<40000xi32, #tpu.memory_space<vmem>>, vector<16xi32>,
      %parallel_loop3A_438 = vector.shape_cast %parallel_loop3A_437 : vector<16xi32> to vector<16xi32>
      %parallel_loop3A_439 = arith.addi %parallel_loop3A_435, %parallel_loop3A_438 : vector<16xi32>
      %parallel_loop3A_440 = arith.index_cast %parallel_loop3A_429 : i32 to index
      %parallel_loop3A_441 = tpu.vector_load %arg6[%parallel_loop3A_440] {strides = array<i32>} : memref<40000xi32, #tpu.memory_space<vmem>>, vector<16xi32>,
      %parallel_loop3A_442 = vector.shape_cast %parallel_loop3A_441 : vector<16xi32> to vector<16xi32>
      %parallel_loop3A_443 = vector.shape_cast %parallel_loop3A_439 : vector<16xi32> to vector<16xi32>
      tpu.vector_store %arg6[%parallel_loop3A_440], %parallel_loop3A_443 {strides = array<i32>} : memref<40000xi32, #tpu.memory_space<vmem>>, vector<16xi32>,
    } {sc.loop_unroll_factor = 5 : i64, sc.parallel_access}
    %dma_start3A_74 = arith.constant 6000 : i32
    %dma_start3A_75 = tpu.memref_slice %arg8[%dma_start3A_74] : memref<40000xf32, #tpu.memory_space<vmem>> -> memref<2000xf32, #tpu.memory_space<vmem>>
    %dma_start3A_76 = arith.constant 6000 : i32
    %dma_start3A_77 = tpu.memref_slice %arg6[%dma_start3A_76] : memref<40000xi32, #tpu.memory_space<vmem>> -> memref<2000xi32, #tpu.memory_space<vmem>>
    %dma_start3A_78 = arith.constant 0 : i32
    %dma_start3A_79 = tpu.memref_slice %arg2[%dma_start3A_78] : memref<100000000xf32, #tpu.memory_space<hbm>> -> memref<100000000xf32, #tpu.memory_space<hbm>>
    tpu.enqueue_indirect_dma source(%dma_start3A_79 : memref<100000000xf32, #tpu.memory_space<hbm>>) target(%dma_start3A_75 : memref<2000xf32, #tpu.memory_space<vmem>>) offsets(%dma_start3A_77 : memref<2000xi32, #tpu.memory_space<vmem>>) semaphore(%arg10 : memref<!tpu.dma_semaphore, #tpu.memory_space<semaphore_mem>>)
    %parallel_loop3A_80 = arith.constant 8000 : i32
    %parallel_loop3A_81 = arith.constant 10000 : i32
    %parallel_loop3A_82 = arith.constant 16 : i32
    scf.for %parallel_loop3A_429 = %parallel_loop3A_80 to %parallel_loop3A_81 step %parallel_loop3A_82  : i32 {
      %parallel_loop3A_430 = arith.index_cast %parallel_loop3A_429 : i32 to index
      %parallel_loop3A_431 = tpu.vector_load %arg6[%parallel_loop3A_430] {strides = array<i32>} : memref<40000xi32, #tpu.memory_space<vmem>>, vector<16xi32>,
      %parallel_loop3A_432 = vector.shape_cast %parallel_loop3A_431 : vector<16xi32> to vector<16xi32>
      %parallel_loop3A_433 = arith.constant 10000 : i32
      %parallel_loop3A_434 = vector.broadcast %parallel_loop3A_433 : i32 to vector<16xi32>
      %parallel_loop3A_435 = arith.muli %parallel_loop3A_432, %parallel_loop3A_434 : vector<16xi32>
      %parallel_loop3A_436 = arith.index_cast %parallel_loop3A_429 : i32 to index
      %parallel_loop3A_437 = tpu.vector_load %arg7[%parallel_loop3A_436] {strides = array<i32>} : memref<40000xi32, #tpu.memory_space<vmem>>, vector<16xi32>,
      %parallel_loop3A_438 = vector.shape_cast %parallel_loop3A_437 : vector<16xi32> to vector<16xi32>
      %parallel_loop3A_439 = arith.addi %parallel_loop3A_435, %parallel_loop3A_438 : vector<16xi32>
      %parallel_loop3A_440 = arith.index_cast %parallel_loop3A_429 : i32 to index
      %parallel_loop3A_441 = tpu.vector_load %arg6[%parallel_loop3A_440] {strides = array<i32>} : memref<40000xi32, #tpu.memory_space<vmem>>, vector<16xi32>,
      %parallel_loop3A_442 = vector.shape_cast %parallel_loop3A_441 : vector<16xi32> to vector<16xi32>
      %parallel_loop3A_443 = vector.shape_cast %parallel_loop3A_439 : vector<16xi32> to vector<16xi32>
      tpu.vector_store %arg6[%parallel_loop3A_440], %parallel_loop3A_443 {strides = array<i32>} : memref<40000xi32, #tpu.memory_space<vmem>>, vector<16xi32>,
    } {sc.loop_unroll_factor = 5 : i64, sc.parallel_access}
    %dma_start3A_83 = arith.constant 8000 : i32
    %dma_start3A_84 = tpu.memref_slice %arg8[%dma_start3A_83] : memref<40000xf32, #tpu.memory_space<vmem>> -> memref<2000xf32, #tpu.memory_space<vmem>>
    %dma_start3A_85 = arith.constant 8000 : i32
    %dma_start3A_86 = tpu.memref_slice %arg6[%dma_start3A_85] : memref<40000xi32, #tpu.memory_space<vmem>> -> memref<2000xi32, #tpu.memory_space<vmem>>
    %dma_start3A_87 = arith.constant 0 : i32
    %dma_start3A_88 = tpu.memref_slice %arg2[%dma_start3A_87] : memref<100000000xf32, #tpu.memory_space<hbm>> -> memref<100000000xf32, #tpu.memory_space<hbm>>
    tpu.enqueue_indirect_dma source(%dma_start3A_88 : memref<100000000xf32, #tpu.memory_space<hbm>>) target(%dma_start3A_84 : memref<2000xf32, #tpu.memory_space<vmem>>) offsets(%dma_start3A_86 : memref<2000xi32, #tpu.memory_space<vmem>>) semaphore(%arg10 : memref<!tpu.dma_semaphore, #tpu.memory_space<semaphore_mem>>)
    %parallel_loop3A_89 = arith.constant 10000 : i32
    %parallel_loop3A_90 = arith.constant 12000 : i32
    %parallel_loop3A_91 = arith.constant 16 : i32
    scf.for %parallel_loop3A_429 = %parallel_loop3A_89 to %parallel_loop3A_90 step %parallel_loop3A_91  : i32 {
      %parallel_loop3A_430 = arith.index_cast %parallel_loop3A_429 : i32 to index
      %parallel_loop3A_431 = tpu.vector_load %arg6[%parallel_loop3A_430] {strides = array<i32>} : memref<40000xi32, #tpu.memory_space<vmem>>, vector<16xi32>,
      %parallel_loop3A_432 = vector.shape_cast %parallel_loop3A_431 : vector<16xi32> to vector<16xi32>
      %parallel_loop3A_433 = arith.constant 10000 : i32
      %parallel_loop3A_434 = vector.broadcast %parallel_loop3A_433 : i32 to vector<16xi32>
      %parallel_loop3A_435 = arith.muli %parallel_loop3A_432, %parallel_loop3A_434 : vector<16xi32>
      %parallel_loop3A_436 = arith.index_cast %parallel_loop3A_429 : i32 to index
      %parallel_loop3A_437 = tpu.vector_load %arg7[%parallel_loop3A_436] {strides = array<i32>} : memref<40000xi32, #tpu.memory_space<vmem>>, vector<16xi32>,
      %parallel_loop3A_438 = vector.shape_cast %parallel_loop3A_437 : vector<16xi32> to vector<16xi32>
      %parallel_loop3A_439 = arith.addi %parallel_loop3A_435, %parallel_loop3A_438 : vector<16xi32>
      %parallel_loop3A_440 = arith.index_cast %parallel_loop3A_429 : i32 to index
      %parallel_loop3A_441 = tpu.vector_load %arg6[%parallel_loop3A_440] {strides = array<i32>} : memref<40000xi32, #tpu.memory_space<vmem>>, vector<16xi32>,
      %parallel_loop3A_442 = vector.shape_cast %parallel_loop3A_441 : vector<16xi32> to vector<16xi32>
      %parallel_loop3A_443 = vector.shape_cast %parallel_loop3A_439 : vector<16xi32> to vector<16xi32>
      tpu.vector_store %arg6[%parallel_loop3A_440], %parallel_loop3A_443 {strides = array<i32>} : memref<40000xi32, #tpu.memory_space<vmem>>, vector<16xi32>,
    } {sc.loop_unroll_factor = 5 : i64, sc.parallel_access}
    %dma_start3A_92 = arith.constant 10000 : i32
    %dma_start3A_93 = tpu.memref_slice %arg8[%dma_start3A_92] : memref<40000xf32, #tpu.memory_space<vmem>> -> memref<2000xf32, #tpu.memory_space<vmem>>
    %dma_start3A_94 = arith.constant 10000 : i32
    %dma_start3A_95 = tpu.memref_slice %arg6[%dma_start3A_94] : memref<40000xi32, #tpu.memory_space<vmem>> -> memref<2000xi32, #tpu.memory_space<vmem>>
    %dma_start3A_96 = arith.constant 0 : i32
    %dma_start3A_97 = tpu.memref_slice %arg2[%dma_start3A_96] : memref<100000000xf32, #tpu.memory_space<hbm>> -> memref<100000000xf32, #tpu.memory_space<hbm>>
    tpu.enqueue_indirect_dma source(%dma_start3A_97 : memref<100000000xf32, #tpu.memory_space<hbm>>) target(%dma_start3A_93 : memref<2000xf32, #tpu.memory_space<vmem>>) offsets(%dma_start3A_95 : memref<2000xi32, #tpu.memory_space<vmem>>) semaphore(%arg10 : memref<!tpu.dma_semaphore, #tpu.memory_space<semaphore_mem>>)
    %parallel_loop3A_98 = arith.constant 12000 : i32
    %parallel_loop3A_99 = arith.constant 14000 : i32
    %parallel_loop3A_100 = arith.constant 16 : i32
    scf.for %parallel_loop3A_429 = %parallel_loop3A_98 to %parallel_loop3A_99 step %parallel_loop3A_100  : i32 {
      %parallel_loop3A_430 = arith.index_cast %parallel_loop3A_429 : i32 to index
      %parallel_loop3A_431 = tpu.vector_load %arg6[%parallel_loop3A_430] {strides = array<i32>} : memref<40000xi32, #tpu.memory_space<vmem>>, vector<16xi32>,
      %parallel_loop3A_432 = vector.shape_cast %parallel_loop3A_431 : vector<16xi32> to vector<16xi32>
      %parallel_loop3A_433 = arith.constant 10000 : i32
      %parallel_loop3A_434 = vector.broadcast %parallel_loop3A_433 : i32 to vector<16xi32>
      %parallel_loop3A_435 = arith.muli %parallel_loop3A_432, %parallel_loop3A_434 : vector<16xi32>
      %parallel_loop3A_436 = arith.index_cast %parallel_loop3A_429 : i32 to index
      %parallel_loop3A_437 = tpu.vector_load %arg7[%parallel_loop3A_436] {strides = array<i32>} : memref<40000xi32, #tpu.memory_space<vmem>>, vector<16xi32>,
      %parallel_loop3A_438 = vector.shape_cast %parallel_loop3A_437 : vector<16xi32> to vector<16xi32>
      %parallel_loop3A_439 = arith.addi %parallel_loop3A_435, %parallel_loop3A_438 : vector<16xi32>
      %parallel_loop3A_440 = arith.index_cast %parallel_loop3A_429 : i32 to index
      %parallel_loop3A_441 = tpu.vector_load %arg6[%parallel_loop3A_440] {strides = array<i32>} : memref<40000xi32, #tpu.memory_space<vmem>>, vector<16xi32>,
      %parallel_loop3A_442 = vector.shape_cast %parallel_loop3A_441 : vector<16xi32> to vector<16xi32>
      %parallel_loop3A_443 = vector.shape_cast %parallel_loop3A_439 : vector<16xi32> to vector<16xi32>
      tpu.vector_store %arg6[%parallel_loop3A_440], %parallel_loop3A_443 {strides = array<i32>} : memref<40000xi32, #tpu.memory_space<vmem>>, vector<16xi32>,
    } {sc.loop_unroll_factor = 5 : i64, sc.parallel_access}
    %dma_start3A_101 = arith.constant 12000 : i32
    %dma_start3A_102 = tpu.memref_slice %arg8[%dma_start3A_101] : memref<40000xf32, #tpu.memory_space<vmem>> -> memref<2000xf32, #tpu.memory_space<vmem>>
    %dma_start3A_103 = arith.constant 12000 : i32
    %dma_start3A_104 = tpu.memref_slice %arg6[%dma_start3A_103] : memref<40000xi32, #tpu.memory_space<vmem>> -> memref<2000xi32, #tpu.memory_space<vmem>>
    %dma_start3A_105 = arith.constant 0 : i32
    %dma_start3A_106 = tpu.memref_slice %arg2[%dma_start3A_105] : memref<100000000xf32, #tpu.memory_space<hbm>> -> memref<100000000xf32, #tpu.memory_space<hbm>>
    tpu.enqueue_indirect_dma source(%dma_start3A_106 : memref<100000000xf32, #tpu.memory_space<hbm>>) target(%dma_start3A_102 : memref<2000xf32, #tpu.memory_space<vmem>>) offsets(%dma_start3A_104 : memref<2000xi32, #tpu.memory_space<vmem>>) semaphore(%arg10 : memref<!tpu.dma_semaphore, #tpu.memory_space<semaphore_mem>>)
    %parallel_loop3A_107 = arith.constant 14000 : i32
    %parallel_loop3A_108 = arith.constant 16000 : i32
    %parallel_loop3A_109 = arith.constant 16 : i32
    scf.for %parallel_loop3A_429 = %parallel_loop3A_107 to %parallel_loop3A_108 step %parallel_loop3A_109  : i32 {
      %parallel_loop3A_430 = arith.index_cast %parallel_loop3A_429 : i32 to index
      %parallel_loop3A_431 = tpu.vector_load %arg6[%parallel_loop3A_430] {strides = array<i32>} : memref<40000xi32, #tpu.memory_space<vmem>>, vector<16xi32>,
      %parallel_loop3A_432 = vector.shape_cast %parallel_loop3A_431 : vector<16xi32> to vector<16xi32>
      %parallel_loop3A_433 = arith.constant 10000 : i32
      %parallel_loop3A_434 = vector.broadcast %parallel_loop3A_433 : i32 to vector<16xi32>
      %parallel_loop3A_435 = arith.muli %parallel_loop3A_432, %parallel_loop3A_434 : vector<16xi32>
      %parallel_loop3A_436 = arith.index_cast %parallel_loop3A_429 : i32 to index
      %parallel_loop3A_437 = tpu.vector_load %arg7[%parallel_loop3A_436] {strides = array<i32>} : memref<40000xi32, #tpu.memory_space<vmem>>, vector<16xi32>,
      %parallel_loop3A_438 = vector.shape_cast %parallel_loop3A_437 : vector<16xi32> to vector<16xi32>
      %parallel_loop3A_439 = arith.addi %parallel_loop3A_435, %parallel_loop3A_438 : vector<16xi32>
      %parallel_loop3A_440 = arith.index_cast %parallel_loop3A_429 : i32 to index
      %parallel_loop3A_441 = tpu.vector_load %arg6[%parallel_loop3A_440] {strides = array<i32>} : memref<40000xi32, #tpu.memory_space<vmem>>, vector<16xi32>,
      %parallel_loop3A_442 = vector.shape_cast %parallel_loop3A_441 : vector<16xi32> to vector<16xi32>
      %parallel_loop3A_443 = vector.shape_cast %parallel_loop3A_439 : vector<16xi32> to vector<16xi32>
      tpu.vector_store %arg6[%parallel_loop3A_440], %parallel_loop3A_443 {strides = array<i32>} : memref<40000xi32, #tpu.memory_space<vmem>>, vector<16xi32>,
    } {sc.loop_unroll_factor = 5 : i64, sc.parallel_access}
    %dma_start3A_110 = arith.constant 14000 : i32
    %dma_start3A_111 = tpu.memref_slice %arg8[%dma_start3A_110] : memref<40000xf32, #tpu.memory_space<vmem>> -> memref<2000xf32, #tpu.memory_space<vmem>>
    %dma_start3A_112 = arith.constant 14000 : i32
    %dma_start3A_113 = tpu.memref_slice %arg6[%dma_start3A_112] : memref<40000xi32, #tpu.memory_space<vmem>> -> memref<2000xi32, #tpu.memory_space<vmem>>
    %dma_start3A_114 = arith.constant 0 : i32
    %dma_start3A_115 = tpu.memref_slice %arg2[%dma_start3A_114] : memref<100000000xf32, #tpu.memory_space<hbm>> -> memref<100000000xf32, #tpu.memory_space<hbm>>
    tpu.enqueue_indirect_dma source(%dma_start3A_115 : memref<100000000xf32, #tpu.memory_space<hbm>>) target(%dma_start3A_111 : memref<2000xf32, #tpu.memory_space<vmem>>) offsets(%dma_start3A_113 : memref<2000xi32, #tpu.memory_space<vmem>>) semaphore(%arg10 : memref<!tpu.dma_semaphore, #tpu.memory_space<semaphore_mem>>)
    %parallel_loop3A_116 = arith.constant 16000 : i32
    %parallel_loop3A_117 = arith.constant 18000 : i32
    %parallel_loop3A_118 = arith.constant 16 : i32
    scf.for %parallel_loop3A_429 = %parallel_loop3A_116 to %parallel_loop3A_117 step %parallel_loop3A_118  : i32 {
      %parallel_loop3A_430 = arith.index_cast %parallel_loop3A_429 : i32 to index
      %parallel_loop3A_431 = tpu.vector_load %arg6[%parallel_loop3A_430] {strides = array<i32>} : memref<40000xi32, #tpu.memory_space<vmem>>, vector<16xi32>,
      %parallel_loop3A_432 = vector.shape_cast %parallel_loop3A_431 : vector<16xi32> to vector<16xi32>
      %parallel_loop3A_433 = arith.constant 10000 : i32
      %parallel_loop3A_434 = vector.broadcast %parallel_loop3A_433 : i32 to vector<16xi32>
      %parallel_loop3A_435 = arith.muli %parallel_loop3A_432, %parallel_loop3A_434 : vector<16xi32>
      %parallel_loop3A_436 = arith.index_cast %parallel_loop3A_429 : i32 to index
      %parallel_loop3A_437 = tpu.vector_load %arg7[%parallel_loop3A_436] {strides = array<i32>} : memref<40000xi32, #tpu.memory_space<vmem>>, vector<16xi32>,
      %parallel_loop3A_438 = vector.shape_cast %parallel_loop3A_437 : vector<16xi32> to vector<16xi32>
      %parallel_loop3A_439 = arith.addi %parallel_loop3A_435, %parallel_loop3A_438 : vector<16xi32>
      %parallel_loop3A_440 = arith.index_cast %parallel_loop3A_429 : i32 to index
      %parallel_loop3A_441 = tpu.vector_load %arg6[%parallel_loop3A_440] {strides = array<i32>} : memref<40000xi32, #tpu.memory_space<vmem>>, vector<16xi32>,
      %parallel_loop3A_442 = vector.shape_cast %parallel_loop3A_441 : vector<16xi32> to vector<16xi32>
      %parallel_loop3A_443 = vector.shape_cast %parallel_loop3A_439 : vector<16xi32> to vector<16xi32>
      tpu.vector_store %arg6[%parallel_loop3A_440], %parallel_loop3A_443 {strides = array<i32>} : memref<40000xi32, #tpu.memory_space<vmem>>, vector<16xi32>,
    } {sc.loop_unroll_factor = 5 : i64, sc.parallel_access}
    %dma_start3A_119 = arith.constant 16000 : i32
    %dma_start3A_120 = tpu.memref_slice %arg8[%dma_start3A_119] : memref<40000xf32, #tpu.memory_space<vmem>> -> memref<2000xf32, #tpu.memory_space<vmem>>
    %dma_start3A_121 = arith.constant 16000 : i32
    %dma_start3A_122 = tpu.memref_slice %arg6[%dma_start3A_121] : memref<40000xi32, #tpu.memory_space<vmem>> -> memref<2000xi32, #tpu.memory_space<vmem>>
    %dma_start3A_123 = arith.constant 0 : i32
    %dma_start3A_124 = tpu.memref_slice %arg2[%dma_start3A_123] : memref<100000000xf32, #tpu.memory_space<hbm>> -> memref<100000000xf32, #tpu.memory_space<hbm>>
    tpu.enqueue_indirect_dma source(%dma_start3A_124 : memref<100000000xf32, #tpu.memory_space<hbm>>) target(%dma_start3A_120 : memref<2000xf32, #tpu.memory_space<vmem>>) offsets(%dma_start3A_122 : memref<2000xi32, #tpu.memory_space<vmem>>) semaphore(%arg10 : memref<!tpu.dma_semaphore, #tpu.memory_space<semaphore_mem>>)
    %parallel_loop3A_125 = arith.constant 18000 : i32
    %parallel_loop3A_126 = arith.constant 20000 : i32
    %parallel_loop3A_127 = arith.constant 16 : i32
    scf.for %parallel_loop3A_429 = %parallel_loop3A_125 to %parallel_loop3A_126 step %parallel_loop3A_127  : i32 {
      %parallel_loop3A_430 = arith.index_cast %parallel_loop3A_429 : i32 to index
      %parallel_loop3A_431 = tpu.vector_load %arg6[%parallel_loop3A_430] {strides = array<i32>} : memref<40000xi32, #tpu.memory_space<vmem>>, vector<16xi32>,
      %parallel_loop3A_432 = vector.shape_cast %parallel_loop3A_431 : vector<16xi32> to vector<16xi32>
      %parallel_loop3A_433 = arith.constant 10000 : i32
      %parallel_loop3A_434 = vector.broadcast %parallel_loop3A_433 : i32 to vector<16xi32>
      %parallel_loop3A_435 = arith.muli %parallel_loop3A_432, %parallel_loop3A_434 : vector<16xi32>
      %parallel_loop3A_436 = arith.index_cast %parallel_loop3A_429 : i32 to index
      %parallel_loop3A_437 = tpu.vector_load %arg7[%parallel_loop3A_436] {strides = array<i32>} : memref<40000xi32, #tpu.memory_space<vmem>>, vector<16xi32>,
      %parallel_loop3A_438 = vector.shape_cast %parallel_loop3A_437 : vector<16xi32> to vector<16xi32>
      %parallel_loop3A_439 = arith.addi %parallel_loop3A_435, %parallel_loop3A_438 : vector<16xi32>
      %parallel_loop3A_440 = arith.index_cast %parallel_loop3A_429 : i32 to index
      %parallel_loop3A_441 = tpu.vector_load %arg6[%parallel_loop3A_440] {strides = array<i32>} : memref<40000xi32, #tpu.memory_space<vmem>>, vector<16xi32>,
      %parallel_loop3A_442 = vector.shape_cast %parallel_loop3A_441 : vector<16xi32> to vector<16xi32>
      %parallel_loop3A_443 = vector.shape_cast %parallel_loop3A_439 : vector<16xi32> to vector<16xi32>
      tpu.vector_store %arg6[%parallel_loop3A_440], %parallel_loop3A_443 {strides = array<i32>} : memref<40000xi32, #tpu.memory_space<vmem>>, vector<16xi32>,
    } {sc.loop_unroll_factor = 5 : i64, sc.parallel_access}
    %dma_start3A_128 = arith.constant 18000 : i32
    %dma_start3A_129 = tpu.memref_slice %arg8[%dma_start3A_128] : memref<40000xf32, #tpu.memory_space<vmem>> -> memref<2000xf32, #tpu.memory_space<vmem>>
    %dma_start3A_130 = arith.constant 18000 : i32
    %dma_start3A_131 = tpu.memref_slice %arg6[%dma_start3A_130] : memref<40000xi32, #tpu.memory_space<vmem>> -> memref<2000xi32, #tpu.memory_space<vmem>>
    %dma_start3A_132 = arith.constant 0 : i32
    %dma_start3A_133 = tpu.memref_slice %arg2[%dma_start3A_132] : memref<100000000xf32, #tpu.memory_space<hbm>> -> memref<100000000xf32, #tpu.memory_space<hbm>>
    tpu.enqueue_indirect_dma source(%dma_start3A_133 : memref<100000000xf32, #tpu.memory_space<hbm>>) target(%dma_start3A_129 : memref<2000xf32, #tpu.memory_space<vmem>>) offsets(%dma_start3A_131 : memref<2000xi32, #tpu.memory_space<vmem>>) semaphore(%arg10 : memref<!tpu.dma_semaphore, #tpu.memory_space<semaphore_mem>>)
    %parallel_loop3A_134 = arith.constant 20000 : i32
    %parallel_loop3A_135 = arith.constant 22000 : i32
    %parallel_loop3A_136 = arith.constant 16 : i32
    scf.for %parallel_loop3A_429 = %parallel_loop3A_134 to %parallel_loop3A_135 step %parallel_loop3A_136  : i32 {
      %parallel_loop3A_430 = arith.index_cast %parallel_loop3A_429 : i32 to index
      %parallel_loop3A_431 = tpu.vector_load %arg6[%parallel_loop3A_430] {strides = array<i32>} : memref<40000xi32, #tpu.memory_space<vmem>>, vector<16xi32>,
      %parallel_loop3A_432 = vector.shape_cast %parallel_loop3A_431 : vector<16xi32> to vector<16xi32>
      %parallel_loop3A_433 = arith.constant 10000 : i32
      %parallel_loop3A_434 = vector.broadcast %parallel_loop3A_433 : i32 to vector<16xi32>
      %parallel_loop3A_435 = arith.muli %parallel_loop3A_432, %parallel_loop3A_434 : vector<16xi32>
      %parallel_loop3A_436 = arith.index_cast %parallel_loop3A_429 : i32 to index
      %parallel_loop3A_437 = tpu.vector_load %arg7[%parallel_loop3A_436] {strides = array<i32>} : memref<40000xi32, #tpu.memory_space<vmem>>, vector<16xi32>,
      %parallel_loop3A_438 = vector.shape_cast %parallel_loop3A_437 : vector<16xi32> to vector<16xi32>
      %parallel_loop3A_439 = arith.addi %parallel_loop3A_435, %parallel_loop3A_438 : vector<16xi32>
      %parallel_loop3A_440 = arith.index_cast %parallel_loop3A_429 : i32 to index
      %parallel_loop3A_441 = tpu.vector_load %arg6[%parallel_loop3A_440] {strides = array<i32>} : memref<40000xi32, #tpu.memory_space<vmem>>, vector<16xi32>,
      %parallel_loop3A_442 = vector.shape_cast %parallel_loop3A_441 : vector<16xi32> to vector<16xi32>
      %parallel_loop3A_443 = vector.shape_cast %parallel_loop3A_439 : vector<16xi32> to vector<16xi32>
      tpu.vector_store %arg6[%parallel_loop3A_440], %parallel_loop3A_443 {strides = array<i32>} : memref<40000xi32, #tpu.memory_space<vmem>>, vector<16xi32>,
    } {sc.loop_unroll_factor = 5 : i64, sc.parallel_access}
    %dma_start3A_137 = arith.constant 20000 : i32
    %dma_start3A_138 = tpu.memref_slice %arg8[%dma_start3A_137] : memref<40000xf32, #tpu.memory_space<vmem>> -> memref<2000xf32, #tpu.memory_space<vmem>>
    %dma_start3A_139 = arith.constant 20000 : i32
    %dma_start3A_140 = tpu.memref_slice %arg6[%dma_start3A_139] : memref<40000xi32, #tpu.memory_space<vmem>> -> memref<2000xi32, #tpu.memory_space<vmem>>
    %dma_start3A_141 = arith.constant 0 : i32
    %dma_start3A_142 = tpu.memref_slice %arg2[%dma_start3A_141] : memref<100000000xf32, #tpu.memory_space<hbm>> -> memref<100000000xf32, #tpu.memory_space<hbm>>
    tpu.enqueue_indirect_dma source(%dma_start3A_142 : memref<100000000xf32, #tpu.memory_space<hbm>>) target(%dma_start3A_138 : memref<2000xf32, #tpu.memory_space<vmem>>) offsets(%dma_start3A_140 : memref<2000xi32, #tpu.memory_space<vmem>>) semaphore(%arg10 : memref<!tpu.dma_semaphore, #tpu.memory_space<semaphore_mem>>)
    %parallel_loop3A_143 = arith.constant 22000 : i32
    %parallel_loop3A_144 = arith.constant 24000 : i32
    %parallel_loop3A_145 = arith.constant 16 : i32
    scf.for %parallel_loop3A_429 = %parallel_loop3A_143 to %parallel_loop3A_144 step %parallel_loop3A_145  : i32 {
      %parallel_loop3A_430 = arith.index_cast %parallel_loop3A_429 : i32 to index
      %parallel_loop3A_431 = tpu.vector_load %arg6[%parallel_loop3A_430] {strides = array<i32>} : memref<40000xi32, #tpu.memory_space<vmem>>, vector<16xi32>,
      %parallel_loop3A_432 = vector.shape_cast %parallel_loop3A_431 : vector<16xi32> to vector<16xi32>
      %parallel_loop3A_433 = arith.constant 10000 : i32
      %parallel_loop3A_434 = vector.broadcast %parallel_loop3A_433 : i32 to vector<16xi32>
      %parallel_loop3A_435 = arith.muli %parallel_loop3A_432, %parallel_loop3A_434 : vector<16xi32>
      %parallel_loop3A_436 = arith.index_cast %parallel_loop3A_429 : i32 to index
      %parallel_loop3A_437 = tpu.vector_load %arg7[%parallel_loop3A_436] {strides = array<i32>} : memref<40000xi32, #tpu.memory_space<vmem>>, vector<16xi32>,
      %parallel_loop3A_438 = vector.shape_cast %parallel_loop3A_437 : vector<16xi32> to vector<16xi32>
      %parallel_loop3A_439 = arith.addi %parallel_loop3A_435, %parallel_loop3A_438 : vector<16xi32>
      %parallel_loop3A_440 = arith.index_cast %parallel_loop3A_429 : i32 to index
      %parallel_loop3A_441 = tpu.vector_load %arg6[%parallel_loop3A_440] {strides = array<i32>} : memref<40000xi32, #tpu.memory_space<vmem>>, vector<16xi32>,
      %parallel_loop3A_442 = vector.shape_cast %parallel_loop3A_441 : vector<16xi32> to vector<16xi32>
      %parallel_loop3A_443 = vector.shape_cast %parallel_loop3A_439 : vector<16xi32> to vector<16xi32>
      tpu.vector_store %arg6[%parallel_loop3A_440], %parallel_loop3A_443 {strides = array<i32>} : memref<40000xi32, #tpu.memory_space<vmem>>, vector<16xi32>,
    } {sc.loop_unroll_factor = 5 : i64, sc.parallel_access}
    %dma_start3A_146 = arith.constant 22000 : i32
    %dma_start3A_147 = tpu.memref_slice %arg8[%dma_start3A_146] : memref<40000xf32, #tpu.memory_space<vmem>> -> memref<2000xf32, #tpu.memory_space<vmem>>
    %dma_start3A_148 = arith.constant 22000 : i32
    %dma_start3A_149 = tpu.memref_slice %arg6[%dma_start3A_148] : memref<40000xi32, #tpu.memory_space<vmem>> -> memref<2000xi32, #tpu.memory_space<vmem>>
    %dma_start3A_150 = arith.constant 0 : i32
    %dma_start3A_151 = tpu.memref_slice %arg2[%dma_start3A_150] : memref<100000000xf32, #tpu.memory_space<hbm>> -> memref<100000000xf32, #tpu.memory_space<hbm>>
    tpu.enqueue_indirect_dma source(%dma_start3A_151 : memref<100000000xf32, #tpu.memory_space<hbm>>) target(%dma_start3A_147 : memref<2000xf32, #tpu.memory_space<vmem>>) offsets(%dma_start3A_149 : memref<2000xi32, #tpu.memory_space<vmem>>) semaphore(%arg10 : memref<!tpu.dma_semaphore, #tpu.memory_space<semaphore_mem>>)
    %parallel_loop3A_152 = arith.constant 24000 : i32
    %parallel_loop3A_153 = arith.constant 26000 : i32
    %parallel_loop3A_154 = arith.constant 16 : i32
    scf.for %parallel_loop3A_429 = %parallel_loop3A_152 to %parallel_loop3A_153 step %parallel_loop3A_154  : i32 {
      %parallel_loop3A_430 = arith.index_cast %parallel_loop3A_429 : i32 to index
      %parallel_loop3A_431 = tpu.vector_load %arg6[%parallel_loop3A_430] {strides = array<i32>} : memref<40000xi32, #tpu.memory_space<vmem>>, vector<16xi32>,
      %parallel_loop3A_432 = vector.shape_cast %parallel_loop3A_431 : vector<16xi32> to vector<16xi32>
      %parallel_loop3A_433 = arith.constant 10000 : i32
      %parallel_loop3A_434 = vector.broadcast %parallel_loop3A_433 : i32 to vector<16xi32>
      %parallel_loop3A_435 = arith.muli %parallel_loop3A_432, %parallel_loop3A_434 : vector<16xi32>
      %parallel_loop3A_436 = arith.index_cast %parallel_loop3A_429 : i32 to index
      %parallel_loop3A_437 = tpu.vector_load %arg7[%parallel_loop3A_436] {strides = array<i32>} : memref<40000xi32, #tpu.memory_space<vmem>>, vector<16xi32>,
      %parallel_loop3A_438 = vector.shape_cast %parallel_loop3A_437 : vector<16xi32> to vector<16xi32>
      %parallel_loop3A_439 = arith.addi %parallel_loop3A_435, %parallel_loop3A_438 : vector<16xi32>
      %parallel_loop3A_440 = arith.index_cast %parallel_loop3A_429 : i32 to index
      %parallel_loop3A_441 = tpu.vector_load %arg6[%parallel_loop3A_440] {strides = array<i32>} : memref<40000xi32, #tpu.memory_space<vmem>>, vector<16xi32>,
      %parallel_loop3A_442 = vector.shape_cast %parallel_loop3A_441 : vector<16xi32> to vector<16xi32>
      %parallel_loop3A_443 = vector.shape_cast %parallel_loop3A_439 : vector<16xi32> to vector<16xi32>
      tpu.vector_store %arg6[%parallel_loop3A_440], %parallel_loop3A_443 {strides = array<i32>} : memref<40000xi32, #tpu.memory_space<vmem>>, vector<16xi32>,
    } {sc.loop_unroll_factor = 5 : i64, sc.parallel_access}
    %dma_start3A_155 = arith.constant 24000 : i32
    %dma_start3A_156 = tpu.memref_slice %arg8[%dma_start3A_155] : memref<40000xf32, #tpu.memory_space<vmem>> -> memref<2000xf32, #tpu.memory_space<vmem>>
    %dma_start3A_157 = arith.constant 24000 : i32
    %dma_start3A_158 = tpu.memref_slice %arg6[%dma_start3A_157] : memref<40000xi32, #tpu.memory_space<vmem>> -> memref<2000xi32, #tpu.memory_space<vmem>>
    %dma_start3A_159 = arith.constant 0 : i32
    %dma_start3A_160 = tpu.memref_slice %arg2[%dma_start3A_159] : memref<100000000xf32, #tpu.memory_space<hbm>> -> memref<100000000xf32, #tpu.memory_space<hbm>>
    tpu.enqueue_indirect_dma source(%dma_start3A_160 : memref<100000000xf32, #tpu.memory_space<hbm>>) target(%dma_start3A_156 : memref<2000xf32, #tpu.memory_space<vmem>>) offsets(%dma_start3A_158 : memref<2000xi32, #tpu.memory_space<vmem>>) semaphore(%arg10 : memref<!tpu.dma_semaphore, #tpu.memory_space<semaphore_mem>>)
    %parallel_loop3A_161 = arith.constant 26000 : i32
    %parallel_loop3A_162 = arith.constant 28000 : i32
    %parallel_loop3A_163 = arith.constant 16 : i32
    scf.for %parallel_loop3A_429 = %parallel_loop3A_161 to %parallel_loop3A_162 step %parallel_loop3A_163  : i32 {
      %parallel_loop3A_430 = arith.index_cast %parallel_loop3A_429 : i32 to index
      %parallel_loop3A_431 = tpu.vector_load %arg6[%parallel_loop3A_430] {strides = array<i32>} : memref<40000xi32, #tpu.memory_space<vmem>>, vector<16xi32>,
      %parallel_loop3A_432 = vector.shape_cast %parallel_loop3A_431 : vector<16xi32> to vector<16xi32>
      %parallel_loop3A_433 = arith.constant 10000 : i32
      %parallel_loop3A_434 = vector.broadcast %parallel_loop3A_433 : i32 to vector<16xi32>
      %parallel_loop3A_435 = arith.muli %parallel_loop3A_432, %parallel_loop3A_434 : vector<16xi32>
      %parallel_loop3A_436 = arith.index_cast %parallel_loop3A_429 : i32 to index
      %parallel_loop3A_437 = tpu.vector_load %arg7[%parallel_loop3A_436] {strides = array<i32>} : memref<40000xi32, #tpu.memory_space<vmem>>, vector<16xi32>,
      %parallel_loop3A_438 = vector.shape_cast %parallel_loop3A_437 : vector<16xi32> to vector<16xi32>
      %parallel_loop3A_439 = arith.addi %parallel_loop3A_435, %parallel_loop3A_438 : vector<16xi32>
      %parallel_loop3A_440 = arith.index_cast %parallel_loop3A_429 : i32 to index
      %parallel_loop3A_441 = tpu.vector_load %arg6[%parallel_loop3A_440] {strides = array<i32>} : memref<40000xi32, #tpu.memory_space<vmem>>, vector<16xi32>,
      %parallel_loop3A_442 = vector.shape_cast %parallel_loop3A_441 : vector<16xi32> to vector<16xi32>
      %parallel_loop3A_443 = vector.shape_cast %parallel_loop3A_439 : vector<16xi32> to vector<16xi32>
      tpu.vector_store %arg6[%parallel_loop3A_440], %parallel_loop3A_443 {strides = array<i32>} : memref<40000xi32, #tpu.memory_space<vmem>>, vector<16xi32>,
    } {sc.loop_unroll_factor = 5 : i64, sc.parallel_access}
    %dma_start3A_164 = arith.constant 26000 : i32
    %dma_start3A_165 = tpu.memref_slice %arg8[%dma_start3A_164] : memref<40000xf32, #tpu.memory_space<vmem>> -> memref<2000xf32, #tpu.memory_space<vmem>>
    %dma_start3A_166 = arith.constant 26000 : i32
    %dma_start3A_167 = tpu.memref_slice %arg6[%dma_start3A_166] : memref<40000xi32, #tpu.memory_space<vmem>> -> memref<2000xi32, #tpu.memory_space<vmem>>
    %dma_start3A_168 = arith.constant 0 : i32
    %dma_start3A_169 = tpu.memref_slice %arg2[%dma_start3A_168] : memref<100000000xf32, #tpu.memory_space<hbm>> -> memref<100000000xf32, #tpu.memory_space<hbm>>
    tpu.enqueue_indirect_dma source(%dma_start3A_169 : memref<100000000xf32, #tpu.memory_space<hbm>>) target(%dma_start3A_165 : memref<2000xf32, #tpu.memory_space<vmem>>) offsets(%dma_start3A_167 : memref<2000xi32, #tpu.memory_space<vmem>>) semaphore(%arg10 : memref<!tpu.dma_semaphore, #tpu.memory_space<semaphore_mem>>)
    %parallel_loop3A_170 = arith.constant 28000 : i32
    %parallel_loop3A_171 = arith.constant 30000 : i32
    %parallel_loop3A_172 = arith.constant 16 : i32
    scf.for %parallel_loop3A_429 = %parallel_loop3A_170 to %parallel_loop3A_171 step %parallel_loop3A_172  : i32 {
      %parallel_loop3A_430 = arith.index_cast %parallel_loop3A_429 : i32 to index
      %parallel_loop3A_431 = tpu.vector_load %arg6[%parallel_loop3A_430] {strides = array<i32>} : memref<40000xi32, #tpu.memory_space<vmem>>, vector<16xi32>,
      %parallel_loop3A_432 = vector.shape_cast %parallel_loop3A_431 : vector<16xi32> to vector<16xi32>
      %parallel_loop3A_433 = arith.constant 10000 : i32
      %parallel_loop3A_434 = vector.broadcast %parallel_loop3A_433 : i32 to vector<16xi32>
      %parallel_loop3A_435 = arith.muli %parallel_loop3A_432, %parallel_loop3A_434 : vector<16xi32>
      %parallel_loop3A_436 = arith.index_cast %parallel_loop3A_429 : i32 to index
      %parallel_loop3A_437 = tpu.vector_load %arg7[%parallel_loop3A_436] {strides = array<i32>} : memref<40000xi32, #tpu.memory_space<vmem>>, vector<16xi32>,
      %parallel_loop3A_438 = vector.shape_cast %parallel_loop3A_437 : vector<16xi32> to vector<16xi32>
      %parallel_loop3A_439 = arith.addi %parallel_loop3A_435, %parallel_loop3A_438 : vector<16xi32>
      %parallel_loop3A_440 = arith.index_cast %parallel_loop3A_429 : i32 to index
      %parallel_loop3A_441 = tpu.vector_load %arg6[%parallel_loop3A_440] {strides = array<i32>} : memref<40000xi32, #tpu.memory_space<vmem>>, vector<16xi32>,
      %parallel_loop3A_442 = vector.shape_cast %parallel_loop3A_441 : vector<16xi32> to vector<16xi32>
      %parallel_loop3A_443 = vector.shape_cast %parallel_loop3A_439 : vector<16xi32> to vector<16xi32>
      tpu.vector_store %arg6[%parallel_loop3A_440], %parallel_loop3A_443 {strides = array<i32>} : memref<40000xi32, #tpu.memory_space<vmem>>, vector<16xi32>,
    } {sc.loop_unroll_factor = 5 : i64, sc.parallel_access}
    %dma_start3A_173 = arith.constant 28000 : i32
    %dma_start3A_174 = tpu.memref_slice %arg8[%dma_start3A_173] : memref<40000xf32, #tpu.memory_space<vmem>> -> memref<2000xf32, #tpu.memory_space<vmem>>
    %dma_start3A_175 = arith.constant 28000 : i32
    %dma_start3A_176 = tpu.memref_slice %arg6[%dma_start3A_175] : memref<40000xi32, #tpu.memory_space<vmem>> -> memref<2000xi32, #tpu.memory_space<vmem>>
    %dma_start3A_177 = arith.constant 0 : i32
    %dma_start3A_178 = tpu.memref_slice %arg2[%dma_start3A_177] : memref<100000000xf32, #tpu.memory_space<hbm>> -> memref<100000000xf32, #tpu.memory_space<hbm>>
    tpu.enqueue_indirect_dma source(%dma_start3A_178 : memref<100000000xf32, #tpu.memory_space<hbm>>) target(%dma_start3A_174 : memref<2000xf32, #tpu.memory_space<vmem>>) offsets(%dma_start3A_176 : memref<2000xi32, #tpu.memory_space<vmem>>) semaphore(%arg10 : memref<!tpu.dma_semaphore, #tpu.memory_space<semaphore_mem>>)
    %parallel_loop3A_179 = arith.constant 30000 : i32
    %parallel_loop3A_180 = arith.constant 32000 : i32
    %parallel_loop3A_181 = arith.constant 16 : i32
    scf.for %parallel_loop3A_429 = %parallel_loop3A_179 to %parallel_loop3A_180 step %parallel_loop3A_181  : i32 {
      %parallel_loop3A_430 = arith.index_cast %parallel_loop3A_429 : i32 to index
      %parallel_loop3A_431 = tpu.vector_load %arg6[%parallel_loop3A_430] {strides = array<i32>} : memref<40000xi32, #tpu.memory_space<vmem>>, vector<16xi32>,
      %parallel_loop3A_432 = vector.shape_cast %parallel_loop3A_431 : vector<16xi32> to vector<16xi32>
      %parallel_loop3A_433 = arith.constant 10000 : i32
      %parallel_loop3A_434 = vector.broadcast %parallel_loop3A_433 : i32 to vector<16xi32>
      %parallel_loop3A_435 = arith.muli %parallel_loop3A_432, %parallel_loop3A_434 : vector<16xi32>
      %parallel_loop3A_436 = arith.index_cast %parallel_loop3A_429 : i32 to index
      %parallel_loop3A_437 = tpu.vector_load %arg7[%parallel_loop3A_436] {strides = array<i32>} : memref<40000xi32, #tpu.memory_space<vmem>>, vector<16xi32>,
      %parallel_loop3A_438 = vector.shape_cast %parallel_loop3A_437 : vector<16xi32> to vector<16xi32>
      %parallel_loop3A_439 = arith.addi %parallel_loop3A_435, %parallel_loop3A_438 : vector<16xi32>
      %parallel_loop3A_440 = arith.index_cast %parallel_loop3A_429 : i32 to index
      %parallel_loop3A_441 = tpu.vector_load %arg6[%parallel_loop3A_440] {strides = array<i32>} : memref<40000xi32, #tpu.memory_space<vmem>>, vector<16xi32>,
      %parallel_loop3A_442 = vector.shape_cast %parallel_loop3A_441 : vector<16xi32> to vector<16xi32>
      %parallel_loop3A_443 = vector.shape_cast %parallel_loop3A_439 : vector<16xi32> to vector<16xi32>
      tpu.vector_store %arg6[%parallel_loop3A_440], %parallel_loop3A_443 {strides = array<i32>} : memref<40000xi32, #tpu.memory_space<vmem>>, vector<16xi32>,
    } {sc.loop_unroll_factor = 5 : i64, sc.parallel_access}
    %dma_start3A_182 = arith.constant 30000 : i32
    %dma_start3A_183 = tpu.memref_slice %arg8[%dma_start3A_182] : memref<40000xf32, #tpu.memory_space<vmem>> -> memref<2000xf32, #tpu.memory_space<vmem>>
    %dma_start3A_184 = arith.constant 30000 : i32
    %dma_start3A_185 = tpu.memref_slice %arg6[%dma_start3A_184] : memref<40000xi32, #tpu.memory_space<vmem>> -> memref<2000xi32, #tpu.memory_space<vmem>>
    %dma_start3A_186 = arith.constant 0 : i32
    %dma_start3A_187 = tpu.memref_slice %arg2[%dma_start3A_186] : memref<100000000xf32, #tpu.memory_space<hbm>> -> memref<100000000xf32, #tpu.memory_space<hbm>>
    tpu.enqueue_indirect_dma source(%dma_start3A_187 : memref<100000000xf32, #tpu.memory_space<hbm>>) target(%dma_start3A_183 : memref<2000xf32, #tpu.memory_space<vmem>>) offsets(%dma_start3A_185 : memref<2000xi32, #tpu.memory_space<vmem>>) semaphore(%arg10 : memref<!tpu.dma_semaphore, #tpu.memory_space<semaphore_mem>>)
    %parallel_loop3A_188 = arith.constant 32000 : i32
    %parallel_loop3A_189 = arith.constant 34000 : i32
    %parallel_loop3A_190 = arith.constant 16 : i32
    scf.for %parallel_loop3A_429 = %parallel_loop3A_188 to %parallel_loop3A_189 step %parallel_loop3A_190  : i32 {
      %parallel_loop3A_430 = arith.index_cast %parallel_loop3A_429 : i32 to index
      %parallel_loop3A_431 = tpu.vector_load %arg6[%parallel_loop3A_430] {strides = array<i32>} : memref<40000xi32, #tpu.memory_space<vmem>>, vector<16xi32>,
      %parallel_loop3A_432 = vector.shape_cast %parallel_loop3A_431 : vector<16xi32> to vector<16xi32>
      %parallel_loop3A_433 = arith.constant 10000 : i32
      %parallel_loop3A_434 = vector.broadcast %parallel_loop3A_433 : i32 to vector<16xi32>
      %parallel_loop3A_435 = arith.muli %parallel_loop3A_432, %parallel_loop3A_434 : vector<16xi32>
      %parallel_loop3A_436 = arith.index_cast %parallel_loop3A_429 : i32 to index
      %parallel_loop3A_437 = tpu.vector_load %arg7[%parallel_loop3A_436] {strides = array<i32>} : memref<40000xi32, #tpu.memory_space<vmem>>, vector<16xi32>,
      %parallel_loop3A_438 = vector.shape_cast %parallel_loop3A_437 : vector<16xi32> to vector<16xi32>
      %parallel_loop3A_439 = arith.addi %parallel_loop3A_435, %parallel_loop3A_438 : vector<16xi32>
      %parallel_loop3A_440 = arith.index_cast %parallel_loop3A_429 : i32 to index
      %parallel_loop3A_441 = tpu.vector_load %arg6[%parallel_loop3A_440] {strides = array<i32>} : memref<40000xi32, #tpu.memory_space<vmem>>, vector<16xi32>,
      %parallel_loop3A_442 = vector.shape_cast %parallel_loop3A_441 : vector<16xi32> to vector<16xi32>
      %parallel_loop3A_443 = vector.shape_cast %parallel_loop3A_439 : vector<16xi32> to vector<16xi32>
      tpu.vector_store %arg6[%parallel_loop3A_440], %parallel_loop3A_443 {strides = array<i32>} : memref<40000xi32, #tpu.memory_space<vmem>>, vector<16xi32>,
    } {sc.loop_unroll_factor = 5 : i64, sc.parallel_access}
    %dma_start3A_191 = arith.constant 32000 : i32
    %dma_start3A_192 = tpu.memref_slice %arg8[%dma_start3A_191] : memref<40000xf32, #tpu.memory_space<vmem>> -> memref<2000xf32, #tpu.memory_space<vmem>>
    %dma_start3A_193 = arith.constant 32000 : i32
    %dma_start3A_194 = tpu.memref_slice %arg6[%dma_start3A_193] : memref<40000xi32, #tpu.memory_space<vmem>> -> memref<2000xi32, #tpu.memory_space<vmem>>
    %dma_start3A_195 = arith.constant 0 : i32
    %dma_start3A_196 = tpu.memref_slice %arg2[%dma_start3A_195] : memref<100000000xf32, #tpu.memory_space<hbm>> -> memref<100000000xf32, #tpu.memory_space<hbm>>
    tpu.enqueue_indirect_dma source(%dma_start3A_196 : memref<100000000xf32, #tpu.memory_space<hbm>>) target(%dma_start3A_192 : memref<2000xf32, #tpu.memory_space<vmem>>) offsets(%dma_start3A_194 : memref<2000xi32, #tpu.memory_space<vmem>>) semaphore(%arg10 : memref<!tpu.dma_semaphore, #tpu.memory_space<semaphore_mem>>)
    %parallel_loop3A_197 = arith.constant 34000 : i32
    %parallel_loop3A_198 = arith.constant 36000 : i32
    %parallel_loop3A_199 = arith.constant 16 : i32
    scf.for %parallel_loop3A_429 = %parallel_loop3A_197 to %parallel_loop3A_198 step %parallel_loop3A_199  : i32 {
      %parallel_loop3A_430 = arith.index_cast %parallel_loop3A_429 : i32 to index
      %parallel_loop3A_431 = tpu.vector_load %arg6[%parallel_loop3A_430] {strides = array<i32>} : memref<40000xi32, #tpu.memory_space<vmem>>, vector<16xi32>,
      %parallel_loop3A_432 = vector.shape_cast %parallel_loop3A_431 : vector<16xi32> to vector<16xi32>
      %parallel_loop3A_433 = arith.constant 10000 : i32
      %parallel_loop3A_434 = vector.broadcast %parallel_loop3A_433 : i32 to vector<16xi32>
      %parallel_loop3A_435 = arith.muli %parallel_loop3A_432, %parallel_loop3A_434 : vector<16xi32>
      %parallel_loop3A_436 = arith.index_cast %parallel_loop3A_429 : i32 to index
      %parallel_loop3A_437 = tpu.vector_load %arg7[%parallel_loop3A_436] {strides = array<i32>} : memref<40000xi32, #tpu.memory_space<vmem>>, vector<16xi32>,
      %parallel_loop3A_438 = vector.shape_cast %parallel_loop3A_437 : vector<16xi32> to vector<16xi32>
      %parallel_loop3A_439 = arith.addi %parallel_loop3A_435, %parallel_loop3A_438 : vector<16xi32>
      %parallel_loop3A_440 = arith.index_cast %parallel_loop3A_429 : i32 to index
      %parallel_loop3A_441 = tpu.vector_load %arg6[%parallel_loop3A_440] {strides = array<i32>} : memref<40000xi32, #tpu.memory_space<vmem>>, vector<16xi32>,
      %parallel_loop3A_442 = vector.shape_cast %parallel_loop3A_441 : vector<16xi32> to vector<16xi32>
      %parallel_loop3A_443 = vector.shape_cast %parallel_loop3A_439 : vector<16xi32> to vector<16xi32>
      tpu.vector_store %arg6[%parallel_loop3A_440], %parallel_loop3A_443 {strides = array<i32>} : memref<40000xi32, #tpu.memory_space<vmem>>, vector<16xi32>,
    } {sc.loop_unroll_factor = 5 : i64, sc.parallel_access}
    %dma_start3A_200 = arith.constant 34000 : i32
    %dma_start3A_201 = tpu.memref_slice %arg8[%dma_start3A_200] : memref<40000xf32, #tpu.memory_space<vmem>> -> memref<2000xf32, #tpu.memory_space<vmem>>
    %dma_start3A_202 = arith.constant 34000 : i32
    %dma_start3A_203 = tpu.memref_slice %arg6[%dma_start3A_202] : memref<40000xi32, #tpu.memory_space<vmem>> -> memref<2000xi32, #tpu.memory_space<vmem>>
    %dma_start3A_204 = arith.constant 0 : i32
    %dma_start3A_205 = tpu.memref_slice %arg2[%dma_start3A_204] : memref<100000000xf32, #tpu.memory_space<hbm>> -> memref<100000000xf32, #tpu.memory_space<hbm>>
    tpu.enqueue_indirect_dma source(%dma_start3A_205 : memref<100000000xf32, #tpu.memory_space<hbm>>) target(%dma_start3A_201 : memref<2000xf32, #tpu.memory_space<vmem>>) offsets(%dma_start3A_203 : memref<2000xi32, #tpu.memory_space<vmem>>) semaphore(%arg10 : memref<!tpu.dma_semaphore, #tpu.memory_space<semaphore_mem>>)
    %parallel_loop3A_206 = arith.constant 36000 : i32
    %parallel_loop3A_207 = arith.constant 38000 : i32
    %parallel_loop3A_208 = arith.constant 16 : i32
    scf.for %parallel_loop3A_429 = %parallel_loop3A_206 to %parallel_loop3A_207 step %parallel_loop3A_208  : i32 {
      %parallel_loop3A_430 = arith.index_cast %parallel_loop3A_429 : i32 to index
      %parallel_loop3A_431 = tpu.vector_load %arg6[%parallel_loop3A_430] {strides = array<i32>} : memref<40000xi32, #tpu.memory_space<vmem>>, vector<16xi32>,
      %parallel_loop3A_432 = vector.shape_cast %parallel_loop3A_431 : vector<16xi32> to vector<16xi32>
      %parallel_loop3A_433 = arith.constant 10000 : i32
      %parallel_loop3A_434 = vector.broadcast %parallel_loop3A_433 : i32 to vector<16xi32>
      %parallel_loop3A_435 = arith.muli %parallel_loop3A_432, %parallel_loop3A_434 : vector<16xi32>
      %parallel_loop3A_436 = arith.index_cast %parallel_loop3A_429 : i32 to index
      %parallel_loop3A_437 = tpu.vector_load %arg7[%parallel_loop3A_436] {strides = array<i32>} : memref<40000xi32, #tpu.memory_space<vmem>>, vector<16xi32>,
      %parallel_loop3A_438 = vector.shape_cast %parallel_loop3A_437 : vector<16xi32> to vector<16xi32>
      %parallel_loop3A_439 = arith.addi %parallel_loop3A_435, %parallel_loop3A_438 : vector<16xi32>
      %parallel_loop3A_440 = arith.index_cast %parallel_loop3A_429 : i32 to index
      %parallel_loop3A_441 = tpu.vector_load %arg6[%parallel_loop3A_440] {strides = array<i32>} : memref<40000xi32, #tpu.memory_space<vmem>>, vector<16xi32>,
      %parallel_loop3A_442 = vector.shape_cast %parallel_loop3A_441 : vector<16xi32> to vector<16xi32>
      %parallel_loop3A_443 = vector.shape_cast %parallel_loop3A_439 : vector<16xi32> to vector<16xi32>
      tpu.vector_store %arg6[%parallel_loop3A_440], %parallel_loop3A_443 {strides = array<i32>} : memref<40000xi32, #tpu.memory_space<vmem>>, vector<16xi32>,
    } {sc.loop_unroll_factor = 5 : i64, sc.parallel_access}
    %dma_start3A_209 = arith.constant 36000 : i32
    %dma_start3A_210 = tpu.memref_slice %arg8[%dma_start3A_209] : memref<40000xf32, #tpu.memory_space<vmem>> -> memref<2000xf32, #tpu.memory_space<vmem>>
    %dma_start3A_211 = arith.constant 36000 : i32
    %dma_start3A_212 = tpu.memref_slice %arg6[%dma_start3A_211] : memref<40000xi32, #tpu.memory_space<vmem>> -> memref<2000xi32, #tpu.memory_space<vmem>>
    %dma_start3A_213 = arith.constant 0 : i32
    %dma_start3A_214 = tpu.memref_slice %arg2[%dma_start3A_213] : memref<100000000xf32, #tpu.memory_space<hbm>> -> memref<100000000xf32, #tpu.memory_space<hbm>>
    tpu.enqueue_indirect_dma source(%dma_start3A_214 : memref<100000000xf32, #tpu.memory_space<hbm>>) target(%dma_start3A_210 : memref<2000xf32, #tpu.memory_space<vmem>>) offsets(%dma_start3A_212 : memref<2000xi32, #tpu.memory_space<vmem>>) semaphore(%arg10 : memref<!tpu.dma_semaphore, #tpu.memory_space<semaphore_mem>>)
    %parallel_loop3A_215 = arith.constant 38000 : i32
    %parallel_loop3A_216 = arith.constant 40000 : i32
    %parallel_loop3A_217 = arith.constant 16 : i32
    scf.for %parallel_loop3A_429 = %parallel_loop3A_215 to %parallel_loop3A_216 step %parallel_loop3A_217  : i32 {
      %parallel_loop3A_430 = arith.index_cast %parallel_loop3A_429 : i32 to index
      %parallel_loop3A_431 = tpu.vector_load %arg6[%parallel_loop3A_430] {strides = array<i32>} : memref<40000xi32, #tpu.memory_space<vmem>>, vector<16xi32>,
      %parallel_loop3A_432 = vector.shape_cast %parallel_loop3A_431 : vector<16xi32> to vector<16xi32>
      %parallel_loop3A_433 = arith.constant 10000 : i32
      %parallel_loop3A_434 = vector.broadcast %parallel_loop3A_433 : i32 to vector<16xi32>
      %parallel_loop3A_435 = arith.muli %parallel_loop3A_432, %parallel_loop3A_434 : vector<16xi32>
      %parallel_loop3A_436 = arith.index_cast %parallel_loop3A_429 : i32 to index
      %parallel_loop3A_437 = tpu.vector_load %arg7[%parallel_loop3A_436] {strides = array<i32>} : memref<40000xi32, #tpu.memory_space<vmem>>, vector<16xi32>,
      %parallel_loop3A_438 = vector.shape_cast %parallel_loop3A_437 : vector<16xi32> to vector<16xi32>
      %parallel_loop3A_439 = arith.addi %parallel_loop3A_435, %parallel_loop3A_438 : vector<16xi32>
      %parallel_loop3A_440 = arith.index_cast %parallel_loop3A_429 : i32 to index
      %parallel_loop3A_441 = tpu.vector_load %arg6[%parallel_loop3A_440] {strides = array<i32>} : memref<40000xi32, #tpu.memory_space<vmem>>, vector<16xi32>,
      %parallel_loop3A_442 = vector.shape_cast %parallel_loop3A_441 : vector<16xi32> to vector<16xi32>
      %parallel_loop3A_443 = vector.shape_cast %parallel_loop3A_439 : vector<16xi32> to vector<16xi32>
      tpu.vector_store %arg6[%parallel_loop3A_440], %parallel_loop3A_443 {strides = array<i32>} : memref<40000xi32, #tpu.memory_space<vmem>>, vector<16xi32>,
    } {sc.loop_unroll_factor = 5 : i64, sc.parallel_access}
    %dma_start3A_218 = arith.constant 38000 : i32
    %dma_start3A_219 = tpu.memref_slice %arg8[%dma_start3A_218] : memref<40000xf32, #tpu.memory_space<vmem>> -> memref<2000xf32, #tpu.memory_space<vmem>>
    %dma_start3A_220 = arith.constant 38000 : i32
    %dma_start3A_221 = tpu.memref_slice %arg6[%dma_start3A_220] : memref<40000xi32, #tpu.memory_space<vmem>> -> memref<2000xi32, #tpu.memory_space<vmem>>
    %dma_start3A_222 = arith.constant 0 : i32
    %dma_start3A_223 = tpu.memref_slice %arg2[%dma_start3A_222] : memref<100000000xf32, #tpu.memory_space<hbm>> -> memref<100000000xf32, #tpu.memory_space<hbm>>
    tpu.enqueue_indirect_dma source(%dma_start3A_223 : memref<100000000xf32, #tpu.memory_space<hbm>>) target(%dma_start3A_219 : memref<2000xf32, #tpu.memory_space<vmem>>) offsets(%dma_start3A_221 : memref<2000xi32, #tpu.memory_space<vmem>>) semaphore(%arg10 : memref<!tpu.dma_semaphore, #tpu.memory_space<semaphore_mem>>)
    %broadcast_in_dim3A = arith.constant 0.000000e+00 : f32
    %broadcast_in_dim3A_224 = vector.broadcast %broadcast_in_dim3A : f32 to vector<16xf32>
    %dma_wait3A = arith.constant 0 : i32
    %dma_wait3A_225 = tpu.memref_slice %arg8[%dma_wait3A] : memref<40000xf32, #tpu.memory_space<vmem>> -> memref<2000xf32, #tpu.memory_space<vmem>>
    %dma_wait3A_226 = arith.constant 0 : i32
    %dma_wait3A_227 = tpu.memref_slice %arg6[%dma_wait3A_226] : memref<40000xi32, #tpu.memory_space<vmem>> -> memref<2000xi32, #tpu.memory_space<vmem>>
    %dma_wait3A_228 = arith.constant 0 : i32
    %dma_wait3A_229 = tpu.memref_slice %arg2[%dma_wait3A_228] : memref<100000000xf32, #tpu.memory_space<hbm>> -> memref<100000000xf32, #tpu.memory_space<hbm>>
    tpu.wait_indirect_dma semaphore(%arg10 : memref<!tpu.dma_semaphore, #tpu.memory_space<semaphore_mem>>) src(%dma_wait3A_229 : memref<100000000xf32, #tpu.memory_space<hbm>>) dst(%dma_wait3A_225 : memref<2000xf32, #tpu.memory_space<vmem>>)
    %parallel_loop3A_230 = arith.constant 0 : i32
    %parallel_loop3A_231 = arith.constant 2000 : i32
    %parallel_loop3A_232 = arith.constant 16 : i32
    %parallel_loop3A_233 = scf.for %parallel_loop3A_429 = %parallel_loop3A_230 to %parallel_loop3A_231 step %parallel_loop3A_232 iter_args(%parallel_loop3A_430 = %broadcast_in_dim3A_224) -> (vector<16xf32>)  : i32 {
      %parallel_loop3A_431 = arith.index_cast %parallel_loop3A_429 : i32 to index
      %parallel_loop3A_432 = tpu.vector_load %arg8[%parallel_loop3A_431] {strides = array<i32>} : memref<40000xf32, #tpu.memory_space<vmem>>, vector<16xf32>,
      %parallel_loop3A_433 = vector.shape_cast %parallel_loop3A_432 : vector<16xf32> to vector<16xf32>
      %parallel_loop3A_434 = vector.broadcast %select_n3A_45 : f32 to vector<16xf32>
      %parallel_loop3A_435 = arith.mulf %parallel_loop3A_433, %parallel_loop3A_434 : vector<16xf32>
      %parallel_loop3A_436 = math.absf %parallel_loop3A_435 : vector<16xf32>
      %parallel_loop3A_437 = arith.constant 0.000000e+00 : f32
      %parallel_loop3A_438 = vector.broadcast %parallel_loop3A_437 : f32 to vector<16xf32>
      %parallel_loop3A_439 = arith.subf %parallel_loop3A_438, %parallel_loop3A_436 : vector<16xf32>
      %parallel_loop3A_440 = math.exp %parallel_loop3A_439 : vector<16xf32>
      %parallel_loop3A_441 = arith.constant 2.000000e+00 : f32
      %parallel_loop3A_442 = vector.broadcast %parallel_loop3A_441 : f32 to vector<16xf32>
      %parallel_loop3A_443 = arith.addf %parallel_loop3A_440, %parallel_loop3A_442 : vector<16xf32>
      %parallel_loop3A_444 = arith.divf %parallel_loop3A_440, %parallel_loop3A_443 : vector<16xf32>
      %parallel_loop3A_445 = arith.mulf %parallel_loop3A_444, %parallel_loop3A_444 : vector<16xf32>
      %parallel_loop3A_446 = arith.constant 2.000000e+00 : f32
      %parallel_loop3A_447 = vector.broadcast %parallel_loop3A_446 : f32 to vector<16xf32>
      %parallel_loop3A_448 = arith.mulf %parallel_loop3A_447, %parallel_loop3A_444 : vector<16xf32>
      %parallel_loop3A_449 = arith.constant 0.142857149 : f32
      %parallel_loop3A_450 = vector.broadcast %parallel_loop3A_449 : f32 to vector<16xf32>
      %parallel_loop3A_451 = arith.mulf %parallel_loop3A_445, %parallel_loop3A_450 : vector<16xf32>
      %parallel_loop3A_452 = arith.constant 2.000000e-01 : f32
      %parallel_loop3A_453 = vector.broadcast %parallel_loop3A_452 : f32 to vector<16xf32>
      %parallel_loop3A_454 = arith.addf %parallel_loop3A_453, %parallel_loop3A_451 : vector<16xf32>
      %parallel_loop3A_455 = arith.mulf %parallel_loop3A_445, %parallel_loop3A_454 : vector<16xf32>
      %parallel_loop3A_456 = arith.constant 0.333333343 : f32
      %parallel_loop3A_457 = vector.broadcast %parallel_loop3A_456 : f32 to vector<16xf32>
      %parallel_loop3A_458 = arith.addf %parallel_loop3A_457, %parallel_loop3A_455 : vector<16xf32>
      %parallel_loop3A_459 = arith.mulf %parallel_loop3A_445, %parallel_loop3A_458 : vector<16xf32>
      %parallel_loop3A_460 = arith.constant 1.000000e+00 : f32
      %parallel_loop3A_461 = vector.broadcast %parallel_loop3A_460 : f32 to vector<16xf32>
      %parallel_loop3A_462 = arith.addf %parallel_loop3A_461, %parallel_loop3A_459 : vector<16xf32>
      %parallel_loop3A_463 = arith.mulf %parallel_loop3A_448, %parallel_loop3A_462 : vector<16xf32>
      %parallel_loop3A_464 = arith.constant 0.000000e+00 : f32
      %parallel_loop3A_465 = vector.broadcast %parallel_loop3A_464 : f32 to vector<16xf32>
      %parallel_loop3A_466 = arith.maximumf %parallel_loop3A_435, %parallel_loop3A_465 : vector<16xf32>
      %parallel_loop3A_467 = arith.addf %parallel_loop3A_466, %parallel_loop3A_463 : vector<16xf32>
      %parallel_loop3A_468 = arith.addf %parallel_loop3A_430, %parallel_loop3A_467 : vector<16xf32>
      scf.yield %parallel_loop3A_468 : vector<16xf32>
    } {sc.loop_unroll_factor = 5 : i64, sc.parallel_access}
    %dma_wait3A_234 = arith.constant 2000 : i32
    %dma_wait3A_235 = tpu.memref_slice %arg8[%dma_wait3A_234] : memref<40000xf32, #tpu.memory_space<vmem>> -> memref<2000xf32, #tpu.memory_space<vmem>>
    %dma_wait3A_236 = arith.constant 2000 : i32
    %dma_wait3A_237 = tpu.memref_slice %arg6[%dma_wait3A_236] : memref<40000xi32, #tpu.memory_space<vmem>> -> memref<2000xi32, #tpu.memory_space<vmem>>
    %dma_wait3A_238 = arith.constant 0 : i32
    %dma_wait3A_239 = tpu.memref_slice %arg2[%dma_wait3A_238] : memref<100000000xf32, #tpu.memory_space<hbm>> -> memref<100000000xf32, #tpu.memory_space<hbm>>
    tpu.wait_indirect_dma semaphore(%arg10 : memref<!tpu.dma_semaphore, #tpu.memory_space<semaphore_mem>>) src(%dma_wait3A_239 : memref<100000000xf32, #tpu.memory_space<hbm>>) dst(%dma_wait3A_235 : memref<2000xf32, #tpu.memory_space<vmem>>)
    %parallel_loop3A_240 = arith.constant 2000 : i32
    %parallel_loop3A_241 = arith.constant 4000 : i32
    %parallel_loop3A_242 = arith.constant 16 : i32
    %parallel_loop3A_243 = scf.for %parallel_loop3A_429 = %parallel_loop3A_240 to %parallel_loop3A_241 step %parallel_loop3A_242 iter_args(%parallel_loop3A_430 = %parallel_loop3A_233) -> (vector<16xf32>)  : i32 {
      %parallel_loop3A_431 = arith.index_cast %parallel_loop3A_429 : i32 to index
      %parallel_loop3A_432 = tpu.vector_load %arg8[%parallel_loop3A_431] {strides = array<i32>} : memref<40000xf32, #tpu.memory_space<vmem>>, vector<16xf32>,
      %parallel_loop3A_433 = vector.shape_cast %parallel_loop3A_432 : vector<16xf32> to vector<16xf32>
      %parallel_loop3A_434 = vector.broadcast %select_n3A_45 : f32 to vector<16xf32>
      %parallel_loop3A_435 = arith.mulf %parallel_loop3A_433, %parallel_loop3A_434 : vector<16xf32>
      %parallel_loop3A_436 = math.absf %parallel_loop3A_435 : vector<16xf32>
      %parallel_loop3A_437 = arith.constant 0.000000e+00 : f32
      %parallel_loop3A_438 = vector.broadcast %parallel_loop3A_437 : f32 to vector<16xf32>
      %parallel_loop3A_439 = arith.subf %parallel_loop3A_438, %parallel_loop3A_436 : vector<16xf32>
      %parallel_loop3A_440 = math.exp %parallel_loop3A_439 : vector<16xf32>
      %parallel_loop3A_441 = arith.constant 2.000000e+00 : f32
      %parallel_loop3A_442 = vector.broadcast %parallel_loop3A_441 : f32 to vector<16xf32>
      %parallel_loop3A_443 = arith.addf %parallel_loop3A_440, %parallel_loop3A_442 : vector<16xf32>
      %parallel_loop3A_444 = arith.divf %parallel_loop3A_440, %parallel_loop3A_443 : vector<16xf32>
      %parallel_loop3A_445 = arith.mulf %parallel_loop3A_444, %parallel_loop3A_444 : vector<16xf32>
      %parallel_loop3A_446 = arith.constant 2.000000e+00 : f32
      %parallel_loop3A_447 = vector.broadcast %parallel_loop3A_446 : f32 to vector<16xf32>
      %parallel_loop3A_448 = arith.mulf %parallel_loop3A_447, %parallel_loop3A_444 : vector<16xf32>
      %parallel_loop3A_449 = arith.constant 0.142857149 : f32
      %parallel_loop3A_450 = vector.broadcast %parallel_loop3A_449 : f32 to vector<16xf32>
      %parallel_loop3A_451 = arith.mulf %parallel_loop3A_445, %parallel_loop3A_450 : vector<16xf32>
      %parallel_loop3A_452 = arith.constant 2.000000e-01 : f32
      %parallel_loop3A_453 = vector.broadcast %parallel_loop3A_452 : f32 to vector<16xf32>
      %parallel_loop3A_454 = arith.addf %parallel_loop3A_453, %parallel_loop3A_451 : vector<16xf32>
      %parallel_loop3A_455 = arith.mulf %parallel_loop3A_445, %parallel_loop3A_454 : vector<16xf32>
      %parallel_loop3A_456 = arith.constant 0.333333343 : f32
      %parallel_loop3A_457 = vector.broadcast %parallel_loop3A_456 : f32 to vector<16xf32>
      %parallel_loop3A_458 = arith.addf %parallel_loop3A_457, %parallel_loop3A_455 : vector<16xf32>
      %parallel_loop3A_459 = arith.mulf %parallel_loop3A_445, %parallel_loop3A_458 : vector<16xf32>
      %parallel_loop3A_460 = arith.constant 1.000000e+00 : f32
      %parallel_loop3A_461 = vector.broadcast %parallel_loop3A_460 : f32 to vector<16xf32>
      %parallel_loop3A_462 = arith.addf %parallel_loop3A_461, %parallel_loop3A_459 : vector<16xf32>
      %parallel_loop3A_463 = arith.mulf %parallel_loop3A_448, %parallel_loop3A_462 : vector<16xf32>
      %parallel_loop3A_464 = arith.constant 0.000000e+00 : f32
      %parallel_loop3A_465 = vector.broadcast %parallel_loop3A_464 : f32 to vector<16xf32>
      %parallel_loop3A_466 = arith.maximumf %parallel_loop3A_435, %parallel_loop3A_465 : vector<16xf32>
      %parallel_loop3A_467 = arith.addf %parallel_loop3A_466, %parallel_loop3A_463 : vector<16xf32>
      %parallel_loop3A_468 = arith.addf %parallel_loop3A_430, %parallel_loop3A_467 : vector<16xf32>
      scf.yield %parallel_loop3A_468 : vector<16xf32>
    } {sc.loop_unroll_factor = 5 : i64, sc.parallel_access}
    %dma_wait3A_244 = arith.constant 4000 : i32
    %dma_wait3A_245 = tpu.memref_slice %arg8[%dma_wait3A_244] : memref<40000xf32, #tpu.memory_space<vmem>> -> memref<2000xf32, #tpu.memory_space<vmem>>
    %dma_wait3A_246 = arith.constant 4000 : i32
    %dma_wait3A_247 = tpu.memref_slice %arg6[%dma_wait3A_246] : memref<40000xi32, #tpu.memory_space<vmem>> -> memref<2000xi32, #tpu.memory_space<vmem>>
    %dma_wait3A_248 = arith.constant 0 : i32
    %dma_wait3A_249 = tpu.memref_slice %arg2[%dma_wait3A_248] : memref<100000000xf32, #tpu.memory_space<hbm>> -> memref<100000000xf32, #tpu.memory_space<hbm>>
    tpu.wait_indirect_dma semaphore(%arg10 : memref<!tpu.dma_semaphore, #tpu.memory_space<semaphore_mem>>) src(%dma_wait3A_249 : memref<100000000xf32, #tpu.memory_space<hbm>>) dst(%dma_wait3A_245 : memref<2000xf32, #tpu.memory_space<vmem>>)
    %parallel_loop3A_250 = arith.constant 4000 : i32
    %parallel_loop3A_251 = arith.constant 6000 : i32
    %parallel_loop3A_252 = arith.constant 16 : i32
    %parallel_loop3A_253 = scf.for %parallel_loop3A_429 = %parallel_loop3A_250 to %parallel_loop3A_251 step %parallel_loop3A_252 iter_args(%parallel_loop3A_430 = %parallel_loop3A_243) -> (vector<16xf32>)  : i32 {
      %parallel_loop3A_431 = arith.index_cast %parallel_loop3A_429 : i32 to index
      %parallel_loop3A_432 = tpu.vector_load %arg8[%parallel_loop3A_431] {strides = array<i32>} : memref<40000xf32, #tpu.memory_space<vmem>>, vector<16xf32>,
      %parallel_loop3A_433 = vector.shape_cast %parallel_loop3A_432 : vector<16xf32> to vector<16xf32>
      %parallel_loop3A_434 = vector.broadcast %select_n3A_45 : f32 to vector<16xf32>
      %parallel_loop3A_435 = arith.mulf %parallel_loop3A_433, %parallel_loop3A_434 : vector<16xf32>
      %parallel_loop3A_436 = math.absf %parallel_loop3A_435 : vector<16xf32>
      %parallel_loop3A_437 = arith.constant 0.000000e+00 : f32
      %parallel_loop3A_438 = vector.broadcast %parallel_loop3A_437 : f32 to vector<16xf32>
      %parallel_loop3A_439 = arith.subf %parallel_loop3A_438, %parallel_loop3A_436 : vector<16xf32>
      %parallel_loop3A_440 = math.exp %parallel_loop3A_439 : vector<16xf32>
      %parallel_loop3A_441 = arith.constant 2.000000e+00 : f32
      %parallel_loop3A_442 = vector.broadcast %parallel_loop3A_441 : f32 to vector<16xf32>
      %parallel_loop3A_443 = arith.addf %parallel_loop3A_440, %parallel_loop3A_442 : vector<16xf32>
      %parallel_loop3A_444 = arith.divf %parallel_loop3A_440, %parallel_loop3A_443 : vector<16xf32>
      %parallel_loop3A_445 = arith.mulf %parallel_loop3A_444, %parallel_loop3A_444 : vector<16xf32>
      %parallel_loop3A_446 = arith.constant 2.000000e+00 : f32
      %parallel_loop3A_447 = vector.broadcast %parallel_loop3A_446 : f32 to vector<16xf32>
      %parallel_loop3A_448 = arith.mulf %parallel_loop3A_447, %parallel_loop3A_444 : vector<16xf32>
      %parallel_loop3A_449 = arith.constant 0.142857149 : f32
      %parallel_loop3A_450 = vector.broadcast %parallel_loop3A_449 : f32 to vector<16xf32>
      %parallel_loop3A_451 = arith.mulf %parallel_loop3A_445, %parallel_loop3A_450 : vector<16xf32>
      %parallel_loop3A_452 = arith.constant 2.000000e-01 : f32
      %parallel_loop3A_453 = vector.broadcast %parallel_loop3A_452 : f32 to vector<16xf32>
      %parallel_loop3A_454 = arith.addf %parallel_loop3A_453, %parallel_loop3A_451 : vector<16xf32>
      %parallel_loop3A_455 = arith.mulf %parallel_loop3A_445, %parallel_loop3A_454 : vector<16xf32>
      %parallel_loop3A_456 = arith.constant 0.333333343 : f32
      %parallel_loop3A_457 = vector.broadcast %parallel_loop3A_456 : f32 to vector<16xf32>
      %parallel_loop3A_458 = arith.addf %parallel_loop3A_457, %parallel_loop3A_455 : vector<16xf32>
      %parallel_loop3A_459 = arith.mulf %parallel_loop3A_445, %parallel_loop3A_458 : vector<16xf32>
      %parallel_loop3A_460 = arith.constant 1.000000e+00 : f32
      %parallel_loop3A_461 = vector.broadcast %parallel_loop3A_460 : f32 to vector<16xf32>
      %parallel_loop3A_462 = arith.addf %parallel_loop3A_461, %parallel_loop3A_459 : vector<16xf32>
      %parallel_loop3A_463 = arith.mulf %parallel_loop3A_448, %parallel_loop3A_462 : vector<16xf32>
      %parallel_loop3A_464 = arith.constant 0.000000e+00 : f32
      %parallel_loop3A_465 = vector.broadcast %parallel_loop3A_464 : f32 to vector<16xf32>
      %parallel_loop3A_466 = arith.maximumf %parallel_loop3A_435, %parallel_loop3A_465 : vector<16xf32>
      %parallel_loop3A_467 = arith.addf %parallel_loop3A_466, %parallel_loop3A_463 : vector<16xf32>
      %parallel_loop3A_468 = arith.addf %parallel_loop3A_430, %parallel_loop3A_467 : vector<16xf32>
      scf.yield %parallel_loop3A_468 : vector<16xf32>
    } {sc.loop_unroll_factor = 5 : i64, sc.parallel_access}
    %dma_wait3A_254 = arith.constant 6000 : i32
    %dma_wait3A_255 = tpu.memref_slice %arg8[%dma_wait3A_254] : memref<40000xf32, #tpu.memory_space<vmem>> -> memref<2000xf32, #tpu.memory_space<vmem>>
    %dma_wait3A_256 = arith.constant 6000 : i32
    %dma_wait3A_257 = tpu.memref_slice %arg6[%dma_wait3A_256] : memref<40000xi32, #tpu.memory_space<vmem>> -> memref<2000xi32, #tpu.memory_space<vmem>>
    %dma_wait3A_258 = arith.constant 0 : i32
    %dma_wait3A_259 = tpu.memref_slice %arg2[%dma_wait3A_258] : memref<100000000xf32, #tpu.memory_space<hbm>> -> memref<100000000xf32, #tpu.memory_space<hbm>>
    tpu.wait_indirect_dma semaphore(%arg10 : memref<!tpu.dma_semaphore, #tpu.memory_space<semaphore_mem>>) src(%dma_wait3A_259 : memref<100000000xf32, #tpu.memory_space<hbm>>) dst(%dma_wait3A_255 : memref<2000xf32, #tpu.memory_space<vmem>>)
    %parallel_loop3A_260 = arith.constant 6000 : i32
    %parallel_loop3A_261 = arith.constant 8000 : i32
    %parallel_loop3A_262 = arith.constant 16 : i32
    %parallel_loop3A_263 = scf.for %parallel_loop3A_429 = %parallel_loop3A_260 to %parallel_loop3A_261 step %parallel_loop3A_262 iter_args(%parallel_loop3A_430 = %parallel_loop3A_253) -> (vector<16xf32>)  : i32 {
      %parallel_loop3A_431 = arith.index_cast %parallel_loop3A_429 : i32 to index
      %parallel_loop3A_432 = tpu.vector_load %arg8[%parallel_loop3A_431] {strides = array<i32>} : memref<40000xf32, #tpu.memory_space<vmem>>, vector<16xf32>,
      %parallel_loop3A_433 = vector.shape_cast %parallel_loop3A_432 : vector<16xf32> to vector<16xf32>
      %parallel_loop3A_434 = vector.broadcast %select_n3A_45 : f32 to vector<16xf32>
      %parallel_loop3A_435 = arith.mulf %parallel_loop3A_433, %parallel_loop3A_434 : vector<16xf32>
      %parallel_loop3A_436 = math.absf %parallel_loop3A_435 : vector<16xf32>
      %parallel_loop3A_437 = arith.constant 0.000000e+00 : f32
      %parallel_loop3A_438 = vector.broadcast %parallel_loop3A_437 : f32 to vector<16xf32>
      %parallel_loop3A_439 = arith.subf %parallel_loop3A_438, %parallel_loop3A_436 : vector<16xf32>
      %parallel_loop3A_440 = math.exp %parallel_loop3A_439 : vector<16xf32>
      %parallel_loop3A_441 = arith.constant 2.000000e+00 : f32
      %parallel_loop3A_442 = vector.broadcast %parallel_loop3A_441 : f32 to vector<16xf32>
      %parallel_loop3A_443 = arith.addf %parallel_loop3A_440, %parallel_loop3A_442 : vector<16xf32>
      %parallel_loop3A_444 = arith.divf %parallel_loop3A_440, %parallel_loop3A_443 : vector<16xf32>
      %parallel_loop3A_445 = arith.mulf %parallel_loop3A_444, %parallel_loop3A_444 : vector<16xf32>
      %parallel_loop3A_446 = arith.constant 2.000000e+00 : f32
      %parallel_loop3A_447 = vector.broadcast %parallel_loop3A_446 : f32 to vector<16xf32>
      %parallel_loop3A_448 = arith.mulf %parallel_loop3A_447, %parallel_loop3A_444 : vector<16xf32>
      %parallel_loop3A_449 = arith.constant 0.142857149 : f32
      %parallel_loop3A_450 = vector.broadcast %parallel_loop3A_449 : f32 to vector<16xf32>
      %parallel_loop3A_451 = arith.mulf %parallel_loop3A_445, %parallel_loop3A_450 : vector<16xf32>
      %parallel_loop3A_452 = arith.constant 2.000000e-01 : f32
      %parallel_loop3A_453 = vector.broadcast %parallel_loop3A_452 : f32 to vector<16xf32>
      %parallel_loop3A_454 = arith.addf %parallel_loop3A_453, %parallel_loop3A_451 : vector<16xf32>
      %parallel_loop3A_455 = arith.mulf %parallel_loop3A_445, %parallel_loop3A_454 : vector<16xf32>
      %parallel_loop3A_456 = arith.constant 0.333333343 : f32
      %parallel_loop3A_457 = vector.broadcast %parallel_loop3A_456 : f32 to vector<16xf32>
      %parallel_loop3A_458 = arith.addf %parallel_loop3A_457, %parallel_loop3A_455 : vector<16xf32>
      %parallel_loop3A_459 = arith.mulf %parallel_loop3A_445, %parallel_loop3A_458 : vector<16xf32>
      %parallel_loop3A_460 = arith.constant 1.000000e+00 : f32
      %parallel_loop3A_461 = vector.broadcast %parallel_loop3A_460 : f32 to vector<16xf32>
      %parallel_loop3A_462 = arith.addf %parallel_loop3A_461, %parallel_loop3A_459 : vector<16xf32>
      %parallel_loop3A_463 = arith.mulf %parallel_loop3A_448, %parallel_loop3A_462 : vector<16xf32>
      %parallel_loop3A_464 = arith.constant 0.000000e+00 : f32
      %parallel_loop3A_465 = vector.broadcast %parallel_loop3A_464 : f32 to vector<16xf32>
      %parallel_loop3A_466 = arith.maximumf %parallel_loop3A_435, %parallel_loop3A_465 : vector<16xf32>
      %parallel_loop3A_467 = arith.addf %parallel_loop3A_466, %parallel_loop3A_463 : vector<16xf32>
      %parallel_loop3A_468 = arith.addf %parallel_loop3A_430, %parallel_loop3A_467 : vector<16xf32>
      scf.yield %parallel_loop3A_468 : vector<16xf32>
    } {sc.loop_unroll_factor = 5 : i64, sc.parallel_access}
    %dma_wait3A_264 = arith.constant 8000 : i32
    %dma_wait3A_265 = tpu.memref_slice %arg8[%dma_wait3A_264] : memref<40000xf32, #tpu.memory_space<vmem>> -> memref<2000xf32, #tpu.memory_space<vmem>>
    %dma_wait3A_266 = arith.constant 8000 : i32
    %dma_wait3A_267 = tpu.memref_slice %arg6[%dma_wait3A_266] : memref<40000xi32, #tpu.memory_space<vmem>> -> memref<2000xi32, #tpu.memory_space<vmem>>
    %dma_wait3A_268 = arith.constant 0 : i32
    %dma_wait3A_269 = tpu.memref_slice %arg2[%dma_wait3A_268] : memref<100000000xf32, #tpu.memory_space<hbm>> -> memref<100000000xf32, #tpu.memory_space<hbm>>
    tpu.wait_indirect_dma semaphore(%arg10 : memref<!tpu.dma_semaphore, #tpu.memory_space<semaphore_mem>>) src(%dma_wait3A_269 : memref<100000000xf32, #tpu.memory_space<hbm>>) dst(%dma_wait3A_265 : memref<2000xf32, #tpu.memory_space<vmem>>)
    %parallel_loop3A_270 = arith.constant 8000 : i32
    %parallel_loop3A_271 = arith.constant 10000 : i32
    %parallel_loop3A_272 = arith.constant 16 : i32
    %parallel_loop3A_273 = scf.for %parallel_loop3A_429 = %parallel_loop3A_270 to %parallel_loop3A_271 step %parallel_loop3A_272 iter_args(%parallel_loop3A_430 = %parallel_loop3A_263) -> (vector<16xf32>)  : i32 {
      %parallel_loop3A_431 = arith.index_cast %parallel_loop3A_429 : i32 to index
      %parallel_loop3A_432 = tpu.vector_load %arg8[%parallel_loop3A_431] {strides = array<i32>} : memref<40000xf32, #tpu.memory_space<vmem>>, vector<16xf32>,
      %parallel_loop3A_433 = vector.shape_cast %parallel_loop3A_432 : vector<16xf32> to vector<16xf32>
      %parallel_loop3A_434 = vector.broadcast %select_n3A_45 : f32 to vector<16xf32>
      %parallel_loop3A_435 = arith.mulf %parallel_loop3A_433, %parallel_loop3A_434 : vector<16xf32>
      %parallel_loop3A_436 = math.absf %parallel_loop3A_435 : vector<16xf32>
      %parallel_loop3A_437 = arith.constant 0.000000e+00 : f32
      %parallel_loop3A_438 = vector.broadcast %parallel_loop3A_437 : f32 to vector<16xf32>
      %parallel_loop3A_439 = arith.subf %parallel_loop3A_438, %parallel_loop3A_436 : vector<16xf32>
      %parallel_loop3A_440 = math.exp %parallel_loop3A_439 : vector<16xf32>
      %parallel_loop3A_441 = arith.constant 2.000000e+00 : f32
      %parallel_loop3A_442 = vector.broadcast %parallel_loop3A_441 : f32 to vector<16xf32>
      %parallel_loop3A_443 = arith.addf %parallel_loop3A_440, %parallel_loop3A_442 : vector<16xf32>
      %parallel_loop3A_444 = arith.divf %parallel_loop3A_440, %parallel_loop3A_443 : vector<16xf32>
      %parallel_loop3A_445 = arith.mulf %parallel_loop3A_444, %parallel_loop3A_444 : vector<16xf32>
      %parallel_loop3A_446 = arith.constant 2.000000e+00 : f32
      %parallel_loop3A_447 = vector.broadcast %parallel_loop3A_446 : f32 to vector<16xf32>
      %parallel_loop3A_448 = arith.mulf %parallel_loop3A_447, %parallel_loop3A_444 : vector<16xf32>
      %parallel_loop3A_449 = arith.constant 0.142857149 : f32
      %parallel_loop3A_450 = vector.broadcast %parallel_loop3A_449 : f32 to vector<16xf32>
      %parallel_loop3A_451 = arith.mulf %parallel_loop3A_445, %parallel_loop3A_450 : vector<16xf32>
      %parallel_loop3A_452 = arith.constant 2.000000e-01 : f32
      %parallel_loop3A_453 = vector.broadcast %parallel_loop3A_452 : f32 to vector<16xf32>
      %parallel_loop3A_454 = arith.addf %parallel_loop3A_453, %parallel_loop3A_451 : vector<16xf32>
      %parallel_loop3A_455 = arith.mulf %parallel_loop3A_445, %parallel_loop3A_454 : vector<16xf32>
      %parallel_loop3A_456 = arith.constant 0.333333343 : f32
      %parallel_loop3A_457 = vector.broadcast %parallel_loop3A_456 : f32 to vector<16xf32>
      %parallel_loop3A_458 = arith.addf %parallel_loop3A_457, %parallel_loop3A_455 : vector<16xf32>
      %parallel_loop3A_459 = arith.mulf %parallel_loop3A_445, %parallel_loop3A_458 : vector<16xf32>
      %parallel_loop3A_460 = arith.constant 1.000000e+00 : f32
      %parallel_loop3A_461 = vector.broadcast %parallel_loop3A_460 : f32 to vector<16xf32>
      %parallel_loop3A_462 = arith.addf %parallel_loop3A_461, %parallel_loop3A_459 : vector<16xf32>
      %parallel_loop3A_463 = arith.mulf %parallel_loop3A_448, %parallel_loop3A_462 : vector<16xf32>
      %parallel_loop3A_464 = arith.constant 0.000000e+00 : f32
      %parallel_loop3A_465 = vector.broadcast %parallel_loop3A_464 : f32 to vector<16xf32>
      %parallel_loop3A_466 = arith.maximumf %parallel_loop3A_435, %parallel_loop3A_465 : vector<16xf32>
      %parallel_loop3A_467 = arith.addf %parallel_loop3A_466, %parallel_loop3A_463 : vector<16xf32>
      %parallel_loop3A_468 = arith.addf %parallel_loop3A_430, %parallel_loop3A_467 : vector<16xf32>
      scf.yield %parallel_loop3A_468 : vector<16xf32>
    } {sc.loop_unroll_factor = 5 : i64, sc.parallel_access}
    %dma_wait3A_274 = arith.constant 10000 : i32
    %dma_wait3A_275 = tpu.memref_slice %arg8[%dma_wait3A_274] : memref<40000xf32, #tpu.memory_space<vmem>> -> memref<2000xf32, #tpu.memory_space<vmem>>
    %dma_wait3A_276 = arith.constant 10000 : i32
    %dma_wait3A_277 = tpu.memref_slice %arg6[%dma_wait3A_276] : memref<40000xi32, #tpu.memory_space<vmem>> -> memref<2000xi32, #tpu.memory_space<vmem>>
    %dma_wait3A_278 = arith.constant 0 : i32
    %dma_wait3A_279 = tpu.memref_slice %arg2[%dma_wait3A_278] : memref<100000000xf32, #tpu.memory_space<hbm>> -> memref<100000000xf32, #tpu.memory_space<hbm>>
    tpu.wait_indirect_dma semaphore(%arg10 : memref<!tpu.dma_semaphore, #tpu.memory_space<semaphore_mem>>) src(%dma_wait3A_279 : memref<100000000xf32, #tpu.memory_space<hbm>>) dst(%dma_wait3A_275 : memref<2000xf32, #tpu.memory_space<vmem>>)
    %parallel_loop3A_280 = arith.constant 10000 : i32
    %parallel_loop3A_281 = arith.constant 12000 : i32
    %parallel_loop3A_282 = arith.constant 16 : i32
    %parallel_loop3A_283 = scf.for %parallel_loop3A_429 = %parallel_loop3A_280 to %parallel_loop3A_281 step %parallel_loop3A_282 iter_args(%parallel_loop3A_430 = %parallel_loop3A_273) -> (vector<16xf32>)  : i32 {
      %parallel_loop3A_431 = arith.index_cast %parallel_loop3A_429 : i32 to index
      %parallel_loop3A_432 = tpu.vector_load %arg8[%parallel_loop3A_431] {strides = array<i32>} : memref<40000xf32, #tpu.memory_space<vmem>>, vector<16xf32>,
      %parallel_loop3A_433 = vector.shape_cast %parallel_loop3A_432 : vector<16xf32> to vector<16xf32>
      %parallel_loop3A_434 = vector.broadcast %select_n3A_45 : f32 to vector<16xf32>
      %parallel_loop3A_435 = arith.mulf %parallel_loop3A_433, %parallel_loop3A_434 : vector<16xf32>
      %parallel_loop3A_436 = math.absf %parallel_loop3A_435 : vector<16xf32>
      %parallel_loop3A_437 = arith.constant 0.000000e+00 : f32
      %parallel_loop3A_438 = vector.broadcast %parallel_loop3A_437 : f32 to vector<16xf32>
      %parallel_loop3A_439 = arith.subf %parallel_loop3A_438, %parallel_loop3A_436 : vector<16xf32>
      %parallel_loop3A_440 = math.exp %parallel_loop3A_439 : vector<16xf32>
      %parallel_loop3A_441 = arith.constant 2.000000e+00 : f32
      %parallel_loop3A_442 = vector.broadcast %parallel_loop3A_441 : f32 to vector<16xf32>
      %parallel_loop3A_443 = arith.addf %parallel_loop3A_440, %parallel_loop3A_442 : vector<16xf32>
      %parallel_loop3A_444 = arith.divf %parallel_loop3A_440, %parallel_loop3A_443 : vector<16xf32>
      %parallel_loop3A_445 = arith.mulf %parallel_loop3A_444, %parallel_loop3A_444 : vector<16xf32>
      %parallel_loop3A_446 = arith.constant 2.000000e+00 : f32
      %parallel_loop3A_447 = vector.broadcast %parallel_loop3A_446 : f32 to vector<16xf32>
      %parallel_loop3A_448 = arith.mulf %parallel_loop3A_447, %parallel_loop3A_444 : vector<16xf32>
      %parallel_loop3A_449 = arith.constant 0.142857149 : f32
      %parallel_loop3A_450 = vector.broadcast %parallel_loop3A_449 : f32 to vector<16xf32>
      %parallel_loop3A_451 = arith.mulf %parallel_loop3A_445, %parallel_loop3A_450 : vector<16xf32>
      %parallel_loop3A_452 = arith.constant 2.000000e-01 : f32
      %parallel_loop3A_453 = vector.broadcast %parallel_loop3A_452 : f32 to vector<16xf32>
      %parallel_loop3A_454 = arith.addf %parallel_loop3A_453, %parallel_loop3A_451 : vector<16xf32>
      %parallel_loop3A_455 = arith.mulf %parallel_loop3A_445, %parallel_loop3A_454 : vector<16xf32>
      %parallel_loop3A_456 = arith.constant 0.333333343 : f32
      %parallel_loop3A_457 = vector.broadcast %parallel_loop3A_456 : f32 to vector<16xf32>
      %parallel_loop3A_458 = arith.addf %parallel_loop3A_457, %parallel_loop3A_455 : vector<16xf32>
      %parallel_loop3A_459 = arith.mulf %parallel_loop3A_445, %parallel_loop3A_458 : vector<16xf32>
      %parallel_loop3A_460 = arith.constant 1.000000e+00 : f32
      %parallel_loop3A_461 = vector.broadcast %parallel_loop3A_460 : f32 to vector<16xf32>
      %parallel_loop3A_462 = arith.addf %parallel_loop3A_461, %parallel_loop3A_459 : vector<16xf32>
      %parallel_loop3A_463 = arith.mulf %parallel_loop3A_448, %parallel_loop3A_462 : vector<16xf32>
      %parallel_loop3A_464 = arith.constant 0.000000e+00 : f32
      %parallel_loop3A_465 = vector.broadcast %parallel_loop3A_464 : f32 to vector<16xf32>
      %parallel_loop3A_466 = arith.maximumf %parallel_loop3A_435, %parallel_loop3A_465 : vector<16xf32>
      %parallel_loop3A_467 = arith.addf %parallel_loop3A_466, %parallel_loop3A_463 : vector<16xf32>
      %parallel_loop3A_468 = arith.addf %parallel_loop3A_430, %parallel_loop3A_467 : vector<16xf32>
      scf.yield %parallel_loop3A_468 : vector<16xf32>
    } {sc.loop_unroll_factor = 5 : i64, sc.parallel_access}
    %dma_wait3A_284 = arith.constant 12000 : i32
    %dma_wait3A_285 = tpu.memref_slice %arg8[%dma_wait3A_284] : memref<40000xf32, #tpu.memory_space<vmem>> -> memref<2000xf32, #tpu.memory_space<vmem>>
    %dma_wait3A_286 = arith.constant 12000 : i32
    %dma_wait3A_287 = tpu.memref_slice %arg6[%dma_wait3A_286] : memref<40000xi32, #tpu.memory_space<vmem>> -> memref<2000xi32, #tpu.memory_space<vmem>>
    %dma_wait3A_288 = arith.constant 0 : i32
    %dma_wait3A_289 = tpu.memref_slice %arg2[%dma_wait3A_288] : memref<100000000xf32, #tpu.memory_space<hbm>> -> memref<100000000xf32, #tpu.memory_space<hbm>>
    tpu.wait_indirect_dma semaphore(%arg10 : memref<!tpu.dma_semaphore, #tpu.memory_space<semaphore_mem>>) src(%dma_wait3A_289 : memref<100000000xf32, #tpu.memory_space<hbm>>) dst(%dma_wait3A_285 : memref<2000xf32, #tpu.memory_space<vmem>>)
    %parallel_loop3A_290 = arith.constant 12000 : i32
    %parallel_loop3A_291 = arith.constant 14000 : i32
    %parallel_loop3A_292 = arith.constant 16 : i32
    %parallel_loop3A_293 = scf.for %parallel_loop3A_429 = %parallel_loop3A_290 to %parallel_loop3A_291 step %parallel_loop3A_292 iter_args(%parallel_loop3A_430 = %parallel_loop3A_283) -> (vector<16xf32>)  : i32 {
      %parallel_loop3A_431 = arith.index_cast %parallel_loop3A_429 : i32 to index
      %parallel_loop3A_432 = tpu.vector_load %arg8[%parallel_loop3A_431] {strides = array<i32>} : memref<40000xf32, #tpu.memory_space<vmem>>, vector<16xf32>,
      %parallel_loop3A_433 = vector.shape_cast %parallel_loop3A_432 : vector<16xf32> to vector<16xf32>
      %parallel_loop3A_434 = vector.broadcast %select_n3A_45 : f32 to vector<16xf32>
      %parallel_loop3A_435 = arith.mulf %parallel_loop3A_433, %parallel_loop3A_434 : vector<16xf32>
      %parallel_loop3A_436 = math.absf %parallel_loop3A_435 : vector<16xf32>
      %parallel_loop3A_437 = arith.constant 0.000000e+00 : f32
      %parallel_loop3A_438 = vector.broadcast %parallel_loop3A_437 : f32 to vector<16xf32>
      %parallel_loop3A_439 = arith.subf %parallel_loop3A_438, %parallel_loop3A_436 : vector<16xf32>
      %parallel_loop3A_440 = math.exp %parallel_loop3A_439 : vector<16xf32>
      %parallel_loop3A_441 = arith.constant 2.000000e+00 : f32
      %parallel_loop3A_442 = vector.broadcast %parallel_loop3A_441 : f32 to vector<16xf32>
      %parallel_loop3A_443 = arith.addf %parallel_loop3A_440, %parallel_loop3A_442 : vector<16xf32>
      %parallel_loop3A_444 = arith.divf %parallel_loop3A_440, %parallel_loop3A_443 : vector<16xf32>
      %parallel_loop3A_445 = arith.mulf %parallel_loop3A_444, %parallel_loop3A_444 : vector<16xf32>
      %parallel_loop3A_446 = arith.constant 2.000000e+00 : f32
      %parallel_loop3A_447 = vector.broadcast %parallel_loop3A_446 : f32 to vector<16xf32>
      %parallel_loop3A_448 = arith.mulf %parallel_loop3A_447, %parallel_loop3A_444 : vector<16xf32>
      %parallel_loop3A_449 = arith.constant 0.142857149 : f32
      %parallel_loop3A_450 = vector.broadcast %parallel_loop3A_449 : f32 to vector<16xf32>
      %parallel_loop3A_451 = arith.mulf %parallel_loop3A_445, %parallel_loop3A_450 : vector<16xf32>
      %parallel_loop3A_452 = arith.constant 2.000000e-01 : f32
      %parallel_loop3A_453 = vector.broadcast %parallel_loop3A_452 : f32 to vector<16xf32>
      %parallel_loop3A_454 = arith.addf %parallel_loop3A_453, %parallel_loop3A_451 : vector<16xf32>
      %parallel_loop3A_455 = arith.mulf %parallel_loop3A_445, %parallel_loop3A_454 : vector<16xf32>
      %parallel_loop3A_456 = arith.constant 0.333333343 : f32
      %parallel_loop3A_457 = vector.broadcast %parallel_loop3A_456 : f32 to vector<16xf32>
      %parallel_loop3A_458 = arith.addf %parallel_loop3A_457, %parallel_loop3A_455 : vector<16xf32>
      %parallel_loop3A_459 = arith.mulf %parallel_loop3A_445, %parallel_loop3A_458 : vector<16xf32>
      %parallel_loop3A_460 = arith.constant 1.000000e+00 : f32
      %parallel_loop3A_461 = vector.broadcast %parallel_loop3A_460 : f32 to vector<16xf32>
      %parallel_loop3A_462 = arith.addf %parallel_loop3A_461, %parallel_loop3A_459 : vector<16xf32>
      %parallel_loop3A_463 = arith.mulf %parallel_loop3A_448, %parallel_loop3A_462 : vector<16xf32>
      %parallel_loop3A_464 = arith.constant 0.000000e+00 : f32
      %parallel_loop3A_465 = vector.broadcast %parallel_loop3A_464 : f32 to vector<16xf32>
      %parallel_loop3A_466 = arith.maximumf %parallel_loop3A_435, %parallel_loop3A_465 : vector<16xf32>
      %parallel_loop3A_467 = arith.addf %parallel_loop3A_466, %parallel_loop3A_463 : vector<16xf32>
      %parallel_loop3A_468 = arith.addf %parallel_loop3A_430, %parallel_loop3A_467 : vector<16xf32>
      scf.yield %parallel_loop3A_468 : vector<16xf32>
    } {sc.loop_unroll_factor = 5 : i64, sc.parallel_access}
    %dma_wait3A_294 = arith.constant 14000 : i32
    %dma_wait3A_295 = tpu.memref_slice %arg8[%dma_wait3A_294] : memref<40000xf32, #tpu.memory_space<vmem>> -> memref<2000xf32, #tpu.memory_space<vmem>>
    %dma_wait3A_296 = arith.constant 14000 : i32
    %dma_wait3A_297 = tpu.memref_slice %arg6[%dma_wait3A_296] : memref<40000xi32, #tpu.memory_space<vmem>> -> memref<2000xi32, #tpu.memory_space<vmem>>
    %dma_wait3A_298 = arith.constant 0 : i32
    %dma_wait3A_299 = tpu.memref_slice %arg2[%dma_wait3A_298] : memref<100000000xf32, #tpu.memory_space<hbm>> -> memref<100000000xf32, #tpu.memory_space<hbm>>
    tpu.wait_indirect_dma semaphore(%arg10 : memref<!tpu.dma_semaphore, #tpu.memory_space<semaphore_mem>>) src(%dma_wait3A_299 : memref<100000000xf32, #tpu.memory_space<hbm>>) dst(%dma_wait3A_295 : memref<2000xf32, #tpu.memory_space<vmem>>)
    %parallel_loop3A_300 = arith.constant 14000 : i32
    %parallel_loop3A_301 = arith.constant 16000 : i32
    %parallel_loop3A_302 = arith.constant 16 : i32
    %parallel_loop3A_303 = scf.for %parallel_loop3A_429 = %parallel_loop3A_300 to %parallel_loop3A_301 step %parallel_loop3A_302 iter_args(%parallel_loop3A_430 = %parallel_loop3A_293) -> (vector<16xf32>)  : i32 {
      %parallel_loop3A_431 = arith.index_cast %parallel_loop3A_429 : i32 to index
      %parallel_loop3A_432 = tpu.vector_load %arg8[%parallel_loop3A_431] {strides = array<i32>} : memref<40000xf32, #tpu.memory_space<vmem>>, vector<16xf32>,
      %parallel_loop3A_433 = vector.shape_cast %parallel_loop3A_432 : vector<16xf32> to vector<16xf32>
      %parallel_loop3A_434 = vector.broadcast %select_n3A_45 : f32 to vector<16xf32>
      %parallel_loop3A_435 = arith.mulf %parallel_loop3A_433, %parallel_loop3A_434 : vector<16xf32>
      %parallel_loop3A_436 = math.absf %parallel_loop3A_435 : vector<16xf32>
      %parallel_loop3A_437 = arith.constant 0.000000e+00 : f32
      %parallel_loop3A_438 = vector.broadcast %parallel_loop3A_437 : f32 to vector<16xf32>
      %parallel_loop3A_439 = arith.subf %parallel_loop3A_438, %parallel_loop3A_436 : vector<16xf32>
      %parallel_loop3A_440 = math.exp %parallel_loop3A_439 : vector<16xf32>
      %parallel_loop3A_441 = arith.constant 2.000000e+00 : f32
      %parallel_loop3A_442 = vector.broadcast %parallel_loop3A_441 : f32 to vector<16xf32>
      %parallel_loop3A_443 = arith.addf %parallel_loop3A_440, %parallel_loop3A_442 : vector<16xf32>
      %parallel_loop3A_444 = arith.divf %parallel_loop3A_440, %parallel_loop3A_443 : vector<16xf32>
      %parallel_loop3A_445 = arith.mulf %parallel_loop3A_444, %parallel_loop3A_444 : vector<16xf32>
      %parallel_loop3A_446 = arith.constant 2.000000e+00 : f32
      %parallel_loop3A_447 = vector.broadcast %parallel_loop3A_446 : f32 to vector<16xf32>
      %parallel_loop3A_448 = arith.mulf %parallel_loop3A_447, %parallel_loop3A_444 : vector<16xf32>
      %parallel_loop3A_449 = arith.constant 0.142857149 : f32
      %parallel_loop3A_450 = vector.broadcast %parallel_loop3A_449 : f32 to vector<16xf32>
      %parallel_loop3A_451 = arith.mulf %parallel_loop3A_445, %parallel_loop3A_450 : vector<16xf32>
      %parallel_loop3A_452 = arith.constant 2.000000e-01 : f32
      %parallel_loop3A_453 = vector.broadcast %parallel_loop3A_452 : f32 to vector<16xf32>
      %parallel_loop3A_454 = arith.addf %parallel_loop3A_453, %parallel_loop3A_451 : vector<16xf32>
      %parallel_loop3A_455 = arith.mulf %parallel_loop3A_445, %parallel_loop3A_454 : vector<16xf32>
      %parallel_loop3A_456 = arith.constant 0.333333343 : f32
      %parallel_loop3A_457 = vector.broadcast %parallel_loop3A_456 : f32 to vector<16xf32>
      %parallel_loop3A_458 = arith.addf %parallel_loop3A_457, %parallel_loop3A_455 : vector<16xf32>
      %parallel_loop3A_459 = arith.mulf %parallel_loop3A_445, %parallel_loop3A_458 : vector<16xf32>
      %parallel_loop3A_460 = arith.constant 1.000000e+00 : f32
      %parallel_loop3A_461 = vector.broadcast %parallel_loop3A_460 : f32 to vector<16xf32>
      %parallel_loop3A_462 = arith.addf %parallel_loop3A_461, %parallel_loop3A_459 : vector<16xf32>
      %parallel_loop3A_463 = arith.mulf %parallel_loop3A_448, %parallel_loop3A_462 : vector<16xf32>
      %parallel_loop3A_464 = arith.constant 0.000000e+00 : f32
      %parallel_loop3A_465 = vector.broadcast %parallel_loop3A_464 : f32 to vector<16xf32>
      %parallel_loop3A_466 = arith.maximumf %parallel_loop3A_435, %parallel_loop3A_465 : vector<16xf32>
      %parallel_loop3A_467 = arith.addf %parallel_loop3A_466, %parallel_loop3A_463 : vector<16xf32>
      %parallel_loop3A_468 = arith.addf %parallel_loop3A_430, %parallel_loop3A_467 : vector<16xf32>
      scf.yield %parallel_loop3A_468 : vector<16xf32>
    } {sc.loop_unroll_factor = 5 : i64, sc.parallel_access}
    %dma_wait3A_304 = arith.constant 16000 : i32
    %dma_wait3A_305 = tpu.memref_slice %arg8[%dma_wait3A_304] : memref<40000xf32, #tpu.memory_space<vmem>> -> memref<2000xf32, #tpu.memory_space<vmem>>
    %dma_wait3A_306 = arith.constant 16000 : i32
    %dma_wait3A_307 = tpu.memref_slice %arg6[%dma_wait3A_306] : memref<40000xi32, #tpu.memory_space<vmem>> -> memref<2000xi32, #tpu.memory_space<vmem>>
    %dma_wait3A_308 = arith.constant 0 : i32
    %dma_wait3A_309 = tpu.memref_slice %arg2[%dma_wait3A_308] : memref<100000000xf32, #tpu.memory_space<hbm>> -> memref<100000000xf32, #tpu.memory_space<hbm>>
    tpu.wait_indirect_dma semaphore(%arg10 : memref<!tpu.dma_semaphore, #tpu.memory_space<semaphore_mem>>) src(%dma_wait3A_309 : memref<100000000xf32, #tpu.memory_space<hbm>>) dst(%dma_wait3A_305 : memref<2000xf32, #tpu.memory_space<vmem>>)
    %parallel_loop3A_310 = arith.constant 16000 : i32
    %parallel_loop3A_311 = arith.constant 18000 : i32
    %parallel_loop3A_312 = arith.constant 16 : i32
    %parallel_loop3A_313 = scf.for %parallel_loop3A_429 = %parallel_loop3A_310 to %parallel_loop3A_311 step %parallel_loop3A_312 iter_args(%parallel_loop3A_430 = %parallel_loop3A_303) -> (vector<16xf32>)  : i32 {
      %parallel_loop3A_431 = arith.index_cast %parallel_loop3A_429 : i32 to index
      %parallel_loop3A_432 = tpu.vector_load %arg8[%parallel_loop3A_431] {strides = array<i32>} : memref<40000xf32, #tpu.memory_space<vmem>>, vector<16xf32>,
      %parallel_loop3A_433 = vector.shape_cast %parallel_loop3A_432 : vector<16xf32> to vector<16xf32>
      %parallel_loop3A_434 = vector.broadcast %select_n3A_45 : f32 to vector<16xf32>
      %parallel_loop3A_435 = arith.mulf %parallel_loop3A_433, %parallel_loop3A_434 : vector<16xf32>
      %parallel_loop3A_436 = math.absf %parallel_loop3A_435 : vector<16xf32>
      %parallel_loop3A_437 = arith.constant 0.000000e+00 : f32
      %parallel_loop3A_438 = vector.broadcast %parallel_loop3A_437 : f32 to vector<16xf32>
      %parallel_loop3A_439 = arith.subf %parallel_loop3A_438, %parallel_loop3A_436 : vector<16xf32>
      %parallel_loop3A_440 = math.exp %parallel_loop3A_439 : vector<16xf32>
      %parallel_loop3A_441 = arith.constant 2.000000e+00 : f32
      %parallel_loop3A_442 = vector.broadcast %parallel_loop3A_441 : f32 to vector<16xf32>
      %parallel_loop3A_443 = arith.addf %parallel_loop3A_440, %parallel_loop3A_442 : vector<16xf32>
      %parallel_loop3A_444 = arith.divf %parallel_loop3A_440, %parallel_loop3A_443 : vector<16xf32>
      %parallel_loop3A_445 = arith.mulf %parallel_loop3A_444, %parallel_loop3A_444 : vector<16xf32>
      %parallel_loop3A_446 = arith.constant 2.000000e+00 : f32
      %parallel_loop3A_447 = vector.broadcast %parallel_loop3A_446 : f32 to vector<16xf32>
      %parallel_loop3A_448 = arith.mulf %parallel_loop3A_447, %parallel_loop3A_444 : vector<16xf32>
      %parallel_loop3A_449 = arith.constant 0.142857149 : f32
      %parallel_loop3A_450 = vector.broadcast %parallel_loop3A_449 : f32 to vector<16xf32>
      %parallel_loop3A_451 = arith.mulf %parallel_loop3A_445, %parallel_loop3A_450 : vector<16xf32>
      %parallel_loop3A_452 = arith.constant 2.000000e-01 : f32
      %parallel_loop3A_453 = vector.broadcast %parallel_loop3A_452 : f32 to vector<16xf32>
      %parallel_loop3A_454 = arith.addf %parallel_loop3A_453, %parallel_loop3A_451 : vector<16xf32>
      %parallel_loop3A_455 = arith.mulf %parallel_loop3A_445, %parallel_loop3A_454 : vector<16xf32>
      %parallel_loop3A_456 = arith.constant 0.333333343 : f32
      %parallel_loop3A_457 = vector.broadcast %parallel_loop3A_456 : f32 to vector<16xf32>
      %parallel_loop3A_458 = arith.addf %parallel_loop3A_457, %parallel_loop3A_455 : vector<16xf32>
      %parallel_loop3A_459 = arith.mulf %parallel_loop3A_445, %parallel_loop3A_458 : vector<16xf32>
      %parallel_loop3A_460 = arith.constant 1.000000e+00 : f32
      %parallel_loop3A_461 = vector.broadcast %parallel_loop3A_460 : f32 to vector<16xf32>
      %parallel_loop3A_462 = arith.addf %parallel_loop3A_461, %parallel_loop3A_459 : vector<16xf32>
      %parallel_loop3A_463 = arith.mulf %parallel_loop3A_448, %parallel_loop3A_462 : vector<16xf32>
      %parallel_loop3A_464 = arith.constant 0.000000e+00 : f32
      %parallel_loop3A_465 = vector.broadcast %parallel_loop3A_464 : f32 to vector<16xf32>
      %parallel_loop3A_466 = arith.maximumf %parallel_loop3A_435, %parallel_loop3A_465 : vector<16xf32>
      %parallel_loop3A_467 = arith.addf %parallel_loop3A_466, %parallel_loop3A_463 : vector<16xf32>
      %parallel_loop3A_468 = arith.addf %parallel_loop3A_430, %parallel_loop3A_467 : vector<16xf32>
      scf.yield %parallel_loop3A_468 : vector<16xf32>
    } {sc.loop_unroll_factor = 5 : i64, sc.parallel_access}
    %dma_wait3A_314 = arith.constant 18000 : i32
    %dma_wait3A_315 = tpu.memref_slice %arg8[%dma_wait3A_314] : memref<40000xf32, #tpu.memory_space<vmem>> -> memref<2000xf32, #tpu.memory_space<vmem>>
    %dma_wait3A_316 = arith.constant 18000 : i32
    %dma_wait3A_317 = tpu.memref_slice %arg6[%dma_wait3A_316] : memref<40000xi32, #tpu.memory_space<vmem>> -> memref<2000xi32, #tpu.memory_space<vmem>>
    %dma_wait3A_318 = arith.constant 0 : i32
    %dma_wait3A_319 = tpu.memref_slice %arg2[%dma_wait3A_318] : memref<100000000xf32, #tpu.memory_space<hbm>> -> memref<100000000xf32, #tpu.memory_space<hbm>>
    tpu.wait_indirect_dma semaphore(%arg10 : memref<!tpu.dma_semaphore, #tpu.memory_space<semaphore_mem>>) src(%dma_wait3A_319 : memref<100000000xf32, #tpu.memory_space<hbm>>) dst(%dma_wait3A_315 : memref<2000xf32, #tpu.memory_space<vmem>>)
    %parallel_loop3A_320 = arith.constant 18000 : i32
    %parallel_loop3A_321 = arith.constant 20000 : i32
    %parallel_loop3A_322 = arith.constant 16 : i32
    %parallel_loop3A_323 = scf.for %parallel_loop3A_429 = %parallel_loop3A_320 to %parallel_loop3A_321 step %parallel_loop3A_322 iter_args(%parallel_loop3A_430 = %parallel_loop3A_313) -> (vector<16xf32>)  : i32 {
      %parallel_loop3A_431 = arith.index_cast %parallel_loop3A_429 : i32 to index
      %parallel_loop3A_432 = tpu.vector_load %arg8[%parallel_loop3A_431] {strides = array<i32>} : memref<40000xf32, #tpu.memory_space<vmem>>, vector<16xf32>,
      %parallel_loop3A_433 = vector.shape_cast %parallel_loop3A_432 : vector<16xf32> to vector<16xf32>
      %parallel_loop3A_434 = vector.broadcast %select_n3A_45 : f32 to vector<16xf32>
      %parallel_loop3A_435 = arith.mulf %parallel_loop3A_433, %parallel_loop3A_434 : vector<16xf32>
      %parallel_loop3A_436 = math.absf %parallel_loop3A_435 : vector<16xf32>
      %parallel_loop3A_437 = arith.constant 0.000000e+00 : f32
      %parallel_loop3A_438 = vector.broadcast %parallel_loop3A_437 : f32 to vector<16xf32>
      %parallel_loop3A_439 = arith.subf %parallel_loop3A_438, %parallel_loop3A_436 : vector<16xf32>
      %parallel_loop3A_440 = math.exp %parallel_loop3A_439 : vector<16xf32>
      %parallel_loop3A_441 = arith.constant 2.000000e+00 : f32
      %parallel_loop3A_442 = vector.broadcast %parallel_loop3A_441 : f32 to vector<16xf32>
      %parallel_loop3A_443 = arith.addf %parallel_loop3A_440, %parallel_loop3A_442 : vector<16xf32>
      %parallel_loop3A_444 = arith.divf %parallel_loop3A_440, %parallel_loop3A_443 : vector<16xf32>
      %parallel_loop3A_445 = arith.mulf %parallel_loop3A_444, %parallel_loop3A_444 : vector<16xf32>
      %parallel_loop3A_446 = arith.constant 2.000000e+00 : f32
      %parallel_loop3A_447 = vector.broadcast %parallel_loop3A_446 : f32 to vector<16xf32>
      %parallel_loop3A_448 = arith.mulf %parallel_loop3A_447, %parallel_loop3A_444 : vector<16xf32>
      %parallel_loop3A_449 = arith.constant 0.142857149 : f32
      %parallel_loop3A_450 = vector.broadcast %parallel_loop3A_449 : f32 to vector<16xf32>
      %parallel_loop3A_451 = arith.mulf %parallel_loop3A_445, %parallel_loop3A_450 : vector<16xf32>
      %parallel_loop3A_452 = arith.constant 2.000000e-01 : f32
      %parallel_loop3A_453 = vector.broadcast %parallel_loop3A_452 : f32 to vector<16xf32>
      %parallel_loop3A_454 = arith.addf %parallel_loop3A_453, %parallel_loop3A_451 : vector<16xf32>
      %parallel_loop3A_455 = arith.mulf %parallel_loop3A_445, %parallel_loop3A_454 : vector<16xf32>
      %parallel_loop3A_456 = arith.constant 0.333333343 : f32
      %parallel_loop3A_457 = vector.broadcast %parallel_loop3A_456 : f32 to vector<16xf32>
      %parallel_loop3A_458 = arith.addf %parallel_loop3A_457, %parallel_loop3A_455 : vector<16xf32>
      %parallel_loop3A_459 = arith.mulf %parallel_loop3A_445, %parallel_loop3A_458 : vector<16xf32>
      %parallel_loop3A_460 = arith.constant 1.000000e+00 : f32
      %parallel_loop3A_461 = vector.broadcast %parallel_loop3A_460 : f32 to vector<16xf32>
      %parallel_loop3A_462 = arith.addf %parallel_loop3A_461, %parallel_loop3A_459 : vector<16xf32>
      %parallel_loop3A_463 = arith.mulf %parallel_loop3A_448, %parallel_loop3A_462 : vector<16xf32>
      %parallel_loop3A_464 = arith.constant 0.000000e+00 : f32
      %parallel_loop3A_465 = vector.broadcast %parallel_loop3A_464 : f32 to vector<16xf32>
      %parallel_loop3A_466 = arith.maximumf %parallel_loop3A_435, %parallel_loop3A_465 : vector<16xf32>
      %parallel_loop3A_467 = arith.addf %parallel_loop3A_466, %parallel_loop3A_463 : vector<16xf32>
      %parallel_loop3A_468 = arith.addf %parallel_loop3A_430, %parallel_loop3A_467 : vector<16xf32>
      scf.yield %parallel_loop3A_468 : vector<16xf32>
    } {sc.loop_unroll_factor = 5 : i64, sc.parallel_access}
    %dma_wait3A_324 = arith.constant 20000 : i32
    %dma_wait3A_325 = tpu.memref_slice %arg8[%dma_wait3A_324] : memref<40000xf32, #tpu.memory_space<vmem>> -> memref<2000xf32, #tpu.memory_space<vmem>>
    %dma_wait3A_326 = arith.constant 20000 : i32
    %dma_wait3A_327 = tpu.memref_slice %arg6[%dma_wait3A_326] : memref<40000xi32, #tpu.memory_space<vmem>> -> memref<2000xi32, #tpu.memory_space<vmem>>
    %dma_wait3A_328 = arith.constant 0 : i32
    %dma_wait3A_329 = tpu.memref_slice %arg2[%dma_wait3A_328] : memref<100000000xf32, #tpu.memory_space<hbm>> -> memref<100000000xf32, #tpu.memory_space<hbm>>
    tpu.wait_indirect_dma semaphore(%arg10 : memref<!tpu.dma_semaphore, #tpu.memory_space<semaphore_mem>>) src(%dma_wait3A_329 : memref<100000000xf32, #tpu.memory_space<hbm>>) dst(%dma_wait3A_325 : memref<2000xf32, #tpu.memory_space<vmem>>)
    %parallel_loop3A_330 = arith.constant 20000 : i32
    %parallel_loop3A_331 = arith.constant 22000 : i32
    %parallel_loop3A_332 = arith.constant 16 : i32
    %parallel_loop3A_333 = scf.for %parallel_loop3A_429 = %parallel_loop3A_330 to %parallel_loop3A_331 step %parallel_loop3A_332 iter_args(%parallel_loop3A_430 = %parallel_loop3A_323) -> (vector<16xf32>)  : i32 {
      %parallel_loop3A_431 = arith.index_cast %parallel_loop3A_429 : i32 to index
      %parallel_loop3A_432 = tpu.vector_load %arg8[%parallel_loop3A_431] {strides = array<i32>} : memref<40000xf32, #tpu.memory_space<vmem>>, vector<16xf32>,
      %parallel_loop3A_433 = vector.shape_cast %parallel_loop3A_432 : vector<16xf32> to vector<16xf32>
      %parallel_loop3A_434 = vector.broadcast %select_n3A_45 : f32 to vector<16xf32>
      %parallel_loop3A_435 = arith.mulf %parallel_loop3A_433, %parallel_loop3A_434 : vector<16xf32>
      %parallel_loop3A_436 = math.absf %parallel_loop3A_435 : vector<16xf32>
      %parallel_loop3A_437 = arith.constant 0.000000e+00 : f32
      %parallel_loop3A_438 = vector.broadcast %parallel_loop3A_437 : f32 to vector<16xf32>
      %parallel_loop3A_439 = arith.subf %parallel_loop3A_438, %parallel_loop3A_436 : vector<16xf32>
      %parallel_loop3A_440 = math.exp %parallel_loop3A_439 : vector<16xf32>
      %parallel_loop3A_441 = arith.constant 2.000000e+00 : f32
      %parallel_loop3A_442 = vector.broadcast %parallel_loop3A_441 : f32 to vector<16xf32>
      %parallel_loop3A_443 = arith.addf %parallel_loop3A_440, %parallel_loop3A_442 : vector<16xf32>
      %parallel_loop3A_444 = arith.divf %parallel_loop3A_440, %parallel_loop3A_443 : vector<16xf32>
      %parallel_loop3A_445 = arith.mulf %parallel_loop3A_444, %parallel_loop3A_444 : vector<16xf32>
      %parallel_loop3A_446 = arith.constant 2.000000e+00 : f32
      %parallel_loop3A_447 = vector.broadcast %parallel_loop3A_446 : f32 to vector<16xf32>
      %parallel_loop3A_448 = arith.mulf %parallel_loop3A_447, %parallel_loop3A_444 : vector<16xf32>
      %parallel_loop3A_449 = arith.constant 0.142857149 : f32
      %parallel_loop3A_450 = vector.broadcast %parallel_loop3A_449 : f32 to vector<16xf32>
      %parallel_loop3A_451 = arith.mulf %parallel_loop3A_445, %parallel_loop3A_450 : vector<16xf32>
      %parallel_loop3A_452 = arith.constant 2.000000e-01 : f32
      %parallel_loop3A_453 = vector.broadcast %parallel_loop3A_452 : f32 to vector<16xf32>
      %parallel_loop3A_454 = arith.addf %parallel_loop3A_453, %parallel_loop3A_451 : vector<16xf32>
      %parallel_loop3A_455 = arith.mulf %parallel_loop3A_445, %parallel_loop3A_454 : vector<16xf32>
      %parallel_loop3A_456 = arith.constant 0.333333343 : f32
      %parallel_loop3A_457 = vector.broadcast %parallel_loop3A_456 : f32 to vector<16xf32>
      %parallel_loop3A_458 = arith.addf %parallel_loop3A_457, %parallel_loop3A_455 : vector<16xf32>
      %parallel_loop3A_459 = arith.mulf %parallel_loop3A_445, %parallel_loop3A_458 : vector<16xf32>
      %parallel_loop3A_460 = arith.constant 1.000000e+00 : f32
      %parallel_loop3A_461 = vector.broadcast %parallel_loop3A_460 : f32 to vector<16xf32>
      %parallel_loop3A_462 = arith.addf %parallel_loop3A_461, %parallel_loop3A_459 : vector<16xf32>
      %parallel_loop3A_463 = arith.mulf %parallel_loop3A_448, %parallel_loop3A_462 : vector<16xf32>
      %parallel_loop3A_464 = arith.constant 0.000000e+00 : f32
      %parallel_loop3A_465 = vector.broadcast %parallel_loop3A_464 : f32 to vector<16xf32>
      %parallel_loop3A_466 = arith.maximumf %parallel_loop3A_435, %parallel_loop3A_465 : vector<16xf32>
      %parallel_loop3A_467 = arith.addf %parallel_loop3A_466, %parallel_loop3A_463 : vector<16xf32>
      %parallel_loop3A_468 = arith.addf %parallel_loop3A_430, %parallel_loop3A_467 : vector<16xf32>
      scf.yield %parallel_loop3A_468 : vector<16xf32>
    } {sc.loop_unroll_factor = 5 : i64, sc.parallel_access}
    %dma_wait3A_334 = arith.constant 22000 : i32
    %dma_wait3A_335 = tpu.memref_slice %arg8[%dma_wait3A_334] : memref<40000xf32, #tpu.memory_space<vmem>> -> memref<2000xf32, #tpu.memory_space<vmem>>
    %dma_wait3A_336 = arith.constant 22000 : i32
    %dma_wait3A_337 = tpu.memref_slice %arg6[%dma_wait3A_336] : memref<40000xi32, #tpu.memory_space<vmem>> -> memref<2000xi32, #tpu.memory_space<vmem>>
    %dma_wait3A_338 = arith.constant 0 : i32
    %dma_wait3A_339 = tpu.memref_slice %arg2[%dma_wait3A_338] : memref<100000000xf32, #tpu.memory_space<hbm>> -> memref<100000000xf32, #tpu.memory_space<hbm>>
    tpu.wait_indirect_dma semaphore(%arg10 : memref<!tpu.dma_semaphore, #tpu.memory_space<semaphore_mem>>) src(%dma_wait3A_339 : memref<100000000xf32, #tpu.memory_space<hbm>>) dst(%dma_wait3A_335 : memref<2000xf32, #tpu.memory_space<vmem>>)
    %parallel_loop3A_340 = arith.constant 22000 : i32
    %parallel_loop3A_341 = arith.constant 24000 : i32
    %parallel_loop3A_342 = arith.constant 16 : i32
    %parallel_loop3A_343 = scf.for %parallel_loop3A_429 = %parallel_loop3A_340 to %parallel_loop3A_341 step %parallel_loop3A_342 iter_args(%parallel_loop3A_430 = %parallel_loop3A_333) -> (vector<16xf32>)  : i32 {
      %parallel_loop3A_431 = arith.index_cast %parallel_loop3A_429 : i32 to index
      %parallel_loop3A_432 = tpu.vector_load %arg8[%parallel_loop3A_431] {strides = array<i32>} : memref<40000xf32, #tpu.memory_space<vmem>>, vector<16xf32>,
      %parallel_loop3A_433 = vector.shape_cast %parallel_loop3A_432 : vector<16xf32> to vector<16xf32>
      %parallel_loop3A_434 = vector.broadcast %select_n3A_45 : f32 to vector<16xf32>
      %parallel_loop3A_435 = arith.mulf %parallel_loop3A_433, %parallel_loop3A_434 : vector<16xf32>
      %parallel_loop3A_436 = math.absf %parallel_loop3A_435 : vector<16xf32>
      %parallel_loop3A_437 = arith.constant 0.000000e+00 : f32
      %parallel_loop3A_438 = vector.broadcast %parallel_loop3A_437 : f32 to vector<16xf32>
      %parallel_loop3A_439 = arith.subf %parallel_loop3A_438, %parallel_loop3A_436 : vector<16xf32>
      %parallel_loop3A_440 = math.exp %parallel_loop3A_439 : vector<16xf32>
      %parallel_loop3A_441 = arith.constant 2.000000e+00 : f32
      %parallel_loop3A_442 = vector.broadcast %parallel_loop3A_441 : f32 to vector<16xf32>
      %parallel_loop3A_443 = arith.addf %parallel_loop3A_440, %parallel_loop3A_442 : vector<16xf32>
      %parallel_loop3A_444 = arith.divf %parallel_loop3A_440, %parallel_loop3A_443 : vector<16xf32>
      %parallel_loop3A_445 = arith.mulf %parallel_loop3A_444, %parallel_loop3A_444 : vector<16xf32>
      %parallel_loop3A_446 = arith.constant 2.000000e+00 : f32
      %parallel_loop3A_447 = vector.broadcast %parallel_loop3A_446 : f32 to vector<16xf32>
      %parallel_loop3A_448 = arith.mulf %parallel_loop3A_447, %parallel_loop3A_444 : vector<16xf32>
      %parallel_loop3A_449 = arith.constant 0.142857149 : f32
      %parallel_loop3A_450 = vector.broadcast %parallel_loop3A_449 : f32 to vector<16xf32>
      %parallel_loop3A_451 = arith.mulf %parallel_loop3A_445, %parallel_loop3A_450 : vector<16xf32>
      %parallel_loop3A_452 = arith.constant 2.000000e-01 : f32
      %parallel_loop3A_453 = vector.broadcast %parallel_loop3A_452 : f32 to vector<16xf32>
      %parallel_loop3A_454 = arith.addf %parallel_loop3A_453, %parallel_loop3A_451 : vector<16xf32>
      %parallel_loop3A_455 = arith.mulf %parallel_loop3A_445, %parallel_loop3A_454 : vector<16xf32>
      %parallel_loop3A_456 = arith.constant 0.333333343 : f32
      %parallel_loop3A_457 = vector.broadcast %parallel_loop3A_456 : f32 to vector<16xf32>
      %parallel_loop3A_458 = arith.addf %parallel_loop3A_457, %parallel_loop3A_455 : vector<16xf32>
      %parallel_loop3A_459 = arith.mulf %parallel_loop3A_445, %parallel_loop3A_458 : vector<16xf32>
      %parallel_loop3A_460 = arith.constant 1.000000e+00 : f32
      %parallel_loop3A_461 = vector.broadcast %parallel_loop3A_460 : f32 to vector<16xf32>
      %parallel_loop3A_462 = arith.addf %parallel_loop3A_461, %parallel_loop3A_459 : vector<16xf32>
      %parallel_loop3A_463 = arith.mulf %parallel_loop3A_448, %parallel_loop3A_462 : vector<16xf32>
      %parallel_loop3A_464 = arith.constant 0.000000e+00 : f32
      %parallel_loop3A_465 = vector.broadcast %parallel_loop3A_464 : f32 to vector<16xf32>
      %parallel_loop3A_466 = arith.maximumf %parallel_loop3A_435, %parallel_loop3A_465 : vector<16xf32>
      %parallel_loop3A_467 = arith.addf %parallel_loop3A_466, %parallel_loop3A_463 : vector<16xf32>
      %parallel_loop3A_468 = arith.addf %parallel_loop3A_430, %parallel_loop3A_467 : vector<16xf32>
      scf.yield %parallel_loop3A_468 : vector<16xf32>
    } {sc.loop_unroll_factor = 5 : i64, sc.parallel_access}
    %dma_wait3A_344 = arith.constant 24000 : i32
    %dma_wait3A_345 = tpu.memref_slice %arg8[%dma_wait3A_344] : memref<40000xf32, #tpu.memory_space<vmem>> -> memref<2000xf32, #tpu.memory_space<vmem>>
    %dma_wait3A_346 = arith.constant 24000 : i32
    %dma_wait3A_347 = tpu.memref_slice %arg6[%dma_wait3A_346] : memref<40000xi32, #tpu.memory_space<vmem>> -> memref<2000xi32, #tpu.memory_space<vmem>>
    %dma_wait3A_348 = arith.constant 0 : i32
    %dma_wait3A_349 = tpu.memref_slice %arg2[%dma_wait3A_348] : memref<100000000xf32, #tpu.memory_space<hbm>> -> memref<100000000xf32, #tpu.memory_space<hbm>>
    tpu.wait_indirect_dma semaphore(%arg10 : memref<!tpu.dma_semaphore, #tpu.memory_space<semaphore_mem>>) src(%dma_wait3A_349 : memref<100000000xf32, #tpu.memory_space<hbm>>) dst(%dma_wait3A_345 : memref<2000xf32, #tpu.memory_space<vmem>>)
    %parallel_loop3A_350 = arith.constant 24000 : i32
    %parallel_loop3A_351 = arith.constant 26000 : i32
    %parallel_loop3A_352 = arith.constant 16 : i32
    %parallel_loop3A_353 = scf.for %parallel_loop3A_429 = %parallel_loop3A_350 to %parallel_loop3A_351 step %parallel_loop3A_352 iter_args(%parallel_loop3A_430 = %parallel_loop3A_343) -> (vector<16xf32>)  : i32 {
      %parallel_loop3A_431 = arith.index_cast %parallel_loop3A_429 : i32 to index
      %parallel_loop3A_432 = tpu.vector_load %arg8[%parallel_loop3A_431] {strides = array<i32>} : memref<40000xf32, #tpu.memory_space<vmem>>, vector<16xf32>,
      %parallel_loop3A_433 = vector.shape_cast %parallel_loop3A_432 : vector<16xf32> to vector<16xf32>
      %parallel_loop3A_434 = vector.broadcast %select_n3A_45 : f32 to vector<16xf32>
      %parallel_loop3A_435 = arith.mulf %parallel_loop3A_433, %parallel_loop3A_434 : vector<16xf32>
      %parallel_loop3A_436 = math.absf %parallel_loop3A_435 : vector<16xf32>
      %parallel_loop3A_437 = arith.constant 0.000000e+00 : f32
      %parallel_loop3A_438 = vector.broadcast %parallel_loop3A_437 : f32 to vector<16xf32>
      %parallel_loop3A_439 = arith.subf %parallel_loop3A_438, %parallel_loop3A_436 : vector<16xf32>
      %parallel_loop3A_440 = math.exp %parallel_loop3A_439 : vector<16xf32>
      %parallel_loop3A_441 = arith.constant 2.000000e+00 : f32
      %parallel_loop3A_442 = vector.broadcast %parallel_loop3A_441 : f32 to vector<16xf32>
      %parallel_loop3A_443 = arith.addf %parallel_loop3A_440, %parallel_loop3A_442 : vector<16xf32>
      %parallel_loop3A_444 = arith.divf %parallel_loop3A_440, %parallel_loop3A_443 : vector<16xf32>
      %parallel_loop3A_445 = arith.mulf %parallel_loop3A_444, %parallel_loop3A_444 : vector<16xf32>
      %parallel_loop3A_446 = arith.constant 2.000000e+00 : f32
      %parallel_loop3A_447 = vector.broadcast %parallel_loop3A_446 : f32 to vector<16xf32>
      %parallel_loop3A_448 = arith.mulf %parallel_loop3A_447, %parallel_loop3A_444 : vector<16xf32>
      %parallel_loop3A_449 = arith.constant 0.142857149 : f32
      %parallel_loop3A_450 = vector.broadcast %parallel_loop3A_449 : f32 to vector<16xf32>
      %parallel_loop3A_451 = arith.mulf %parallel_loop3A_445, %parallel_loop3A_450 : vector<16xf32>
      %parallel_loop3A_452 = arith.constant 2.000000e-01 : f32
      %parallel_loop3A_453 = vector.broadcast %parallel_loop3A_452 : f32 to vector<16xf32>
      %parallel_loop3A_454 = arith.addf %parallel_loop3A_453, %parallel_loop3A_451 : vector<16xf32>
      %parallel_loop3A_455 = arith.mulf %parallel_loop3A_445, %parallel_loop3A_454 : vector<16xf32>
      %parallel_loop3A_456 = arith.constant 0.333333343 : f32
      %parallel_loop3A_457 = vector.broadcast %parallel_loop3A_456 : f32 to vector<16xf32>
      %parallel_loop3A_458 = arith.addf %parallel_loop3A_457, %parallel_loop3A_455 : vector<16xf32>
      %parallel_loop3A_459 = arith.mulf %parallel_loop3A_445, %parallel_loop3A_458 : vector<16xf32>
      %parallel_loop3A_460 = arith.constant 1.000000e+00 : f32
      %parallel_loop3A_461 = vector.broadcast %parallel_loop3A_460 : f32 to vector<16xf32>
      %parallel_loop3A_462 = arith.addf %parallel_loop3A_461, %parallel_loop3A_459 : vector<16xf32>
      %parallel_loop3A_463 = arith.mulf %parallel_loop3A_448, %parallel_loop3A_462 : vector<16xf32>
      %parallel_loop3A_464 = arith.constant 0.000000e+00 : f32
      %parallel_loop3A_465 = vector.broadcast %parallel_loop3A_464 : f32 to vector<16xf32>
      %parallel_loop3A_466 = arith.maximumf %parallel_loop3A_435, %parallel_loop3A_465 : vector<16xf32>
      %parallel_loop3A_467 = arith.addf %parallel_loop3A_466, %parallel_loop3A_463 : vector<16xf32>
      %parallel_loop3A_468 = arith.addf %parallel_loop3A_430, %parallel_loop3A_467 : vector<16xf32>
      scf.yield %parallel_loop3A_468 : vector<16xf32>
    } {sc.loop_unroll_factor = 5 : i64, sc.parallel_access}
    %dma_wait3A_354 = arith.constant 26000 : i32
    %dma_wait3A_355 = tpu.memref_slice %arg8[%dma_wait3A_354] : memref<40000xf32, #tpu.memory_space<vmem>> -> memref<2000xf32, #tpu.memory_space<vmem>>
    %dma_wait3A_356 = arith.constant 26000 : i32
    %dma_wait3A_357 = tpu.memref_slice %arg6[%dma_wait3A_356] : memref<40000xi32, #tpu.memory_space<vmem>> -> memref<2000xi32, #tpu.memory_space<vmem>>
    %dma_wait3A_358 = arith.constant 0 : i32
    %dma_wait3A_359 = tpu.memref_slice %arg2[%dma_wait3A_358] : memref<100000000xf32, #tpu.memory_space<hbm>> -> memref<100000000xf32, #tpu.memory_space<hbm>>
    tpu.wait_indirect_dma semaphore(%arg10 : memref<!tpu.dma_semaphore, #tpu.memory_space<semaphore_mem>>) src(%dma_wait3A_359 : memref<100000000xf32, #tpu.memory_space<hbm>>) dst(%dma_wait3A_355 : memref<2000xf32, #tpu.memory_space<vmem>>)
    %parallel_loop3A_360 = arith.constant 26000 : i32
    %parallel_loop3A_361 = arith.constant 28000 : i32
    %parallel_loop3A_362 = arith.constant 16 : i32
    %parallel_loop3A_363 = scf.for %parallel_loop3A_429 = %parallel_loop3A_360 to %parallel_loop3A_361 step %parallel_loop3A_362 iter_args(%parallel_loop3A_430 = %parallel_loop3A_353) -> (vector<16xf32>)  : i32 {
      %parallel_loop3A_431 = arith.index_cast %parallel_loop3A_429 : i32 to index
      %parallel_loop3A_432 = tpu.vector_load %arg8[%parallel_loop3A_431] {strides = array<i32>} : memref<40000xf32, #tpu.memory_space<vmem>>, vector<16xf32>,
      %parallel_loop3A_433 = vector.shape_cast %parallel_loop3A_432 : vector<16xf32> to vector<16xf32>
      %parallel_loop3A_434 = vector.broadcast %select_n3A_45 : f32 to vector<16xf32>
      %parallel_loop3A_435 = arith.mulf %parallel_loop3A_433, %parallel_loop3A_434 : vector<16xf32>
      %parallel_loop3A_436 = math.absf %parallel_loop3A_435 : vector<16xf32>
      %parallel_loop3A_437 = arith.constant 0.000000e+00 : f32
      %parallel_loop3A_438 = vector.broadcast %parallel_loop3A_437 : f32 to vector<16xf32>
      %parallel_loop3A_439 = arith.subf %parallel_loop3A_438, %parallel_loop3A_436 : vector<16xf32>
      %parallel_loop3A_440 = math.exp %parallel_loop3A_439 : vector<16xf32>
      %parallel_loop3A_441 = arith.constant 2.000000e+00 : f32
      %parallel_loop3A_442 = vector.broadcast %parallel_loop3A_441 : f32 to vector<16xf32>
      %parallel_loop3A_443 = arith.addf %parallel_loop3A_440, %parallel_loop3A_442 : vector<16xf32>
      %parallel_loop3A_444 = arith.divf %parallel_loop3A_440, %parallel_loop3A_443 : vector<16xf32>
      %parallel_loop3A_445 = arith.mulf %parallel_loop3A_444, %parallel_loop3A_444 : vector<16xf32>
      %parallel_loop3A_446 = arith.constant 2.000000e+00 : f32
      %parallel_loop3A_447 = vector.broadcast %parallel_loop3A_446 : f32 to vector<16xf32>
      %parallel_loop3A_448 = arith.mulf %parallel_loop3A_447, %parallel_loop3A_444 : vector<16xf32>
      %parallel_loop3A_449 = arith.constant 0.142857149 : f32
      %parallel_loop3A_450 = vector.broadcast %parallel_loop3A_449 : f32 to vector<16xf32>
      %parallel_loop3A_451 = arith.mulf %parallel_loop3A_445, %parallel_loop3A_450 : vector<16xf32>
      %parallel_loop3A_452 = arith.constant 2.000000e-01 : f32
      %parallel_loop3A_453 = vector.broadcast %parallel_loop3A_452 : f32 to vector<16xf32>
      %parallel_loop3A_454 = arith.addf %parallel_loop3A_453, %parallel_loop3A_451 : vector<16xf32>
      %parallel_loop3A_455 = arith.mulf %parallel_loop3A_445, %parallel_loop3A_454 : vector<16xf32>
      %parallel_loop3A_456 = arith.constant 0.333333343 : f32
      %parallel_loop3A_457 = vector.broadcast %parallel_loop3A_456 : f32 to vector<16xf32>
      %parallel_loop3A_458 = arith.addf %parallel_loop3A_457, %parallel_loop3A_455 : vector<16xf32>
      %parallel_loop3A_459 = arith.mulf %parallel_loop3A_445, %parallel_loop3A_458 : vector<16xf32>
      %parallel_loop3A_460 = arith.constant 1.000000e+00 : f32
      %parallel_loop3A_461 = vector.broadcast %parallel_loop3A_460 : f32 to vector<16xf32>
      %parallel_loop3A_462 = arith.addf %parallel_loop3A_461, %parallel_loop3A_459 : vector<16xf32>
      %parallel_loop3A_463 = arith.mulf %parallel_loop3A_448, %parallel_loop3A_462 : vector<16xf32>
      %parallel_loop3A_464 = arith.constant 0.000000e+00 : f32
      %parallel_loop3A_465 = vector.broadcast %parallel_loop3A_464 : f32 to vector<16xf32>
      %parallel_loop3A_466 = arith.maximumf %parallel_loop3A_435, %parallel_loop3A_465 : vector<16xf32>
      %parallel_loop3A_467 = arith.addf %parallel_loop3A_466, %parallel_loop3A_463 : vector<16xf32>
      %parallel_loop3A_468 = arith.addf %parallel_loop3A_430, %parallel_loop3A_467 : vector<16xf32>
      scf.yield %parallel_loop3A_468 : vector<16xf32>
    } {sc.loop_unroll_factor = 5 : i64, sc.parallel_access}
    %dma_wait3A_364 = arith.constant 28000 : i32
    %dma_wait3A_365 = tpu.memref_slice %arg8[%dma_wait3A_364] : memref<40000xf32, #tpu.memory_space<vmem>> -> memref<2000xf32, #tpu.memory_space<vmem>>
    %dma_wait3A_366 = arith.constant 28000 : i32
    %dma_wait3A_367 = tpu.memref_slice %arg6[%dma_wait3A_366] : memref<40000xi32, #tpu.memory_space<vmem>> -> memref<2000xi32, #tpu.memory_space<vmem>>
    %dma_wait3A_368 = arith.constant 0 : i32
    %dma_wait3A_369 = tpu.memref_slice %arg2[%dma_wait3A_368] : memref<100000000xf32, #tpu.memory_space<hbm>> -> memref<100000000xf32, #tpu.memory_space<hbm>>
    tpu.wait_indirect_dma semaphore(%arg10 : memref<!tpu.dma_semaphore, #tpu.memory_space<semaphore_mem>>) src(%dma_wait3A_369 : memref<100000000xf32, #tpu.memory_space<hbm>>) dst(%dma_wait3A_365 : memref<2000xf32, #tpu.memory_space<vmem>>)
    %parallel_loop3A_370 = arith.constant 28000 : i32
    %parallel_loop3A_371 = arith.constant 30000 : i32
    %parallel_loop3A_372 = arith.constant 16 : i32
    %parallel_loop3A_373 = scf.for %parallel_loop3A_429 = %parallel_loop3A_370 to %parallel_loop3A_371 step %parallel_loop3A_372 iter_args(%parallel_loop3A_430 = %parallel_loop3A_363) -> (vector<16xf32>)  : i32 {
      %parallel_loop3A_431 = arith.index_cast %parallel_loop3A_429 : i32 to index
      %parallel_loop3A_432 = tpu.vector_load %arg8[%parallel_loop3A_431] {strides = array<i32>} : memref<40000xf32, #tpu.memory_space<vmem>>, vector<16xf32>,
      %parallel_loop3A_433 = vector.shape_cast %parallel_loop3A_432 : vector<16xf32> to vector<16xf32>
      %parallel_loop3A_434 = vector.broadcast %select_n3A_45 : f32 to vector<16xf32>
      %parallel_loop3A_435 = arith.mulf %parallel_loop3A_433, %parallel_loop3A_434 : vector<16xf32>
      %parallel_loop3A_436 = math.absf %parallel_loop3A_435 : vector<16xf32>
      %parallel_loop3A_437 = arith.constant 0.000000e+00 : f32
      %parallel_loop3A_438 = vector.broadcast %parallel_loop3A_437 : f32 to vector<16xf32>
      %parallel_loop3A_439 = arith.subf %parallel_loop3A_438, %parallel_loop3A_436 : vector<16xf32>
      %parallel_loop3A_440 = math.exp %parallel_loop3A_439 : vector<16xf32>
      %parallel_loop3A_441 = arith.constant 2.000000e+00 : f32
      %parallel_loop3A_442 = vector.broadcast %parallel_loop3A_441 : f32 to vector<16xf32>
      %parallel_loop3A_443 = arith.addf %parallel_loop3A_440, %parallel_loop3A_442 : vector<16xf32>
      %parallel_loop3A_444 = arith.divf %parallel_loop3A_440, %parallel_loop3A_443 : vector<16xf32>
      %parallel_loop3A_445 = arith.mulf %parallel_loop3A_444, %parallel_loop3A_444 : vector<16xf32>
      %parallel_loop3A_446 = arith.constant 2.000000e+00 : f32
      %parallel_loop3A_447 = vector.broadcast %parallel_loop3A_446 : f32 to vector<16xf32>
      %parallel_loop3A_448 = arith.mulf %parallel_loop3A_447, %parallel_loop3A_444 : vector<16xf32>
      %parallel_loop3A_449 = arith.constant 0.142857149 : f32
      %parallel_loop3A_450 = vector.broadcast %parallel_loop3A_449 : f32 to vector<16xf32>
      %parallel_loop3A_451 = arith.mulf %parallel_loop3A_445, %parallel_loop3A_450 : vector<16xf32>
      %parallel_loop3A_452 = arith.constant 2.000000e-01 : f32
      %parallel_loop3A_453 = vector.broadcast %parallel_loop3A_452 : f32 to vector<16xf32>
      %parallel_loop3A_454 = arith.addf %parallel_loop3A_453, %parallel_loop3A_451 : vector<16xf32>
      %parallel_loop3A_455 = arith.mulf %parallel_loop3A_445, %parallel_loop3A_454 : vector<16xf32>
      %parallel_loop3A_456 = arith.constant 0.333333343 : f32
      %parallel_loop3A_457 = vector.broadcast %parallel_loop3A_456 : f32 to vector<16xf32>
      %parallel_loop3A_458 = arith.addf %parallel_loop3A_457, %parallel_loop3A_455 : vector<16xf32>
      %parallel_loop3A_459 = arith.mulf %parallel_loop3A_445, %parallel_loop3A_458 : vector<16xf32>
      %parallel_loop3A_460 = arith.constant 1.000000e+00 : f32
      %parallel_loop3A_461 = vector.broadcast %parallel_loop3A_460 : f32 to vector<16xf32>
      %parallel_loop3A_462 = arith.addf %parallel_loop3A_461, %parallel_loop3A_459 : vector<16xf32>
      %parallel_loop3A_463 = arith.mulf %parallel_loop3A_448, %parallel_loop3A_462 : vector<16xf32>
      %parallel_loop3A_464 = arith.constant 0.000000e+00 : f32
      %parallel_loop3A_465 = vector.broadcast %parallel_loop3A_464 : f32 to vector<16xf32>
      %parallel_loop3A_466 = arith.maximumf %parallel_loop3A_435, %parallel_loop3A_465 : vector<16xf32>
      %parallel_loop3A_467 = arith.addf %parallel_loop3A_466, %parallel_loop3A_463 : vector<16xf32>
      %parallel_loop3A_468 = arith.addf %parallel_loop3A_430, %parallel_loop3A_467 : vector<16xf32>
      scf.yield %parallel_loop3A_468 : vector<16xf32>
    } {sc.loop_unroll_factor = 5 : i64, sc.parallel_access}
    %dma_wait3A_374 = arith.constant 30000 : i32
    %dma_wait3A_375 = tpu.memref_slice %arg8[%dma_wait3A_374] : memref<40000xf32, #tpu.memory_space<vmem>> -> memref<2000xf32, #tpu.memory_space<vmem>>
    %dma_wait3A_376 = arith.constant 30000 : i32
    %dma_wait3A_377 = tpu.memref_slice %arg6[%dma_wait3A_376] : memref<40000xi32, #tpu.memory_space<vmem>> -> memref<2000xi32, #tpu.memory_space<vmem>>
    %dma_wait3A_378 = arith.constant 0 : i32
    %dma_wait3A_379 = tpu.memref_slice %arg2[%dma_wait3A_378] : memref<100000000xf32, #tpu.memory_space<hbm>> -> memref<100000000xf32, #tpu.memory_space<hbm>>
    tpu.wait_indirect_dma semaphore(%arg10 : memref<!tpu.dma_semaphore, #tpu.memory_space<semaphore_mem>>) src(%dma_wait3A_379 : memref<100000000xf32, #tpu.memory_space<hbm>>) dst(%dma_wait3A_375 : memref<2000xf32, #tpu.memory_space<vmem>>)
    %parallel_loop3A_380 = arith.constant 30000 : i32
    %parallel_loop3A_381 = arith.constant 32000 : i32
    %parallel_loop3A_382 = arith.constant 16 : i32
    %parallel_loop3A_383 = scf.for %parallel_loop3A_429 = %parallel_loop3A_380 to %parallel_loop3A_381 step %parallel_loop3A_382 iter_args(%parallel_loop3A_430 = %parallel_loop3A_373) -> (vector<16xf32>)  : i32 {
      %parallel_loop3A_431 = arith.index_cast %parallel_loop3A_429 : i32 to index
      %parallel_loop3A_432 = tpu.vector_load %arg8[%parallel_loop3A_431] {strides = array<i32>} : memref<40000xf32, #tpu.memory_space<vmem>>, vector<16xf32>,
      %parallel_loop3A_433 = vector.shape_cast %parallel_loop3A_432 : vector<16xf32> to vector<16xf32>
      %parallel_loop3A_434 = vector.broadcast %select_n3A_45 : f32 to vector<16xf32>
      %parallel_loop3A_435 = arith.mulf %parallel_loop3A_433, %parallel_loop3A_434 : vector<16xf32>
      %parallel_loop3A_436 = math.absf %parallel_loop3A_435 : vector<16xf32>
      %parallel_loop3A_437 = arith.constant 0.000000e+00 : f32
      %parallel_loop3A_438 = vector.broadcast %parallel_loop3A_437 : f32 to vector<16xf32>
      %parallel_loop3A_439 = arith.subf %parallel_loop3A_438, %parallel_loop3A_436 : vector<16xf32>
      %parallel_loop3A_440 = math.exp %parallel_loop3A_439 : vector<16xf32>
      %parallel_loop3A_441 = arith.constant 2.000000e+00 : f32
      %parallel_loop3A_442 = vector.broadcast %parallel_loop3A_441 : f32 to vector<16xf32>
      %parallel_loop3A_443 = arith.addf %parallel_loop3A_440, %parallel_loop3A_442 : vector<16xf32>
      %parallel_loop3A_444 = arith.divf %parallel_loop3A_440, %parallel_loop3A_443 : vector<16xf32>
      %parallel_loop3A_445 = arith.mulf %parallel_loop3A_444, %parallel_loop3A_444 : vector<16xf32>
      %parallel_loop3A_446 = arith.constant 2.000000e+00 : f32
      %parallel_loop3A_447 = vector.broadcast %parallel_loop3A_446 : f32 to vector<16xf32>
      %parallel_loop3A_448 = arith.mulf %parallel_loop3A_447, %parallel_loop3A_444 : vector<16xf32>
      %parallel_loop3A_449 = arith.constant 0.142857149 : f32
      %parallel_loop3A_450 = vector.broadcast %parallel_loop3A_449 : f32 to vector<16xf32>
      %parallel_loop3A_451 = arith.mulf %parallel_loop3A_445, %parallel_loop3A_450 : vector<16xf32>
      %parallel_loop3A_452 = arith.constant 2.000000e-01 : f32
      %parallel_loop3A_453 = vector.broadcast %parallel_loop3A_452 : f32 to vector<16xf32>
      %parallel_loop3A_454 = arith.addf %parallel_loop3A_453, %parallel_loop3A_451 : vector<16xf32>
      %parallel_loop3A_455 = arith.mulf %parallel_loop3A_445, %parallel_loop3A_454 : vector<16xf32>
      %parallel_loop3A_456 = arith.constant 0.333333343 : f32
      %parallel_loop3A_457 = vector.broadcast %parallel_loop3A_456 : f32 to vector<16xf32>
      %parallel_loop3A_458 = arith.addf %parallel_loop3A_457, %parallel_loop3A_455 : vector<16xf32>
      %parallel_loop3A_459 = arith.mulf %parallel_loop3A_445, %parallel_loop3A_458 : vector<16xf32>
      %parallel_loop3A_460 = arith.constant 1.000000e+00 : f32
      %parallel_loop3A_461 = vector.broadcast %parallel_loop3A_460 : f32 to vector<16xf32>
      %parallel_loop3A_462 = arith.addf %parallel_loop3A_461, %parallel_loop3A_459 : vector<16xf32>
      %parallel_loop3A_463 = arith.mulf %parallel_loop3A_448, %parallel_loop3A_462 : vector<16xf32>
      %parallel_loop3A_464 = arith.constant 0.000000e+00 : f32
      %parallel_loop3A_465 = vector.broadcast %parallel_loop3A_464 : f32 to vector<16xf32>
      %parallel_loop3A_466 = arith.maximumf %parallel_loop3A_435, %parallel_loop3A_465 : vector<16xf32>
      %parallel_loop3A_467 = arith.addf %parallel_loop3A_466, %parallel_loop3A_463 : vector<16xf32>
      %parallel_loop3A_468 = arith.addf %parallel_loop3A_430, %parallel_loop3A_467 : vector<16xf32>
      scf.yield %parallel_loop3A_468 : vector<16xf32>
    } {sc.loop_unroll_factor = 5 : i64, sc.parallel_access}
    %dma_wait3A_384 = arith.constant 32000 : i32
    %dma_wait3A_385 = tpu.memref_slice %arg8[%dma_wait3A_384] : memref<40000xf32, #tpu.memory_space<vmem>> -> memref<2000xf32, #tpu.memory_space<vmem>>
    %dma_wait3A_386 = arith.constant 32000 : i32
    %dma_wait3A_387 = tpu.memref_slice %arg6[%dma_wait3A_386] : memref<40000xi32, #tpu.memory_space<vmem>> -> memref<2000xi32, #tpu.memory_space<vmem>>
    %dma_wait3A_388 = arith.constant 0 : i32
    %dma_wait3A_389 = tpu.memref_slice %arg2[%dma_wait3A_388] : memref<100000000xf32, #tpu.memory_space<hbm>> -> memref<100000000xf32, #tpu.memory_space<hbm>>
    tpu.wait_indirect_dma semaphore(%arg10 : memref<!tpu.dma_semaphore, #tpu.memory_space<semaphore_mem>>) src(%dma_wait3A_389 : memref<100000000xf32, #tpu.memory_space<hbm>>) dst(%dma_wait3A_385 : memref<2000xf32, #tpu.memory_space<vmem>>)
    %parallel_loop3A_390 = arith.constant 32000 : i32
    %parallel_loop3A_391 = arith.constant 34000 : i32
    %parallel_loop3A_392 = arith.constant 16 : i32
    %parallel_loop3A_393 = scf.for %parallel_loop3A_429 = %parallel_loop3A_390 to %parallel_loop3A_391 step %parallel_loop3A_392 iter_args(%parallel_loop3A_430 = %parallel_loop3A_383) -> (vector<16xf32>)  : i32 {
      %parallel_loop3A_431 = arith.index_cast %parallel_loop3A_429 : i32 to index
      %parallel_loop3A_432 = tpu.vector_load %arg8[%parallel_loop3A_431] {strides = array<i32>} : memref<40000xf32, #tpu.memory_space<vmem>>, vector<16xf32>,
      %parallel_loop3A_433 = vector.shape_cast %parallel_loop3A_432 : vector<16xf32> to vector<16xf32>
      %parallel_loop3A_434 = vector.broadcast %select_n3A_45 : f32 to vector<16xf32>
      %parallel_loop3A_435 = arith.mulf %parallel_loop3A_433, %parallel_loop3A_434 : vector<16xf32>
      %parallel_loop3A_436 = math.absf %parallel_loop3A_435 : vector<16xf32>
      %parallel_loop3A_437 = arith.constant 0.000000e+00 : f32
      %parallel_loop3A_438 = vector.broadcast %parallel_loop3A_437 : f32 to vector<16xf32>
      %parallel_loop3A_439 = arith.subf %parallel_loop3A_438, %parallel_loop3A_436 : vector<16xf32>
      %parallel_loop3A_440 = math.exp %parallel_loop3A_439 : vector<16xf32>
      %parallel_loop3A_441 = arith.constant 2.000000e+00 : f32
      %parallel_loop3A_442 = vector.broadcast %parallel_loop3A_441 : f32 to vector<16xf32>
      %parallel_loop3A_443 = arith.addf %parallel_loop3A_440, %parallel_loop3A_442 : vector<16xf32>
      %parallel_loop3A_444 = arith.divf %parallel_loop3A_440, %parallel_loop3A_443 : vector<16xf32>
      %parallel_loop3A_445 = arith.mulf %parallel_loop3A_444, %parallel_loop3A_444 : vector<16xf32>
      %parallel_loop3A_446 = arith.constant 2.000000e+00 : f32
      %parallel_loop3A_447 = vector.broadcast %parallel_loop3A_446 : f32 to vector<16xf32>
      %parallel_loop3A_448 = arith.mulf %parallel_loop3A_447, %parallel_loop3A_444 : vector<16xf32>
      %parallel_loop3A_449 = arith.constant 0.142857149 : f32
      %parallel_loop3A_450 = vector.broadcast %parallel_loop3A_449 : f32 to vector<16xf32>
      %parallel_loop3A_451 = arith.mulf %parallel_loop3A_445, %parallel_loop3A_450 : vector<16xf32>
      %parallel_loop3A_452 = arith.constant 2.000000e-01 : f32
      %parallel_loop3A_453 = vector.broadcast %parallel_loop3A_452 : f32 to vector<16xf32>
      %parallel_loop3A_454 = arith.addf %parallel_loop3A_453, %parallel_loop3A_451 : vector<16xf32>
      %parallel_loop3A_455 = arith.mulf %parallel_loop3A_445, %parallel_loop3A_454 : vector<16xf32>
      %parallel_loop3A_456 = arith.constant 0.333333343 : f32
      %parallel_loop3A_457 = vector.broadcast %parallel_loop3A_456 : f32 to vector<16xf32>
      %parallel_loop3A_458 = arith.addf %parallel_loop3A_457, %parallel_loop3A_455 : vector<16xf32>
      %parallel_loop3A_459 = arith.mulf %parallel_loop3A_445, %parallel_loop3A_458 : vector<16xf32>
      %parallel_loop3A_460 = arith.constant 1.000000e+00 : f32
      %parallel_loop3A_461 = vector.broadcast %parallel_loop3A_460 : f32 to vector<16xf32>
      %parallel_loop3A_462 = arith.addf %parallel_loop3A_461, %parallel_loop3A_459 : vector<16xf32>
      %parallel_loop3A_463 = arith.mulf %parallel_loop3A_448, %parallel_loop3A_462 : vector<16xf32>
      %parallel_loop3A_464 = arith.constant 0.000000e+00 : f32
      %parallel_loop3A_465 = vector.broadcast %parallel_loop3A_464 : f32 to vector<16xf32>
      %parallel_loop3A_466 = arith.maximumf %parallel_loop3A_435, %parallel_loop3A_465 : vector<16xf32>
      %parallel_loop3A_467 = arith.addf %parallel_loop3A_466, %parallel_loop3A_463 : vector<16xf32>
      %parallel_loop3A_468 = arith.addf %parallel_loop3A_430, %parallel_loop3A_467 : vector<16xf32>
      scf.yield %parallel_loop3A_468 : vector<16xf32>
    } {sc.loop_unroll_factor = 5 : i64, sc.parallel_access}
    %dma_wait3A_394 = arith.constant 34000 : i32
    %dma_wait3A_395 = tpu.memref_slice %arg8[%dma_wait3A_394] : memref<40000xf32, #tpu.memory_space<vmem>> -> memref<2000xf32, #tpu.memory_space<vmem>>
    %dma_wait3A_396 = arith.constant 34000 : i32
    %dma_wait3A_397 = tpu.memref_slice %arg6[%dma_wait3A_396] : memref<40000xi32, #tpu.memory_space<vmem>> -> memref<2000xi32, #tpu.memory_space<vmem>>
    %dma_wait3A_398 = arith.constant 0 : i32
    %dma_wait3A_399 = tpu.memref_slice %arg2[%dma_wait3A_398] : memref<100000000xf32, #tpu.memory_space<hbm>> -> memref<100000000xf32, #tpu.memory_space<hbm>>
    tpu.wait_indirect_dma semaphore(%arg10 : memref<!tpu.dma_semaphore, #tpu.memory_space<semaphore_mem>>) src(%dma_wait3A_399 : memref<100000000xf32, #tpu.memory_space<hbm>>) dst(%dma_wait3A_395 : memref<2000xf32, #tpu.memory_space<vmem>>)
    %parallel_loop3A_400 = arith.constant 34000 : i32
    %parallel_loop3A_401 = arith.constant 36000 : i32
    %parallel_loop3A_402 = arith.constant 16 : i32
    %parallel_loop3A_403 = scf.for %parallel_loop3A_429 = %parallel_loop3A_400 to %parallel_loop3A_401 step %parallel_loop3A_402 iter_args(%parallel_loop3A_430 = %parallel_loop3A_393) -> (vector<16xf32>)  : i32 {
      %parallel_loop3A_431 = arith.index_cast %parallel_loop3A_429 : i32 to index
      %parallel_loop3A_432 = tpu.vector_load %arg8[%parallel_loop3A_431] {strides = array<i32>} : memref<40000xf32, #tpu.memory_space<vmem>>, vector<16xf32>,
      %parallel_loop3A_433 = vector.shape_cast %parallel_loop3A_432 : vector<16xf32> to vector<16xf32>
      %parallel_loop3A_434 = vector.broadcast %select_n3A_45 : f32 to vector<16xf32>
      %parallel_loop3A_435 = arith.mulf %parallel_loop3A_433, %parallel_loop3A_434 : vector<16xf32>
      %parallel_loop3A_436 = math.absf %parallel_loop3A_435 : vector<16xf32>
      %parallel_loop3A_437 = arith.constant 0.000000e+00 : f32
      %parallel_loop3A_438 = vector.broadcast %parallel_loop3A_437 : f32 to vector<16xf32>
      %parallel_loop3A_439 = arith.subf %parallel_loop3A_438, %parallel_loop3A_436 : vector<16xf32>
      %parallel_loop3A_440 = math.exp %parallel_loop3A_439 : vector<16xf32>
      %parallel_loop3A_441 = arith.constant 2.000000e+00 : f32
      %parallel_loop3A_442 = vector.broadcast %parallel_loop3A_441 : f32 to vector<16xf32>
      %parallel_loop3A_443 = arith.addf %parallel_loop3A_440, %parallel_loop3A_442 : vector<16xf32>
      %parallel_loop3A_444 = arith.divf %parallel_loop3A_440, %parallel_loop3A_443 : vector<16xf32>
      %parallel_loop3A_445 = arith.mulf %parallel_loop3A_444, %parallel_loop3A_444 : vector<16xf32>
      %parallel_loop3A_446 = arith.constant 2.000000e+00 : f32
      %parallel_loop3A_447 = vector.broadcast %parallel_loop3A_446 : f32 to vector<16xf32>
      %parallel_loop3A_448 = arith.mulf %parallel_loop3A_447, %parallel_loop3A_444 : vector<16xf32>
      %parallel_loop3A_449 = arith.constant 0.142857149 : f32
      %parallel_loop3A_450 = vector.broadcast %parallel_loop3A_449 : f32 to vector<16xf32>
      %parallel_loop3A_451 = arith.mulf %parallel_loop3A_445, %parallel_loop3A_450 : vector<16xf32>
      %parallel_loop3A_452 = arith.constant 2.000000e-01 : f32
      %parallel_loop3A_453 = vector.broadcast %parallel_loop3A_452 : f32 to vector<16xf32>
      %parallel_loop3A_454 = arith.addf %parallel_loop3A_453, %parallel_loop3A_451 : vector<16xf32>
      %parallel_loop3A_455 = arith.mulf %parallel_loop3A_445, %parallel_loop3A_454 : vector<16xf32>
      %parallel_loop3A_456 = arith.constant 0.333333343 : f32
      %parallel_loop3A_457 = vector.broadcast %parallel_loop3A_456 : f32 to vector<16xf32>
      %parallel_loop3A_458 = arith.addf %parallel_loop3A_457, %parallel_loop3A_455 : vector<16xf32>
      %parallel_loop3A_459 = arith.mulf %parallel_loop3A_445, %parallel_loop3A_458 : vector<16xf32>
      %parallel_loop3A_460 = arith.constant 1.000000e+00 : f32
      %parallel_loop3A_461 = vector.broadcast %parallel_loop3A_460 : f32 to vector<16xf32>
      %parallel_loop3A_462 = arith.addf %parallel_loop3A_461, %parallel_loop3A_459 : vector<16xf32>
      %parallel_loop3A_463 = arith.mulf %parallel_loop3A_448, %parallel_loop3A_462 : vector<16xf32>
      %parallel_loop3A_464 = arith.constant 0.000000e+00 : f32
      %parallel_loop3A_465 = vector.broadcast %parallel_loop3A_464 : f32 to vector<16xf32>
      %parallel_loop3A_466 = arith.maximumf %parallel_loop3A_435, %parallel_loop3A_465 : vector<16xf32>
      %parallel_loop3A_467 = arith.addf %parallel_loop3A_466, %parallel_loop3A_463 : vector<16xf32>
      %parallel_loop3A_468 = arith.addf %parallel_loop3A_430, %parallel_loop3A_467 : vector<16xf32>
      scf.yield %parallel_loop3A_468 : vector<16xf32>
    } {sc.loop_unroll_factor = 5 : i64, sc.parallel_access}
    %dma_wait3A_404 = arith.constant 36000 : i32
    %dma_wait3A_405 = tpu.memref_slice %arg8[%dma_wait3A_404] : memref<40000xf32, #tpu.memory_space<vmem>> -> memref<2000xf32, #tpu.memory_space<vmem>>
    %dma_wait3A_406 = arith.constant 36000 : i32
    %dma_wait3A_407 = tpu.memref_slice %arg6[%dma_wait3A_406] : memref<40000xi32, #tpu.memory_space<vmem>> -> memref<2000xi32, #tpu.memory_space<vmem>>
    %dma_wait3A_408 = arith.constant 0 : i32
    %dma_wait3A_409 = tpu.memref_slice %arg2[%dma_wait3A_408] : memref<100000000xf32, #tpu.memory_space<hbm>> -> memref<100000000xf32, #tpu.memory_space<hbm>>
    tpu.wait_indirect_dma semaphore(%arg10 : memref<!tpu.dma_semaphore, #tpu.memory_space<semaphore_mem>>) src(%dma_wait3A_409 : memref<100000000xf32, #tpu.memory_space<hbm>>) dst(%dma_wait3A_405 : memref<2000xf32, #tpu.memory_space<vmem>>)
    %parallel_loop3A_410 = arith.constant 36000 : i32
    %parallel_loop3A_411 = arith.constant 38000 : i32
    %parallel_loop3A_412 = arith.constant 16 : i32
    %parallel_loop3A_413 = scf.for %parallel_loop3A_429 = %parallel_loop3A_410 to %parallel_loop3A_411 step %parallel_loop3A_412 iter_args(%parallel_loop3A_430 = %parallel_loop3A_403) -> (vector<16xf32>)  : i32 {
      %parallel_loop3A_431 = arith.index_cast %parallel_loop3A_429 : i32 to index
      %parallel_loop3A_432 = tpu.vector_load %arg8[%parallel_loop3A_431] {strides = array<i32>} : memref<40000xf32, #tpu.memory_space<vmem>>, vector<16xf32>,
      %parallel_loop3A_433 = vector.shape_cast %parallel_loop3A_432 : vector<16xf32> to vector<16xf32>
      %parallel_loop3A_434 = vector.broadcast %select_n3A_45 : f32 to vector<16xf32>
      %parallel_loop3A_435 = arith.mulf %parallel_loop3A_433, %parallel_loop3A_434 : vector<16xf32>
      %parallel_loop3A_436 = math.absf %parallel_loop3A_435 : vector<16xf32>
      %parallel_loop3A_437 = arith.constant 0.000000e+00 : f32
      %parallel_loop3A_438 = vector.broadcast %parallel_loop3A_437 : f32 to vector<16xf32>
      %parallel_loop3A_439 = arith.subf %parallel_loop3A_438, %parallel_loop3A_436 : vector<16xf32>
      %parallel_loop3A_440 = math.exp %parallel_loop3A_439 : vector<16xf32>
      %parallel_loop3A_441 = arith.constant 2.000000e+00 : f32
      %parallel_loop3A_442 = vector.broadcast %parallel_loop3A_441 : f32 to vector<16xf32>
      %parallel_loop3A_443 = arith.addf %parallel_loop3A_440, %parallel_loop3A_442 : vector<16xf32>
      %parallel_loop3A_444 = arith.divf %parallel_loop3A_440, %parallel_loop3A_443 : vector<16xf32>
      %parallel_loop3A_445 = arith.mulf %parallel_loop3A_444, %parallel_loop3A_444 : vector<16xf32>
      %parallel_loop3A_446 = arith.constant 2.000000e+00 : f32
      %parallel_loop3A_447 = vector.broadcast %parallel_loop3A_446 : f32 to vector<16xf32>
      %parallel_loop3A_448 = arith.mulf %parallel_loop3A_447, %parallel_loop3A_444 : vector<16xf32>
      %parallel_loop3A_449 = arith.constant 0.142857149 : f32
      %parallel_loop3A_450 = vector.broadcast %parallel_loop3A_449 : f32 to vector<16xf32>
      %parallel_loop3A_451 = arith.mulf %parallel_loop3A_445, %parallel_loop3A_450 : vector<16xf32>
      %parallel_loop3A_452 = arith.constant 2.000000e-01 : f32
      %parallel_loop3A_453 = vector.broadcast %parallel_loop3A_452 : f32 to vector<16xf32>
      %parallel_loop3A_454 = arith.addf %parallel_loop3A_453, %parallel_loop3A_451 : vector<16xf32>
      %parallel_loop3A_455 = arith.mulf %parallel_loop3A_445, %parallel_loop3A_454 : vector<16xf32>
      %parallel_loop3A_456 = arith.constant 0.333333343 : f32
      %parallel_loop3A_457 = vector.broadcast %parallel_loop3A_456 : f32 to vector<16xf32>
      %parallel_loop3A_458 = arith.addf %parallel_loop3A_457, %parallel_loop3A_455 : vector<16xf32>
      %parallel_loop3A_459 = arith.mulf %parallel_loop3A_445, %parallel_loop3A_458 : vector<16xf32>
      %parallel_loop3A_460 = arith.constant 1.000000e+00 : f32
      %parallel_loop3A_461 = vector.broadcast %parallel_loop3A_460 : f32 to vector<16xf32>
      %parallel_loop3A_462 = arith.addf %parallel_loop3A_461, %parallel_loop3A_459 : vector<16xf32>
      %parallel_loop3A_463 = arith.mulf %parallel_loop3A_448, %parallel_loop3A_462 : vector<16xf32>
      %parallel_loop3A_464 = arith.constant 0.000000e+00 : f32
      %parallel_loop3A_465 = vector.broadcast %parallel_loop3A_464 : f32 to vector<16xf32>
      %parallel_loop3A_466 = arith.maximumf %parallel_loop3A_435, %parallel_loop3A_465 : vector<16xf32>
      %parallel_loop3A_467 = arith.addf %parallel_loop3A_466, %parallel_loop3A_463 : vector<16xf32>
      %parallel_loop3A_468 = arith.addf %parallel_loop3A_430, %parallel_loop3A_467 : vector<16xf32>
      scf.yield %parallel_loop3A_468 : vector<16xf32>
    } {sc.loop_unroll_factor = 5 : i64, sc.parallel_access}
    %dma_wait3A_414 = arith.constant 38000 : i32
    %dma_wait3A_415 = tpu.memref_slice %arg8[%dma_wait3A_414] : memref<40000xf32, #tpu.memory_space<vmem>> -> memref<2000xf32, #tpu.memory_space<vmem>>
    %dma_wait3A_416 = arith.constant 38000 : i32
    %dma_wait3A_417 = tpu.memref_slice %arg6[%dma_wait3A_416] : memref<40000xi32, #tpu.memory_space<vmem>> -> memref<2000xi32, #tpu.memory_space<vmem>>
    %dma_wait3A_418 = arith.constant 0 : i32
    %dma_wait3A_419 = tpu.memref_slice %arg2[%dma_wait3A_418] : memref<100000000xf32, #tpu.memory_space<hbm>> -> memref<100000000xf32, #tpu.memory_space<hbm>>
    tpu.wait_indirect_dma semaphore(%arg10 : memref<!tpu.dma_semaphore, #tpu.memory_space<semaphore_mem>>) src(%dma_wait3A_419 : memref<100000000xf32, #tpu.memory_space<hbm>>) dst(%dma_wait3A_415 : memref<2000xf32, #tpu.memory_space<vmem>>)
    %parallel_loop3A_420 = arith.constant 38000 : i32
    %parallel_loop3A_421 = arith.constant 40000 : i32
    %parallel_loop3A_422 = arith.constant 16 : i32
    %parallel_loop3A_423 = scf.for %parallel_loop3A_429 = %parallel_loop3A_420 to %parallel_loop3A_421 step %parallel_loop3A_422 iter_args(%parallel_loop3A_430 = %parallel_loop3A_413) -> (vector<16xf32>)  : i32 {
      %parallel_loop3A_431 = arith.index_cast %parallel_loop3A_429 : i32 to index
      %parallel_loop3A_432 = tpu.vector_load %arg8[%parallel_loop3A_431] {strides = array<i32>} : memref<40000xf32, #tpu.memory_space<vmem>>, vector<16xf32>,
      %parallel_loop3A_433 = vector.shape_cast %parallel_loop3A_432 : vector<16xf32> to vector<16xf32>
      %parallel_loop3A_434 = vector.broadcast %select_n3A_45 : f32 to vector<16xf32>
      %parallel_loop3A_435 = arith.mulf %parallel_loop3A_433, %parallel_loop3A_434 : vector<16xf32>
      %parallel_loop3A_436 = math.absf %parallel_loop3A_435 : vector<16xf32>
      %parallel_loop3A_437 = arith.constant 0.000000e+00 : f32
      %parallel_loop3A_438 = vector.broadcast %parallel_loop3A_437 : f32 to vector<16xf32>
      %parallel_loop3A_439 = arith.subf %parallel_loop3A_438, %parallel_loop3A_436 : vector<16xf32>
      %parallel_loop3A_440 = math.exp %parallel_loop3A_439 : vector<16xf32>
      %parallel_loop3A_441 = arith.constant 2.000000e+00 : f32
      %parallel_loop3A_442 = vector.broadcast %parallel_loop3A_441 : f32 to vector<16xf32>
      %parallel_loop3A_443 = arith.addf %parallel_loop3A_440, %parallel_loop3A_442 : vector<16xf32>
      %parallel_loop3A_444 = arith.divf %parallel_loop3A_440, %parallel_loop3A_443 : vector<16xf32>
      %parallel_loop3A_445 = arith.mulf %parallel_loop3A_444, %parallel_loop3A_444 : vector<16xf32>
      %parallel_loop3A_446 = arith.constant 2.000000e+00 : f32
      %parallel_loop3A_447 = vector.broadcast %parallel_loop3A_446 : f32 to vector<16xf32>
      %parallel_loop3A_448 = arith.mulf %parallel_loop3A_447, %parallel_loop3A_444 : vector<16xf32>
      %parallel_loop3A_449 = arith.constant 0.142857149 : f32
      %parallel_loop3A_450 = vector.broadcast %parallel_loop3A_449 : f32 to vector<16xf32>
      %parallel_loop3A_451 = arith.mulf %parallel_loop3A_445, %parallel_loop3A_450 : vector<16xf32>
      %parallel_loop3A_452 = arith.constant 2.000000e-01 : f32
      %parallel_loop3A_453 = vector.broadcast %parallel_loop3A_452 : f32 to vector<16xf32>
      %parallel_loop3A_454 = arith.addf %parallel_loop3A_453, %parallel_loop3A_451 : vector<16xf32>
      %parallel_loop3A_455 = arith.mulf %parallel_loop3A_445, %parallel_loop3A_454 : vector<16xf32>
      %parallel_loop3A_456 = arith.constant 0.333333343 : f32
      %parallel_loop3A_457 = vector.broadcast %parallel_loop3A_456 : f32 to vector<16xf32>
      %parallel_loop3A_458 = arith.addf %parallel_loop3A_457, %parallel_loop3A_455 : vector<16xf32>
      %parallel_loop3A_459 = arith.mulf %parallel_loop3A_445, %parallel_loop3A_458 : vector<16xf32>
      %parallel_loop3A_460 = arith.constant 1.000000e+00 : f32
      %parallel_loop3A_461 = vector.broadcast %parallel_loop3A_460 : f32 to vector<16xf32>
      %parallel_loop3A_462 = arith.addf %parallel_loop3A_461, %parallel_loop3A_459 : vector<16xf32>
      %parallel_loop3A_463 = arith.mulf %parallel_loop3A_448, %parallel_loop3A_462 : vector<16xf32>
      %parallel_loop3A_464 = arith.constant 0.000000e+00 : f32
      %parallel_loop3A_465 = vector.broadcast %parallel_loop3A_464 : f32 to vector<16xf32>
      %parallel_loop3A_466 = arith.maximumf %parallel_loop3A_435, %parallel_loop3A_465 : vector<16xf32>
      %parallel_loop3A_467 = arith.addf %parallel_loop3A_466, %parallel_loop3A_463 : vector<16xf32>
      %parallel_loop3A_468 = arith.addf %parallel_loop3A_430, %parallel_loop3A_467 : vector<16xf32>
      scf.yield %parallel_loop3A_468 : vector<16xf32>
    } {sc.loop_unroll_factor = 5 : i64, sc.parallel_access}
    %swap3A = arith.constant 0 : index
    %swap3A_424 = tpu.vector_load %arg9[%swap3A] {strides = array<i32>} : memref<16xf32, #tpu.memory_space<vmem>>, vector<16xf32>,
    %swap3A_425 = vector.shape_cast %swap3A_424 : vector<16xf32> to vector<16xf32>
    %swap3A_426 = vector.shape_cast %parallel_loop3A_423 : vector<16xf32> to vector<16xf32>
    tpu.vector_store %arg9[%swap3A], %swap3A_426 {strides = array<i32>} : memref<16xf32, #tpu.memory_space<vmem>>, vector<16xf32>,
    %mul3A_427 = arith.constant 16 : i32
    %mul3A_428 = arith.muli %add3A, %mul3A_427 : i32
    "tpu.region"() ({
      %run_scoped3A = tpu.sem_alloc : memref<!tpu.dma_semaphore, #tpu.memory_space<semaphore_mem>>
      %dma_start3A_429 = tpu.memref_slice %arg5[%mul3A_428] : memref<512xf32, #tpu.memory_space<hbm>> -> memref<16xf32, #tpu.memory_space<hbm>>
      %dma_start3A_430 = tpu.memref_slice %arg5[%mul3A_428] : memref<512xf32, #tpu.memory_space<hbm>> -> memref<16xf32, #tpu.memory_space<hbm>>
      tpu.enqueue_dma source(%arg9 : memref<16xf32, #tpu.memory_space<vmem>>) target(%dma_start3A_430 : memref<16xf32, #tpu.memory_space<hbm>>) target_semaphore(%run_scoped3A : memref<!tpu.dma_semaphore, #tpu.memory_space<semaphore_mem>>)
      %dma_wait3A_431 = tpu.memref_slice %arg5[%mul3A_428] : memref<512xf32, #tpu.memory_space<hbm>> -> memref<16xf32, #tpu.memory_space<hbm>>
      %dma_wait3A_432 = tpu.memref_slice %arg5[%mul3A_428] : memref<512xf32, #tpu.memory_space<hbm>> -> memref<16xf32, #tpu.memory_space<hbm>>
      tpu.wait_dma2 semaphore(%run_scoped3A : memref<!tpu.dma_semaphore, #tpu.memory_space<semaphore_mem>>) src(%arg9 : memref<16xf32, #tpu.memory_space<vmem>>) dst(%dma_wait3A_432 : memref<16xf32, #tpu.memory_space<hbm>>)
      tpu.yield
    }) : () -> ()
    return
  }
}

</mosaic_0001>

<sc_bundles>
// kernel: kernel.3.cloned.1.call-start
scs
__scs_entry_jumppad:
0x0: {  	(pc) =	sbr.rel $0x88, $3  }
0x1: {  	(tag) =	ssettag $0x0;
	lr =	simm.s32 $0x1  }
0x2: {  	[smem:$0x3F9E] =	sst lr;
	_ =	strace $0xD0000000  }
0x3: {  	_ = 	snop  }
0x4: {  	_ = 	snop  }
0x5: {  	_ = 	snop  }
0x6: {  	_ = 	snop  }
0x7: {  	_ = 	snop  }
__scs_overlays_trampoline_lowered:
0x8: {  	[smem:$0x3FAD] =	sst s0  }
0x9: {  	[smem:$0x3FAE] =	sst s1  }
0xa: {  	[smem:$0x3FAF] =	sst s2  }
0xb: {  	[smem:$0x3FB0] =	sst s3  }
0xc: {  	[smem:$0x3FB1] =	sst s4  }
0xd: {  	[smem:$0x3FB2] =	sst s5  }
0xe: {  	[smem:$0x3FB3] =	sst s6  }
0xf: {  	[smem:$0x3FB4] =	sst s7  }
0x10: {  	[smem:$0x3FB5] =	sst s8  }
0x11: {  	[smem:$0x3FB6] =	sst s9;
	s0 =	simm.s32 @!p0 $0x0  }
0x12: {  	s1 =	sld [smem:$0x3F9C];
	s0 =	simm.s32 @p0 $0x1  }
0x13: {  	[smem:$0x3FB7] =	sst s0;
	s0 =	simm.s32 @!p1 $0x0  }
0x14: {  	s2 =	sld [smem:$0x3F9B];
	s0 =	simm.s32 @p1 $0x1  }
0x15: {  	[smem:$0x3FB8] =	sst s0;
	s0 =	simm.s32 @!p2 $0x0  }
0x16: {  	s3 =	sld [smem:$0x3FDB];
	s0 =	simm.s32 @p2 $0x1  }
0x17: {  	s4 =	simm.s32 $0x1BF5;
	[smem:$0x3FBA] =	sst s0  }
0x18: {  	s0 =	sld [smem:$0x3F9D];
	_ =	swait.ge [sflag:s4], $0x0  }
0x19: {  	s7 =	sld [smem:$0x3F9E]  }
0x1a: {  	s8 =	sadd.s32 $0xFFFFE003, lr  }
0x1b: {  	s9 =	sadd.s32 $0xFFFFFEF7, lr;
	s5 =	simm.s32 $0xFFFFFFFF;
	p2 =	slt.u32 s8, $0xFFFFF086  }
0x1c: {  	p1 =	slt.u32 s9, $0xF7A;
	s5 =	simm.s32 @!p2 $0x0  }
0x1d: {  	s5 =	simm.s32 @p1 $0x1;
	p0 =	seq.s32 s7, s2  }
0x1e: {  	s7 =	smul.u32 @!p0 $0xF7A, s2;
	p2 =	seq.s32 @!p0 s5, $0x0  }
0x1f: {  	s9 =	smul.u32 $0xF7A, s1;
	s8 =	simm.s32 @!p0 $0x1BF5;
	p2 =	por !p2, p0  }
0x20: {  	[sflag:s8] =	ssyncset.s32 @!p0 $0xFFFFF086;
	s6 =	sadd.s32 @!p0 s3, s7;
	s7 =	simm.s32 @!p0 $0x108  }
0x21: {  	s3 =	sadd.s32 s3, s9;
	s6 =	sadd.s32 @!p0 $0x88, s6;
	s7 =	simm.s32 @p2 $0x1082  }
0x22: {  	[simem:s7], [sflag:s8] =	dma.local @!p0 [hbm:s6], $0xF7A  }
0x23: {  	s9 =	sor.u32 $0xD0000000, s2;
	s6 =	simm.s32 $0x108;
	_ =	swait.ge @!p0 [sflag:s8], $0x0  }
0x24: {  	s3 =	sadd.s32 $0x88, s3;
	s6 =	simm.s32 @!p1 $0x1082;
	[sflag:s4] =	ssyncset.s32 $0xFFFFF086  }
0x25: {  	[simem:s6], [sflag:s4] =	dma.local [hbm:s3], $0xF7A  }
0x26: {  	[smem:$0x3F9E] =	sst s1;
	(tag) =	ssettag s2;
	_ =	strace s9  }
0x27: {  	s1 =	sld [smem:$0x3FAE]  }
0x28: {  	s2 =	sld [smem:$0x3FAF]  }
0x29: {  	s4 =	sld [smem:$0x3FB1]  }
0x2a: {  	p0 =	seq.s32 s5, $0x0;
	s5 =	sld [smem:$0x3FB2]  }
0x2b: {  	s6 =	sld [smem:$0x3FB3]  }
0x2c: {  	s7 =	sld [smem:$0x3FB4]  }
0x2d: {  	s3 =	simm.s32 $0x108;
	s8 =	sld [smem:$0x3FB5]  }
0x2e: {  	s3 =	simm.s32 @!p0 $0x1082;
	s9 =	sld [smem:$0x3FB6]  }
0x2f: {  	lr =	sadd.s32 s0, s3;
	s0 =	sld [smem:$0x3FAD]  }
0x30: {  	s3 =	sld [smem:$0x3FB0]  }
0x31: {  	[smem:$0x3FB9] =	sst s10  }
0x32: {  	s10 =	sld [smem:$0x3FB7];
	_ =	sdelay $0x3  }
0x33: {  	p0 =	seq.s32 s10, $0x1;
	s10 =	sld [smem:$0x3FB9];
	_ =	sdelay $0x3  }
0x34: {  	[smem:$0x3FB9] =	sst s10  }
0x35: {  	s10 =	sld [smem:$0x3FB8];
	_ =	sdelay $0x3  }
0x36: {  	p1 =	seq.s32 s10, $0x1;
	s10 =	sld [smem:$0x3FB9];
	_ =	sdelay $0x3  }
0x37: {  	[smem:$0x3FB9] =	sst s10  }
0x38: {  	s10 =	sld [smem:$0x3FBA]  }
0x39: {  	_ = 	snop;
	(pc) =	sbr.ind lr, $3  }
0x3a: {  	_ = 	snop  }
0x3b: {  	_ = 	snop  }
0x3c: {  	p2 =	seq.s32 s10, $0x1;
	s10 =	sld [smem:$0x3FB9]  }
0x3d: {  	_ =	shalt  }
0x3e: {  	_ =	shalt  }
0x3f: {  	_ =	shalt  }
0x40: {  	_ =	shalt  }
0x41: {  	_ =	shalt  }
0x42: {  	_ =	shalt  }
0x43: {  	_ =	shalt  }
0x44: {  	_ =	shalt  }
0x45: {  	_ =	shalt  }
0x46: {  	_ =	shalt  }
0x47: {  	_ =	shalt  }
0x48: {  	_ =	shalt  }
0x49: {  	_ =	shalt  }
0x4a: {  	_ =	shalt  }
0x4b: {  	_ =	shalt  }
0x4c: {  	_ =	shalt  }
0x4d: {  	_ =	shalt  }
0x4e: {  	_ =	shalt  }
0x4f: {  	_ =	shalt  }
0x50: {  	_ =	shalt  }
0x51: {  	_ =	shalt  }
0x52: {  	_ =	shalt  }
0x53: {  	_ =	shalt  }
0x54: {  	_ =	shalt  }
0x55: {  	_ =	shalt  }
0x56: {  	_ =	shalt  }
0x57: {  	_ =	shalt  }
0x58: {  	_ =	shalt  }
0x59: {  	_ =	shalt  }
0x5a: {  	_ =	shalt  }
0x5b: {  	_ =	shalt  }
0x5c: {  	_ =	shalt  }
0x5d: {  	_ =	shalt  }
0x5e: {  	_ =	shalt  }
0x5f: {  	_ =	shalt  }
0x60: {  	_ =	shalt  }
0x61: {  	_ =	shalt  }
0x62: {  	_ =	shalt  }
0x63: {  	_ =	shalt  }
0x64: {  	_ =	shalt  }
0x65: {  	_ =	shalt  }
0x66: {  	_ =	shalt  }
0x67: {  	_ =	shalt  }
0x68: {  	_ =	shalt  }
0x69: {  	_ =	shalt  }
0x6a: {  	_ =	shalt  }
0x6b: {  	_ =	shalt  }
0x6c: {  	_ =	shalt  }
0x6d: {  	_ =	shalt  }
0x6e: {  	_ =	shalt  }
0x6f: {  	_ =	shalt  }
0x70: {  	_ =	shalt  }
0x71: {  	_ =	shalt  }
0x72: {  	_ =	shalt  }
0x73: {  	_ =	shalt  }
0x74: {  	_ =	shalt  }
0x75: {  	_ =	shalt  }
0x76: {  	_ =	shalt  }
0x77: {  	_ =	shalt  }
0x78: {  	_ =	shalt  }
0x79: {  	_ =	shalt  }
0x7a: {  	_ =	shalt  }
0x7b: {  	_ =	shalt  }
0x7c: {  	_ =	shalt  }
0x7d: {  	_ =	shalt  }
0x7e: {  	_ =	shalt  }
0x7f: {  	_ =	shalt  }
0x80: {  	_ =	shalt  }
0x81: {  	_ =	shalt  }
0x82: {  	_ =	shalt  }
0x83: {  	_ =	shalt  }
0x84: {  	_ =	shalt  }
0x85: {  	_ =	shalt  }
0x86: {  	_ =	shalt  }
0x87: {  	_ =	shalt  }
.Lfunc_end0:
.L_simem_size_0:
called_computation_lowered:
.L_overlay_start_0:
0x88: {  	s2 =	sld [smem:$0x3FD9]  }
0x89: {  	s3 =	sld [smem:$0x3FFE];
	_ =	sdelay $0x1  }
0x8a: {  	s1 =	srdreg.scid  }
0x8b: {  	s0 =	sand.u32 $0x1, s1  }
0x8c: {  	s16 =	sshll.u32 s0, $0xA;
	s2 =	sadd.s32 s3, s2  }
0x8d: {  	s2 =	sadd.s32 s2, s16  }
0x8e: {  	[smem:$0x3FC5] =	sst s2  }
0x8f: {  	_ = 	snop  }
0x90: {  	(tm) =	ssettm $0x1  }
0x91: {  	s17 =	sld [smem:$0x3FFB];
	_ =	sdelay $0x3  }
0x92: {  	_ =	strace s17  }
0x93: {  	s2 =	sld [smem:$0x3FFC];
	_ =	sdelay $0x3  }
0x94: {  	_ =	strace s2  }
0x95: {  	s2 =	sld [smem:$0x3FFD];
	_ =	sdelay $0x3  }
0x96: {  	_ =	strace s2  }
0x97: {  	_ =	strace $0x8FFFFFFF  }
0x98: {  	s18 =	sld [smem:$0x3FDB];
	_ =	sdelay $0x1  }
0x99: {  	s19 =	simm.s32 $_scs_section_size  }
0x9a: {  	s4 =	simm.s32 $_size__tile_overlayer_lowered;
	s5 =	simm.s32 $_tile_overlayer_lowered  }
0x9b: {  	s22 =	simm.s32 $0x1BFF;
	s21 =	sshll.u32 s5, $0x1;
	s2 =	sadd.s32 s19, s18  }
0x9c: {  	s6 =	simm.s32 $0x0;
	s20 =	sshll.u32 s4, $0x1;
	s4 =	sadd.s32 s21, s2  }
0x9d: {  	[timem:s6], [sflag:s22] =	dma.local [hbm:s4], s20  }
0x9e: {  	_ =	swait.ge [sflag:s22], s20  }
0x9f: {  	s3 =	ssub.s32 $0x0, s20;
	[sflag:s22] =	ssyncset.done $0x0  }
0xa0: {  	[sflag:s22] =	ssyncadd.s32 s3;
	_ =	sdelay $0x1  }
0xa1: {  	s23 =	simm.s32 $0x1B8B  }
0xa2: {  	_ =	swait.ge [sflag:s23], $0x1  }
0xa3: {  	[sflag:s23] =	ssyncset.done $0x0  }
0xa4: {  	s25 =	simm.s32 $0x1B8E;
	s24 =	sld [smem:$0x3FFE];
	[sflag:s23] =	ssyncadd.s32 $0xFFFFFFFF  }
0xa5: {  	s26 =	simm.s32 $execute0_lowered;
	[smem:$0x3FD2] =	sst s25  }
0xa6: {  	s4 =	sshll.u32 s26, $0x1;
	_ =	strace $0x80000046;
	[dreg:$0x1] =	wrdreg $0xFFFFFFFF  }
0xa7: {  	s28 =	simm.s32 $_size_execute0_lowered;
	s2 =	sadd.s32 s2, s4;
	[dreg:$0x0] =	wrdreg $0x0  }
0xa8: {  	s4 =	sshll.u32 s28, $0x1;
	[dreg:$0x2] =	wrdreg s2  }
0xa9: {  	[dreg:$0x3] =	wrdreg s4  }
0xaa: {  	[dreg:$0x4] =	wrdreg $0xC0  }
0xab: {  	_ =	task [dreg:s6], $0x5FFFF  }
0xac: {  	[dreg:$0x1] =	wrdreg $0xFFFFFFFF  }
0xad: {  	[dreg:$0x0] =	wrdreg $0x60  }
0xae: {  	[dreg:$0x2] =	wrdreg s24  }
0xaf: {  	[dreg:$0x3] =	wrdreg $0x9  }
0xb0: {  	_ =	task.clear_ibuf [dreg:s6], $0x4FFFF;
	_ =	strace $0x90000046  }
0xb1: {  	s29 =	simm.s32 $0x9;
	_ =	strace $0x80000048  }
0xb2: {  	_ =	swait.ge [sflag:s29], $0x1  }
0xb3: {  	[sflag:s29] =	ssyncadd.s32 $0xFFFFFFFF  }
0xb4: {  	_ =	strace $0x90000048  }
0xb5: {  	_ =	sfence  }
0xb6: {  	s30 =	sld [smem:$0x0];
	_ =	sdelay $0x2  }
0xb7: {  	s31 =	sshll.u32 s1, $0xD;
	s1 =	sshrl.u32 s1, $0x2  }
0xb8: {  	s3 =	sand.u32 $0x4000, s31;
	s1 =	sadd.s32 s1, s30  }
0xb9: {  	s0 =	sor.u32 s3, s0;
	s1 =	sshll.u32 s1, $0x11  }
0xba: {  	s0 =	sor.u32 s1, s0  }
0xbb: {  	s0 =	sadd.s32 $0x8F2B, s0  }
0xbc: {  	[sflag:s0] =	ssyncadd.remote.s32 $0x1  }
0xbd: {  	_ =	sfence.sel $0xFFFF  }
0xbe: {  	[dreg:$0x0] =	wrdreg $0xFFFFFFFF;
	(pc) =	sbr.abs _section_cstart, $3  }
0xbf: {  	[dreg:$0x1] =	wrdreg $0xFFFFFFFF  }
0xc0: {  	_ =	task.clear_ibuf [dreg:s6], $0x2FFFF;
	_ =	strace $0x9FFFFFFF  }
0xc1: {  	(tm) =	ssettm $0x7FFFFFFF  }
tec
execute0_lowered:
.L_overlay_start_1:
0x0: {  	(tag) =	ssettag $0x1  }
0x1: {  	s0 =	rddreg [dreg:$0x0]  }
0x2: {  	s2 =	simm.s32 $0x0;
	s1 =	srdreg.scid;
	s8 =	stileid.u32  }
0x3: {  	s9 =	simm.s32 $0x2;
	s10 =	simm.s32 $0x7D0;
	s11 =	simm.s32 $0x196C0  }
0x4: {  	s12 =	simm.s32 $0x6590;
	s13 =	simm.s32 $0x19E90;
	s14 =	simm.s32 $0x6D60  }
0x5: {  	s15 =	simm.s32 $0x1A660;
	s16 =	simm.s32 $0x7530;
	s17 =	simm.s32 $0x1AE30  }
0x6: {  	s18 =	simm.s32 $0x7D00;
	s19 =	simm.s32 $0x1B600;
	s20 =	simm.s32 $0x84D0  }
0x7: {  	s21 =	simm.s32 $0x1BDD0;
	s22 =	simm.s32 $0x8CA0;
	s23 =	simm.s32 $0x1C5A0  }
0x8: {  	s24 =	simm.s32 $0x9470;
	s25 =	simm.s32 $0x1CD70;
	s26 =	simm.s32 $0x1  }
0x9: {  	s28 =	simm.s32 $0x1D580;
	s29 =	simm.s32 $0x3;
	s30 =	simm.s32 $0x0  }
0xa: {  	[smem:$0x7FF] =	sst s2;
	s1 =	sand.u32 $0x1, s1;
	s4 =	sshll.u32 s8, $0x1  }
0xb: {  	s3 =	sadd.s32 $0x4E600, s0;
	s5 =	sadd.s32 $0x200, s0;
	s4 =	sor.u32 s1, s4  }
0xc: {  	s6 =	sadd.s32 $0x27400, s0;
	p0 =	slt.u32 s8, $0x8;
	s7 =	sand.u32 $0xF, s4  }
0xd: {  	s1 =	ssub.s32 $0x2, s1;
	s4 =	sshll.u32 s4, $0x1;
	s7 =	smul.u32 $0x9C40, s7  }
0xe: {  	s6 =	smov.u32 @p0 s5;
	s31 =	sshrl.u32 s1, $0x1;
	s0 =	sadd.s32 s4, s0  }
0xf: {  	s4 =	sadd.s32 $0xC3A400, s0;
	s0 =	simm.f32 $-1.000000000e+00;
	s7 =	sshrl.u32 s7, $0x3  }
0x10: {  	s1 =	ssub.s32 s1, s31;
	s0 =	simm.s32 @!p0 $0x3F800000;
	s5 =	sadd.s32 s6, s7  }
0x11: {  	_ =	strace $0x80000047;
	s6 =	smax.u32 s1, $0x1;
	v0 =	vmov s0;
	s7 =	sadd.s32 $0x13880, s5  }
.LBB2_1:
0x12: {  	[tilespmem:s2], [sflag:$0x2] =	stream.linear.gather [hbm4b:s5+s2], $0x9C40, $0x38;
	[tilespmem:$0x1D600] =	vst v63  }
0x13: {  	s0 =	simm.s32 $0x9C80  }
0x14: {  	[tilespmem:s0], [sflag:$0x2] =	stream.linear.gather [hbm4b:s7+s2], $0x9C40, $0x38;
	[tilespmem:$0x1D600] =	vst v63  }
0x15: {  	_ =	swait.ge [sflag:s9], $0x9C40  }
0x16: {  	[sflag:s9] =	ssyncset.done $0x0  }
0x17: {  	[sflag:s9] =	ssyncadd.s32 $0xFFFF63C0  }
0x18: {  	_ =	swait.ge [sflag:s9], $0x9C40  }
0x19: {  	[sflag:s9] =	ssyncset.done $0x0  }
0x1a: {  	s31 =	simm.s32 $0x20;
	[sflag:s9] =	ssyncadd.s32 $0xFFFF63C0  }
0x1b: {  	v1 =	vld [tilespmem:s31+$0x20]  }
0x1c: {  	s0 =	simm.s32 $0x9CA0;
	v3 =	vld [tilespmem:s31+$0xFFFFFFF0]  }
0x1d: {  	v5 =	vld [tilespmem:s0+$0x20]  }
0x1e: {  	v6 =	vld [tilespmem:s31+$0x0]  }
0x1f: {  	v7 =	vld [tilespmem:s31+$0x10]  }
0x20: {  	v2 =	vld [tilespmem:s31+$0xFFFFFFE0]  }
0x21: {  	v4 =	vld [tilespmem:s0+$0xFFFFFFF0];
	v8 =	vmul.u32 $0x2710, v1  }
0x22: {  	v1 =	vld [tilespmem:s0+$0xFFFFFFE0]  }
0x23: {  	v8 =	vadd.s32 v5, v8;
	v5 =	vld [tilespmem:s0+$0x0]  }
0x24: {  	s1 =	simm.s32 $0x0;
	s8 =	simm.s32 $0x70;
	v3 =	vmul.u32 $0x2710, v3;
	v6 =	vmul.u32 $0x2710, v6;
	v7 =	vmul.u32 $0x2710, v7;
	[tilespmem:s31+$0x20] =	vst v8;
	v8 =	vld [tilespmem:s0+$0x10]  }
.LBB2_2:
0x25: {  	v9 =	vld [tilespmem:s8+$0x20];
	s1 =	sadd.s32 $0x50, s1;
	v2 =	vmul.u32 $0x2710, v2  }
0x26: {  	s0 =	sadd.s32 $0x50, s0;
	v10 =	vld [tilespmem:s8+$0xFFFFFFF0];
	p0 =	slt.u32 s1, $0x780  }
0x27: {  	v11 =	vld [tilespmem:s0+$0x20];
	v1 =	vadd.s32 v1, v2;
	v2 =	vadd.s32 v4, v3  }
0x28: {  	v12 =	vld [tilespmem:s8+$0x0];
	[tilespmem:s31+$0xFFFFFFE0] =	vst v1;
	v1 =	vadd.s32 v5, v6  }
0x29: {  	v13 =	vld [tilespmem:s8+$0x10];
	[tilespmem:s31+$0xFFFFFFF0] =	vst v2;
	v4 =	vadd.s32 v8, v7  }
.Ltmp0:
0x2a: {  	v2 =	vld [tilespmem:s8+$0xFFFFFFE0];
	v5 =	vmul.u32 $0x2710, v9;
	[tilespmem:s31+$0x0] =	vst v1;
	(pc) =	sbr.rel @p0 .LBB2_2-.Ltmp0, $4  }
0x2b: {  	v1 =	vld [tilespmem:s0+$0xFFFFFFE0];
	v3 =	vmul.u32 $0x2710, v10;
	[tilespmem:s31+$0x10] =	vst v4;
	s31 =	smov.u32 s8  }
0x2c: {  	v4 =	vld [tilespmem:s0+$0xFFFFFFF0];
	v7 =	vadd.s32 v11, v5  }
0x2d: {  	v6 =	vmul.u32 $0x2710, v12;
	v5 =	vld [tilespmem:s0+$0x0];
	[tilespmem:s8+$0x20] =	vst v7  }
0x2e: {  	s8 =	sadd.s32 $0x50, s8;
	v7 =	vmul.u32 $0x2710, v13;
	v8 =	vld [tilespmem:s0+$0x10]  }
0x2f: {  	v2 =	vmul.u32 $0x2710, v2;
	_ =	sdelay $0x1  }
0x30: {  	v1 =	vadd.s32 v1, v2  }
0x31: {  	v2 =	vadd.s32 v4, v3;
	[tilespmem:s31+$0xFFFFFFE0] =	vst v1  }
0x32: {  	v1 =	vadd.s32 v5, v6;
	[tilespmem:s31+$0xFFFFFFF0] =	vst v2  }
0x33: {  	v2 =	vadd.s32 v8, v7;
	[tilespmem:s31+$0x0] =	vst v1  }
0x34: {  	s0 =	simm.s32 $0x13900;
	[tilespmem:s31+$0x10] =	vst v2;
	s31 =	simm.s32 $0x810  }
0x35: {  	[tilespmem:s0], [sflag:$0x1] =	stream.indirect.gather [hbm4b:s3+s10], $0x1, s2, s10, $0xb8;
	[tilespmem:$0x1D600] =	vst v63  }
0x36: {  	v1 =	vld [tilespmem:s31+$0x0]  }
0x37: {  	s0 =	simm.s32 $0xA490;
	v3 =	vld [tilespmem:s31+$0xFFFFFFD0]  }
0x38: {  	v5 =	vld [tilespmem:s0+$0x0]  }
0x39: {  	v6 =	vld [tilespmem:s31+$0xFFFFFFE0]  }
0x3a: {  	v7 =	vld [tilespmem:s31+$0xFFFFFFF0]  }
0x3b: {  	v2 =	vld [tilespmem:s31+$0xFFFFFFC0]  }
0x3c: {  	v4 =	vld [tilespmem:s0+$0xFFFFFFD0];
	v8 =	vmul.u32 $0x2710, v1  }
0x3d: {  	v1 =	vld [tilespmem:s0+$0xFFFFFFC0]  }
0x3e: {  	v8 =	vadd.s32 v5, v8;
	v5 =	vld [tilespmem:s0+$0xFFFFFFE0]  }
0x3f: {  	s1 =	simm.s32 $0x7D0;
	s8 =	simm.s32 $0x860;
	v3 =	vmul.u32 $0x2710, v3;
	v6 =	vmul.u32 $0x2710, v6;
	v7 =	vmul.u32 $0x2710, v7;
	[tilespmem:s31+$0x0] =	vst v8;
	v8 =	vld [tilespmem:s0+$0xFFFFFFF0]  }
.LBB2_4:
0x40: {  	v9 =	vld [tilespmem:s8+$0x0];
	s1 =	sadd.s32 $0x50, s1;
	v2 =	vmul.u32 $0x2710, v2  }
0x41: {  	s0 =	sadd.s32 $0x50, s0;
	v10 =	vld [tilespmem:s8+$0xFFFFFFD0];
	p0 =	slt.u32 s1, $0xF50  }
0x42: {  	v11 =	vld [tilespmem:s0+$0x0];
	v1 =	vadd.s32 v1, v2;
	v2 =	vadd.s32 v4, v3  }
0x43: {  	v12 =	vld [tilespmem:s8+$0xFFFFFFE0];
	[tilespmem:s31+$0xFFFFFFC0] =	vst v1;
	v1 =	vadd.s32 v5, v6  }
0x44: {  	v13 =	vld [tilespmem:s8+$0xFFFFFFF0];
	[tilespmem:s31+$0xFFFFFFD0] =	vst v2;
	v4 =	vadd.s32 v8, v7  }
.Ltmp1:
0x45: {  	v2 =	vld [tilespmem:s8+$0xFFFFFFC0];
	v5 =	vmul.u32 $0x2710, v9;
	[tilespmem:s31+$0xFFFFFFE0] =	vst v1;
	(pc) =	sbr.rel @p0 .LBB2_4-.Ltmp1, $4  }
0x46: {  	v1 =	vld [tilespmem:s0+$0xFFFFFFC0];
	v3 =	vmul.u32 $0x2710, v10;
	[tilespmem:s31+$0xFFFFFFF0] =	vst v4;
	s31 =	smov.u32 s8  }
0x47: {  	v4 =	vld [tilespmem:s0+$0xFFFFFFD0];
	v7 =	vadd.s32 v11, v5  }
0x48: {  	v6 =	vmul.u32 $0x2710, v12;
	v5 =	vld [tilespmem:s0+$0xFFFFFFE0];
	[tilespmem:s8+$0x0] =	vst v7  }
0x49: {  	s8 =	sadd.s32 $0x50, s8;
	v7 =	vmul.u32 $0x2710, v13;
	v8 =	vld [tilespmem:s0+$0xFFFFFFF0]  }
0x4a: {  	v2 =	vmul.u32 $0x2710, v2;
	_ =	sdelay $0x1  }
0x4b: {  	v1 =	vadd.s32 v1, v2  }
0x4c: {  	v2 =	vadd.s32 v4, v3;
	[tilespmem:s31+$0xFFFFFFC0] =	vst v1  }
0x4d: {  	v1 =	vadd.s32 v5, v6;
	[tilespmem:s31+$0xFFFFFFD0] =	vst v2  }
0x4e: {  	v2 =	vadd.s32 v8, v7;
	[tilespmem:s31+$0xFFFFFFE0] =	vst v1  }
0x4f: {  	s0 =	simm.s32 $0x140D0;
	[tilespmem:s31+$0xFFFFFFF0] =	vst v2;
	s31 =	simm.s32 $0xFE0  }
0x50: {  	[tilespmem:s0], [sflag:$0x1] =	stream.indirect.gather [hbm4b:s3+s10], $0x1, s10, s10, $0xb8;
	[tilespmem:$0x1D600] =	vst v63  }
0x51: {  	v1 =	vld [tilespmem:s31+$0x0]  }
0x52: {  	s0 =	simm.s32 $0xAC60;
	v3 =	vld [tilespmem:s31+$0xFFFFFFD0]  }
0x53: {  	v5 =	vld [tilespmem:s0+$0x0]  }
0x54: {  	v6 =	vld [tilespmem:s31+$0xFFFFFFE0]  }
0x55: {  	v7 =	vld [tilespmem:s31+$0xFFFFFFF0]  }
0x56: {  	v2 =	vld [tilespmem:s31+$0xFFFFFFC0]  }
0x57: {  	v4 =	vld [tilespmem:s0+$0xFFFFFFD0];
	v8 =	vmul.u32 $0x2710, v1  }
0x58: {  	v1 =	vld [tilespmem:s0+$0xFFFFFFC0]  }
0x59: {  	v8 =	vadd.s32 v5, v8;
	v5 =	vld [tilespmem:s0+$0xFFFFFFE0]  }
0x5a: {  	s1 =	simm.s32 $0xFA0;
	s8 =	simm.s32 $0x1030;
	v3 =	vmul.u32 $0x2710, v3;
	v6 =	vmul.u32 $0x2710, v6;
	v7 =	vmul.u32 $0x2710, v7;
	[tilespmem:s31+$0x0] =	vst v8;
	v8 =	vld [tilespmem:s0+$0xFFFFFFF0]  }
.LBB2_6:
0x5b: {  	v9 =	vld [tilespmem:s8+$0x0];
	s1 =	sadd.s32 $0x50, s1;
	v2 =	vmul.u32 $0x2710, v2  }
0x5c: {  	s0 =	sadd.s32 $0x50, s0;
	v10 =	vld [tilespmem:s8+$0xFFFFFFD0];
	p0 =	slt.u32 s1, $0x1720  }
0x5d: {  	v11 =	vld [tilespmem:s0+$0x0];
	v1 =	vadd.s32 v1, v2;
	v2 =	vadd.s32 v4, v3  }
0x5e: {  	v12 =	vld [tilespmem:s8+$0xFFFFFFE0];
	[tilespmem:s31+$0xFFFFFFC0] =	vst v1;
	v1 =	vadd.s32 v5, v6  }
0x5f: {  	v13 =	vld [tilespmem:s8+$0xFFFFFFF0];
	[tilespmem:s31+$0xFFFFFFD0] =	vst v2;
	v4 =	vadd.s32 v8, v7  }
.Ltmp2:
0x60: {  	v2 =	vld [tilespmem:s8+$0xFFFFFFC0];
	v5 =	vmul.u32 $0x2710, v9;
	[tilespmem:s31+$0xFFFFFFE0] =	vst v1;
	(pc) =	sbr.rel @p0 .LBB2_6-.Ltmp2, $4  }
0x61: {  	v1 =	vld [tilespmem:s0+$0xFFFFFFC0];
	v3 =	vmul.u32 $0x2710, v10;
	[tilespmem:s31+$0xFFFFFFF0] =	vst v4;
	s31 =	smov.u32 s8  }
0x62: {  	v4 =	vld [tilespmem:s0+$0xFFFFFFD0];
	v7 =	vadd.s32 v11, v5  }
0x63: {  	v6 =	vmul.u32 $0x2710, v12;
	v5 =	vld [tilespmem:s0+$0xFFFFFFE0];
	[tilespmem:s8+$0x0] =	vst v7  }
0x64: {  	s8 =	sadd.s32 $0x50, s8;
	v7 =	vmul.u32 $0x2710, v13;
	v8 =	vld [tilespmem:s0+$0xFFFFFFF0]  }
0x65: {  	v2 =	vmul.u32 $0x2710, v2;
	_ =	sdelay $0x1  }
0x66: {  	v1 =	vadd.s32 v1, v2  }
0x67: {  	v2 =	vadd.s32 v4, v3;
	[tilespmem:s31+$0xFFFFFFC0] =	vst v1  }
0x68: {  	v1 =	vadd.s32 v5, v6;
	[tilespmem:s31+$0xFFFFFFD0] =	vst v2  }
0x69: {  	v2 =	vadd.s32 v8, v7;
	[tilespmem:s31+$0xFFFFFFE0] =	vst v1  }
0x6a: {  	s0 =	simm.s32 $0xFA0;
	s1 =	simm.s32 $0x148A0;
	[tilespmem:s31+$0xFFFFFFF0] =	vst v2;
	s31 =	simm.s32 $0x17B0  }
0x6b: {  	[tilespmem:s1], [sflag:$0x1] =	stream.indirect.gather [hbm4b:s3+s10], $0x1, s0, s10, $0xb8;
	[tilespmem:$0x1D600] =	vst v63  }
0x6c: {  	v1 =	vld [tilespmem:s31+$0x0]  }
0x6d: {  	s0 =	simm.s32 $0xB430;
	v3 =	vld [tilespmem:s31+$0xFFFFFFD0]  }
0x6e: {  	v5 =	vld [tilespmem:s0+$0x0]  }
0x6f: {  	v6 =	vld [tilespmem:s31+$0xFFFFFFE0]  }
0x70: {  	v7 =	vld [tilespmem:s31+$0xFFFFFFF0]  }
0x71: {  	v2 =	vld [tilespmem:s31+$0xFFFFFFC0]  }
0x72: {  	v4 =	vld [tilespmem:s0+$0xFFFFFFD0];
	v8 =	vmul.u32 $0x2710, v1  }
0x73: {  	v1 =	vld [tilespmem:s0+$0xFFFFFFC0]  }
0x74: {  	v8 =	vadd.s32 v5, v8;
	v5 =	vld [tilespmem:s0+$0xFFFFFFE0]  }
0x75: {  	s8 =	simm.s32 $0x1800;
	s1 =	simm.s32 $0x1770;
	v3 =	vmul.u32 $0x2710, v3;
	v6 =	vmul.u32 $0x2710, v6;
	v7 =	vmul.u32 $0x2710, v7;
	[tilespmem:s31+$0x0] =	vst v8;
	v8 =	vld [tilespmem:s0+$0xFFFFFFF0]  }
.LBB2_8:
0x76: {  	v9 =	vld [tilespmem:s8+$0x0];
	s1 =	sadd.s32 $0x50, s1;
	v2 =	vmul.u32 $0x2710, v2  }
0x77: {  	s0 =	sadd.s32 $0x50, s0;
	v10 =	vld [tilespmem:s8+$0xFFFFFFD0];
	p0 =	slt.u32 s1, $0x1EF0  }
0x78: {  	v11 =	vld [tilespmem:s0+$0x0];
	v1 =	vadd.s32 v1, v2;
	v2 =	vadd.s32 v4, v3  }
0x79: {  	v12 =	vld [tilespmem:s8+$0xFFFFFFE0];
	[tilespmem:s31+$0xFFFFFFC0] =	vst v1;
	v1 =	vadd.s32 v5, v6  }
0x7a: {  	v13 =	vld [tilespmem:s8+$0xFFFFFFF0];
	[tilespmem:s31+$0xFFFFFFD0] =	vst v2;
	v4 =	vadd.s32 v8, v7  }
.Ltmp3:
0x7b: {  	v2 =	vld [tilespmem:s8+$0xFFFFFFC0];
	v5 =	vmul.u32 $0x2710, v9;
	[tilespmem:s31+$0xFFFFFFE0] =	vst v1;
	(pc) =	sbr.rel @p0 .LBB2_8-.Ltmp3, $4  }
0x7c: {  	v1 =	vld [tilespmem:s0+$0xFFFFFFC0];
	v3 =	vmul.u32 $0x2710, v10;
	[tilespmem:s31+$0xFFFFFFF0] =	vst v4;
	s31 =	smov.u32 s8  }
0x7d: {  	v4 =	vld [tilespmem:s0+$0xFFFFFFD0];
	v7 =	vadd.s32 v11, v5  }
0x7e: {  	v6 =	vmul.u32 $0x2710, v12;
	v5 =	vld [tilespmem:s0+$0xFFFFFFE0];
	[tilespmem:s8+$0x0] =	vst v7  }
0x7f: {  	s8 =	sadd.s32 $0x50, s8;
	v7 =	vmul.u32 $0x2710, v13;
	v8 =	vld [tilespmem:s0+$0xFFFFFFF0]  }
0x80: {  	v2 =	vmul.u32 $0x2710, v2;
	_ =	sdelay $0x1  }
0x81: {  	v1 =	vadd.s32 v1, v2  }
0x82: {  	v2 =	vadd.s32 v4, v3;
	[tilespmem:s31+$0xFFFFFFC0] =	vst v1  }
0x83: {  	v1 =	vadd.s32 v5, v6;
	[tilespmem:s31+$0xFFFFFFD0] =	vst v2  }
0x84: {  	v2 =	vadd.s32 v8, v7;
	[tilespmem:s31+$0xFFFFFFE0] =	vst v1  }
0x85: {  	s0 =	simm.s32 $0x1770;
	s1 =	simm.s32 $0x15070;
	[tilespmem:s31+$0xFFFFFFF0] =	vst v2;
	s31 =	simm.s32 $0x1F80  }
0x86: {  	[tilespmem:s1], [sflag:$0x1] =	stream.indirect.gather [hbm4b:s3+s10], $0x1, s0, s10, $0xb8;
	[tilespmem:$0x1D600] =	vst v63  }
0x87: {  	v1 =	vld [tilespmem:s31+$0x0]  }
0x88: {  	s0 =	simm.s32 $0xBC00;
	v3 =	vld [tilespmem:s31+$0xFFFFFFD0]  }
0x89: {  	v5 =	vld [tilespmem:s0+$0x0]  }
0x8a: {  	v6 =	vld [tilespmem:s31+$0xFFFFFFE0]  }
0x8b: {  	v7 =	vld [tilespmem:s31+$0xFFFFFFF0]  }
0x8c: {  	v2 =	vld [tilespmem:s31+$0xFFFFFFC0]  }
0x8d: {  	v4 =	vld [tilespmem:s0+$0xFFFFFFD0];
	v8 =	vmul.u32 $0x2710, v1  }
0x8e: {  	v1 =	vld [tilespmem:s0+$0xFFFFFFC0]  }
0x8f: {  	v8 =	vadd.s32 v5, v8;
	v5 =	vld [tilespmem:s0+$0xFFFFFFE0]  }
0x90: {  	s8 =	simm.s32 $0x1FD0;
	s1 =	simm.s32 $0x1F40;
	v3 =	vmul.u32 $0x2710, v3;
	v6 =	vmul.u32 $0x2710, v6;
	v7 =	vmul.u32 $0x2710, v7;
	[tilespmem:s31+$0x0] =	vst v8;
	v8 =	vld [tilespmem:s0+$0xFFFFFFF0]  }
.LBB2_10:
0x91: {  	v9 =	vld [tilespmem:s8+$0x0];
	s1 =	sadd.s32 $0x50, s1;
	v2 =	vmul.u32 $0x2710, v2  }
0x92: {  	s0 =	sadd.s32 $0x50, s0;
	v10 =	vld [tilespmem:s8+$0xFFFFFFD0];
	p0 =	slt.u32 s1, $0x26C0  }
0x93: {  	v11 =	vld [tilespmem:s0+$0x0];
	v1 =	vadd.s32 v1, v2;
	v2 =	vadd.s32 v4, v3  }
0x94: {  	v12 =	vld [tilespmem:s8+$0xFFFFFFE0];
	[tilespmem:s31+$0xFFFFFFC0] =	vst v1;
	v1 =	vadd.s32 v5, v6  }
0x95: {  	v13 =	vld [tilespmem:s8+$0xFFFFFFF0];
	[tilespmem:s31+$0xFFFFFFD0] =	vst v2;
	v4 =	vadd.s32 v8, v7  }
.Ltmp4:
0x96: {  	v2 =	vld [tilespmem:s8+$0xFFFFFFC0];
	v5 =	vmul.u32 $0x2710, v9;
	[tilespmem:s31+$0xFFFFFFE0] =	vst v1;
	(pc) =	sbr.rel @p0 .LBB2_10-.Ltmp4, $4  }
0x97: {  	v1 =	vld [tilespmem:s0+$0xFFFFFFC0];
	v3 =	vmul.u32 $0x2710, v10;
	[tilespmem:s31+$0xFFFFFFF0] =	vst v4;
	s31 =	smov.u32 s8  }
0x98: {  	v4 =	vld [tilespmem:s0+$0xFFFFFFD0];
	v7 =	vadd.s32 v11, v5  }
0x99: {  	v6 =	vmul.u32 $0x2710, v12;
	v5 =	vld [tilespmem:s0+$0xFFFFFFE0];
	[tilespmem:s8+$0x0] =	vst v7  }
0x9a: {  	s8 =	sadd.s32 $0x50, s8;
	v7 =	vmul.u32 $0x2710, v13;
	v8 =	vld [tilespmem:s0+$0xFFFFFFF0]  }
0x9b: {  	v2 =	vmul.u32 $0x2710, v2;
	_ =	sdelay $0x1  }
0x9c: {  	v1 =	vadd.s32 v1, v2  }
0x9d: {  	v2 =	vadd.s32 v4, v3;
	[tilespmem:s31+$0xFFFFFFC0] =	vst v1  }
0x9e: {  	v1 =	vadd.s32 v5, v6;
	[tilespmem:s31+$0xFFFFFFD0] =	vst v2  }
0x9f: {  	v2 =	vadd.s32 v8, v7;
	[tilespmem:s31+$0xFFFFFFE0] =	vst v1  }
0xa0: {  	s0 =	simm.s32 $0x1F40;
	s1 =	simm.s32 $0x15840;
	[tilespmem:s31+$0xFFFFFFF0] =	vst v2;
	s31 =	simm.s32 $0x2750  }
0xa1: {  	[tilespmem:s1], [sflag:$0x1] =	stream.indirect.gather [hbm4b:s3+s10], $0x1, s0, s10, $0xb8;
	[tilespmem:$0x1D600] =	vst v63  }
0xa2: {  	v1 =	vld [tilespmem:s31+$0x0]  }
0xa3: {  	s0 =	simm.s32 $0xC3D0;
	v3 =	vld [tilespmem:s31+$0xFFFFFFD0]  }
0xa4: {  	v5 =	vld [tilespmem:s0+$0x0]  }
0xa5: {  	v6 =	vld [tilespmem:s31+$0xFFFFFFE0]  }
0xa6: {  	v7 =	vld [tilespmem:s31+$0xFFFFFFF0]  }
0xa7: {  	v2 =	vld [tilespmem:s31+$0xFFFFFFC0]  }
0xa8: {  	v4 =	vld [tilespmem:s0+$0xFFFFFFD0];
	v8 =	vmul.u32 $0x2710, v1  }
0xa9: {  	v1 =	vld [tilespmem:s0+$0xFFFFFFC0]  }
0xaa: {  	v8 =	vadd.s32 v5, v8;
	v5 =	vld [tilespmem:s0+$0xFFFFFFE0]  }
0xab: {  	s8 =	simm.s32 $0x27A0;
	s1 =	simm.s32 $0x2710;
	v3 =	vmul.u32 $0x2710, v3;
	v6 =	vmul.u32 $0x2710, v6;
	v7 =	vmul.u32 $0x2710, v7;
	[tilespmem:s31+$0x0] =	vst v8;
	v8 =	vld [tilespmem:s0+$0xFFFFFFF0]  }
.LBB2_12:
0xac: {  	v9 =	vld [tilespmem:s8+$0x0];
	s1 =	sadd.s32 $0x50, s1;
	v2 =	vmul.u32 $0x2710, v2  }
0xad: {  	s0 =	sadd.s32 $0x50, s0;
	v10 =	vld [tilespmem:s8+$0xFFFFFFD0];
	p0 =	slt.u32 s1, $0x2E90  }
0xae: {  	v11 =	vld [tilespmem:s0+$0x0];
	v1 =	vadd.s32 v1, v2;
	v2 =	vadd.s32 v4, v3  }
0xaf: {  	v12 =	vld [tilespmem:s8+$0xFFFFFFE0];
	[tilespmem:s31+$0xFFFFFFC0] =	vst v1;
	v1 =	vadd.s32 v5, v6  }
0xb0: {  	v13 =	vld [tilespmem:s8+$0xFFFFFFF0];
	[tilespmem:s31+$0xFFFFFFD0] =	vst v2;
	v4 =	vadd.s32 v8, v7  }
.Ltmp5:
0xb1: {  	v2 =	vld [tilespmem:s8+$0xFFFFFFC0];
	v5 =	vmul.u32 $0x2710, v9;
	[tilespmem:s31+$0xFFFFFFE0] =	vst v1;
	(pc) =	sbr.rel @p0 .LBB2_12-.Ltmp5, $4  }
0xb2: {  	v1 =	vld [tilespmem:s0+$0xFFFFFFC0];
	v3 =	vmul.u32 $0x2710, v10;
	[tilespmem:s31+$0xFFFFFFF0] =	vst v4;
	s31 =	smov.u32 s8  }
0xb3: {  	v4 =	vld [tilespmem:s0+$0xFFFFFFD0];
	v7 =	vadd.s32 v11, v5  }
0xb4: {  	v6 =	vmul.u32 $0x2710, v12;
	v5 =	vld [tilespmem:s0+$0xFFFFFFE0];
	[tilespmem:s8+$0x0] =	vst v7  }
0xb5: {  	s8 =	sadd.s32 $0x50, s8;
	v7 =	vmul.u32 $0x2710, v13;
	v8 =	vld [tilespmem:s0+$0xFFFFFFF0]  }
0xb6: {  	v2 =	vmul.u32 $0x2710, v2;
	_ =	sdelay $0x1  }
0xb7: {  	v1 =	vadd.s32 v1, v2  }
0xb8: {  	v2 =	vadd.s32 v4, v3;
	[tilespmem:s31+$0xFFFFFFC0] =	vst v1  }
0xb9: {  	v1 =	vadd.s32 v5, v6;
	[tilespmem:s31+$0xFFFFFFD0] =	vst v2  }
0xba: {  	v2 =	vadd.s32 v8, v7;
	[tilespmem:s31+$0xFFFFFFE0] =	vst v1  }
0xbb: {  	s0 =	simm.s32 $0x2710;
	s1 =	simm.s32 $0x16010;
	[tilespmem:s31+$0xFFFFFFF0] =	vst v2;
	s31 =	simm.s32 $0x2F20  }
0xbc: {  	[tilespmem:s1], [sflag:$0x1] =	stream.indirect.gather [hbm4b:s3+s10], $0x1, s0, s10, $0xb8;
	[tilespmem:$0x1D600] =	vst v63  }
0xbd: {  	v1 =	vld [tilespmem:s31+$0x0]  }
0xbe: {  	s0 =	simm.s32 $0xCBA0;
	v3 =	vld [tilespmem:s31+$0xFFFFFFD0]  }
0xbf: {  	v5 =	vld [tilespmem:s0+$0x0]  }
0xc0: {  	v6 =	vld [tilespmem:s31+$0xFFFFFFE0]  }
0xc1: {  	v7 =	vld [tilespmem:s31+$0xFFFFFFF0]  }
0xc2: {  	v2 =	vld [tilespmem:s31+$0xFFFFFFC0]  }
0xc3: {  	v4 =	vld [tilespmem:s0+$0xFFFFFFD0];
	v8 =	vmul.u32 $0x2710, v1  }
0xc4: {  	v1 =	vld [tilespmem:s0+$0xFFFFFFC0]  }
0xc5: {  	v8 =	vadd.s32 v5, v8;
	v5 =	vld [tilespmem:s0+$0xFFFFFFE0]  }
0xc6: {  	s8 =	simm.s32 $0x2F70;
	s1 =	simm.s32 $0x2EE0;
	v3 =	vmul.u32 $0x2710, v3;
	v6 =	vmul.u32 $0x2710, v6;
	v7 =	vmul.u32 $0x2710, v7;
	[tilespmem:s31+$0x0] =	vst v8;
	v8 =	vld [tilespmem:s0+$0xFFFFFFF0]  }
.LBB2_14:
0xc7: {  	v9 =	vld [tilespmem:s8+$0x0];
	s1 =	sadd.s32 $0x50, s1;
	v2 =	vmul.u32 $0x2710, v2  }
0xc8: {  	s0 =	sadd.s32 $0x50, s0;
	v10 =	vld [tilespmem:s8+$0xFFFFFFD0];
	p0 =	slt.u32 s1, $0x3660  }
0xc9: {  	v11 =	vld [tilespmem:s0+$0x0];
	v1 =	vadd.s32 v1, v2;
	v2 =	vadd.s32 v4, v3  }
0xca: {  	v12 =	vld [tilespmem:s8+$0xFFFFFFE0];
	[tilespmem:s31+$0xFFFFFFC0] =	vst v1;
	v1 =	vadd.s32 v5, v6  }
0xcb: {  	v13 =	vld [tilespmem:s8+$0xFFFFFFF0];
	[tilespmem:s31+$0xFFFFFFD0] =	vst v2;
	v4 =	vadd.s32 v8, v7  }
.Ltmp6:
0xcc: {  	v2 =	vld [tilespmem:s8+$0xFFFFFFC0];
	v5 =	vmul.u32 $0x2710, v9;
	[tilespmem:s31+$0xFFFFFFE0] =	vst v1;
	(pc) =	sbr.rel @p0 .LBB2_14-.Ltmp6, $4  }
0xcd: {  	v1 =	vld [tilespmem:s0+$0xFFFFFFC0];
	v3 =	vmul.u32 $0x2710, v10;
	[tilespmem:s31+$0xFFFFFFF0] =	vst v4;
	s31 =	smov.u32 s8  }
0xce: {  	v4 =	vld [tilespmem:s0+$0xFFFFFFD0];
	v7 =	vadd.s32 v11, v5  }
0xcf: {  	v6 =	vmul.u32 $0x2710, v12;
	v5 =	vld [tilespmem:s0+$0xFFFFFFE0];
	[tilespmem:s8+$0x0] =	vst v7  }
0xd0: {  	s8 =	sadd.s32 $0x50, s8;
	v7 =	vmul.u32 $0x2710, v13;
	v8 =	vld [tilespmem:s0+$0xFFFFFFF0]  }
0xd1: {  	v2 =	vmul.u32 $0x2710, v2;
	_ =	sdelay $0x1  }
0xd2: {  	v1 =	vadd.s32 v1, v2  }
0xd3: {  	v2 =	vadd.s32 v4, v3;
	[tilespmem:s31+$0xFFFFFFC0] =	vst v1  }
0xd4: {  	v1 =	vadd.s32 v5, v6;
	[tilespmem:s31+$0xFFFFFFD0] =	vst v2  }
0xd5: {  	v2 =	vadd.s32 v8, v7;
	[tilespmem:s31+$0xFFFFFFE0] =	vst v1  }
0xd6: {  	s0 =	simm.s32 $0x2EE0;
	s1 =	simm.s32 $0x167E0;
	[tilespmem:s31+$0xFFFFFFF0] =	vst v2;
	s31 =	simm.s32 $0x36F0  }
0xd7: {  	[tilespmem:s1], [sflag:$0x1] =	stream.indirect.gather [hbm4b:s3+s10], $0x1, s0, s10, $0xb8;
	[tilespmem:$0x1D600] =	vst v63  }
0xd8: {  	v1 =	vld [tilespmem:s31+$0x0]  }
0xd9: {  	s0 =	simm.s32 $0xD370;
	v3 =	vld [tilespmem:s31+$0xFFFFFFD0]  }
0xda: {  	v5 =	vld [tilespmem:s0+$0x0]  }
0xdb: {  	v6 =	vld [tilespmem:s31+$0xFFFFFFE0]  }
0xdc: {  	v7 =	vld [tilespmem:s31+$0xFFFFFFF0]  }
0xdd: {  	v2 =	vld [tilespmem:s31+$0xFFFFFFC0]  }
0xde: {  	v4 =	vld [tilespmem:s0+$0xFFFFFFD0];
	v8 =	vmul.u32 $0x2710, v1  }
0xdf: {  	v1 =	vld [tilespmem:s0+$0xFFFFFFC0]  }
0xe0: {  	v8 =	vadd.s32 v5, v8;
	v5 =	vld [tilespmem:s0+$0xFFFFFFE0]  }
0xe1: {  	s8 =	simm.s32 $0x3740;
	s1 =	simm.s32 $0x36B0;
	v3 =	vmul.u32 $0x2710, v3;
	v6 =	vmul.u32 $0x2710, v6;
	v7 =	vmul.u32 $0x2710, v7;
	[tilespmem:s31+$0x0] =	vst v8;
	v8 =	vld [tilespmem:s0+$0xFFFFFFF0]  }
.LBB2_16:
0xe2: {  	v9 =	vld [tilespmem:s8+$0x0];
	s1 =	sadd.s32 $0x50, s1;
	v2 =	vmul.u32 $0x2710, v2  }
0xe3: {  	s0 =	sadd.s32 $0x50, s0;
	v10 =	vld [tilespmem:s8+$0xFFFFFFD0];
	p0 =	slt.u32 s1, $0x3E30  }
0xe4: {  	v11 =	vld [tilespmem:s0+$0x0];
	v1 =	vadd.s32 v1, v2;
	v2 =	vadd.s32 v4, v3  }
0xe5: {  	v12 =	vld [tilespmem:s8+$0xFFFFFFE0];
	[tilespmem:s31+$0xFFFFFFC0] =	vst v1;
	v1 =	vadd.s32 v5, v6  }
0xe6: {  	v13 =	vld [tilespmem:s8+$0xFFFFFFF0];
	[tilespmem:s31+$0xFFFFFFD0] =	vst v2;
	v4 =	vadd.s32 v8, v7  }
.Ltmp7:
0xe7: {  	v2 =	vld [tilespmem:s8+$0xFFFFFFC0];
	v5 =	vmul.u32 $0x2710, v9;
	[tilespmem:s31+$0xFFFFFFE0] =	vst v1;
	(pc) =	sbr.rel @p0 .LBB2_16-.Ltmp7, $4  }
0xe8: {  	v1 =	vld [tilespmem:s0+$0xFFFFFFC0];
	v3 =	vmul.u32 $0x2710, v10;
	[tilespmem:s31+$0xFFFFFFF0] =	vst v4;
	s31 =	smov.u32 s8  }
0xe9: {  	v4 =	vld [tilespmem:s0+$0xFFFFFFD0];
	v7 =	vadd.s32 v11, v5  }
0xea: {  	v6 =	vmul.u32 $0x2710, v12;
	v5 =	vld [tilespmem:s0+$0xFFFFFFE0];
	[tilespmem:s8+$0x0] =	vst v7  }
0xeb: {  	s8 =	sadd.s32 $0x50, s8;
	v7 =	vmul.u32 $0x2710, v13;
	v8 =	vld [tilespmem:s0+$0xFFFFFFF0]  }
0xec: {  	v2 =	vmul.u32 $0x2710, v2;
	_ =	sdelay $0x1  }
0xed: {  	v1 =	vadd.s32 v1, v2  }
0xee: {  	v2 =	vadd.s32 v4, v3;
	[tilespmem:s31+$0xFFFFFFC0] =	vst v1  }
0xef: {  	v1 =	vadd.s32 v5, v6;
	[tilespmem:s31+$0xFFFFFFD0] =	vst v2  }
0xf0: {  	v2 =	vadd.s32 v8, v7;
	[tilespmem:s31+$0xFFFFFFE0] =	vst v1  }
0xf1: {  	s0 =	simm.s32 $0x36B0;
	s1 =	simm.s32 $0x16FB0;
	[tilespmem:s31+$0xFFFFFFF0] =	vst v2;
	s31 =	simm.s32 $0x3EC0  }
0xf2: {  	[tilespmem:s1], [sflag:$0x1] =	stream.indirect.gather [hbm4b:s3+s10], $0x1, s0, s10, $0xb8;
	[tilespmem:$0x1D600] =	vst v63  }
0xf3: {  	v1 =	vld [tilespmem:s31+$0x0]  }
0xf4: {  	s0 =	simm.s32 $0xDB40;
	v3 =	vld [tilespmem:s31+$0xFFFFFFD0]  }
0xf5: {  	v5 =	vld [tilespmem:s0+$0x0]  }
0xf6: {  	v6 =	vld [tilespmem:s31+$0xFFFFFFE0]  }
0xf7: {  	v7 =	vld [tilespmem:s31+$0xFFFFFFF0]  }
0xf8: {  	v2 =	vld [tilespmem:s31+$0xFFFFFFC0]  }
0xf9: {  	v4 =	vld [tilespmem:s0+$0xFFFFFFD0];
	v8 =	vmul.u32 $0x2710, v1  }
0xfa: {  	v1 =	vld [tilespmem:s0+$0xFFFFFFC0]  }
0xfb: {  	v8 =	vadd.s32 v5, v8;
	v5 =	vld [tilespmem:s0+$0xFFFFFFE0]  }
0xfc: {  	s8 =	simm.s32 $0x3F10;
	s1 =	simm.s32 $0x3E80;
	v3 =	vmul.u32 $0x2710, v3;
	v6 =	vmul.u32 $0x2710, v6;
	v7 =	vmul.u32 $0x2710, v7;
	[tilespmem:s31+$0x0] =	vst v8;
	v8 =	vld [tilespmem:s0+$0xFFFFFFF0]  }
.LBB2_18:
0xfd: {  	v9 =	vld [tilespmem:s8+$0x0];
	s1 =	sadd.s32 $0x50, s1;
	v2 =	vmul.u32 $0x2710, v2  }
0xfe: {  	s0 =	sadd.s32 $0x50, s0;
	v10 =	vld [tilespmem:s8+$0xFFFFFFD0];
	p0 =	slt.u32 s1, $0x4600  }
0xff: {  	v11 =	vld [tilespmem:s0+$0x0];
	v1 =	vadd.s32 v1, v2;
	v2 =	vadd.s32 v4, v3  }
0x100: {  	v12 =	vld [tilespmem:s8+$0xFFFFFFE0];
	[tilespmem:s31+$0xFFFFFFC0] =	vst v1;
	v1 =	vadd.s32 v5, v6  }
0x101: {  	v13 =	vld [tilespmem:s8+$0xFFFFFFF0];
	[tilespmem:s31+$0xFFFFFFD0] =	vst v2;
	v4 =	vadd.s32 v8, v7  }
.Ltmp8:
0x102: {  	v2 =	vld [tilespmem:s8+$0xFFFFFFC0];
	v5 =	vmul.u32 $0x2710, v9;
	[tilespmem:s31+$0xFFFFFFE0] =	vst v1;
	(pc) =	sbr.rel @p0 .LBB2_18-.Ltmp8, $4  }
0x103: {  	v1 =	vld [tilespmem:s0+$0xFFFFFFC0];
	v3 =	vmul.u32 $0x2710, v10;
	[tilespmem:s31+$0xFFFFFFF0] =	vst v4;
	s31 =	smov.u32 s8  }
0x104: {  	v4 =	vld [tilespmem:s0+$0xFFFFFFD0];
	v7 =	vadd.s32 v11, v5  }
0x105: {  	v6 =	vmul.u32 $0x2710, v12;
	v5 =	vld [tilespmem:s0+$0xFFFFFFE0];
	[tilespmem:s8+$0x0] =	vst v7  }
0x106: {  	s8 =	sadd.s32 $0x50, s8;
	v7 =	vmul.u32 $0x2710, v13;
	v8 =	vld [tilespmem:s0+$0xFFFFFFF0]  }
0x107: {  	v2 =	vmul.u32 $0x2710, v2;
	_ =	sdelay $0x1  }
0x108: {  	v1 =	vadd.s32 v1, v2  }
0x109: {  	v2 =	vadd.s32 v4, v3;
	[tilespmem:s31+$0xFFFFFFC0] =	vst v1  }
0x10a: {  	v1 =	vadd.s32 v5, v6;
	[tilespmem:s31+$0xFFFFFFD0] =	vst v2  }
0x10b: {  	v2 =	vadd.s32 v8, v7;
	[tilespmem:s31+$0xFFFFFFE0] =	vst v1  }
0x10c: {  	s0 =	simm.s32 $0x3E80;
	s1 =	simm.s32 $0x17780;
	[tilespmem:s31+$0xFFFFFFF0] =	vst v2;
	s31 =	simm.s32 $0x0  }
0x10d: {  	[tilespmem:s1], [sflag:$0x1] =	stream.indirect.gather [hbm4b:s3+s10], $0x1, s0, s10, $0xb8;
	[tilespmem:$0x1D600] =	vst v63  }
0x10e: {  	v3 =	vld [tilespmem:s31+$0x4690]  }
0x10f: {  	v4 =	vld [tilespmem:s31+$0x4650]  }
0x110: {  	v6 =	vld [tilespmem:s31+$0xE310]  }
0x111: {  	v7 =	vld [tilespmem:s31+$0x4660]  }
0x112: {  	v2 =	vld [tilespmem:s31+$0x4670]  }
0x113: {  	v1 =	vld [tilespmem:s31+$0x4680];
	v8 =	vmul.u32 $0x2710, v3  }
0x114: {  	v5 =	vld [tilespmem:s31+$0xE2D0]  }
0x115: {  	v3 =	vld [tilespmem:s31+$0xE2E0];
	v8 =	vadd.s32 v6, v8  }
0x116: {  	s0 =	simm.s32 $0x4650;
	s1 =	simm.s32 $0x140;
	v7 =	vmul.u32 $0x2710, v7;
	v6 =	vmul.u32 $0x2710, v4;
	v4 =	vld [tilespmem:s31+$0xE2F0];
	[tilespmem:s31+$0x4690] =	vst v8  }
.LBB2_20:
0x117: {  	s8 =	sshra.s32 s1, $0x2;
	s0 =	sadd.s32 $0x50, s0;
	v2 =	vmul.u32 $0x2710, v2;
	v8 =	vld [tilespmem:s31+$0xE300]  }
0x118: {  	v9 =	vld [tilespmem:s8+$0x4690];
	p0 =	slt.u32 s0, $0x4DD0;
	v1 =	vmul.u32 $0x2710, v1  }
0x119: {  	v10 =	vld [tilespmem:s8+$0x4650];
	v5 =	vadd.s32 v5, v6  }
0x11a: {  	v11 =	vld [tilespmem:s8+$0xE310];
	[tilespmem:s31+$0x4650] =	vst v5;
	v3 =	vadd.s32 v3, v7  }
0x11b: {  	v7 =	vld [tilespmem:s8+$0x4660];
	[tilespmem:s31+$0x4660] =	vst v3;
	v3 =	vadd.s32 v4, v2  }
.Ltmp9:
0x11c: {  	v2 =	vld [tilespmem:s8+$0x4670];
	[tilespmem:s31+$0x4670] =	vst v3;
	v3 =	vadd.s32 v8, v1;
	(pc) =	sbr.rel @p0 .LBB2_20-.Ltmp9, $4  }
0x11d: {  	v1 =	vld [tilespmem:s8+$0x4680];
	v4 =	vmul.u32 $0x2710, v9;
	[tilespmem:s31+$0x4680] =	vst v3;
	s31 =	smov.u32 s8  }
0x11e: {  	v6 =	vmul.u32 $0x2710, v10;
	v5 =	vld [tilespmem:s31+$0xE2D0]  }
0x11f: {  	v3 =	vld [tilespmem:s31+$0xE2E0];
	v8 =	vadd.s32 v11, v4  }
0x120: {  	s1 =	sadd.s32 $0x140, s1;
	v7 =	vmul.u32 $0x2710, v7;
	v4 =	vld [tilespmem:s31+$0xE2F0];
	[tilespmem:s31+$0x4690] =	vst v8  }
0x121: {  	v8 =	vld [tilespmem:s31+$0xE300];
	_ =	sdelay $0x1  }
0x122: {  	v2 =	vmul.u32 $0x2710, v2;
	v5 =	vadd.s32 v5, v6  }
0x123: {  	v1 =	vmul.u32 $0x2710, v1;
	[tilespmem:s31+$0x4650] =	vst v5;
	v3 =	vadd.s32 v3, v7  }
0x124: {  	[tilespmem:s31+$0x4660] =	vst v3;
	v2 =	vadd.s32 v4, v2  }
0x125: {  	[tilespmem:s31+$0x4670] =	vst v2;
	v1 =	vadd.s32 v8, v1  }
0x126: {  	s0 =	simm.s32 $0x4650;
	s1 =	simm.s32 $0x17F50;
	[tilespmem:s31+$0x4680] =	vst v1;
	s31 =	simm.s32 $0x0  }
0x127: {  	[tilespmem:s1], [sflag:$0x1] =	stream.indirect.gather [hbm4b:s3+s10], $0x1, s0, s10, $0xb8;
	[tilespmem:$0x1D600] =	vst v63  }
0x128: {  	v3 =	vld [tilespmem:s31+$0x4E60]  }
0x129: {  	v4 =	vld [tilespmem:s31+$0x4E20]  }
0x12a: {  	v6 =	vld [tilespmem:s31+$0xEAE0]  }
0x12b: {  	v7 =	vld [tilespmem:s31+$0x4E30]  }
0x12c: {  	v2 =	vld [tilespmem:s31+$0x4E40]  }
0x12d: {  	v1 =	vld [tilespmem:s31+$0x4E50];
	v8 =	vmul.u32 $0x2710, v3  }
0x12e: {  	v5 =	vld [tilespmem:s31+$0xEAA0]  }
0x12f: {  	v3 =	vld [tilespmem:s31+$0xEAB0];
	v8 =	vadd.s32 v6, v8  }
0x130: {  	s0 =	simm.s32 $0x4E20;
	s1 =	simm.s32 $0x140;
	v7 =	vmul.u32 $0x2710, v7;
	v6 =	vmul.u32 $0x2710, v4;
	v4 =	vld [tilespmem:s31+$0xEAC0];
	[tilespmem:s31+$0x4E60] =	vst v8  }
.LBB2_22:
0x131: {  	s8 =	sshra.s32 s1, $0x2;
	s0 =	sadd.s32 $0x50, s0;
	v2 =	vmul.u32 $0x2710, v2;
	v8 =	vld [tilespmem:s31+$0xEAD0]  }
0x132: {  	v9 =	vld [tilespmem:s8+$0x4E60];
	p0 =	slt.u32 s0, $0x55A0;
	v1 =	vmul.u32 $0x2710, v1  }
0x133: {  	v10 =	vld [tilespmem:s8+$0x4E20];
	v5 =	vadd.s32 v5, v6  }
0x134: {  	v11 =	vld [tilespmem:s8+$0xEAE0];
	[tilespmem:s31+$0x4E20] =	vst v5;
	v3 =	vadd.s32 v3, v7  }
0x135: {  	v7 =	vld [tilespmem:s8+$0x4E30];
	[tilespmem:s31+$0x4E30] =	vst v3;
	v3 =	vadd.s32 v4, v2  }
.Ltmp10:
0x136: {  	v2 =	vld [tilespmem:s8+$0x4E40];
	[tilespmem:s31+$0x4E40] =	vst v3;
	v3 =	vadd.s32 v8, v1;
	(pc) =	sbr.rel @p0 .LBB2_22-.Ltmp10, $4  }
0x137: {  	v1 =	vld [tilespmem:s8+$0x4E50];
	v4 =	vmul.u32 $0x2710, v9;
	[tilespmem:s31+$0x4E50] =	vst v3;
	s31 =	smov.u32 s8  }
0x138: {  	v6 =	vmul.u32 $0x2710, v10;
	v5 =	vld [tilespmem:s31+$0xEAA0]  }
0x139: {  	v3 =	vld [tilespmem:s31+$0xEAB0];
	v8 =	vadd.s32 v11, v4  }
0x13a: {  	s1 =	sadd.s32 $0x140, s1;
	v7 =	vmul.u32 $0x2710, v7;
	v4 =	vld [tilespmem:s31+$0xEAC0];
	[tilespmem:s31+$0x4E60] =	vst v8  }
0x13b: {  	v8 =	vld [tilespmem:s31+$0xEAD0];
	_ =	sdelay $0x1  }
0x13c: {  	v2 =	vmul.u32 $0x2710, v2;
	v5 =	vadd.s32 v5, v6  }
0x13d: {  	v1 =	vmul.u32 $0x2710, v1;
	[tilespmem:s31+$0x4E20] =	vst v5;
	v3 =	vadd.s32 v3, v7  }
0x13e: {  	[tilespmem:s31+$0x4E30] =	vst v3;
	v2 =	vadd.s32 v4, v2  }
0x13f: {  	[tilespmem:s31+$0x4E40] =	vst v2;
	v1 =	vadd.s32 v8, v1  }
0x140: {  	s0 =	simm.s32 $0x4E20;
	s1 =	simm.s32 $0x18720;
	[tilespmem:s31+$0x4E50] =	vst v1;
	s31 =	simm.s32 $0x0  }
0x141: {  	[tilespmem:s1], [sflag:$0x1] =	stream.indirect.gather [hbm4b:s3+s10], $0x1, s0, s10, $0xb8;
	[tilespmem:$0x1D600] =	vst v63  }
0x142: {  	v3 =	vld [tilespmem:s31+$0x5630]  }
0x143: {  	v4 =	vld [tilespmem:s31+$0x55F0]  }
0x144: {  	v6 =	vld [tilespmem:s31+$0xF2B0]  }
0x145: {  	v7 =	vld [tilespmem:s31+$0x5600]  }
0x146: {  	v2 =	vld [tilespmem:s31+$0x5610]  }
0x147: {  	v1 =	vld [tilespmem:s31+$0x5620];
	v8 =	vmul.u32 $0x2710, v3  }
0x148: {  	v5 =	vld [tilespmem:s31+$0xF270]  }
0x149: {  	v3 =	vld [tilespmem:s31+$0xF280];
	v8 =	vadd.s32 v6, v8  }
0x14a: {  	s0 =	simm.s32 $0x55F0;
	s1 =	simm.s32 $0x140;
	v7 =	vmul.u32 $0x2710, v7;
	v6 =	vmul.u32 $0x2710, v4;
	v4 =	vld [tilespmem:s31+$0xF290];
	[tilespmem:s31+$0x5630] =	vst v8  }
.LBB2_24:
0x14b: {  	s8 =	sshra.s32 s1, $0x2;
	s0 =	sadd.s32 $0x50, s0;
	v2 =	vmul.u32 $0x2710, v2;
	v8 =	vld [tilespmem:s31+$0xF2A0]  }
0x14c: {  	v9 =	vld [tilespmem:s8+$0x5630];
	p0 =	slt.u32 s0, $0x5D70;
	v1 =	vmul.u32 $0x2710, v1  }
0x14d: {  	v10 =	vld [tilespmem:s8+$0x55F0];
	v5 =	vadd.s32 v5, v6  }
0x14e: {  	v11 =	vld [tilespmem:s8+$0xF2B0];
	[tilespmem:s31+$0x55F0] =	vst v5;
	v3 =	vadd.s32 v3, v7  }
0x14f: {  	v7 =	vld [tilespmem:s8+$0x5600];
	[tilespmem:s31+$0x5600] =	vst v3;
	v3 =	vadd.s32 v4, v2  }
.Ltmp11:
0x150: {  	v2 =	vld [tilespmem:s8+$0x5610];
	[tilespmem:s31+$0x5610] =	vst v3;
	v3 =	vadd.s32 v8, v1;
	(pc) =	sbr.rel @p0 .LBB2_24-.Ltmp11, $4  }
0x151: {  	v1 =	vld [tilespmem:s8+$0x5620];
	v4 =	vmul.u32 $0x2710, v9;
	[tilespmem:s31+$0x5620] =	vst v3;
	s31 =	smov.u32 s8  }
0x152: {  	v6 =	vmul.u32 $0x2710, v10;
	v5 =	vld [tilespmem:s31+$0xF270]  }
0x153: {  	v3 =	vld [tilespmem:s31+$0xF280];
	v8 =	vadd.s32 v11, v4  }
0x154: {  	s1 =	sadd.s32 $0x140, s1;
	v7 =	vmul.u32 $0x2710, v7;
	v4 =	vld [tilespmem:s31+$0xF290];
	[tilespmem:s31+$0x5630] =	vst v8  }
0x155: {  	v8 =	vld [tilespmem:s31+$0xF2A0];
	_ =	sdelay $0x1  }
0x156: {  	v2 =	vmul.u32 $0x2710, v2;
	v5 =	vadd.s32 v5, v6  }
0x157: {  	v1 =	vmul.u32 $0x2710, v1;
	[tilespmem:s31+$0x55F0] =	vst v5;
	v3 =	vadd.s32 v3, v7  }
0x158: {  	[tilespmem:s31+$0x5600] =	vst v3;
	v2 =	vadd.s32 v4, v2  }
0x159: {  	[tilespmem:s31+$0x5610] =	vst v2;
	v1 =	vadd.s32 v8, v1  }
0x15a: {  	s0 =	simm.s32 $0x55F0;
	s1 =	simm.s32 $0x18EF0;
	[tilespmem:s31+$0x5620] =	vst v1;
	s31 =	simm.s32 $0x0  }
0x15b: {  	[tilespmem:s1], [sflag:$0x1] =	stream.indirect.gather [hbm4b:s3+s10], $0x1, s0, s10, $0xb8;
	[tilespmem:$0x1D600] =	vst v63  }
0x15c: {  	v3 =	vld [tilespmem:s31+$0x5E00]  }
0x15d: {  	v4 =	vld [tilespmem:s31+$0x5DC0]  }
0x15e: {  	v6 =	vld [tilespmem:s31+$0xFA80]  }
0x15f: {  	v7 =	vld [tilespmem:s31+$0x5DD0]  }
0x160: {  	v2 =	vld [tilespmem:s31+$0x5DE0]  }
0x161: {  	v1 =	vld [tilespmem:s31+$0x5DF0];
	v8 =	vmul.u32 $0x2710, v3  }
0x162: {  	v5 =	vld [tilespmem:s31+$0xFA40]  }
0x163: {  	v3 =	vld [tilespmem:s31+$0xFA50];
	v8 =	vadd.s32 v6, v8  }
0x164: {  	s0 =	simm.s32 $0x5DC0;
	s1 =	simm.s32 $0x140;
	v7 =	vmul.u32 $0x2710, v7;
	v6 =	vmul.u32 $0x2710, v4;
	v4 =	vld [tilespmem:s31+$0xFA60];
	[tilespmem:s31+$0x5E00] =	vst v8  }
.LBB2_26:
0x165: {  	s8 =	sshra.s32 s1, $0x2;
	s0 =	sadd.s32 $0x50, s0;
	v2 =	vmul.u32 $0x2710, v2;
	v8 =	vld [tilespmem:s31+$0xFA70]  }
0x166: {  	v9 =	vld [tilespmem:s8+$0x5E00];
	p0 =	slt.u32 s0, $0x6540;
	v1 =	vmul.u32 $0x2710, v1  }
0x167: {  	v10 =	vld [tilespmem:s8+$0x5DC0];
	v5 =	vadd.s32 v5, v6  }
0x168: {  	v11 =	vld [tilespmem:s8+$0xFA80];
	[tilespmem:s31+$0x5DC0] =	vst v5;
	v3 =	vadd.s32 v3, v7  }
0x169: {  	v7 =	vld [tilespmem:s8+$0x5DD0];
	[tilespmem:s31+$0x5DD0] =	vst v3;
	v3 =	vadd.s32 v4, v2  }
.Ltmp12:
0x16a: {  	v2 =	vld [tilespmem:s8+$0x5DE0];
	[tilespmem:s31+$0x5DE0] =	vst v3;
	v3 =	vadd.s32 v8, v1;
	(pc) =	sbr.rel @p0 .LBB2_26-.Ltmp12, $4  }
0x16b: {  	v1 =	vld [tilespmem:s8+$0x5DF0];
	v4 =	vmul.u32 $0x2710, v9;
	[tilespmem:s31+$0x5DF0] =	vst v3;
	s31 =	smov.u32 s8  }
0x16c: {  	v6 =	vmul.u32 $0x2710, v10;
	v5 =	vld [tilespmem:s31+$0xFA40]  }
0x16d: {  	v3 =	vld [tilespmem:s31+$0xFA50];
	v8 =	vadd.s32 v11, v4  }
0x16e: {  	s1 =	sadd.s32 $0x140, s1;
	v7 =	vmul.u32 $0x2710, v7;
	v4 =	vld [tilespmem:s31+$0xFA60];
	[tilespmem:s31+$0x5E00] =	vst v8  }
0x16f: {  	v8 =	vld [tilespmem:s31+$0xFA70];
	_ =	sdelay $0x1  }
0x170: {  	v2 =	vmul.u32 $0x2710, v2;
	v5 =	vadd.s32 v5, v6  }
0x171: {  	v1 =	vmul.u32 $0x2710, v1;
	[tilespmem:s31+$0x5DC0] =	vst v5;
	v3 =	vadd.s32 v3, v7  }
0x172: {  	[tilespmem:s31+$0x5DD0] =	vst v3;
	v2 =	vadd.s32 v4, v2  }
0x173: {  	[tilespmem:s31+$0x5DE0] =	vst v2;
	v1 =	vadd.s32 v8, v1  }
0x174: {  	s0 =	simm.s32 $0x5DC0;
	[tilespmem:s31+$0x5DF0] =	vst v1;
	s31 =	simm.s32 $0x0  }
0x175: {  	[tilespmem:s11], [sflag:$0x1] =	stream.indirect.gather [hbm4b:s3+s10], $0x1, s0, s10, $0xb8;
	[tilespmem:$0x1D600] =	vst v63  }
0x176: {  	v3 =	vld [tilespmem:s31+$0x65D0]  }
0x177: {  	v4 =	vld [tilespmem:s31+$0x6590]  }
0x178: {  	v6 =	vld [tilespmem:s31+$0x10250]  }
0x179: {  	v7 =	vld [tilespmem:s31+$0x65A0]  }
0x17a: {  	v2 =	vld [tilespmem:s31+$0x65B0]  }
0x17b: {  	v1 =	vld [tilespmem:s31+$0x65C0];
	v8 =	vmul.u32 $0x2710, v3  }
0x17c: {  	v5 =	vld [tilespmem:s31+$0x10210]  }
0x17d: {  	v3 =	vld [tilespmem:s31+$0x10220];
	v8 =	vadd.s32 v6, v8  }
0x17e: {  	s1 =	simm.s32 $0x140;
	s0 =	simm.s32 $0x6590;
	v7 =	vmul.u32 $0x2710, v7;
	v6 =	vmul.u32 $0x2710, v4;
	v4 =	vld [tilespmem:s31+$0x10230];
	[tilespmem:s31+$0x65D0] =	vst v8  }
.LBB2_28:
0x17f: {  	s8 =	sshra.s32 s1, $0x2;
	s0 =	sadd.s32 $0x50, s0;
	v2 =	vmul.u32 $0x2710, v2;
	v8 =	vld [tilespmem:s31+$0x10240]  }
0x180: {  	v9 =	vld [tilespmem:s8+$0x65D0];
	p0 =	slt.u32 s0, $0x6D10;
	v1 =	vmul.u32 $0x2710, v1  }
0x181: {  	v10 =	vld [tilespmem:s8+$0x6590];
	v5 =	vadd.s32 v5, v6  }
0x182: {  	v11 =	vld [tilespmem:s8+$0x10250];
	[tilespmem:s31+$0x6590] =	vst v5;
	v3 =	vadd.s32 v3, v7  }
0x183: {  	v7 =	vld [tilespmem:s8+$0x65A0];
	[tilespmem:s31+$0x65A0] =	vst v3;
	v3 =	vadd.s32 v4, v2  }
.Ltmp13:
0x184: {  	v2 =	vld [tilespmem:s8+$0x65B0];
	[tilespmem:s31+$0x65B0] =	vst v3;
	v3 =	vadd.s32 v8, v1;
	(pc) =	sbr.rel @p0 .LBB2_28-.Ltmp13, $4  }
0x185: {  	v1 =	vld [tilespmem:s8+$0x65C0];
	v4 =	vmul.u32 $0x2710, v9;
	[tilespmem:s31+$0x65C0] =	vst v3;
	s31 =	smov.u32 s8  }
0x186: {  	v6 =	vmul.u32 $0x2710, v10;
	v5 =	vld [tilespmem:s31+$0x10210]  }
0x187: {  	v3 =	vld [tilespmem:s31+$0x10220];
	v8 =	vadd.s32 v11, v4  }
0x188: {  	s1 =	sadd.s32 $0x140, s1;
	v7 =	vmul.u32 $0x2710, v7;
	v4 =	vld [tilespmem:s31+$0x10230];
	[tilespmem:s31+$0x65D0] =	vst v8  }
0x189: {  	v8 =	vld [tilespmem:s31+$0x10240];
	_ =	sdelay $0x1  }
0x18a: {  	v2 =	vmul.u32 $0x2710, v2;
	v5 =	vadd.s32 v5, v6  }
0x18b: {  	v1 =	vmul.u32 $0x2710, v1;
	[tilespmem:s31+$0x6590] =	vst v5;
	v3 =	vadd.s32 v3, v7  }
0x18c: {  	[tilespmem:s31+$0x65A0] =	vst v3;
	v2 =	vadd.s32 v4, v2  }
0x18d: {  	[tilespmem:s31+$0x65B0] =	vst v2;
	v1 =	vadd.s32 v8, v1  }
0x18e: {  	[tilespmem:s31+$0x65C0] =	vst v1;
	s31 =	simm.s32 $0x0  }
0x18f: {  	[tilespmem:s13], [sflag:$0x1] =	stream.indirect.gather [hbm4b:s3+s10], $0x1, s12, s10, $0xb8;
	[tilespmem:$0x1D600] =	vst v63  }
0x190: {  	v3 =	vld [tilespmem:s31+$0x6DA0]  }
0x191: {  	v4 =	vld [tilespmem:s31+$0x6D60]  }
0x192: {  	v6 =	vld [tilespmem:s31+$0x10A20]  }
0x193: {  	v7 =	vld [tilespmem:s31+$0x6D70]  }
0x194: {  	v2 =	vld [tilespmem:s31+$0x6D80]  }
0x195: {  	v1 =	vld [tilespmem:s31+$0x6D90];
	v8 =	vmul.u32 $0x2710, v3  }
0x196: {  	v5 =	vld [tilespmem:s31+$0x109E0]  }
0x197: {  	v3 =	vld [tilespmem:s31+$0x109F0];
	v8 =	vadd.s32 v6, v8  }
0x198: {  	s0 =	simm.s32 $0x6D60;
	s1 =	simm.s32 $0x140;
	v7 =	vmul.u32 $0x2710, v7;
	v6 =	vmul.u32 $0x2710, v4;
	v4 =	vld [tilespmem:s31+$0x10A00];
	[tilespmem:s31+$0x6DA0] =	vst v8  }
.LBB2_30:
0x199: {  	s8 =	sshra.s32 s1, $0x2;
	s0 =	sadd.s32 $0x50, s0;
	v2 =	vmul.u32 $0x2710, v2;
	v8 =	vld [tilespmem:s31+$0x10A10]  }
0x19a: {  	v9 =	vld [tilespmem:s8+$0x6DA0];
	p0 =	slt.u32 s0, $0x74E0;
	v1 =	vmul.u32 $0x2710, v1  }
0x19b: {  	v10 =	vld [tilespmem:s8+$0x6D60];
	v5 =	vadd.s32 v5, v6  }
0x19c: {  	v11 =	vld [tilespmem:s8+$0x10A20];
	[tilespmem:s31+$0x6D60] =	vst v5;
	v3 =	vadd.s32 v3, v7  }
0x19d: {  	v7 =	vld [tilespmem:s8+$0x6D70];
	[tilespmem:s31+$0x6D70] =	vst v3;
	v3 =	vadd.s32 v4, v2  }
.Ltmp14:
0x19e: {  	v2 =	vld [tilespmem:s8+$0x6D80];
	[tilespmem:s31+$0x6D80] =	vst v3;
	v3 =	vadd.s32 v8, v1;
	(pc) =	sbr.rel @p0 .LBB2_30-.Ltmp14, $4  }
0x19f: {  	v1 =	vld [tilespmem:s8+$0x6D90];
	v4 =	vmul.u32 $0x2710, v9;
	[tilespmem:s31+$0x6D90] =	vst v3;
	s31 =	smov.u32 s8  }
0x1a0: {  	v6 =	vmul.u32 $0x2710, v10;
	v5 =	vld [tilespmem:s31+$0x109E0]  }
0x1a1: {  	v3 =	vld [tilespmem:s31+$0x109F0];
	v8 =	vadd.s32 v11, v4  }
0x1a2: {  	s1 =	sadd.s32 $0x140, s1;
	v7 =	vmul.u32 $0x2710, v7;
	v4 =	vld [tilespmem:s31+$0x10A00];
	[tilespmem:s31+$0x6DA0] =	vst v8  }
0x1a3: {  	v8 =	vld [tilespmem:s31+$0x10A10];
	_ =	sdelay $0x1  }
0x1a4: {  	v2 =	vmul.u32 $0x2710, v2;
	v5 =	vadd.s32 v5, v6  }
0x1a5: {  	v1 =	vmul.u32 $0x2710, v1;
	[tilespmem:s31+$0x6D60] =	vst v5;
	v3 =	vadd.s32 v3, v7  }
0x1a6: {  	[tilespmem:s31+$0x6D70] =	vst v3;
	v2 =	vadd.s32 v4, v2  }
0x1a7: {  	[tilespmem:s31+$0x6D80] =	vst v2;
	v1 =	vadd.s32 v8, v1  }
0x1a8: {  	[tilespmem:s31+$0x6D90] =	vst v1;
	s31 =	simm.s32 $0x0  }
0x1a9: {  	[tilespmem:s15], [sflag:$0x1] =	stream.indirect.gather [hbm4b:s3+s10], $0x1, s14, s10, $0xb8;
	[tilespmem:$0x1D600] =	vst v63  }
0x1aa: {  	v3 =	vld [tilespmem:s31+$0x7570]  }
0x1ab: {  	v4 =	vld [tilespmem:s31+$0x7530]  }
0x1ac: {  	v6 =	vld [tilespmem:s31+$0x111F0]  }
0x1ad: {  	v7 =	vld [tilespmem:s31+$0x7540]  }
0x1ae: {  	v2 =	vld [tilespmem:s31+$0x7550]  }
0x1af: {  	v1 =	vld [tilespmem:s31+$0x7560];
	v8 =	vmul.u32 $0x2710, v3  }
0x1b0: {  	v5 =	vld [tilespmem:s31+$0x111B0]  }
0x1b1: {  	v3 =	vld [tilespmem:s31+$0x111C0];
	v8 =	vadd.s32 v6, v8  }
0x1b2: {  	s0 =	simm.s32 $0x7530;
	s1 =	simm.s32 $0x140;
	v7 =	vmul.u32 $0x2710, v7;
	v6 =	vmul.u32 $0x2710, v4;
	v4 =	vld [tilespmem:s31+$0x111D0];
	[tilespmem:s31+$0x7570] =	vst v8  }
.LBB2_32:
0x1b3: {  	s8 =	sshra.s32 s1, $0x2;
	s0 =	sadd.s32 $0x50, s0;
	v2 =	vmul.u32 $0x2710, v2;
	v8 =	vld [tilespmem:s31+$0x111E0]  }
0x1b4: {  	v9 =	vld [tilespmem:s8+$0x7570];
	p0 =	slt.u32 s0, $0x7CB0;
	v1 =	vmul.u32 $0x2710, v1  }
0x1b5: {  	v10 =	vld [tilespmem:s8+$0x7530];
	v5 =	vadd.s32 v5, v6  }
0x1b6: {  	v11 =	vld [tilespmem:s8+$0x111F0];
	[tilespmem:s31+$0x7530] =	vst v5;
	v3 =	vadd.s32 v3, v7  }
0x1b7: {  	v7 =	vld [tilespmem:s8+$0x7540];
	[tilespmem:s31+$0x7540] =	vst v3;
	v3 =	vadd.s32 v4, v2  }
.Ltmp15:
0x1b8: {  	v2 =	vld [tilespmem:s8+$0x7550];
	[tilespmem:s31+$0x7550] =	vst v3;
	v3 =	vadd.s32 v8, v1;
	(pc) =	sbr.rel @p0 .LBB2_32-.Ltmp15, $4  }
0x1b9: {  	v1 =	vld [tilespmem:s8+$0x7560];
	v4 =	vmul.u32 $0x2710, v9;
	[tilespmem:s31+$0x7560] =	vst v3;
	s31 =	smov.u32 s8  }
0x1ba: {  	v6 =	vmul.u32 $0x2710, v10;
	v5 =	vld [tilespmem:s31+$0x111B0]  }
0x1bb: {  	v3 =	vld [tilespmem:s31+$0x111C0];
	v8 =	vadd.s32 v11, v4  }
0x1bc: {  	s1 =	sadd.s32 $0x140, s1;
	v7 =	vmul.u32 $0x2710, v7;
	v4 =	vld [tilespmem:s31+$0x111D0];
	[tilespmem:s31+$0x7570] =	vst v8  }
0x1bd: {  	v8 =	vld [tilespmem:s31+$0x111E0];
	_ =	sdelay $0x1  }
0x1be: {  	v2 =	vmul.u32 $0x2710, v2;
	v5 =	vadd.s32 v5, v6  }
0x1bf: {  	v1 =	vmul.u32 $0x2710, v1;
	[tilespmem:s31+$0x7530] =	vst v5;
	v3 =	vadd.s32 v3, v7  }
0x1c0: {  	[tilespmem:s31+$0x7540] =	vst v3;
	v2 =	vadd.s32 v4, v2  }
0x1c1: {  	[tilespmem:s31+$0x7550] =	vst v2;
	v1 =	vadd.s32 v8, v1  }
0x1c2: {  	[tilespmem:s31+$0x7560] =	vst v1;
	s31 =	simm.s32 $0x0  }
0x1c3: {  	[tilespmem:s17], [sflag:$0x1] =	stream.indirect.gather [hbm4b:s3+s10], $0x1, s16, s10, $0xb8;
	[tilespmem:$0x1D600] =	vst v63  }
0x1c4: {  	v3 =	vld [tilespmem:s31+$0x7D40]  }
0x1c5: {  	v4 =	vld [tilespmem:s31+$0x7D00]  }
0x1c6: {  	v6 =	vld [tilespmem:s31+$0x119C0]  }
0x1c7: {  	v7 =	vld [tilespmem:s31+$0x7D10]  }
0x1c8: {  	v2 =	vld [tilespmem:s31+$0x7D20]  }
0x1c9: {  	v1 =	vld [tilespmem:s31+$0x7D30];
	v8 =	vmul.u32 $0x2710, v3  }
0x1ca: {  	v5 =	vld [tilespmem:s31+$0x11980]  }
0x1cb: {  	v3 =	vld [tilespmem:s31+$0x11990];
	v8 =	vadd.s32 v6, v8  }
0x1cc: {  	s0 =	simm.s32 $0x7D00;
	s1 =	simm.s32 $0x140;
	v7 =	vmul.u32 $0x2710, v7;
	v6 =	vmul.u32 $0x2710, v4;
	v4 =	vld [tilespmem:s31+$0x119A0];
	[tilespmem:s31+$0x7D40] =	vst v8  }
.LBB2_34:
0x1cd: {  	s8 =	sshra.s32 s1, $0x2;
	s0 =	sadd.s32 $0x50, s0;
	v2 =	vmul.u32 $0x2710, v2;
	v8 =	vld [tilespmem:s31+$0x119B0]  }
0x1ce: {  	v9 =	vld [tilespmem:s8+$0x7D40];
	p0 =	slt.u32 s0, $0x8480;
	v1 =	vmul.u32 $0x2710, v1  }
0x1cf: {  	v10 =	vld [tilespmem:s8+$0x7D00];
	v5 =	vadd.s32 v5, v6  }
0x1d0: {  	v11 =	vld [tilespmem:s8+$0x119C0];
	[tilespmem:s31+$0x7D00] =	vst v5;
	v3 =	vadd.s32 v3, v7  }
0x1d1: {  	v7 =	vld [tilespmem:s8+$0x7D10];
	[tilespmem:s31+$0x7D10] =	vst v3;
	v3 =	vadd.s32 v4, v2  }
.Ltmp16:
0x1d2: {  	v2 =	vld [tilespmem:s8+$0x7D20];
	[tilespmem:s31+$0x7D20] =	vst v3;
	v3 =	vadd.s32 v8, v1;
	(pc) =	sbr.rel @p0 .LBB2_34-.Ltmp16, $4  }
0x1d3: {  	v1 =	vld [tilespmem:s8+$0x7D30];
	v4 =	vmul.u32 $0x2710, v9;
	[tilespmem:s31+$0x7D30] =	vst v3;
	s31 =	smov.u32 s8  }
0x1d4: {  	v6 =	vmul.u32 $0x2710, v10;
	v5 =	vld [tilespmem:s31+$0x11980]  }
0x1d5: {  	v3 =	vld [tilespmem:s31+$0x11990];
	v8 =	vadd.s32 v11, v4  }
0x1d6: {  	s1 =	sadd.s32 $0x140, s1;
	v7 =	vmul.u32 $0x2710, v7;
	v4 =	vld [tilespmem:s31+$0x119A0];
	[tilespmem:s31+$0x7D40] =	vst v8  }
0x1d7: {  	v8 =	vld [tilespmem:s31+$0x119B0];
	_ =	sdelay $0x1  }
0x1d8: {  	v2 =	vmul.u32 $0x2710, v2;
	v5 =	vadd.s32 v5, v6  }
0x1d9: {  	v1 =	vmul.u32 $0x2710, v1;
	[tilespmem:s31+$0x7D00] =	vst v5;
	v3 =	vadd.s32 v3, v7  }
0x1da: {  	[tilespmem:s31+$0x7D10] =	vst v3;
	v2 =	vadd.s32 v4, v2  }
0x1db: {  	[tilespmem:s31+$0x7D20] =	vst v2;
	v1 =	vadd.s32 v8, v1  }
0x1dc: {  	[tilespmem:s31+$0x7D30] =	vst v1;
	s31 =	simm.s32 $0x0  }
0x1dd: {  	[tilespmem:s19], [sflag:$0x1] =	stream.indirect.gather [hbm4b:s3+s10], $0x1, s18, s10, $0xb8;
	[tilespmem:$0x1D600] =	vst v63  }
0x1de: {  	v3 =	vld [tilespmem:s31+$0x8510]  }
0x1df: {  	v4 =	vld [tilespmem:s31+$0x84D0]  }
0x1e0: {  	v6 =	vld [tilespmem:s31+$0x12190]  }
0x1e1: {  	v7 =	vld [tilespmem:s31+$0x84E0]  }
0x1e2: {  	v2 =	vld [tilespmem:s31+$0x84F0]  }
0x1e3: {  	v1 =	vld [tilespmem:s31+$0x8500];
	v8 =	vmul.u32 $0x2710, v3  }
0x1e4: {  	v5 =	vld [tilespmem:s31+$0x12150]  }
0x1e5: {  	v3 =	vld [tilespmem:s31+$0x12160];
	v8 =	vadd.s32 v6, v8  }
0x1e6: {  	s0 =	simm.s32 $0x84D0;
	s1 =	simm.s32 $0x140;
	v7 =	vmul.u32 $0x2710, v7;
	v6 =	vmul.u32 $0x2710, v4;
	v4 =	vld [tilespmem:s31+$0x12170];
	[tilespmem:s31+$0x8510] =	vst v8  }
.LBB2_36:
0x1e7: {  	s8 =	sshra.s32 s1, $0x2;
	s0 =	sadd.s32 $0x50, s0;
	v2 =	vmul.u32 $0x2710, v2;
	v8 =	vld [tilespmem:s31+$0x12180]  }
0x1e8: {  	v9 =	vld [tilespmem:s8+$0x8510];
	p0 =	slt.u32 s0, $0x8C50;
	v1 =	vmul.u32 $0x2710, v1  }
0x1e9: {  	v10 =	vld [tilespmem:s8+$0x84D0];
	v5 =	vadd.s32 v5, v6  }
0x1ea: {  	v11 =	vld [tilespmem:s8+$0x12190];
	[tilespmem:s31+$0x84D0] =	vst v5;
	v3 =	vadd.s32 v3, v7  }
0x1eb: {  	v7 =	vld [tilespmem:s8+$0x84E0];
	[tilespmem:s31+$0x84E0] =	vst v3;
	v3 =	vadd.s32 v4, v2  }
.Ltmp17:
0x1ec: {  	v2 =	vld [tilespmem:s8+$0x84F0];
	[tilespmem:s31+$0x84F0] =	vst v3;
	v3 =	vadd.s32 v8, v1;
	(pc) =	sbr.rel @p0 .LBB2_36-.Ltmp17, $4  }
0x1ed: {  	v1 =	vld [tilespmem:s8+$0x8500];
	v4 =	vmul.u32 $0x2710, v9;
	[tilespmem:s31+$0x8500] =	vst v3;
	s31 =	smov.u32 s8  }
0x1ee: {  	v6 =	vmul.u32 $0x2710, v10;
	v5 =	vld [tilespmem:s31+$0x12150]  }
0x1ef: {  	v3 =	vld [tilespmem:s31+$0x12160];
	v8 =	vadd.s32 v11, v4  }
0x1f0: {  	s1 =	sadd.s32 $0x140, s1;
	v7 =	vmul.u32 $0x2710, v7;
	v4 =	vld [tilespmem:s31+$0x12170];
	[tilespmem:s31+$0x8510] =	vst v8  }
0x1f1: {  	v8 =	vld [tilespmem:s31+$0x12180];
	_ =	sdelay $0x1  }
0x1f2: {  	v2 =	vmul.u32 $0x2710, v2;
	v5 =	vadd.s32 v5, v6  }
0x1f3: {  	v1 =	vmul.u32 $0x2710, v1;
	[tilespmem:s31+$0x84D0] =	vst v5;
	v3 =	vadd.s32 v3, v7  }
0x1f4: {  	[tilespmem:s31+$0x84E0] =	vst v3;
	v2 =	vadd.s32 v4, v2  }
0x1f5: {  	[tilespmem:s31+$0x84F0] =	vst v2;
	v1 =	vadd.s32 v8, v1  }
0x1f6: {  	[tilespmem:s31+$0x8500] =	vst v1;
	s31 =	simm.s32 $0x0  }
0x1f7: {  	[tilespmem:s21], [sflag:$0x1] =	stream.indirect.gather [hbm4b:s3+s10], $0x1, s20, s10, $0xb8;
	[tilespmem:$0x1D600] =	vst v63  }
0x1f8: {  	v3 =	vld [tilespmem:s31+$0x8CE0]  }
0x1f9: {  	v4 =	vld [tilespmem:s31+$0x8CA0]  }
0x1fa: {  	v6 =	vld [tilespmem:s31+$0x12960]  }
0x1fb: {  	v7 =	vld [tilespmem:s31+$0x8CB0]  }
0x1fc: {  	v2 =	vld [tilespmem:s31+$0x8CC0]  }
0x1fd: {  	v1 =	vld [tilespmem:s31+$0x8CD0];
	v8 =	vmul.u32 $0x2710, v3  }
0x1fe: {  	v5 =	vld [tilespmem:s31+$0x12920]  }
0x1ff: {  	v3 =	vld [tilespmem:s31+$0x12930];
	v8 =	vadd.s32 v6, v8  }
0x200: {  	s0 =	simm.s32 $0x8CA0;
	s1 =	simm.s32 $0x140;
	v7 =	vmul.u32 $0x2710, v7;
	v6 =	vmul.u32 $0x2710, v4;
	v4 =	vld [tilespmem:s31+$0x12940];
	[tilespmem:s31+$0x8CE0] =	vst v8  }
.LBB2_38:
0x201: {  	s8 =	sshra.s32 s1, $0x2;
	s0 =	sadd.s32 $0x50, s0;
	v2 =	vmul.u32 $0x2710, v2;
	v8 =	vld [tilespmem:s31+$0x12950]  }
0x202: {  	v9 =	vld [tilespmem:s8+$0x8CE0];
	p0 =	slt.u32 s0, $0x9420;
	v1 =	vmul.u32 $0x2710, v1  }
0x203: {  	v10 =	vld [tilespmem:s8+$0x8CA0];
	v5 =	vadd.s32 v5, v6  }
0x204: {  	v11 =	vld [tilespmem:s8+$0x12960];
	[tilespmem:s31+$0x8CA0] =	vst v5;
	v3 =	vadd.s32 v3, v7  }
0x205: {  	v7 =	vld [tilespmem:s8+$0x8CB0];
	[tilespmem:s31+$0x8CB0] =	vst v3;
	v3 =	vadd.s32 v4, v2  }
.Ltmp18:
0x206: {  	v2 =	vld [tilespmem:s8+$0x8CC0];
	[tilespmem:s31+$0x8CC0] =	vst v3;
	v3 =	vadd.s32 v8, v1;
	(pc) =	sbr.rel @p0 .LBB2_38-.Ltmp18, $4  }
0x207: {  	v1 =	vld [tilespmem:s8+$0x8CD0];
	v4 =	vmul.u32 $0x2710, v9;
	[tilespmem:s31+$0x8CD0] =	vst v3;
	s31 =	smov.u32 s8  }
0x208: {  	v6 =	vmul.u32 $0x2710, v10;
	v5 =	vld [tilespmem:s31+$0x12920]  }
0x209: {  	v3 =	vld [tilespmem:s31+$0x12930];
	v8 =	vadd.s32 v11, v4  }
0x20a: {  	s1 =	sadd.s32 $0x140, s1;
	v7 =	vmul.u32 $0x2710, v7;
	v4 =	vld [tilespmem:s31+$0x12940];
	[tilespmem:s31+$0x8CE0] =	vst v8  }
0x20b: {  	v8 =	vld [tilespmem:s31+$0x12950];
	_ =	sdelay $0x1  }
0x20c: {  	v2 =	vmul.u32 $0x2710, v2;
	v5 =	vadd.s32 v5, v6  }
0x20d: {  	v1 =	vmul.u32 $0x2710, v1;
	[tilespmem:s31+$0x8CA0] =	vst v5;
	v3 =	vadd.s32 v3, v7  }
0x20e: {  	[tilespmem:s31+$0x8CB0] =	vst v3;
	v2 =	vadd.s32 v4, v2  }
0x20f: {  	[tilespmem:s31+$0x8CC0] =	vst v2;
	v1 =	vadd.s32 v8, v1  }
0x210: {  	[tilespmem:s31+$0x8CD0] =	vst v1;
	s31 =	simm.s32 $0x0  }
0x211: {  	[tilespmem:s23], [sflag:$0x1] =	stream.indirect.gather [hbm4b:s3+s10], $0x1, s22, s10, $0xb8;
	[tilespmem:$0x1D600] =	vst v63  }
0x212: {  	v3 =	vld [tilespmem:s31+$0x94B0]  }
0x213: {  	v4 =	vld [tilespmem:s31+$0x9470]  }
0x214: {  	v6 =	vld [tilespmem:s31+$0x13130]  }
0x215: {  	v7 =	vld [tilespmem:s31+$0x9480]  }
0x216: {  	v2 =	vld [tilespmem:s31+$0x9490]  }
0x217: {  	v1 =	vld [tilespmem:s31+$0x94A0];
	v8 =	vmul.u32 $0x2710, v3  }
0x218: {  	v5 =	vld [tilespmem:s31+$0x130F0]  }
0x219: {  	v3 =	vld [tilespmem:s31+$0x13100];
	v8 =	vadd.s32 v6, v8  }
0x21a: {  	s0 =	simm.s32 $0x9470;
	s1 =	simm.s32 $0x140;
	v7 =	vmul.u32 $0x2710, v7;
	v6 =	vmul.u32 $0x2710, v4;
	v4 =	vld [tilespmem:s31+$0x13110];
	[tilespmem:s31+$0x94B0] =	vst v8  }
.LBB2_40:
0x21b: {  	s8 =	sshra.s32 s1, $0x2;
	s0 =	sadd.s32 $0x50, s0;
	v2 =	vmul.u32 $0x2710, v2;
	v8 =	vld [tilespmem:s31+$0x13120]  }
0x21c: {  	v9 =	vld [tilespmem:s8+$0x94B0];
	p0 =	slt.u32 s0, $0x9BF0;
	v1 =	vmul.u32 $0x2710, v1  }
0x21d: {  	v10 =	vld [tilespmem:s8+$0x9470];
	v5 =	vadd.s32 v5, v6  }
0x21e: {  	v11 =	vld [tilespmem:s8+$0x13130];
	[tilespmem:s31+$0x9470] =	vst v5;
	v3 =	vadd.s32 v3, v7  }
0x21f: {  	v7 =	vld [tilespmem:s8+$0x9480];
	[tilespmem:s31+$0x9480] =	vst v3;
	v3 =	vadd.s32 v4, v2  }
.Ltmp19:
0x220: {  	v2 =	vld [tilespmem:s8+$0x9490];
	[tilespmem:s31+$0x9490] =	vst v3;
	v3 =	vadd.s32 v8, v1;
	(pc) =	sbr.rel @p0 .LBB2_40-.Ltmp19, $4  }
0x221: {  	v1 =	vld [tilespmem:s8+$0x94A0];
	v4 =	vmul.u32 $0x2710, v9;
	[tilespmem:s31+$0x94A0] =	vst v3;
	s31 =	smov.u32 s8  }
0x222: {  	v6 =	vmul.u32 $0x2710, v10;
	v5 =	vld [tilespmem:s31+$0x130F0]  }
0x223: {  	v3 =	vld [tilespmem:s31+$0x13100];
	v8 =	vadd.s32 v11, v4  }
0x224: {  	s1 =	sadd.s32 $0x140, s1;
	v7 =	vmul.u32 $0x2710, v7;
	v4 =	vld [tilespmem:s31+$0x13110];
	[tilespmem:s31+$0x94B0] =	vst v8  }
0x225: {  	v8 =	vld [tilespmem:s31+$0x13120];
	_ =	sdelay $0x1  }
0x226: {  	v2 =	vmul.u32 $0x2710, v2;
	v5 =	vadd.s32 v5, v6  }
0x227: {  	v1 =	vmul.u32 $0x2710, v1;
	[tilespmem:s31+$0x9470] =	vst v5;
	v3 =	vadd.s32 v3, v7  }
0x228: {  	[tilespmem:s31+$0x9480] =	vst v3;
	v2 =	vadd.s32 v4, v2  }
0x229: {  	[tilespmem:s31+$0x9490] =	vst v2;
	v1 =	vadd.s32 v8, v1  }
0x22a: {  	[tilespmem:s31+$0x94A0] =	vst v1  }
0x22b: {  	[tilespmem:s25], [sflag:$0x1] =	stream.indirect.gather [hbm4b:s3+s10], $0x1, s24, s10, $0xb8;
	[tilespmem:$0x1D600] =	vst v63  }
0x22c: {  	_ =	swait.ge [sflag:s26], $0x7D0  }
0x22d: {  	[sflag:s26] =	ssyncset.done $0x0  }
0x22e: {  	s0 =	simm.s32 $0x13900;
	[sflag:s26] =	ssyncadd.s32 $0xFFFFF830  }
0x22f: {  	v1 =	vld [tilespmem:s0+$0x0];
	_ =	sdelay $0x4  }
0x230: {  	v8 =	vmul.f32 v1, v0  }
0x231: {  	s8 =	simm.s32 $0x13910  }
0x232: {  	v1 =	vld [tilespmem:s8+$0x0];
	v2 =	vand.u32 $0x7FFFFFFF, v8  }
0x233: {  	v2 =	vsub.f32 $0.0e+00, v2;
	_ =	sdelay $0x1  }
0x234: {  	v2 =	vmul.f32 $1.442695020e+00, v2;
	_ =	sdelay $0x1  }
0x235: {  	s1 =	simm.s32 $0x13920;
	v1 =	vmul.f32 v1, v0;
	(erf) = vpow2.f32 v2  }
0x236: {  	v2 =	vld [tilespmem:s1+$0x0]  }
0x237: {  	v3 =	vand.u32 $0x7FFFFFFF, v1  }
0x238: {  	v3 =	vsub.f32 $0.0e+00, v3;
	_ =	sdelay $0x1  }
0x239: {  	v3 =	vmul.f32 $1.442695020e+00, v3  }
0x23a: {  	v2 =	vmul.f32 v2, v0  }
0x23b: {  	(erf) = vpow2.f32 v3  }
0x23c: {  	s8 =	simm.s32 $0x13930;
	v3 =	vand.u32 $0x7FFFFFFF, v2  }
0x23d: {  	v4 =	vld [tilespmem:s8+$0x0];
	v3 =	vsub.f32 $0.0e+00, v3;
	v5 =	vpop (erf)  }
0x23e: {  	v6 =	vadd.f32 $2.000000000e+00, v5  }
0x23f: {  	v3 =	vmul.f32 $1.442695020e+00, v3  }
0x240: {  	s1 =	simm.s32 $0x13940;
	(erf) = vrcp.f32 v6  }
0x241: {  	(erf) = vpow2.f32 v3;
	v3 =	vld [tilespmem:s1+$0x0]  }
0x242: {  	v4 =	vmul.f32 v4, v0;
	_ =	sdelay $0x1  }
0x243: {  	v6 =	vand.u32 $0x7FFFFFFF, v4;
	v7 =	vpop (erf)  }
0x244: {  	v10 =	vsub.f32 $0.0e+00, v6;
	v9 =	vadd.f32 $2.000000000e+00, v7  }
0x245: {  	v6 =	vmul.f32 v3, v0  }
0x246: {  	(erf) = vrcp.f32 v9;
	v3 =	vmul.f32 $1.442695020e+00, v10  }
0x247: {  	v10 =	vand.u32 $0x7FFFFFFF, v6  }
0x248: {  	s8 =	simm.s32 $0x13950;
	(erf) = vpow2.f32 v3;
	v9 =	vpop (erf)  }
0x249: {  	v3 =	vld [tilespmem:s8+$0x0];
	v13 =	vmul.f32 v9, v5  }
0x24a: {  	v5 =	vsub.f32 $0.0e+00, v10;
	v10 =	vpop (erf)  }
0x24b: {  	v9 =	vadd.f32 $2.000000000e+00, v10;
	v14 =	vmul.f32 v13, v13  }
0x24c: {  	s1 =	simm.s32 $0x13960;
	v11 =	vmul.f32 $1.442695020e+00, v5  }
0x24d: {  	v16 =	vld [tilespmem:s1+$0x0];
	(erf) = vrcp.f32 v9;
	v9 =	vmul.f32 $1.428571490e-01, v14  }
0x24e: {  	v5 =	vmul.f32 v3, v0  }
0x24f: {  	v3 =	vpop (erf);
	(erf) = vpow2.f32 v11;
	v11 =	vadd.f32 $2.000000030e-01, v9  }
0x250: {  	v9 =	vmul.f32 v3, v7;
	v3 =	vand.u32 $0x7FFFFFFF, v5  }
0x251: {  	v12 =	vpop (erf);
	v7 =	vmul.f32 v11, v14;
	v11 =	vsub.f32 $0.0e+00, v3  }
0x252: {  	s8 =	simm.s32 $0x13970;
	v15 =	vmul.f32 v9, v9;
	v3 =	vmul.f32 v16, v0;
	v16 =	vadd.f32 $2.000000000e+00, v12  }
0x253: {  	v17 =	vld [tilespmem:s8+$0x0];
	v7 =	vadd.f32 $3.333333430e-01, v7;
	v18 =	vmul.f32 $1.442695020e+00, v11  }
0x254: {  	v19 =	vmul.f32 $1.428571490e-01, v15;
	(erf) = vrcp.f32 v16  }
0x255: {  	v7 =	vmul.f32 v7, v14;
	v14 =	vand.u32 $0x7FFFFFFF, v3  }
0x256: {  	v11 =	vimm.f32 $0.0e+00;
	(erf) = vpow2.f32 v18;
	v19 =	vadd.f32 $2.000000030e-01, v19;
	v16 =	vpop (erf)  }
0x257: {  	v10 =	vmul.f32 v16, v10;
	v16 =	vadd.f32 v13, v13;
	v20 =	vadd.f32 $1.000000000e+00, v7  }
0x258: {  	v18 =	vsub.f32 $0.0e+00, v14;
	v7 =	vmul.f32 v17, v0;
	v17 =	vmul.f32 v19, v15;
	v14 =	vpop (erf)  }
0x259: {  	s31 =	simm.s32 $0x13980;
	s0 =	simm.s32 $0x70;
	v19 =	vadd.f32 $2.000000000e+00, v14;
	v13 =	vmul.f32 v10, v10;
	v16 =	vmul.f32 v20, v16  }
.LBB2_42:
0x25a: {  	v20 =	vld [tilespmem:s31+$0x0];
	v18 =	vmul.f32 $1.442695020e+00, v18;
	v17 =	vadd.f32 $3.333333430e-01, v17;
	v21 =	vmax.f32 v8, $0.0e+00;
	v8 =	vmovc v1;
	v1 =	vmovc v2;
	s0 =	sadd.s32 $0x10, s0  }
0x25b: {  	v2 =	vmovc v4;
	v4 =	vmovc v6;
	(erf) = vrcp.f32 v19;
	v19 =	vmul.f32 $1.428571490e-01, v13;
	v16 =	vadd.f32 v16, v21;
	p0 =	slt.u32 s0, $0x7C0  }
.Ltmp20:
0x25c: {  	v6 =	vmovc v5;
	v5 =	vmovc v3;
	v3 =	vmov v7;
	v21 =	vand.u32 $0x7FFFFFFF, v7;
	v15 =	vmul.f32 v17, v15;
	(pc) =	sbr.rel @p0 .LBB2_42-.Ltmp20, $4  }
0x25d: {  	(erf) = vpow2.f32 v18;
	v7 =	vpop (erf);
	v17 =	vadd.f32 $2.000000030e-01, v19;
	v11 =	vadd.f32 v16, v11  }
0x25e: {  	v16 =	vadd.f32 v9, v9;
	v9 =	vmovc v10;
	v22 =	vadd.f32 $1.000000000e+00, v15;
	v10 =	vmul.f32 v7, v12;
	v12 =	vmovc v14  }
0x25f: {  	v18 =	vsub.f32 $0.0e+00, v21;
	v7 =	vmul.f32 v20, v0;
	v14 =	vpop (erf);
	v17 =	vmul.f32 v17, v13  }
0x260: {  	s31 =	sadd.s32 $0x10, s31;
	v19 =	vadd.f32 $2.000000000e+00, v14;
	v16 =	vmul.f32 v22, v16;
	v15 =	vmovc v13;
	v13 =	vmul.f32 v10, v10  }
0x261: {  	_ =	sdelay $0x3  }
0x262: {  	v20 =	vand.u32 $0x7FFFFFFF, v7;
	v21 =	vpop (erf)  }
0x263: {  	v18 =	vmul.f32 $1.442695020e+00, v18;
	v20 =	vsub.f32 $0.0e+00, v20;
	v22 =	vpop (erf)  }
0x264: {  	(erf) = vrcp.f32 v19;
	v19 =	vadd.f32 $2.000000000e+00, v22  }
0x265: {  	(erf) = vpow2.f32 v18;
	v18 =	vmul.f32 $1.442695020e+00, v20  }
0x266: {  	(erf) = vrcp.f32 v19  }
0x267: {  	(erf) = vpow2.f32 v18;
	_ =	sdelay $0x5  }
0x268: {  	v18 =	vpop (erf)  }
0x269: {  	v19 =	vpop (erf)  }
0x26a: {  	v20 =	vpop (erf)  }
0x26b: {  	v23 =	vadd.f32 $2.000000000e+00, v19;
	v24 =	vpop (erf)  }
0x26c: {  	v25 =	vadd.f32 $2.000000000e+00, v24  }
0x26d: {  	(erf) = vrcp.f32 v23  }
0x26e: {  	(erf) = vrcp.f32 v25;
	_ =	sdelay $0x7  }
0x26f: {  	v23 =	vpop (erf)  }
0x270: {  	v12 =	vmul.f32 v21, v12;
	v25 =	vpop (erf)  }
0x271: {  	v17 =	vadd.f32 $3.333333430e-01, v17;
	v8 =	vmax.f32 v8, $0.0e+00;
	v26 =	vmul.f32 $1.428571490e-01, v13;
	_ =	swait.ge [sflag:s26], $0x7D0  }
0x272: {  	v8 =	vadd.f32 v16, v8;
	v16 =	vmul.f32 v12, v12;
	[sflag:s26] =	ssyncset.done $0x0  }
0x273: {  	s0 =	simm.s32 $0x140D0;
	v15 =	vmul.f32 v17, v15;
	v17 =	vadd.f32 $2.000000030e-01, v26;
	[sflag:s26] =	ssyncadd.s32 $0xFFFFF830  }
0x274: {  	v8 =	vadd.f32 v8, v11;
	v11 =	vmul.f32 $1.428571490e-01, v16;
	v60 =	vld [tilespmem:s0+$0x0]  }
0x275: {  	v9 =	vadd.f32 v9, v9;
	v15 =	vadd.f32 $1.000000000e+00, v15;
	v17 =	vmul.f32 v17, v13  }
0x276: {  	v11 =	vadd.f32 $2.000000030e-01, v11  }
0x277: {  	v9 =	vmul.f32 v15, v9;
	v15 =	vadd.f32 $3.333333430e-01, v17  }
0x278: {  	v11 =	vmul.f32 v11, v16;
	v14 =	vmul.f32 v18, v14  }
0x279: {  	s8 =	simm.s32 $0x140E0;
	v17 =	vmax.f32 v1, $0.0e+00;
	v13 =	vmul.f32 v15, v13;
	v1 =	vmul.f32 v60, v0  }
0x27a: {  	v9 =	vadd.f32 v9, v17;
	v11 =	vadd.f32 $3.333333430e-01, v11;
	v15 =	vmul.f32 v14, v14;
	v17 =	vld [tilespmem:s8+$0x0]  }
0x27b: {  	v10 =	vadd.f32 v10, v10;
	v13 =	vadd.f32 $1.000000000e+00, v13;
	v18 =	vand.u32 $0x7FFFFFFF, v1  }
0x27c: {  	v11 =	vmul.f32 v11, v16;
	v61 =	vmul.f32 $1.428571490e-01, v15;
	v18 =	vsub.f32 $0.0e+00, v18  }
0x27d: {  	v8 =	vadd.f32 v9, v8;
	v9 =	vmul.f32 v13, v10;
	v20 =	vmul.f32 v20, v22  }
0x27e: {  	v11 =	vadd.f32 $1.000000000e+00, v11;
	v13 =	vadd.f32 $2.000000030e-01, v61;
	v10 =	vmul.f32 $1.442695020e+00, v18  }
0x27f: {  	v16 =	vmul.f32 v20, v20;
	v18 =	vmax.f32 v2, $0.0e+00;
	v2 =	vmul.f32 v17, v0  }
0x280: {  	s1 =	simm.s32 $0x140F0;
	(erf) = vpow2.f32 v10;
	v10 =	vadd.f32 v12, v12;
	v12 =	vmul.f32 v13, v15  }
0x281: {  	v17 =	vld [tilespmem:s1+$0x0];
	v9 =	vadd.f32 v9, v18;
	v13 =	vmul.f32 $1.428571490e-01, v16;
	v18 =	vand.u32 $0x7FFFFFFF, v2  }
0x282: {  	v18 =	vsub.f32 $0.0e+00, v18;
	v12 =	vadd.f32 $3.333333430e-01, v12  }
0x283: {  	v8 =	vadd.f32 v9, v8;
	v9 =	vmul.f32 v11, v10;
	v10 =	vadd.f32 $2.000000030e-01, v13  }
0x284: {  	v4 =	vmax.f32 v4, $0.0e+00;
	v11 =	vmul.f32 v12, v15;
	v12 =	vmul.f32 $1.442695020e+00, v18  }
0x285: {  	v13 =	vmul.f32 v23, v19;
	v9 =	vadd.f32 v9, v4;
	v10 =	vmul.f32 v10, v16  }
0x286: {  	v4 =	vmul.f32 v17, v0;
	(erf) = vpow2.f32 v12  }
0x287: {  	v8 =	vadd.f32 v9, v8;
	v9 =	vadd.f32 v14, v14;
	v12 =	vmul.f32 v13, v13  }
0x288: {  	s8 =	simm.s32 $0x14100;
	v11 =	vadd.f32 $1.000000000e+00, v11;
	v10 =	vadd.f32 $3.333333430e-01, v10;
	v14 =	vand.u32 $0x7FFFFFFF, v4  }
0x289: {  	v6 =	vmax.f32 v6, $0.0e+00;
	v18 =	vld [tilespmem:s8+$0x0];
	v14 =	vsub.f32 $0.0e+00, v14;
	v17 =	vmul.f32 $1.428571490e-01, v12;
	v15 =	vpop (erf)  }
0x28a: {  	v9 =	vmul.f32 v11, v9;
	v10 =	vmul.f32 v10, v16;
	v19 =	vadd.f32 $2.000000000e+00, v15  }
0x28b: {  	v16 =	vadd.f32 v20, v20;
	v14 =	vmul.f32 $1.442695020e+00, v14;
	v11 =	vadd.f32 $2.000000030e-01, v17  }
0x28c: {  	v6 =	vadd.f32 v9, v6;
	v10 =	vadd.f32 $1.000000000e+00, v10;
	(erf) = vrcp.f32 v19  }
0x28d: {  	s1 =	simm.s32 $0x14110;
	v9 =	vmul.f32 v25, v24;
	v11 =	vmul.f32 v11, v12  }
0x28e: {  	v17 =	vld [tilespmem:s1+$0x0];
	v8 =	vadd.f32 v6, v8;
	v6 =	vmul.f32 v18, v0;
	v10 =	vmul.f32 v10, v16  }
0x28f: {  	(erf) = vpow2.f32 v14;
	v14 =	vmul.f32 v9, v9  }
0x290: {  	v5 =	vmax.f32 v5, $0.0e+00;
	v11 =	vadd.f32 $3.333333430e-01, v11  }
0x291: {  	v19 =	vand.u32 $0x7FFFFFFF, v6;
	v5 =	vadd.f32 v10, v5;
	v16 =	vpop (erf);
	v18 =	vmul.f32 $1.428571490e-01, v14  }
0x292: {  	v10 =	vsub.f32 $0.0e+00, v19;
	v20 =	vadd.f32 $2.000000000e+00, v16;
	v11 =	vmul.f32 v11, v12  }
0x293: {  	v12 =	vadd.f32 $2.000000030e-01, v18;
	v18 =	vadd.f32 v5, v8;
	v5 =	vmul.f32 v17, v0  }
0x294: {  	v8 =	vmul.f32 $1.442695020e+00, v10;
	(erf) = vrcp.f32 v20  }
0x295: {  	v10 =	vadd.f32 v13, v13;
	v12 =	vmul.f32 v12, v14;
	v17 =	vand.u32 $0x7FFFFFFF, v5;
	v13 =	vpop (erf)  }
0x296: {  	s8 =	simm.s32 $0x14120;
	v11 =	vadd.f32 $1.000000000e+00, v11;
	(erf) = vpow2.f32 v8;
	v13 =	vmul.f32 v13, v15  }
0x297: {  	v8 =	vadd.f32 $3.333333430e-01, v12;
	v12 =	vld [tilespmem:s8+$0x0]  }
0x298: {  	v10 =	vmul.f32 v11, v10;
	v15 =	vsub.f32 $0.0e+00, v17;
	v17 =	vpop (erf);
	v19 =	vmul.f32 v13, v13  }
0x299: {  	v3 =	vmax.f32 v3, $0.0e+00;
	v11 =	vadd.f32 $2.000000000e+00, v17;
	v8 =	vmul.f32 v8, v14  }
0x29a: {  	v9 =	vadd.f32 v9, v9;
	v3 =	vadd.f32 v10, v3;
	v10 =	vmul.f32 $1.428571490e-01, v19  }
0x29b: {  	s1 =	simm.s32 $0x14130;
	v14 =	vmul.f32 $1.442695020e+00, v15;
	(erf) = vrcp.f32 v11;
	v11 =	vadd.f32 $1.000000000e+00, v8  }
0x29c: {  	v20 =	vld [tilespmem:s1+$0x0];
	v8 =	vmul.f32 v12, v0;
	v10 =	vadd.f32 $2.000000030e-01, v10  }
0x29d: {  	(erf) = vpow2.f32 v14;
	v14 =	vadd.f32 v3, v18;
	v12 =	vpop (erf);
	v3 =	vmul.f32 v11, v9  }
0x29e: {  	v9 =	vmul.f32 v12, v16;
	v11 =	vand.u32 $0x7FFFFFFF, v8;
	v10 =	vmul.f32 v10, v19  }
0x29f: {  	v7 =	vmax.f32 v7, $0.0e+00;
	v12 =	vpop (erf);
	v11 =	vsub.f32 $0.0e+00, v11  }
0x2a0: {  	s8 =	simm.s32 $0x14140;
	v16 =	vadd.f32 $2.000000000e+00, v12;
	v15 =	vmul.f32 v9, v9;
	v10 =	vadd.f32 $3.333333430e-01, v10  }
0x2a1: {  	v18 =	vld [tilespmem:s8+$0x0];
	v7 =	vadd.f32 v3, v7;
	v3 =	vmul.f32 v20, v0;
	v20 =	vmul.f32 $1.442695020e+00, v11  }
0x2a2: {  	(erf) = vrcp.f32 v16;
	v62 =	vmul.f32 $1.428571490e-01, v15  }
0x2a3: {  	v11 =	vadd.f32 v7, v14;
	v14 =	vand.u32 $0x7FFFFFFF, v3;
	v7 =	vmul.f32 v10, v19  }
0x2a4: {  	(erf) = vpow2.f32 v20;
	v16 =	vadd.f32 $2.000000030e-01, v62;
	v10 =	vpop (erf)  }
0x2a5: {  	v20 =	vadd.f32 v13, v13;
	v63 =	vadd.f32 $1.000000000e+00, v7;
	v10 =	vmul.f32 v10, v17  }
0x2a6: {  	v7 =	vmul.f32 v18, v0;
	v18 =	vsub.f32 $0.0e+00, v14;
	v14 =	vpop (erf);
	v17 =	vmul.f32 v16, v15  }
0x2a7: {  	s31 =	simm.s32 $0x14150;
	s0 =	simm.s32 $0x840;
	v19 =	vadd.f32 $2.000000000e+00, v14;
	v16 =	vmul.f32 v63, v20;
	v13 =	vmul.f32 v10, v10  }
.LBB2_44:
0x2a8: {  	v20 =	vld [tilespmem:s31+$0x0];
	v18 =	vmul.f32 $1.442695020e+00, v18;
	v17 =	vadd.f32 $3.333333430e-01, v17;
	v21 =	vmax.f32 v1, $0.0e+00;
	v1 =	vmovc v2;
	v2 =	vmovc v4;
	s0 =	sadd.s32 $0x10, s0  }
0x2a9: {  	v4 =	vmovc v6;
	v6 =	vmovc v5;
	(erf) = vrcp.f32 v19;
	v19 =	vmul.f32 $1.428571490e-01, v13;
	v16 =	vadd.f32 v16, v21;
	p0 =	slt.u32 s0, $0xF90  }
.Ltmp21:
0x2aa: {  	v5 =	vmovc v8;
	v8 =	vmovc v3;
	v3 =	vmov v7;
	v21 =	vand.u32 $0x7FFFFFFF, v7;
	v15 =	vmul.f32 v17, v15;
	(pc) =	sbr.rel @p0 .LBB2_44-.Ltmp21, $4  }
0x2ab: {  	(erf) = vpow2.f32 v18;
	v7 =	vpop (erf);
	v17 =	vadd.f32 $2.000000030e-01, v19;
	v11 =	vadd.f32 v16, v11  }
0x2ac: {  	v16 =	vadd.f32 v9, v9;
	v9 =	vmovc v10;
	v22 =	vadd.f32 $1.000000000e+00, v15;
	v10 =	vmul.f32 v7, v12;
	v12 =	vmovc v14  }
0x2ad: {  	v18 =	vsub.f32 $0.0e+00, v21;
	v7 =	vmul.f32 v20, v0;
	v14 =	vpop (erf);
	v17 =	vmul.f32 v17, v13  }
0x2ae: {  	s31 =	sadd.s32 $0x10, s31;
	v19 =	vadd.f32 $2.000000000e+00, v14;
	v16 =	vmul.f32 v22, v16;
	v15 =	vmovc v13;
	v13 =	vmul.f32 v10, v10  }
0x2af: {  	_ =	sdelay $0x3  }
0x2b0: {  	v20 =	vand.u32 $0x7FFFFFFF, v7;
	v21 =	vpop (erf)  }
0x2b1: {  	v18 =	vmul.f32 $1.442695020e+00, v18;
	v20 =	vsub.f32 $0.0e+00, v20;
	v22 =	vpop (erf)  }
0x2b2: {  	(erf) = vrcp.f32 v19;
	v19 =	vadd.f32 $2.000000000e+00, v22  }
0x2b3: {  	(erf) = vpow2.f32 v18;
	v18 =	vmul.f32 $1.442695020e+00, v20  }
0x2b4: {  	(erf) = vrcp.f32 v19  }
0x2b5: {  	(erf) = vpow2.f32 v18;
	_ =	sdelay $0x5  }
0x2b6: {  	v18 =	vpop (erf)  }
0x2b7: {  	v19 =	vpop (erf)  }
0x2b8: {  	v20 =	vpop (erf)  }
0x2b9: {  	v23 =	vadd.f32 $2.000000000e+00, v19;
	v24 =	vpop (erf)  }
0x2ba: {  	v25 =	vadd.f32 $2.000000000e+00, v24  }
0x2bb: {  	(erf) = vrcp.f32 v23  }
0x2bc: {  	(erf) = vrcp.f32 v25;
	_ =	sdelay $0x7  }
0x2bd: {  	v17 =	vadd.f32 $3.333333430e-01, v17;
	v26 =	vmul.f32 $1.428571490e-01, v13;
	v23 =	vpop (erf)  }
0x2be: {  	v12 =	vmul.f32 v21, v12;
	v25 =	vpop (erf)  }
0x2bf: {  	v1 =	vmax.f32 v1, $0.0e+00;
	v15 =	vmul.f32 v17, v15;
	v17 =	vadd.f32 $2.000000030e-01, v26;
	_ =	swait.ge [sflag:s26], $0x7D0  }
0x2c0: {  	v1 =	vadd.f32 v16, v1;
	v16 =	vmul.f32 v12, v12;
	[sflag:s26] =	ssyncset.done $0x0  }
0x2c1: {  	s0 =	simm.s32 $0x148A0;
	v9 =	vadd.f32 v9, v9;
	v15 =	vadd.f32 $1.000000000e+00, v15;
	v17 =	vmul.f32 v17, v13;
	[sflag:s26] =	ssyncadd.s32 $0xFFFFF830  }
0x2c2: {  	v11 =	vadd.f32 v1, v11;
	v1 =	vmul.f32 $1.428571490e-01, v16;
	v60 =	vld [tilespmem:s0+$0x0]  }
0x2c3: {  	v9 =	vmul.f32 v15, v9;
	v15 =	vadd.f32 $3.333333430e-01, v17  }
0x2c4: {  	v2 =	vmax.f32 v2, $0.0e+00;
	v17 =	vadd.f32 $2.000000030e-01, v1  }
0x2c5: {  	s8 =	simm.s32 $0x148B0;
	v2 =	vadd.f32 v9, v2;
	v9 =	vmul.f32 v15, v13  }
0x2c6: {  	v13 =	vmul.f32 v17, v16;
	v14 =	vmul.f32 v18, v14;
	v17 =	vld [tilespmem:s8+$0x0]  }
0x2c7: {  	v10 =	vadd.f32 v10, v10;
	v9 =	vadd.f32 $1.000000000e+00, v9;
	v1 =	vmul.f32 v60, v0  }
0x2c8: {  	v4 =	vmax.f32 v4, $0.0e+00;
	v15 =	vmul.f32 v14, v14  }
0x2c9: {  	v11 =	vadd.f32 v2, v11;
	v9 =	vmul.f32 v9, v10;
	v18 =	vand.u32 $0x7FFFFFFF, v1  }
0x2ca: {  	v13 =	vadd.f32 $3.333333430e-01, v13;
	v61 =	vmul.f32 $1.428571490e-01, v15;
	v18 =	vsub.f32 $0.0e+00, v18  }
0x2cb: {  	v4 =	vadd.f32 v9, v4;
	v20 =	vmul.f32 v20, v22;
	v2 =	vmul.f32 v17, v0  }
0x2cc: {  	v9 =	vadd.f32 v12, v12;
	v13 =	vmul.f32 v13, v16;
	v10 =	vmul.f32 $1.442695020e+00, v18  }
0x2cd: {  	v16 =	vadd.f32 $2.000000030e-01, v61;
	v17 =	vand.u32 $0x7FFFFFFF, v2;
	v18 =	vmul.f32 v20, v20  }
0x2ce: {  	s1 =	simm.s32 $0x148C0;
	v12 =	vadd.f32 $1.000000000e+00, v13;
	v17 =	vsub.f32 $0.0e+00, v17;
	(erf) = vpow2.f32 v10  }
0x2cf: {  	v10 =	vmul.f32 v16, v15;
	v13 =	vmul.f32 $1.428571490e-01, v18;
	v16 =	vld [tilespmem:s1+$0x0]  }
0x2d0: {  	v11 =	vadd.f32 v4, v11;
	v4 =	vmul.f32 v12, v9;
	v12 =	vmul.f32 $1.442695020e+00, v17  }
0x2d1: {  	v6 =	vmax.f32 v6, $0.0e+00;
	v10 =	vadd.f32 $3.333333430e-01, v10;
	v9 =	vadd.f32 $2.000000030e-01, v13  }
0x2d2: {  	v6 =	vadd.f32 v4, v6;
	(erf) = vpow2.f32 v12;
	v13 =	vmul.f32 v23, v19  }
0x2d3: {  	v10 =	vmul.f32 v10, v15;
	v9 =	vmul.f32 v9, v18  }
0x2d4: {  	v6 =	vadd.f32 v6, v11;
	v12 =	vmul.f32 v13, v13;
	v4 =	vmul.f32 v16, v0  }
0x2d5: {  	v11 =	vadd.f32 v14, v14;
	s8 =	simm.s32 $0x148D0;
	v10 =	vadd.f32 $1.000000000e+00, v10  }
0x2d6: {  	v9 =	vadd.f32 $3.333333430e-01, v9;
	v16 =	vmul.f32 $1.428571490e-01, v12;
	v14 =	vand.u32 $0x7FFFFFFF, v4  }
0x2d7: {  	v5 =	vmax.f32 v5, $0.0e+00;
	v17 =	vld [tilespmem:s8+$0x0];
	v14 =	vsub.f32 $0.0e+00, v14  }
0x2d8: {  	v10 =	vmul.f32 v10, v11;
	v9 =	vmul.f32 v9, v18;
	v11 =	vadd.f32 $2.000000030e-01, v16;
	v15 =	vpop (erf)  }
0x2d9: {  	v16 =	vadd.f32 v20, v20;
	v19 =	vadd.f32 $2.000000000e+00, v15;
	v14 =	vmul.f32 $1.442695020e+00, v14  }
0x2da: {  	v5 =	vadd.f32 v10, v5;
	v10 =	vmul.f32 v25, v24;
	v9 =	vadd.f32 $1.000000000e+00, v9  }
0x2db: {  	s1 =	simm.s32 $0x148E0;
	v11 =	vmul.f32 v11, v12;
	(erf) = vrcp.f32 v19  }
0x2dc: {  	v5 =	vadd.f32 v5, v6;
	v6 =	vmul.f32 v17, v0;
	v17 =	vld [tilespmem:s1+$0x0];
	v9 =	vmul.f32 v9, v16  }
0x2dd: {  	(erf) = vpow2.f32 v14;
	v14 =	vmul.f32 v10, v10  }
0x2de: {  	v8 =	vmax.f32 v8, $0.0e+00;
	v11 =	vadd.f32 $3.333333430e-01, v11  }
0x2df: {  	v16 =	vpop (erf);
	v19 =	vand.u32 $0x7FFFFFFF, v6;
	v8 =	vadd.f32 v9, v8;
	v18 =	vmul.f32 $1.428571490e-01, v14  }
0x2e0: {  	v20 =	vadd.f32 $2.000000000e+00, v16;
	v11 =	vmul.f32 v11, v12;
	v9 =	vsub.f32 $0.0e+00, v19  }
0x2e1: {  	v12 =	vadd.f32 $2.000000030e-01, v18;
	v18 =	vadd.f32 v8, v5;
	v5 =	vmul.f32 v17, v0  }
0x2e2: {  	(erf) = vrcp.f32 v20  }
0x2e3: {  	v8 =	vmul.f32 $1.442695020e+00, v9;
	v12 =	vmul.f32 v12, v14;
	v17 =	vand.u32 $0x7FFFFFFF, v5  }
0x2e4: {  	s8 =	simm.s32 $0x148F0;
	v11 =	vadd.f32 $1.000000000e+00, v11  }
0x2e5: {  	v9 =	vadd.f32 v13, v13;
	(erf) = vpow2.f32 v8;
	v13 =	vpop (erf);
	v8 =	vadd.f32 $3.333333430e-01, v12;
	v12 =	vld [tilespmem:s8+$0x0]  }
0x2e6: {  	v13 =	vmul.f32 v13, v15;
	v15 =	vsub.f32 $0.0e+00, v17;
	v17 =	vpop (erf)  }
0x2e7: {  	v3 =	vmax.f32 v3, $0.0e+00;
	v9 =	vmul.f32 v11, v9;
	v11 =	vadd.f32 $2.000000000e+00, v17  }
0x2e8: {  	v10 =	vadd.f32 v10, v10;
	v8 =	vmul.f32 v8, v14;
	v19 =	vmul.f32 v13, v13  }
0x2e9: {  	v3 =	vadd.f32 v9, v3;
	v14 =	vmul.f32 $1.442695020e+00, v15;
	(erf) = vrcp.f32 v11  }
0x2ea: {  	s1 =	simm.s32 $0x14900;
	v11 =	vadd.f32 $1.000000000e+00, v8;
	v9 =	vmul.f32 $1.428571490e-01, v19;
	v8 =	vmul.f32 v12, v0  }
0x2eb: {  	v20 =	vld [tilespmem:s1+$0x0];
	v18 =	vadd.f32 v3, v18;
	(erf) = vpow2.f32 v14  }
0x2ec: {  	v12 =	vpop (erf);
	v3 =	vmul.f32 v11, v10;
	v14 =	vadd.f32 $2.000000030e-01, v9;
	v10 =	vand.u32 $0x7FFFFFFF, v8  }
0x2ed: {  	v9 =	vmul.f32 v12, v16;
	v10 =	vsub.f32 $0.0e+00, v10  }
0x2ee: {  	v7 =	vmax.f32 v7, $0.0e+00;
	v12 =	vpop (erf);
	v11 =	vmul.f32 v14, v19  }
0x2ef: {  	s8 =	simm.s32 $0x14910;
	v15 =	vmul.f32 v9, v9;
	v14 =	vadd.f32 $2.000000000e+00, v12;
	v10 =	vmul.f32 $1.442695020e+00, v10  }
0x2f0: {  	v16 =	vld [tilespmem:s8+$0x0];
	v7 =	vadd.f32 v3, v7;
	v3 =	vmul.f32 v20, v0;
	v20 =	vadd.f32 $3.333333430e-01, v11  }
0x2f1: {  	v62 =	vmul.f32 $1.428571490e-01, v15;
	(erf) = vrcp.f32 v14  }
0x2f2: {  	v11 =	vadd.f32 v7, v18;
	v14 =	vand.u32 $0x7FFFFFFF, v3;
	v7 =	vmul.f32 v20, v19  }
0x2f3: {  	(erf) = vpow2.f32 v10;
	v19 =	vadd.f32 $2.000000030e-01, v62;
	v10 =	vpop (erf)  }
0x2f4: {  	v20 =	vadd.f32 v13, v13;
	v10 =	vmul.f32 v10, v17;
	v63 =	vadd.f32 $1.000000000e+00, v7  }
0x2f5: {  	v18 =	vsub.f32 $0.0e+00, v14;
	v7 =	vmul.f32 v16, v0;
	v14 =	vpop (erf);
	v17 =	vmul.f32 v19, v15  }
0x2f6: {  	s31 =	simm.s32 $0x14920;
	s0 =	simm.s32 $0x1010;
	v19 =	vadd.f32 $2.000000000e+00, v14;
	v13 =	vmul.f32 v10, v10;
	v16 =	vmul.f32 v63, v20  }
.LBB2_46:
0x2f7: {  	v20 =	vld [tilespmem:s31+$0x0];
	v18 =	vmul.f32 $1.442695020e+00, v18;
	v17 =	vadd.f32 $3.333333430e-01, v17;
	v21 =	vmax.f32 v1, $0.0e+00;
	v1 =	vmovc v2;
	v2 =	vmovc v4;
	s0 =	sadd.s32 $0x10, s0  }
0x2f8: {  	v4 =	vmovc v6;
	v6 =	vmovc v5;
	(erf) = vrcp.f32 v19;
	v19 =	vmul.f32 $1.428571490e-01, v13;
	v16 =	vadd.f32 v16, v21;
	p0 =	slt.u32 s0, $0x1760  }
.Ltmp22:
0x2f9: {  	v5 =	vmovc v8;
	v8 =	vmovc v3;
	v3 =	vmov v7;
	v21 =	vand.u32 $0x7FFFFFFF, v7;
	v15 =	vmul.f32 v17, v15;
	(pc) =	sbr.rel @p0 .LBB2_46-.Ltmp22, $4  }
0x2fa: {  	(erf) = vpow2.f32 v18;
	v7 =	vpop (erf);
	v17 =	vadd.f32 $2.000000030e-01, v19;
	v11 =	vadd.f32 v16, v11  }
0x2fb: {  	v16 =	vadd.f32 v9, v9;
	v9 =	vmovc v10;
	v22 =	vadd.f32 $1.000000000e+00, v15;
	v10 =	vmul.f32 v7, v12;
	v12 =	vmovc v14  }
0x2fc: {  	v18 =	vsub.f32 $0.0e+00, v21;
	v7 =	vmul.f32 v20, v0;
	v14 =	vpop (erf);
	v17 =	vmul.f32 v17, v13  }
0x2fd: {  	s31 =	sadd.s32 $0x10, s31;
	v19 =	vadd.f32 $2.000000000e+00, v14;
	v16 =	vmul.f32 v22, v16;
	v15 =	vmovc v13;
	v13 =	vmul.f32 v10, v10  }
0x2fe: {  	_ =	sdelay $0x3  }
0x2ff: {  	v20 =	vand.u32 $0x7FFFFFFF, v7;
	v21 =	vpop (erf)  }
0x300: {  	v18 =	vmul.f32 $1.442695020e+00, v18;
	v20 =	vsub.f32 $0.0e+00, v20;
	v22 =	vpop (erf)  }
0x301: {  	(erf) = vrcp.f32 v19;
	v19 =	vadd.f32 $2.000000000e+00, v22  }
0x302: {  	(erf) = vpow2.f32 v18;
	v18 =	vmul.f32 $1.442695020e+00, v20  }
0x303: {  	(erf) = vrcp.f32 v19  }
0x304: {  	(erf) = vpow2.f32 v18;
	_ =	sdelay $0x5  }
0x305: {  	v18 =	vpop (erf)  }
0x306: {  	v19 =	vpop (erf)  }
0x307: {  	v20 =	vpop (erf)  }
0x308: {  	v23 =	vadd.f32 $2.000000000e+00, v19;
	v24 =	vpop (erf)  }
0x309: {  	v25 =	vadd.f32 $2.000000000e+00, v24  }
0x30a: {  	(erf) = vrcp.f32 v23  }
0x30b: {  	(erf) = vrcp.f32 v25;
	_ =	sdelay $0x7  }
0x30c: {  	v17 =	vadd.f32 $3.333333430e-01, v17;
	v26 =	vmul.f32 $1.428571490e-01, v13;
	v23 =	vpop (erf)  }
0x30d: {  	v12 =	vmul.f32 v21, v12;
	v25 =	vpop (erf)  }
0x30e: {  	v1 =	vmax.f32 v1, $0.0e+00;
	v15 =	vmul.f32 v17, v15;
	v17 =	vadd.f32 $2.000000030e-01, v26;
	_ =	swait.ge [sflag:s26], $0x7D0  }
0x30f: {  	v1 =	vadd.f32 v16, v1;
	v16 =	vmul.f32 v12, v12;
	[sflag:s26] =	ssyncset.done $0x0  }
0x310: {  	s0 =	simm.s32 $0x15070;
	v9 =	vadd.f32 v9, v9;
	v15 =	vadd.f32 $1.000000000e+00, v15;
	v17 =	vmul.f32 v17, v13;
	[sflag:s26] =	ssyncadd.s32 $0xFFFFF830  }
0x311: {  	v11 =	vadd.f32 v1, v11;
	v1 =	vmul.f32 $1.428571490e-01, v16;
	v60 =	vld [tilespmem:s0+$0x0]  }
0x312: {  	v9 =	vmul.f32 v15, v9;
	v15 =	vadd.f32 $3.333333430e-01, v17  }
0x313: {  	v2 =	vmax.f32 v2, $0.0e+00;
	v17 =	vadd.f32 $2.000000030e-01, v1  }
0x314: {  	s8 =	simm.s32 $0x15080;
	v2 =	vadd.f32 v9, v2;
	v9 =	vmul.f32 v15, v13  }
0x315: {  	v13 =	vmul.f32 v17, v16;
	v14 =	vmul.f32 v18, v14;
	v17 =	vld [tilespmem:s8+$0x0]  }
0x316: {  	v10 =	vadd.f32 v10, v10;
	v9 =	vadd.f32 $1.000000000e+00, v9;
	v1 =	vmul.f32 v60, v0  }
0x317: {  	v4 =	vmax.f32 v4, $0.0e+00;
	v15 =	vmul.f32 v14, v14  }
0x318: {  	v11 =	vadd.f32 v2, v11;
	v9 =	vmul.f32 v9, v10;
	v18 =	vand.u32 $0x7FFFFFFF, v1  }
0x319: {  	v13 =	vadd.f32 $3.333333430e-01, v13;
	v61 =	vmul.f32 $1.428571490e-01, v15;
	v18 =	vsub.f32 $0.0e+00, v18  }
0x31a: {  	v4 =	vadd.f32 v9, v4;
	v20 =	vmul.f32 v20, v22;
	v2 =	vmul.f32 v17, v0  }
0x31b: {  	v9 =	vadd.f32 v12, v12;
	v13 =	vmul.f32 v13, v16;
	v10 =	vmul.f32 $1.442695020e+00, v18  }
0x31c: {  	v16 =	vadd.f32 $2.000000030e-01, v61;
	v17 =	vand.u32 $0x7FFFFFFF, v2;
	v18 =	vmul.f32 v20, v20  }
0x31d: {  	s1 =	simm.s32 $0x15090;
	v12 =	vadd.f32 $1.000000000e+00, v13;
	v17 =	vsub.f32 $0.0e+00, v17;
	(erf) = vpow2.f32 v10  }
0x31e: {  	v10 =	vmul.f32 v16, v15;
	v13 =	vmul.f32 $1.428571490e-01, v18;
	v16 =	vld [tilespmem:s1+$0x0]  }
0x31f: {  	v11 =	vadd.f32 v4, v11;
	v4 =	vmul.f32 v12, v9;
	v12 =	vmul.f32 $1.442695020e+00, v17  }
0x320: {  	v6 =	vmax.f32 v6, $0.0e+00;
	v10 =	vadd.f32 $3.333333430e-01, v10;
	v9 =	vadd.f32 $2.000000030e-01, v13  }
0x321: {  	v6 =	vadd.f32 v4, v6;
	(erf) = vpow2.f32 v12;
	v13 =	vmul.f32 v23, v19  }
0x322: {  	v10 =	vmul.f32 v10, v15;
	v9 =	vmul.f32 v9, v18  }
0x323: {  	v6 =	vadd.f32 v6, v11;
	v12 =	vmul.f32 v13, v13;
	v4 =	vmul.f32 v16, v0  }
0x324: {  	v11 =	vadd.f32 v14, v14;
	s8 =	simm.s32 $0x150A0;
	v10 =	vadd.f32 $1.000000000e+00, v10  }
0x325: {  	v9 =	vadd.f32 $3.333333430e-01, v9;
	v16 =	vmul.f32 $1.428571490e-01, v12;
	v14 =	vand.u32 $0x7FFFFFFF, v4  }
0x326: {  	v5 =	vmax.f32 v5, $0.0e+00;
	v17 =	vld [tilespmem:s8+$0x0];
	v14 =	vsub.f32 $0.0e+00, v14  }
0x327: {  	v10 =	vmul.f32 v10, v11;
	v9 =	vmul.f32 v9, v18;
	v11 =	vadd.f32 $2.000000030e-01, v16;
	v15 =	vpop (erf)  }
0x328: {  	v16 =	vadd.f32 v20, v20;
	v19 =	vadd.f32 $2.000000000e+00, v15;
	v14 =	vmul.f32 $1.442695020e+00, v14  }
0x329: {  	v5 =	vadd.f32 v10, v5;
	v10 =	vmul.f32 v25, v24;
	v9 =	vadd.f32 $1.000000000e+00, v9  }
0x32a: {  	s1 =	simm.s32 $0x150B0;
	v11 =	vmul.f32 v11, v12;
	(erf) = vrcp.f32 v19  }
0x32b: {  	v5 =	vadd.f32 v5, v6;
	v6 =	vmul.f32 v17, v0;
	v17 =	vld [tilespmem:s1+$0x0];
	v9 =	vmul.f32 v9, v16  }
0x32c: {  	(erf) = vpow2.f32 v14;
	v14 =	vmul.f32 v10, v10  }
0x32d: {  	v8 =	vmax.f32 v8, $0.0e+00;
	v11 =	vadd.f32 $3.333333430e-01, v11  }
0x32e: {  	v16 =	vpop (erf);
	v19 =	vand.u32 $0x7FFFFFFF, v6;
	v8 =	vadd.f32 v9, v8;
	v18 =	vmul.f32 $1.428571490e-01, v14  }
0x32f: {  	v20 =	vadd.f32 $2.000000000e+00, v16;
	v11 =	vmul.f32 v11, v12;
	v9 =	vsub.f32 $0.0e+00, v19  }
0x330: {  	v12 =	vadd.f32 $2.000000030e-01, v18;
	v18 =	vadd.f32 v8, v5;
	v5 =	vmul.f32 v17, v0  }
0x331: {  	(erf) = vrcp.f32 v20  }
0x332: {  	v8 =	vmul.f32 $1.442695020e+00, v9;
	v12 =	vmul.f32 v12, v14;
	v17 =	vand.u32 $0x7FFFFFFF, v5  }
0x333: {  	s8 =	simm.s32 $0x150C0;
	v11 =	vadd.f32 $1.000000000e+00, v11  }
0x334: {  	v9 =	vadd.f32 v13, v13;
	(erf) = vpow2.f32 v8;
	v13 =	vpop (erf);
	v8 =	vadd.f32 $3.333333430e-01, v12;
	v12 =	vld [tilespmem:s8+$0x0]  }
0x335: {  	v13 =	vmul.f32 v13, v15;
	v15 =	vsub.f32 $0.0e+00, v17;
	v17 =	vpop (erf)  }
0x336: {  	v3 =	vmax.f32 v3, $0.0e+00;
	v9 =	vmul.f32 v11, v9;
	v11 =	vadd.f32 $2.000000000e+00, v17  }
0x337: {  	v10 =	vadd.f32 v10, v10;
	v8 =	vmul.f32 v8, v14;
	v19 =	vmul.f32 v13, v13  }
0x338: {  	v3 =	vadd.f32 v9, v3;
	v14 =	vmul.f32 $1.442695020e+00, v15;
	(erf) = vrcp.f32 v11  }
0x339: {  	s1 =	simm.s32 $0x150D0;
	v11 =	vadd.f32 $1.000000000e+00, v8;
	v9 =	vmul.f32 $1.428571490e-01, v19;
	v8 =	vmul.f32 v12, v0  }
0x33a: {  	v20 =	vld [tilespmem:s1+$0x0];
	v18 =	vadd.f32 v3, v18;
	(erf) = vpow2.f32 v14  }
0x33b: {  	v12 =	vpop (erf);
	v3 =	vmul.f32 v11, v10;
	v14 =	vadd.f32 $2.000000030e-01, v9;
	v10 =	vand.u32 $0x7FFFFFFF, v8  }
0x33c: {  	v9 =	vmul.f32 v12, v16;
	v10 =	vsub.f32 $0.0e+00, v10  }
0x33d: {  	v7 =	vmax.f32 v7, $0.0e+00;
	v12 =	vpop (erf);
	v11 =	vmul.f32 v14, v19  }
0x33e: {  	s8 =	simm.s32 $0x150E0;
	v15 =	vmul.f32 v9, v9;
	v14 =	vadd.f32 $2.000000000e+00, v12;
	v10 =	vmul.f32 $1.442695020e+00, v10  }
0x33f: {  	v16 =	vld [tilespmem:s8+$0x0];
	v7 =	vadd.f32 v3, v7;
	v3 =	vmul.f32 v20, v0;
	v20 =	vadd.f32 $3.333333430e-01, v11  }
0x340: {  	v62 =	vmul.f32 $1.428571490e-01, v15;
	(erf) = vrcp.f32 v14  }
0x341: {  	v11 =	vadd.f32 v7, v18;
	v14 =	vand.u32 $0x7FFFFFFF, v3;
	v7 =	vmul.f32 v20, v19  }
0x342: {  	(erf) = vpow2.f32 v10;
	v19 =	vadd.f32 $2.000000030e-01, v62;
	v10 =	vpop (erf)  }
0x343: {  	v20 =	vadd.f32 v13, v13;
	v10 =	vmul.f32 v10, v17;
	v63 =	vadd.f32 $1.000000000e+00, v7  }
0x344: {  	v18 =	vsub.f32 $0.0e+00, v14;
	v7 =	vmul.f32 v16, v0;
	v14 =	vpop (erf);
	v17 =	vmul.f32 v19, v15  }
0x345: {  	s31 =	simm.s32 $0x150F0;
	s0 =	simm.s32 $0x17E0;
	v19 =	vadd.f32 $2.000000000e+00, v14;
	v13 =	vmul.f32 v10, v10;
	v16 =	vmul.f32 v63, v20  }
.LBB2_48:
0x346: {  	v20 =	vld [tilespmem:s31+$0x0];
	v18 =	vmul.f32 $1.442695020e+00, v18;
	v17 =	vadd.f32 $3.333333430e-01, v17;
	v21 =	vmax.f32 v1, $0.0e+00;
	v1 =	vmovc v2;
	v2 =	vmovc v4;
	s0 =	sadd.s32 $0x10, s0  }
0x347: {  	v4 =	vmovc v6;
	v6 =	vmovc v5;
	(erf) = vrcp.f32 v19;
	v19 =	vmul.f32 $1.428571490e-01, v13;
	v16 =	vadd.f32 v16, v21;
	p0 =	slt.u32 s0, $0x1F30  }
.Ltmp23:
0x348: {  	v5 =	vmovc v8;
	v8 =	vmovc v3;
	v3 =	vmov v7;
	v21 =	vand.u32 $0x7FFFFFFF, v7;
	v15 =	vmul.f32 v17, v15;
	(pc) =	sbr.rel @p0 .LBB2_48-.Ltmp23, $4  }
0x349: {  	(erf) = vpow2.f32 v18;
	v7 =	vpop (erf);
	v17 =	vadd.f32 $2.000000030e-01, v19;
	v11 =	vadd.f32 v16, v11  }
0x34a: {  	v16 =	vadd.f32 v9, v9;
	v9 =	vmovc v10;
	v22 =	vadd.f32 $1.000000000e+00, v15;
	v10 =	vmul.f32 v7, v12;
	v12 =	vmovc v14  }
0x34b: {  	v18 =	vsub.f32 $0.0e+00, v21;
	v7 =	vmul.f32 v20, v0;
	v14 =	vpop (erf);
	v17 =	vmul.f32 v17, v13  }
0x34c: {  	s31 =	sadd.s32 $0x10, s31;
	v19 =	vadd.f32 $2.000000000e+00, v14;
	v16 =	vmul.f32 v22, v16;
	v15 =	vmovc v13;
	v13 =	vmul.f32 v10, v10  }
0x34d: {  	_ =	sdelay $0x3  }
0x34e: {  	v20 =	vand.u32 $0x7FFFFFFF, v7;
	v21 =	vpop (erf)  }
0x34f: {  	v18 =	vmul.f32 $1.442695020e+00, v18;
	v20 =	vsub.f32 $0.0e+00, v20;
	v22 =	vpop (erf)  }
0x350: {  	(erf) = vrcp.f32 v19;
	v19 =	vadd.f32 $2.000000000e+00, v22  }
0x351: {  	(erf) = vpow2.f32 v18;
	v18 =	vmul.f32 $1.442695020e+00, v20  }
0x352: {  	(erf) = vrcp.f32 v19  }
0x353: {  	(erf) = vpow2.f32 v18;
	_ =	sdelay $0x5  }
0x354: {  	v18 =	vpop (erf)  }
0x355: {  	v19 =	vpop (erf)  }
0x356: {  	v20 =	vpop (erf)  }
0x357: {  	v23 =	vadd.f32 $2.000000000e+00, v19;
	v24 =	vpop (erf)  }
0x358: {  	v25 =	vadd.f32 $2.000000000e+00, v24  }
0x359: {  	(erf) = vrcp.f32 v23  }
0x35a: {  	(erf) = vrcp.f32 v25;
	_ =	sdelay $0x7  }
0x35b: {  	v17 =	vadd.f32 $3.333333430e-01, v17;
	v26 =	vmul.f32 $1.428571490e-01, v13;
	v23 =	vpop (erf)  }
0x35c: {  	v12 =	vmul.f32 v21, v12;
	v25 =	vpop (erf)  }
0x35d: {  	v1 =	vmax.f32 v1, $0.0e+00;
	v15 =	vmul.f32 v17, v15;
	v17 =	vadd.f32 $2.000000030e-01, v26;
	_ =	swait.ge [sflag:s26], $0x7D0  }
0x35e: {  	v1 =	vadd.f32 v16, v1;
	v16 =	vmul.f32 v12, v12;
	[sflag:s26] =	ssyncset.done $0x0  }
0x35f: {  	s0 =	simm.s32 $0x15840;
	v9 =	vadd.f32 v9, v9;
	v15 =	vadd.f32 $1.000000000e+00, v15;
	v17 =	vmul.f32 v17, v13;
	[sflag:s26] =	ssyncadd.s32 $0xFFFFF830  }
0x360: {  	v11 =	vadd.f32 v1, v11;
	v1 =	vmul.f32 $1.428571490e-01, v16;
	v60 =	vld [tilespmem:s0+$0x0]  }
0x361: {  	v9 =	vmul.f32 v15, v9;
	v15 =	vadd.f32 $3.333333430e-01, v17  }
0x362: {  	v2 =	vmax.f32 v2, $0.0e+00;
	v17 =	vadd.f32 $2.000000030e-01, v1  }
0x363: {  	s8 =	simm.s32 $0x15850;
	v2 =	vadd.f32 v9, v2;
	v9 =	vmul.f32 v15, v13  }
0x364: {  	v13 =	vmul.f32 v17, v16;
	v14 =	vmul.f32 v18, v14;
	v17 =	vld [tilespmem:s8+$0x0]  }
0x365: {  	v10 =	vadd.f32 v10, v10;
	v9 =	vadd.f32 $1.000000000e+00, v9;
	v1 =	vmul.f32 v60, v0  }
0x366: {  	v4 =	vmax.f32 v4, $0.0e+00;
	v15 =	vmul.f32 v14, v14  }
0x367: {  	v11 =	vadd.f32 v2, v11;
	v9 =	vmul.f32 v9, v10;
	v18 =	vand.u32 $0x7FFFFFFF, v1  }
0x368: {  	v13 =	vadd.f32 $3.333333430e-01, v13;
	v61 =	vmul.f32 $1.428571490e-01, v15;
	v18 =	vsub.f32 $0.0e+00, v18  }
0x369: {  	v4 =	vadd.f32 v9, v4;
	v20 =	vmul.f32 v20, v22;
	v2 =	vmul.f32 v17, v0  }
0x36a: {  	v9 =	vadd.f32 v12, v12;
	v13 =	vmul.f32 v13, v16;
	v10 =	vmul.f32 $1.442695020e+00, v18  }
0x36b: {  	v16 =	vadd.f32 $2.000000030e-01, v61;
	v17 =	vand.u32 $0x7FFFFFFF, v2;
	v18 =	vmul.f32 v20, v20  }
0x36c: {  	s1 =	simm.s32 $0x15860;
	v12 =	vadd.f32 $1.000000000e+00, v13;
	v17 =	vsub.f32 $0.0e+00, v17;
	(erf) = vpow2.f32 v10  }
0x36d: {  	v10 =	vmul.f32 v16, v15;
	v13 =	vmul.f32 $1.428571490e-01, v18;
	v16 =	vld [tilespmem:s1+$0x0]  }
0x36e: {  	v11 =	vadd.f32 v4, v11;
	v4 =	vmul.f32 v12, v9;
	v12 =	vmul.f32 $1.442695020e+00, v17  }
0x36f: {  	v6 =	vmax.f32 v6, $0.0e+00;
	v10 =	vadd.f32 $3.333333430e-01, v10;
	v9 =	vadd.f32 $2.000000030e-01, v13  }
0x370: {  	v6 =	vadd.f32 v4, v6;
	(erf) = vpow2.f32 v12;
	v13 =	vmul.f32 v23, v19  }
0x371: {  	v10 =	vmul.f32 v10, v15;
	v9 =	vmul.f32 v9, v18  }
0x372: {  	v6 =	vadd.f32 v6, v11;
	v12 =	vmul.f32 v13, v13;
	v4 =	vmul.f32 v16, v0  }
0x373: {  	v11 =	vadd.f32 v14, v14;
	s8 =	simm.s32 $0x15870;
	v10 =	vadd.f32 $1.000000000e+00, v10  }
0x374: {  	v9 =	vadd.f32 $3.333333430e-01, v9;
	v16 =	vmul.f32 $1.428571490e-01, v12;
	v14 =	vand.u32 $0x7FFFFFFF, v4  }
0x375: {  	v5 =	vmax.f32 v5, $0.0e+00;
	v17 =	vld [tilespmem:s8+$0x0];
	v14 =	vsub.f32 $0.0e+00, v14  }
0x376: {  	v10 =	vmul.f32 v10, v11;
	v9 =	vmul.f32 v9, v18;
	v11 =	vadd.f32 $2.000000030e-01, v16;
	v15 =	vpop (erf)  }
0x377: {  	v16 =	vadd.f32 v20, v20;
	v19 =	vadd.f32 $2.000000000e+00, v15;
	v14 =	vmul.f32 $1.442695020e+00, v14  }
0x378: {  	v5 =	vadd.f32 v10, v5;
	v10 =	vmul.f32 v25, v24;
	v9 =	vadd.f32 $1.000000000e+00, v9  }
0x379: {  	s1 =	simm.s32 $0x15880;
	v11 =	vmul.f32 v11, v12;
	(erf) = vrcp.f32 v19  }
0x37a: {  	v5 =	vadd.f32 v5, v6;
	v6 =	vmul.f32 v17, v0;
	v17 =	vld [tilespmem:s1+$0x0];
	v9 =	vmul.f32 v9, v16  }
0x37b: {  	(erf) = vpow2.f32 v14;
	v14 =	vmul.f32 v10, v10  }
0x37c: {  	v8 =	vmax.f32 v8, $0.0e+00;
	v11 =	vadd.f32 $3.333333430e-01, v11  }
0x37d: {  	v16 =	vpop (erf);
	v19 =	vand.u32 $0x7FFFFFFF, v6;
	v8 =	vadd.f32 v9, v8;
	v18 =	vmul.f32 $1.428571490e-01, v14  }
0x37e: {  	v20 =	vadd.f32 $2.000000000e+00, v16;
	v11 =	vmul.f32 v11, v12;
	v9 =	vsub.f32 $0.0e+00, v19  }
0x37f: {  	v12 =	vadd.f32 $2.000000030e-01, v18;
	v18 =	vadd.f32 v8, v5;
	v5 =	vmul.f32 v17, v0  }
0x380: {  	(erf) = vrcp.f32 v20  }
0x381: {  	v8 =	vmul.f32 $1.442695020e+00, v9;
	v12 =	vmul.f32 v12, v14;
	v17 =	vand.u32 $0x7FFFFFFF, v5  }
0x382: {  	s8 =	simm.s32 $0x15890;
	v11 =	vadd.f32 $1.000000000e+00, v11  }
0x383: {  	v9 =	vadd.f32 v13, v13;
	(erf) = vpow2.f32 v8;
	v13 =	vpop (erf);
	v8 =	vadd.f32 $3.333333430e-01, v12;
	v12 =	vld [tilespmem:s8+$0x0]  }
0x384: {  	v13 =	vmul.f32 v13, v15;
	v15 =	vsub.f32 $0.0e+00, v17;
	v17 =	vpop (erf)  }
0x385: {  	v3 =	vmax.f32 v3, $0.0e+00;
	v9 =	vmul.f32 v11, v9;
	v11 =	vadd.f32 $2.000000000e+00, v17  }
0x386: {  	v10 =	vadd.f32 v10, v10;
	v8 =	vmul.f32 v8, v14;
	v19 =	vmul.f32 v13, v13  }
0x387: {  	v3 =	vadd.f32 v9, v3;
	v14 =	vmul.f32 $1.442695020e+00, v15;
	(erf) = vrcp.f32 v11  }
0x388: {  	s1 =	simm.s32 $0x158A0;
	v11 =	vadd.f32 $1.000000000e+00, v8;
	v9 =	vmul.f32 $1.428571490e-01, v19;
	v8 =	vmul.f32 v12, v0  }
0x389: {  	v20 =	vld [tilespmem:s1+$0x0];
	v18 =	vadd.f32 v3, v18;
	(erf) = vpow2.f32 v14  }
0x38a: {  	v12 =	vpop (erf);
	v3 =	vmul.f32 v11, v10;
	v14 =	vadd.f32 $2.000000030e-01, v9;
	v10 =	vand.u32 $0x7FFFFFFF, v8  }
0x38b: {  	v9 =	vmul.f32 v12, v16;
	v10 =	vsub.f32 $0.0e+00, v10  }
0x38c: {  	v7 =	vmax.f32 v7, $0.0e+00;
	v12 =	vpop (erf);
	v11 =	vmul.f32 v14, v19  }
0x38d: {  	s8 =	simm.s32 $0x158B0;
	v15 =	vmul.f32 v9, v9;
	v14 =	vadd.f32 $2.000000000e+00, v12;
	v10 =	vmul.f32 $1.442695020e+00, v10  }
0x38e: {  	v16 =	vld [tilespmem:s8+$0x0];
	v7 =	vadd.f32 v3, v7;
	v3 =	vmul.f32 v20, v0;
	v20 =	vadd.f32 $3.333333430e-01, v11  }
0x38f: {  	v62 =	vmul.f32 $1.428571490e-01, v15;
	(erf) = vrcp.f32 v14  }
0x390: {  	v11 =	vadd.f32 v7, v18;
	v14 =	vand.u32 $0x7FFFFFFF, v3;
	v7 =	vmul.f32 v20, v19  }
0x391: {  	(erf) = vpow2.f32 v10;
	v19 =	vadd.f32 $2.000000030e-01, v62;
	v10 =	vpop (erf)  }
0x392: {  	v20 =	vadd.f32 v13, v13;
	v10 =	vmul.f32 v10, v17;
	v63 =	vadd.f32 $1.000000000e+00, v7  }
0x393: {  	v18 =	vsub.f32 $0.0e+00, v14;
	v7 =	vmul.f32 v16, v0;
	v14 =	vpop (erf);
	v17 =	vmul.f32 v19, v15  }
0x394: {  	s31 =	simm.s32 $0x158C0;
	s0 =	simm.s32 $0x1FB0;
	v19 =	vadd.f32 $2.000000000e+00, v14;
	v13 =	vmul.f32 v10, v10;
	v16 =	vmul.f32 v63, v20  }
.LBB2_50:
0x395: {  	v20 =	vld [tilespmem:s31+$0x0];
	v18 =	vmul.f32 $1.442695020e+00, v18;
	v17 =	vadd.f32 $3.333333430e-01, v17;
	v21 =	vmax.f32 v1, $0.0e+00;
	v1 =	vmovc v2;
	v2 =	vmovc v4;
	s0 =	sadd.s32 $0x10, s0  }
0x396: {  	v4 =	vmovc v6;
	v6 =	vmovc v5;
	(erf) = vrcp.f32 v19;
	v19 =	vmul.f32 $1.428571490e-01, v13;
	v16 =	vadd.f32 v16, v21;
	p0 =	slt.u32 s0, $0x2700  }
.Ltmp24:
0x397: {  	v5 =	vmovc v8;
	v8 =	vmovc v3;
	v3 =	vmov v7;
	v21 =	vand.u32 $0x7FFFFFFF, v7;
	v15 =	vmul.f32 v17, v15;
	(pc) =	sbr.rel @p0 .LBB2_50-.Ltmp24, $4  }
0x398: {  	(erf) = vpow2.f32 v18;
	v7 =	vpop (erf);
	v17 =	vadd.f32 $2.000000030e-01, v19;
	v11 =	vadd.f32 v16, v11  }
0x399: {  	v16 =	vadd.f32 v9, v9;
	v9 =	vmovc v10;
	v22 =	vadd.f32 $1.000000000e+00, v15;
	v10 =	vmul.f32 v7, v12;
	v12 =	vmovc v14  }
0x39a: {  	v18 =	vsub.f32 $0.0e+00, v21;
	v7 =	vmul.f32 v20, v0;
	v14 =	vpop (erf);
	v17 =	vmul.f32 v17, v13  }
0x39b: {  	s31 =	sadd.s32 $0x10, s31;
	v19 =	vadd.f32 $2.000000000e+00, v14;
	v16 =	vmul.f32 v22, v16;
	v15 =	vmovc v13;
	v13 =	vmul.f32 v10, v10  }
0x39c: {  	_ =	sdelay $0x3  }
0x39d: {  	v20 =	vand.u32 $0x7FFFFFFF, v7;
	v21 =	vpop (erf)  }
0x39e: {  	v18 =	vmul.f32 $1.442695020e+00, v18;
	v20 =	vsub.f32 $0.0e+00, v20;
	v22 =	vpop (erf)  }
0x39f: {  	(erf) = vrcp.f32 v19;
	v19 =	vadd.f32 $2.000000000e+00, v22  }
0x3a0: {  	(erf) = vpow2.f32 v18;
	v18 =	vmul.f32 $1.442695020e+00, v20  }
0x3a1: {  	(erf) = vrcp.f32 v19  }
0x3a2: {  	(erf) = vpow2.f32 v18;
	_ =	sdelay $0x5  }
0x3a3: {  	v18 =	vpop (erf)  }
0x3a4: {  	v19 =	vpop (erf)  }
0x3a5: {  	v20 =	vpop (erf)  }
0x3a6: {  	v23 =	vadd.f32 $2.000000000e+00, v19;
	v24 =	vpop (erf)  }
0x3a7: {  	v25 =	vadd.f32 $2.000000000e+00, v24  }
0x3a8: {  	(erf) = vrcp.f32 v23  }
0x3a9: {  	(erf) = vrcp.f32 v25;
	_ =	sdelay $0x7  }
0x3aa: {  	v17 =	vadd.f32 $3.333333430e-01, v17;
	v26 =	vmul.f32 $1.428571490e-01, v13;
	v23 =	vpop (erf)  }
0x3ab: {  	v12 =	vmul.f32 v21, v12;
	v25 =	vpop (erf)  }
0x3ac: {  	v1 =	vmax.f32 v1, $0.0e+00;
	v15 =	vmul.f32 v17, v15;
	v17 =	vadd.f32 $2.000000030e-01, v26;
	_ =	swait.ge [sflag:s26], $0x7D0  }
0x3ad: {  	v1 =	vadd.f32 v16, v1;
	v16 =	vmul.f32 v12, v12;
	[sflag:s26] =	ssyncset.done $0x0  }
0x3ae: {  	s0 =	simm.s32 $0x16010;
	v9 =	vadd.f32 v9, v9;
	v15 =	vadd.f32 $1.000000000e+00, v15;
	v17 =	vmul.f32 v17, v13;
	[sflag:s26] =	ssyncadd.s32 $0xFFFFF830  }
0x3af: {  	v11 =	vadd.f32 v1, v11;
	v1 =	vmul.f32 $1.428571490e-01, v16;
	v60 =	vld [tilespmem:s0+$0x0]  }
0x3b0: {  	v9 =	vmul.f32 v15, v9;
	v15 =	vadd.f32 $3.333333430e-01, v17  }
0x3b1: {  	v2 =	vmax.f32 v2, $0.0e+00;
	v17 =	vadd.f32 $2.000000030e-01, v1  }
0x3b2: {  	s8 =	simm.s32 $0x16020;
	v2 =	vadd.f32 v9, v2;
	v9 =	vmul.f32 v15, v13  }
0x3b3: {  	v13 =	vmul.f32 v17, v16;
	v14 =	vmul.f32 v18, v14;
	v17 =	vld [tilespmem:s8+$0x0]  }
0x3b4: {  	v10 =	vadd.f32 v10, v10;
	v9 =	vadd.f32 $1.000000000e+00, v9;
	v1 =	vmul.f32 v60, v0  }
0x3b5: {  	v4 =	vmax.f32 v4, $0.0e+00;
	v15 =	vmul.f32 v14, v14  }
0x3b6: {  	v11 =	vadd.f32 v2, v11;
	v9 =	vmul.f32 v9, v10;
	v18 =	vand.u32 $0x7FFFFFFF, v1  }
0x3b7: {  	v13 =	vadd.f32 $3.333333430e-01, v13;
	v61 =	vmul.f32 $1.428571490e-01, v15;
	v18 =	vsub.f32 $0.0e+00, v18  }
0x3b8: {  	v4 =	vadd.f32 v9, v4;
	v20 =	vmul.f32 v20, v22;
	v2 =	vmul.f32 v17, v0  }
0x3b9: {  	v9 =	vadd.f32 v12, v12;
	v13 =	vmul.f32 v13, v16;
	v10 =	vmul.f32 $1.442695020e+00, v18  }
0x3ba: {  	v16 =	vadd.f32 $2.000000030e-01, v61;
	v17 =	vand.u32 $0x7FFFFFFF, v2;
	v18 =	vmul.f32 v20, v20  }
0x3bb: {  	s1 =	simm.s32 $0x16030;
	v12 =	vadd.f32 $1.000000000e+00, v13;
	v17 =	vsub.f32 $0.0e+00, v17;
	(erf) = vpow2.f32 v10  }
0x3bc: {  	v10 =	vmul.f32 v16, v15;
	v13 =	vmul.f32 $1.428571490e-01, v18;
	v16 =	vld [tilespmem:s1+$0x0]  }
0x3bd: {  	v11 =	vadd.f32 v4, v11;
	v4 =	vmul.f32 v12, v9;
	v12 =	vmul.f32 $1.442695020e+00, v17  }
0x3be: {  	v6 =	vmax.f32 v6, $0.0e+00;
	v10 =	vadd.f32 $3.333333430e-01, v10;
	v9 =	vadd.f32 $2.000000030e-01, v13  }
0x3bf: {  	v6 =	vadd.f32 v4, v6;
	(erf) = vpow2.f32 v12;
	v13 =	vmul.f32 v23, v19  }
0x3c0: {  	v10 =	vmul.f32 v10, v15;
	v9 =	vmul.f32 v9, v18  }
0x3c1: {  	v6 =	vadd.f32 v6, v11;
	v12 =	vmul.f32 v13, v13;
	v4 =	vmul.f32 v16, v0  }
0x3c2: {  	v11 =	vadd.f32 v14, v14;
	s8 =	simm.s32 $0x16040;
	v10 =	vadd.f32 $1.000000000e+00, v10  }
0x3c3: {  	v9 =	vadd.f32 $3.333333430e-01, v9;
	v16 =	vmul.f32 $1.428571490e-01, v12;
	v14 =	vand.u32 $0x7FFFFFFF, v4  }
0x3c4: {  	v5 =	vmax.f32 v5, $0.0e+00;
	v17 =	vld [tilespmem:s8+$0x0];
	v14 =	vsub.f32 $0.0e+00, v14  }
0x3c5: {  	v10 =	vmul.f32 v10, v11;
	v9 =	vmul.f32 v9, v18;
	v11 =	vadd.f32 $2.000000030e-01, v16;
	v15 =	vpop (erf)  }
0x3c6: {  	v16 =	vadd.f32 v20, v20;
	v19 =	vadd.f32 $2.000000000e+00, v15;
	v14 =	vmul.f32 $1.442695020e+00, v14  }
0x3c7: {  	v5 =	vadd.f32 v10, v5;
	v10 =	vmul.f32 v25, v24;
	v9 =	vadd.f32 $1.000000000e+00, v9  }
0x3c8: {  	s1 =	simm.s32 $0x16050;
	v11 =	vmul.f32 v11, v12;
	(erf) = vrcp.f32 v19  }
0x3c9: {  	v5 =	vadd.f32 v5, v6;
	v6 =	vmul.f32 v17, v0;
	v17 =	vld [tilespmem:s1+$0x0];
	v9 =	vmul.f32 v9, v16  }
0x3ca: {  	(erf) = vpow2.f32 v14;
	v14 =	vmul.f32 v10, v10  }
0x3cb: {  	v8 =	vmax.f32 v8, $0.0e+00;
	v11 =	vadd.f32 $3.333333430e-01, v11  }
0x3cc: {  	v16 =	vpop (erf);
	v19 =	vand.u32 $0x7FFFFFFF, v6;
	v8 =	vadd.f32 v9, v8;
	v18 =	vmul.f32 $1.428571490e-01, v14  }
0x3cd: {  	v20 =	vadd.f32 $2.000000000e+00, v16;
	v11 =	vmul.f32 v11, v12;
	v9 =	vsub.f32 $0.0e+00, v19  }
0x3ce: {  	v12 =	vadd.f32 $2.000000030e-01, v18;
	v18 =	vadd.f32 v8, v5;
	v5 =	vmul.f32 v17, v0  }
0x3cf: {  	(erf) = vrcp.f32 v20  }
0x3d0: {  	v8 =	vmul.f32 $1.442695020e+00, v9;
	v12 =	vmul.f32 v12, v14;
	v17 =	vand.u32 $0x7FFFFFFF, v5  }
0x3d1: {  	s8 =	simm.s32 $0x16060;
	v11 =	vadd.f32 $1.000000000e+00, v11  }
0x3d2: {  	v9 =	vadd.f32 v13, v13;
	(erf) = vpow2.f32 v8;
	v13 =	vpop (erf);
	v8 =	vadd.f32 $3.333333430e-01, v12;
	v12 =	vld [tilespmem:s8+$0x0]  }
0x3d3: {  	v13 =	vmul.f32 v13, v15;
	v15 =	vsub.f32 $0.0e+00, v17;
	v17 =	vpop (erf)  }
0x3d4: {  	v3 =	vmax.f32 v3, $0.0e+00;
	v9 =	vmul.f32 v11, v9;
	v11 =	vadd.f32 $2.000000000e+00, v17  }
0x3d5: {  	v10 =	vadd.f32 v10, v10;
	v8 =	vmul.f32 v8, v14;
	v19 =	vmul.f32 v13, v13  }
0x3d6: {  	v3 =	vadd.f32 v9, v3;
	v14 =	vmul.f32 $1.442695020e+00, v15;
	(erf) = vrcp.f32 v11  }
0x3d7: {  	s1 =	simm.s32 $0x16070;
	v11 =	vadd.f32 $1.000000000e+00, v8;
	v9 =	vmul.f32 $1.428571490e-01, v19;
	v8 =	vmul.f32 v12, v0  }
0x3d8: {  	v20 =	vld [tilespmem:s1+$0x0];
	v18 =	vadd.f32 v3, v18;
	(erf) = vpow2.f32 v14  }
0x3d9: {  	v12 =	vpop (erf);
	v3 =	vmul.f32 v11, v10;
	v14 =	vadd.f32 $2.000000030e-01, v9;
	v10 =	vand.u32 $0x7FFFFFFF, v8  }
0x3da: {  	v9 =	vmul.f32 v12, v16;
	v10 =	vsub.f32 $0.0e+00, v10  }
0x3db: {  	v7 =	vmax.f32 v7, $0.0e+00;
	v12 =	vpop (erf);
	v11 =	vmul.f32 v14, v19  }
0x3dc: {  	s8 =	simm.s32 $0x16080;
	v15 =	vmul.f32 v9, v9;
	v14 =	vadd.f32 $2.000000000e+00, v12;
	v10 =	vmul.f32 $1.442695020e+00, v10  }
0x3dd: {  	v16 =	vld [tilespmem:s8+$0x0];
	v7 =	vadd.f32 v3, v7;
	v3 =	vmul.f32 v20, v0;
	v20 =	vadd.f32 $3.333333430e-01, v11  }
0x3de: {  	v62 =	vmul.f32 $1.428571490e-01, v15;
	(erf) = vrcp.f32 v14  }
0x3df: {  	v11 =	vadd.f32 v7, v18;
	v14 =	vand.u32 $0x7FFFFFFF, v3;
	v7 =	vmul.f32 v20, v19  }
0x3e0: {  	(erf) = vpow2.f32 v10;
	v19 =	vadd.f32 $2.000000030e-01, v62;
	v10 =	vpop (erf)  }
0x3e1: {  	v20 =	vadd.f32 v13, v13;
	v10 =	vmul.f32 v10, v17;
	v63 =	vadd.f32 $1.000000000e+00, v7  }
0x3e2: {  	v18 =	vsub.f32 $0.0e+00, v14;
	v7 =	vmul.f32 v16, v0;
	v14 =	vpop (erf);
	v17 =	vmul.f32 v19, v15  }
0x3e3: {  	s31 =	simm.s32 $0x16090;
	s0 =	simm.s32 $0x2780;
	v19 =	vadd.f32 $2.000000000e+00, v14;
	v13 =	vmul.f32 v10, v10;
	v16 =	vmul.f32 v63, v20  }
.LBB2_52:
0x3e4: {  	v20 =	vld [tilespmem:s31+$0x0];
	v18 =	vmul.f32 $1.442695020e+00, v18;
	v17 =	vadd.f32 $3.333333430e-01, v17;
	v21 =	vmax.f32 v1, $0.0e+00;
	v1 =	vmovc v2;
	v2 =	vmovc v4;
	s0 =	sadd.s32 $0x10, s0  }
0x3e5: {  	v4 =	vmovc v6;
	v6 =	vmovc v5;
	(erf) = vrcp.f32 v19;
	v19 =	vmul.f32 $1.428571490e-01, v13;
	v16 =	vadd.f32 v16, v21;
	p0 =	slt.u32 s0, $0x2ED0  }
.Ltmp25:
0x3e6: {  	v5 =	vmovc v8;
	v8 =	vmovc v3;
	v3 =	vmov v7;
	v21 =	vand.u32 $0x7FFFFFFF, v7;
	v15 =	vmul.f32 v17, v15;
	(pc) =	sbr.rel @p0 .LBB2_52-.Ltmp25, $4  }
0x3e7: {  	(erf) = vpow2.f32 v18;
	v7 =	vpop (erf);
	v17 =	vadd.f32 $2.000000030e-01, v19;
	v11 =	vadd.f32 v16, v11  }
0x3e8: {  	v16 =	vadd.f32 v9, v9;
	v9 =	vmovc v10;
	v22 =	vadd.f32 $1.000000000e+00, v15;
	v10 =	vmul.f32 v7, v12;
	v12 =	vmovc v14  }
0x3e9: {  	v18 =	vsub.f32 $0.0e+00, v21;
	v7 =	vmul.f32 v20, v0;
	v14 =	vpop (erf);
	v17 =	vmul.f32 v17, v13  }
0x3ea: {  	s31 =	sadd.s32 $0x10, s31;
	v19 =	vadd.f32 $2.000000000e+00, v14;
	v16 =	vmul.f32 v22, v16;
	v15 =	vmovc v13;
	v13 =	vmul.f32 v10, v10  }
0x3eb: {  	_ =	sdelay $0x3  }
0x3ec: {  	v20 =	vand.u32 $0x7FFFFFFF, v7;
	v21 =	vpop (erf)  }
0x3ed: {  	v18 =	vmul.f32 $1.442695020e+00, v18;
	v20 =	vsub.f32 $0.0e+00, v20;
	v22 =	vpop (erf)  }
0x3ee: {  	(erf) = vrcp.f32 v19;
	v19 =	vadd.f32 $2.000000000e+00, v22  }
0x3ef: {  	(erf) = vpow2.f32 v18;
	v18 =	vmul.f32 $1.442695020e+00, v20  }
0x3f0: {  	(erf) = vrcp.f32 v19  }
0x3f1: {  	(erf) = vpow2.f32 v18;
	_ =	sdelay $0x5  }
0x3f2: {  	v18 =	vpop (erf)  }
0x3f3: {  	v19 =	vpop (erf)  }
0x3f4: {  	v20 =	vpop (erf)  }
0x3f5: {  	v23 =	vadd.f32 $2.000000000e+00, v19;
	v24 =	vpop (erf)  }
0x3f6: {  	v25 =	vadd.f32 $2.000000000e+00, v24  }
0x3f7: {  	(erf) = vrcp.f32 v23  }
0x3f8: {  	(erf) = vrcp.f32 v25;
	_ =	sdelay $0x7  }
0x3f9: {  	v17 =	vadd.f32 $3.333333430e-01, v17;
	v26 =	vmul.f32 $1.428571490e-01, v13;
	v23 =	vpop (erf)  }
0x3fa: {  	v12 =	vmul.f32 v21, v12;
	v25 =	vpop (erf)  }
0x3fb: {  	v1 =	vmax.f32 v1, $0.0e+00;
	v15 =	vmul.f32 v17, v15;
	v17 =	vadd.f32 $2.000000030e-01, v26;
	_ =	swait.ge [sflag:s26], $0x7D0  }
0x3fc: {  	v1 =	vadd.f32 v16, v1;
	v16 =	vmul.f32 v12, v12;
	[sflag:s26] =	ssyncset.done $0x0  }
0x3fd: {  	s0 =	simm.s32 $0x167E0;
	v9 =	vadd.f32 v9, v9;
	v15 =	vadd.f32 $1.000000000e+00, v15;
	v17 =	vmul.f32 v17, v13;
	[sflag:s26] =	ssyncadd.s32 $0xFFFFF830  }
0x3fe: {  	v11 =	vadd.f32 v1, v11;
	v1 =	vmul.f32 $1.428571490e-01, v16;
	v60 =	vld [tilespmem:s0+$0x0]  }
0x3ff: {  	v9 =	vmul.f32 v15, v9;
	v15 =	vadd.f32 $3.333333430e-01, v17  }
0x400: {  	v2 =	vmax.f32 v2, $0.0e+00;
	v17 =	vadd.f32 $2.000000030e-01, v1  }
0x401: {  	s8 =	simm.s32 $0x167F0;
	v2 =	vadd.f32 v9, v2;
	v9 =	vmul.f32 v15, v13  }
0x402: {  	v13 =	vmul.f32 v17, v16;
	v14 =	vmul.f32 v18, v14;
	v17 =	vld [tilespmem:s8+$0x0]  }
0x403: {  	v10 =	vadd.f32 v10, v10;
	v9 =	vadd.f32 $1.000000000e+00, v9;
	v1 =	vmul.f32 v60, v0  }
0x404: {  	v4 =	vmax.f32 v4, $0.0e+00;
	v15 =	vmul.f32 v14, v14  }
0x405: {  	v11 =	vadd.f32 v2, v11;
	v9 =	vmul.f32 v9, v10;
	v18 =	vand.u32 $0x7FFFFFFF, v1  }
0x406: {  	v13 =	vadd.f32 $3.333333430e-01, v13;
	v61 =	vmul.f32 $1.428571490e-01, v15;
	v18 =	vsub.f32 $0.0e+00, v18  }
0x407: {  	v4 =	vadd.f32 v9, v4;
	v20 =	vmul.f32 v20, v22;
	v2 =	vmul.f32 v17, v0  }
0x408: {  	v9 =	vadd.f32 v12, v12;
	v13 =	vmul.f32 v13, v16;
	v10 =	vmul.f32 $1.442695020e+00, v18  }
0x409: {  	v16 =	vadd.f32 $2.000000030e-01, v61;
	v17 =	vand.u32 $0x7FFFFFFF, v2;
	v18 =	vmul.f32 v20, v20  }
0x40a: {  	s1 =	simm.s32 $0x16800;
	v12 =	vadd.f32 $1.000000000e+00, v13;
	v17 =	vsub.f32 $0.0e+00, v17;
	(erf) = vpow2.f32 v10  }
0x40b: {  	v10 =	vmul.f32 v16, v15;
	v13 =	vmul.f32 $1.428571490e-01, v18;
	v16 =	vld [tilespmem:s1+$0x0]  }
0x40c: {  	v11 =	vadd.f32 v4, v11;
	v4 =	vmul.f32 v12, v9;
	v12 =	vmul.f32 $1.442695020e+00, v17  }
0x40d: {  	v6 =	vmax.f32 v6, $0.0e+00;
	v10 =	vadd.f32 $3.333333430e-01, v10;
	v9 =	vadd.f32 $2.000000030e-01, v13  }
0x40e: {  	v6 =	vadd.f32 v4, v6;
	(erf) = vpow2.f32 v12;
	v13 =	vmul.f32 v23, v19  }
0x40f: {  	v10 =	vmul.f32 v10, v15;
	v9 =	vmul.f32 v9, v18  }
0x410: {  	v6 =	vadd.f32 v6, v11;
	v12 =	vmul.f32 v13, v13;
	v4 =	vmul.f32 v16, v0  }
0x411: {  	v11 =	vadd.f32 v14, v14;
	s8 =	simm.s32 $0x16810;
	v10 =	vadd.f32 $1.000000000e+00, v10  }
0x412: {  	v9 =	vadd.f32 $3.333333430e-01, v9;
	v16 =	vmul.f32 $1.428571490e-01, v12;
	v14 =	vand.u32 $0x7FFFFFFF, v4  }
0x413: {  	v5 =	vmax.f32 v5, $0.0e+00;
	v17 =	vld [tilespmem:s8+$0x0];
	v14 =	vsub.f32 $0.0e+00, v14  }
0x414: {  	v10 =	vmul.f32 v10, v11;
	v9 =	vmul.f32 v9, v18;
	v11 =	vadd.f32 $2.000000030e-01, v16;
	v15 =	vpop (erf)  }
0x415: {  	v16 =	vadd.f32 v20, v20;
	v19 =	vadd.f32 $2.000000000e+00, v15;
	v14 =	vmul.f32 $1.442695020e+00, v14  }
0x416: {  	v5 =	vadd.f32 v10, v5;
	v10 =	vmul.f32 v25, v24;
	v9 =	vadd.f32 $1.000000000e+00, v9  }
0x417: {  	s1 =	simm.s32 $0x16820;
	v11 =	vmul.f32 v11, v12;
	(erf) = vrcp.f32 v19  }
0x418: {  	v5 =	vadd.f32 v5, v6;
	v6 =	vmul.f32 v17, v0;
	v17 =	vld [tilespmem:s1+$0x0];
	v9 =	vmul.f32 v9, v16  }
0x419: {  	(erf) = vpow2.f32 v14;
	v14 =	vmul.f32 v10, v10  }
0x41a: {  	v8 =	vmax.f32 v8, $0.0e+00;
	v11 =	vadd.f32 $3.333333430e-01, v11  }
0x41b: {  	v16 =	vpop (erf);
	v19 =	vand.u32 $0x7FFFFFFF, v6;
	v8 =	vadd.f32 v9, v8;
	v18 =	vmul.f32 $1.428571490e-01, v14  }
0x41c: {  	v20 =	vadd.f32 $2.000000000e+00, v16;
	v11 =	vmul.f32 v11, v12;
	v9 =	vsub.f32 $0.0e+00, v19  }
0x41d: {  	v12 =	vadd.f32 $2.000000030e-01, v18;
	v18 =	vadd.f32 v8, v5;
	v5 =	vmul.f32 v17, v0  }
0x41e: {  	(erf) = vrcp.f32 v20  }
0x41f: {  	v8 =	vmul.f32 $1.442695020e+00, v9;
	v12 =	vmul.f32 v12, v14;
	v17 =	vand.u32 $0x7FFFFFFF, v5  }
0x420: {  	s8 =	simm.s32 $0x16830;
	v11 =	vadd.f32 $1.000000000e+00, v11  }
0x421: {  	v9 =	vadd.f32 v13, v13;
	(erf) = vpow2.f32 v8;
	v13 =	vpop (erf);
	v8 =	vadd.f32 $3.333333430e-01, v12;
	v12 =	vld [tilespmem:s8+$0x0]  }
0x422: {  	v13 =	vmul.f32 v13, v15;
	v15 =	vsub.f32 $0.0e+00, v17;
	v17 =	vpop (erf)  }
0x423: {  	v3 =	vmax.f32 v3, $0.0e+00;
	v9 =	vmul.f32 v11, v9;
	v11 =	vadd.f32 $2.000000000e+00, v17  }
0x424: {  	v10 =	vadd.f32 v10, v10;
	v8 =	vmul.f32 v8, v14;
	v19 =	vmul.f32 v13, v13  }
0x425: {  	v3 =	vadd.f32 v9, v3;
	v14 =	vmul.f32 $1.442695020e+00, v15;
	(erf) = vrcp.f32 v11  }
0x426: {  	s1 =	simm.s32 $0x16840;
	v11 =	vadd.f32 $1.000000000e+00, v8;
	v9 =	vmul.f32 $1.428571490e-01, v19;
	v8 =	vmul.f32 v12, v0  }
0x427: {  	v20 =	vld [tilespmem:s1+$0x0];
	v18 =	vadd.f32 v3, v18;
	(erf) = vpow2.f32 v14  }
0x428: {  	v12 =	vpop (erf);
	v3 =	vmul.f32 v11, v10;
	v14 =	vadd.f32 $2.000000030e-01, v9;
	v10 =	vand.u32 $0x7FFFFFFF, v8  }
0x429: {  	v9 =	vmul.f32 v12, v16;
	v10 =	vsub.f32 $0.0e+00, v10  }
0x42a: {  	v7 =	vmax.f32 v7, $0.0e+00;
	v12 =	vpop (erf);
	v11 =	vmul.f32 v14, v19  }
0x42b: {  	s8 =	simm.s32 $0x16850;
	v15 =	vmul.f32 v9, v9;
	v14 =	vadd.f32 $2.000000000e+00, v12;
	v10 =	vmul.f32 $1.442695020e+00, v10  }
0x42c: {  	v16 =	vld [tilespmem:s8+$0x0];
	v7 =	vadd.f32 v3, v7;
	v3 =	vmul.f32 v20, v0;
	v20 =	vadd.f32 $3.333333430e-01, v11  }
0x42d: {  	v62 =	vmul.f32 $1.428571490e-01, v15;
	(erf) = vrcp.f32 v14  }
0x42e: {  	v11 =	vadd.f32 v7, v18;
	v14 =	vand.u32 $0x7FFFFFFF, v3;
	v7 =	vmul.f32 v20, v19  }
0x42f: {  	(erf) = vpow2.f32 v10;
	v19 =	vadd.f32 $2.000000030e-01, v62;
	v10 =	vpop (erf)  }
0x430: {  	v20 =	vadd.f32 v13, v13;
	v10 =	vmul.f32 v10, v17;
	v63 =	vadd.f32 $1.000000000e+00, v7  }
0x431: {  	v18 =	vsub.f32 $0.0e+00, v14;
	v7 =	vmul.f32 v16, v0;
	v14 =	vpop (erf);
	v17 =	vmul.f32 v19, v15  }
0x432: {  	s31 =	simm.s32 $0x16860;
	s0 =	simm.s32 $0x2F50;
	v19 =	vadd.f32 $2.000000000e+00, v14;
	v13 =	vmul.f32 v10, v10;
	v16 =	vmul.f32 v63, v20  }
.LBB2_54:
0x433: {  	v20 =	vld [tilespmem:s31+$0x0];
	v18 =	vmul.f32 $1.442695020e+00, v18;
	v17 =	vadd.f32 $3.333333430e-01, v17;
	v21 =	vmax.f32 v1, $0.0e+00;
	v1 =	vmovc v2;
	v2 =	vmovc v4;
	s0 =	sadd.s32 $0x10, s0  }
0x434: {  	v4 =	vmovc v6;
	v6 =	vmovc v5;
	(erf) = vrcp.f32 v19;
	v19 =	vmul.f32 $1.428571490e-01, v13;
	v16 =	vadd.f32 v16, v21;
	p0 =	slt.u32 s0, $0x36A0  }
.Ltmp26:
0x435: {  	v5 =	vmovc v8;
	v8 =	vmovc v3;
	v3 =	vmov v7;
	v21 =	vand.u32 $0x7FFFFFFF, v7;
	v15 =	vmul.f32 v17, v15;
	(pc) =	sbr.rel @p0 .LBB2_54-.Ltmp26, $4  }
0x436: {  	(erf) = vpow2.f32 v18;
	v7 =	vpop (erf);
	v17 =	vadd.f32 $2.000000030e-01, v19;
	v11 =	vadd.f32 v16, v11  }
0x437: {  	v16 =	vadd.f32 v9, v9;
	v9 =	vmovc v10;
	v22 =	vadd.f32 $1.000000000e+00, v15;
	v10 =	vmul.f32 v7, v12;
	v12 =	vmovc v14  }
0x438: {  	v18 =	vsub.f32 $0.0e+00, v21;
	v7 =	vmul.f32 v20, v0;
	v14 =	vpop (erf);
	v17 =	vmul.f32 v17, v13  }
0x439: {  	s31 =	sadd.s32 $0x10, s31;
	v19 =	vadd.f32 $2.000000000e+00, v14;
	v16 =	vmul.f32 v22, v16;
	v15 =	vmovc v13;
	v13 =	vmul.f32 v10, v10  }
0x43a: {  	_ =	sdelay $0x3  }
0x43b: {  	v20 =	vand.u32 $0x7FFFFFFF, v7;
	v21 =	vpop (erf)  }
0x43c: {  	v18 =	vmul.f32 $1.442695020e+00, v18;
	v20 =	vsub.f32 $0.0e+00, v20;
	v22 =	vpop (erf)  }
0x43d: {  	(erf) = vrcp.f32 v19;
	v19 =	vadd.f32 $2.000000000e+00, v22  }
0x43e: {  	(erf) = vpow2.f32 v18;
	v18 =	vmul.f32 $1.442695020e+00, v20  }
0x43f: {  	(erf) = vrcp.f32 v19  }
0x440: {  	(erf) = vpow2.f32 v18;
	_ =	sdelay $0x5  }
0x441: {  	v18 =	vpop (erf)  }
0x442: {  	v19 =	vpop (erf)  }
0x443: {  	v20 =	vpop (erf)  }
0x444: {  	v23 =	vadd.f32 $2.000000000e+00, v19;
	v24 =	vpop (erf)  }
0x445: {  	v25 =	vadd.f32 $2.000000000e+00, v24  }
0x446: {  	(erf) = vrcp.f32 v23  }
0x447: {  	(erf) = vrcp.f32 v25;
	_ =	sdelay $0x7  }
0x448: {  	v17 =	vadd.f32 $3.333333430e-01, v17;
	v26 =	vmul.f32 $1.428571490e-01, v13;
	v23 =	vpop (erf)  }
0x449: {  	v12 =	vmul.f32 v21, v12;
	v25 =	vpop (erf)  }
0x44a: {  	v1 =	vmax.f32 v1, $0.0e+00;
	v15 =	vmul.f32 v17, v15;
	v17 =	vadd.f32 $2.000000030e-01, v26;
	_ =	swait.ge [sflag:s26], $0x7D0  }
0x44b: {  	v1 =	vadd.f32 v16, v1;
	v16 =	vmul.f32 v12, v12;
	[sflag:s26] =	ssyncset.done $0x0  }
0x44c: {  	s0 =	simm.s32 $0x16FB0;
	v9 =	vadd.f32 v9, v9;
	v15 =	vadd.f32 $1.000000000e+00, v15;
	v17 =	vmul.f32 v17, v13;
	[sflag:s26] =	ssyncadd.s32 $0xFFFFF830  }
0x44d: {  	v11 =	vadd.f32 v1, v11;
	v1 =	vmul.f32 $1.428571490e-01, v16;
	v60 =	vld [tilespmem:s0+$0x0]  }
0x44e: {  	v9 =	vmul.f32 v15, v9;
	v15 =	vadd.f32 $3.333333430e-01, v17  }
0x44f: {  	v2 =	vmax.f32 v2, $0.0e+00;
	v17 =	vadd.f32 $2.000000030e-01, v1  }
0x450: {  	s8 =	simm.s32 $0x16FC0;
	v2 =	vadd.f32 v9, v2;
	v9 =	vmul.f32 v15, v13  }
0x451: {  	v13 =	vmul.f32 v17, v16;
	v14 =	vmul.f32 v18, v14;
	v17 =	vld [tilespmem:s8+$0x0]  }
0x452: {  	v10 =	vadd.f32 v10, v10;
	v9 =	vadd.f32 $1.000000000e+00, v9;
	v1 =	vmul.f32 v60, v0  }
0x453: {  	v4 =	vmax.f32 v4, $0.0e+00;
	v15 =	vmul.f32 v14, v14  }
0x454: {  	v11 =	vadd.f32 v2, v11;
	v9 =	vmul.f32 v9, v10;
	v18 =	vand.u32 $0x7FFFFFFF, v1  }
0x455: {  	v13 =	vadd.f32 $3.333333430e-01, v13;
	v61 =	vmul.f32 $1.428571490e-01, v15;
	v18 =	vsub.f32 $0.0e+00, v18  }
0x456: {  	v4 =	vadd.f32 v9, v4;
	v20 =	vmul.f32 v20, v22;
	v2 =	vmul.f32 v17, v0  }
0x457: {  	v9 =	vadd.f32 v12, v12;
	v13 =	vmul.f32 v13, v16;
	v10 =	vmul.f32 $1.442695020e+00, v18  }
0x458: {  	v16 =	vadd.f32 $2.000000030e-01, v61;
	v17 =	vand.u32 $0x7FFFFFFF, v2;
	v18 =	vmul.f32 v20, v20  }
0x459: {  	s1 =	simm.s32 $0x16FD0;
	v12 =	vadd.f32 $1.000000000e+00, v13;
	v17 =	vsub.f32 $0.0e+00, v17;
	(erf) = vpow2.f32 v10  }
0x45a: {  	v10 =	vmul.f32 v16, v15;
	v13 =	vmul.f32 $1.428571490e-01, v18;
	v16 =	vld [tilespmem:s1+$0x0]  }
0x45b: {  	v11 =	vadd.f32 v4, v11;
	v4 =	vmul.f32 v12, v9;
	v12 =	vmul.f32 $1.442695020e+00, v17  }
0x45c: {  	v6 =	vmax.f32 v6, $0.0e+00;
	v10 =	vadd.f32 $3.333333430e-01, v10;
	v9 =	vadd.f32 $2.000000030e-01, v13  }
0x45d: {  	v6 =	vadd.f32 v4, v6;
	(erf) = vpow2.f32 v12;
	v13 =	vmul.f32 v23, v19  }
0x45e: {  	v10 =	vmul.f32 v10, v15;
	v9 =	vmul.f32 v9, v18  }
0x45f: {  	v6 =	vadd.f32 v6, v11;
	v12 =	vmul.f32 v13, v13;
	v4 =	vmul.f32 v16, v0  }
0x460: {  	v11 =	vadd.f32 v14, v14;
	s8 =	simm.s32 $0x16FE0;
	v10 =	vadd.f32 $1.000000000e+00, v10  }
0x461: {  	v9 =	vadd.f32 $3.333333430e-01, v9;
	v16 =	vmul.f32 $1.428571490e-01, v12;
	v14 =	vand.u32 $0x7FFFFFFF, v4  }
0x462: {  	v5 =	vmax.f32 v5, $0.0e+00;
	v17 =	vld [tilespmem:s8+$0x0];
	v14 =	vsub.f32 $0.0e+00, v14  }
0x463: {  	v10 =	vmul.f32 v10, v11;
	v9 =	vmul.f32 v9, v18;
	v11 =	vadd.f32 $2.000000030e-01, v16;
	v15 =	vpop (erf)  }
0x464: {  	v16 =	vadd.f32 v20, v20;
	v19 =	vadd.f32 $2.000000000e+00, v15;
	v14 =	vmul.f32 $1.442695020e+00, v14  }
0x465: {  	v5 =	vadd.f32 v10, v5;
	v10 =	vmul.f32 v25, v24;
	v9 =	vadd.f32 $1.000000000e+00, v9  }
0x466: {  	s1 =	simm.s32 $0x16FF0;
	v11 =	vmul.f32 v11, v12;
	(erf) = vrcp.f32 v19  }
0x467: {  	v5 =	vadd.f32 v5, v6;
	v6 =	vmul.f32 v17, v0;
	v17 =	vld [tilespmem:s1+$0x0];
	v9 =	vmul.f32 v9, v16  }
0x468: {  	(erf) = vpow2.f32 v14;
	v14 =	vmul.f32 v10, v10  }
0x469: {  	v8 =	vmax.f32 v8, $0.0e+00;
	v11 =	vadd.f32 $3.333333430e-01, v11  }
0x46a: {  	v16 =	vpop (erf);
	v19 =	vand.u32 $0x7FFFFFFF, v6;
	v8 =	vadd.f32 v9, v8;
	v18 =	vmul.f32 $1.428571490e-01, v14  }
0x46b: {  	v20 =	vadd.f32 $2.000000000e+00, v16;
	v11 =	vmul.f32 v11, v12;
	v9 =	vsub.f32 $0.0e+00, v19  }
0x46c: {  	v12 =	vadd.f32 $2.000000030e-01, v18;
	v18 =	vadd.f32 v8, v5;
	v5 =	vmul.f32 v17, v0  }
0x46d: {  	(erf) = vrcp.f32 v20  }
0x46e: {  	v8 =	vmul.f32 $1.442695020e+00, v9;
	v12 =	vmul.f32 v12, v14;
	v17 =	vand.u32 $0x7FFFFFFF, v5  }
0x46f: {  	s8 =	simm.s32 $0x17000;
	v11 =	vadd.f32 $1.000000000e+00, v11  }
0x470: {  	v9 =	vadd.f32 v13, v13;
	(erf) = vpow2.f32 v8;
	v13 =	vpop (erf);
	v8 =	vadd.f32 $3.333333430e-01, v12;
	v12 =	vld [tilespmem:s8+$0x0]  }
0x471: {  	v13 =	vmul.f32 v13, v15;
	v15 =	vsub.f32 $0.0e+00, v17;
	v17 =	vpop (erf)  }
0x472: {  	v3 =	vmax.f32 v3, $0.0e+00;
	v9 =	vmul.f32 v11, v9;
	v11 =	vadd.f32 $2.000000000e+00, v17  }
0x473: {  	v10 =	vadd.f32 v10, v10;
	v8 =	vmul.f32 v8, v14;
	v19 =	vmul.f32 v13, v13  }
0x474: {  	v3 =	vadd.f32 v9, v3;
	v14 =	vmul.f32 $1.442695020e+00, v15;
	(erf) = vrcp.f32 v11  }
0x475: {  	s1 =	simm.s32 $0x17010;
	v11 =	vadd.f32 $1.000000000e+00, v8;
	v9 =	vmul.f32 $1.428571490e-01, v19;
	v8 =	vmul.f32 v12, v0  }
0x476: {  	v20 =	vld [tilespmem:s1+$0x0];
	v18 =	vadd.f32 v3, v18;
	(erf) = vpow2.f32 v14  }
0x477: {  	v12 =	vpop (erf);
	v3 =	vmul.f32 v11, v10;
	v14 =	vadd.f32 $2.000000030e-01, v9;
	v10 =	vand.u32 $0x7FFFFFFF, v8  }
0x478: {  	v9 =	vmul.f32 v12, v16;
	v10 =	vsub.f32 $0.0e+00, v10  }
0x479: {  	v7 =	vmax.f32 v7, $0.0e+00;
	v12 =	vpop (erf);
	v11 =	vmul.f32 v14, v19  }
0x47a: {  	s8 =	simm.s32 $0x17020;
	v15 =	vmul.f32 v9, v9;
	v14 =	vadd.f32 $2.000000000e+00, v12;
	v10 =	vmul.f32 $1.442695020e+00, v10  }
0x47b: {  	v16 =	vld [tilespmem:s8+$0x0];
	v7 =	vadd.f32 v3, v7;
	v3 =	vmul.f32 v20, v0;
	v20 =	vadd.f32 $3.333333430e-01, v11  }
0x47c: {  	v62 =	vmul.f32 $1.428571490e-01, v15;
	(erf) = vrcp.f32 v14  }
0x47d: {  	v11 =	vadd.f32 v7, v18;
	v14 =	vand.u32 $0x7FFFFFFF, v3;
	v7 =	vmul.f32 v20, v19  }
0x47e: {  	(erf) = vpow2.f32 v10;
	v19 =	vadd.f32 $2.000000030e-01, v62;
	v10 =	vpop (erf)  }
0x47f: {  	v20 =	vadd.f32 v13, v13;
	v10 =	vmul.f32 v10, v17;
	v63 =	vadd.f32 $1.000000000e+00, v7  }
0x480: {  	v18 =	vsub.f32 $0.0e+00, v14;
	v7 =	vmul.f32 v16, v0;
	v14 =	vpop (erf);
	v17 =	vmul.f32 v19, v15  }
0x481: {  	s31 =	simm.s32 $0x17030;
	s0 =	simm.s32 $0x3720;
	v19 =	vadd.f32 $2.000000000e+00, v14;
	v13 =	vmul.f32 v10, v10;
	v16 =	vmul.f32 v63, v20  }
.LBB2_56:
0x482: {  	v20 =	vld [tilespmem:s31+$0x0];
	v18 =	vmul.f32 $1.442695020e+00, v18;
	v17 =	vadd.f32 $3.333333430e-01, v17;
	v21 =	vmax.f32 v1, $0.0e+00;
	v1 =	vmovc v2;
	v2 =	vmovc v4;
	s0 =	sadd.s32 $0x10, s0  }
0x483: {  	v4 =	vmovc v6;
	v6 =	vmovc v5;
	(erf) = vrcp.f32 v19;
	v19 =	vmul.f32 $1.428571490e-01, v13;
	v16 =	vadd.f32 v16, v21;
	p0 =	slt.u32 s0, $0x3E70  }
.Ltmp27:
0x484: {  	v5 =	vmovc v8;
	v8 =	vmovc v3;
	v3 =	vmov v7;
	v21 =	vand.u32 $0x7FFFFFFF, v7;
	v15 =	vmul.f32 v17, v15;
	(pc) =	sbr.rel @p0 .LBB2_56-.Ltmp27, $4  }
0x485: {  	(erf) = vpow2.f32 v18;
	v7 =	vpop (erf);
	v17 =	vadd.f32 $2.000000030e-01, v19;
	v11 =	vadd.f32 v16, v11  }
0x486: {  	v16 =	vadd.f32 v9, v9;
	v9 =	vmovc v10;
	v22 =	vadd.f32 $1.000000000e+00, v15;
	v10 =	vmul.f32 v7, v12;
	v12 =	vmovc v14  }
0x487: {  	v18 =	vsub.f32 $0.0e+00, v21;
	v7 =	vmul.f32 v20, v0;
	v14 =	vpop (erf);
	v17 =	vmul.f32 v17, v13  }
0x488: {  	s31 =	sadd.s32 $0x10, s31;
	v19 =	vadd.f32 $2.000000000e+00, v14;
	v16 =	vmul.f32 v22, v16;
	v15 =	vmovc v13;
	v13 =	vmul.f32 v10, v10  }
0x489: {  	_ =	sdelay $0x3  }
0x48a: {  	v20 =	vand.u32 $0x7FFFFFFF, v7;
	v21 =	vpop (erf)  }
0x48b: {  	v18 =	vmul.f32 $1.442695020e+00, v18;
	v20 =	vsub.f32 $0.0e+00, v20;
	v22 =	vpop (erf)  }
0x48c: {  	(erf) = vrcp.f32 v19;
	v19 =	vadd.f32 $2.000000000e+00, v22  }
0x48d: {  	(erf) = vpow2.f32 v18;
	v18 =	vmul.f32 $1.442695020e+00, v20  }
0x48e: {  	(erf) = vrcp.f32 v19  }
0x48f: {  	(erf) = vpow2.f32 v18;
	_ =	sdelay $0x5  }
0x490: {  	v18 =	vpop (erf)  }
0x491: {  	v19 =	vpop (erf)  }
0x492: {  	v20 =	vpop (erf)  }
0x493: {  	v23 =	vadd.f32 $2.000000000e+00, v19;
	v24 =	vpop (erf)  }
0x494: {  	v25 =	vadd.f32 $2.000000000e+00, v24  }
0x495: {  	(erf) = vrcp.f32 v23  }
0x496: {  	(erf) = vrcp.f32 v25;
	_ =	sdelay $0x7  }
0x497: {  	v17 =	vadd.f32 $3.333333430e-01, v17;
	v26 =	vmul.f32 $1.428571490e-01, v13;
	v23 =	vpop (erf)  }
0x498: {  	v12 =	vmul.f32 v21, v12;
	v25 =	vpop (erf)  }
0x499: {  	v1 =	vmax.f32 v1, $0.0e+00;
	v15 =	vmul.f32 v17, v15;
	v17 =	vadd.f32 $2.000000030e-01, v26;
	_ =	swait.ge [sflag:s26], $0x7D0  }
0x49a: {  	v1 =	vadd.f32 v16, v1;
	v16 =	vmul.f32 v12, v12;
	[sflag:s26] =	ssyncset.done $0x0  }
0x49b: {  	s0 =	simm.s32 $0x17780;
	v9 =	vadd.f32 v9, v9;
	v15 =	vadd.f32 $1.000000000e+00, v15;
	v17 =	vmul.f32 v17, v13;
	[sflag:s26] =	ssyncadd.s32 $0xFFFFF830  }
0x49c: {  	v11 =	vadd.f32 v1, v11;
	v1 =	vmul.f32 $1.428571490e-01, v16;
	v60 =	vld [tilespmem:s0+$0x0]  }
0x49d: {  	v9 =	vmul.f32 v15, v9;
	v15 =	vadd.f32 $3.333333430e-01, v17  }
0x49e: {  	v2 =	vmax.f32 v2, $0.0e+00;
	v17 =	vadd.f32 $2.000000030e-01, v1  }
0x49f: {  	s8 =	simm.s32 $0x17790;
	v2 =	vadd.f32 v9, v2;
	v9 =	vmul.f32 v15, v13  }
0x4a0: {  	v13 =	vmul.f32 v17, v16;
	v14 =	vmul.f32 v18, v14;
	v17 =	vld [tilespmem:s8+$0x0]  }
0x4a1: {  	v10 =	vadd.f32 v10, v10;
	v9 =	vadd.f32 $1.000000000e+00, v9;
	v1 =	vmul.f32 v60, v0  }
0x4a2: {  	v4 =	vmax.f32 v4, $0.0e+00;
	v15 =	vmul.f32 v14, v14  }
0x4a3: {  	v11 =	vadd.f32 v2, v11;
	v9 =	vmul.f32 v9, v10;
	v18 =	vand.u32 $0x7FFFFFFF, v1  }
0x4a4: {  	v13 =	vadd.f32 $3.333333430e-01, v13;
	v61 =	vmul.f32 $1.428571490e-01, v15;
	v18 =	vsub.f32 $0.0e+00, v18  }
0x4a5: {  	v4 =	vadd.f32 v9, v4;
	v20 =	vmul.f32 v20, v22;
	v2 =	vmul.f32 v17, v0  }
0x4a6: {  	v9 =	vadd.f32 v12, v12;
	v13 =	vmul.f32 v13, v16;
	v10 =	vmul.f32 $1.442695020e+00, v18  }
0x4a7: {  	v16 =	vadd.f32 $2.000000030e-01, v61;
	v17 =	vand.u32 $0x7FFFFFFF, v2;
	v18 =	vmul.f32 v20, v20  }
0x4a8: {  	s1 =	simm.s32 $0x177A0;
	v12 =	vadd.f32 $1.000000000e+00, v13;
	v17 =	vsub.f32 $0.0e+00, v17;
	(erf) = vpow2.f32 v10  }
0x4a9: {  	v10 =	vmul.f32 v16, v15;
	v13 =	vmul.f32 $1.428571490e-01, v18;
	v16 =	vld [tilespmem:s1+$0x0]  }
0x4aa: {  	v11 =	vadd.f32 v4, v11;
	v4 =	vmul.f32 v12, v9;
	v12 =	vmul.f32 $1.442695020e+00, v17  }
0x4ab: {  	v6 =	vmax.f32 v6, $0.0e+00;
	v10 =	vadd.f32 $3.333333430e-01, v10;
	v9 =	vadd.f32 $2.000000030e-01, v13  }
0x4ac: {  	v6 =	vadd.f32 v4, v6;
	(erf) = vpow2.f32 v12;
	v13 =	vmul.f32 v23, v19  }
0x4ad: {  	v10 =	vmul.f32 v10, v15;
	v9 =	vmul.f32 v9, v18  }
0x4ae: {  	v6 =	vadd.f32 v6, v11;
	v12 =	vmul.f32 v13, v13;
	v4 =	vmul.f32 v16, v0  }
0x4af: {  	v11 =	vadd.f32 v14, v14;
	s8 =	simm.s32 $0x177B0;
	v10 =	vadd.f32 $1.000000000e+00, v10  }
0x4b0: {  	v9 =	vadd.f32 $3.333333430e-01, v9;
	v16 =	vmul.f32 $1.428571490e-01, v12;
	v14 =	vand.u32 $0x7FFFFFFF, v4  }
0x4b1: {  	v5 =	vmax.f32 v5, $0.0e+00;
	v17 =	vld [tilespmem:s8+$0x0];
	v14 =	vsub.f32 $0.0e+00, v14  }
0x4b2: {  	v10 =	vmul.f32 v10, v11;
	v9 =	vmul.f32 v9, v18;
	v11 =	vadd.f32 $2.000000030e-01, v16;
	v15 =	vpop (erf)  }
0x4b3: {  	v16 =	vadd.f32 v20, v20;
	v19 =	vadd.f32 $2.000000000e+00, v15;
	v14 =	vmul.f32 $1.442695020e+00, v14  }
0x4b4: {  	v5 =	vadd.f32 v10, v5;
	v10 =	vmul.f32 v25, v24;
	v9 =	vadd.f32 $1.000000000e+00, v9  }
0x4b5: {  	s1 =	simm.s32 $0x177C0;
	v11 =	vmul.f32 v11, v12;
	(erf) = vrcp.f32 v19  }
0x4b6: {  	v5 =	vadd.f32 v5, v6;
	v6 =	vmul.f32 v17, v0;
	v17 =	vld [tilespmem:s1+$0x0];
	v9 =	vmul.f32 v9, v16  }
0x4b7: {  	(erf) = vpow2.f32 v14;
	v14 =	vmul.f32 v10, v10  }
0x4b8: {  	v8 =	vmax.f32 v8, $0.0e+00;
	v11 =	vadd.f32 $3.333333430e-01, v11  }
0x4b9: {  	v16 =	vpop (erf);
	v19 =	vand.u32 $0x7FFFFFFF, v6;
	v8 =	vadd.f32 v9, v8;
	v18 =	vmul.f32 $1.428571490e-01, v14  }
0x4ba: {  	v20 =	vadd.f32 $2.000000000e+00, v16;
	v11 =	vmul.f32 v11, v12;
	v9 =	vsub.f32 $0.0e+00, v19  }
0x4bb: {  	v12 =	vadd.f32 $2.000000030e-01, v18;
	v18 =	vadd.f32 v8, v5;
	v5 =	vmul.f32 v17, v0  }
0x4bc: {  	(erf) = vrcp.f32 v20  }
0x4bd: {  	v8 =	vmul.f32 $1.442695020e+00, v9;
	v12 =	vmul.f32 v12, v14;
	v17 =	vand.u32 $0x7FFFFFFF, v5  }
0x4be: {  	s8 =	simm.s32 $0x177D0;
	v11 =	vadd.f32 $1.000000000e+00, v11  }
0x4bf: {  	v9 =	vadd.f32 v13, v13;
	(erf) = vpow2.f32 v8;
	v13 =	vpop (erf);
	v8 =	vadd.f32 $3.333333430e-01, v12;
	v12 =	vld [tilespmem:s8+$0x0]  }
0x4c0: {  	v13 =	vmul.f32 v13, v15;
	v15 =	vsub.f32 $0.0e+00, v17;
	v17 =	vpop (erf)  }
0x4c1: {  	v3 =	vmax.f32 v3, $0.0e+00;
	v9 =	vmul.f32 v11, v9;
	v11 =	vadd.f32 $2.000000000e+00, v17  }
0x4c2: {  	v10 =	vadd.f32 v10, v10;
	v8 =	vmul.f32 v8, v14;
	v19 =	vmul.f32 v13, v13  }
0x4c3: {  	v3 =	vadd.f32 v9, v3;
	v14 =	vmul.f32 $1.442695020e+00, v15;
	(erf) = vrcp.f32 v11  }
0x4c4: {  	s1 =	simm.s32 $0x177E0;
	v11 =	vadd.f32 $1.000000000e+00, v8;
	v9 =	vmul.f32 $1.428571490e-01, v19;
	v8 =	vmul.f32 v12, v0  }
0x4c5: {  	v20 =	vld [tilespmem:s1+$0x0];
	v18 =	vadd.f32 v3, v18;
	(erf) = vpow2.f32 v14  }
0x4c6: {  	v12 =	vpop (erf);
	v3 =	vmul.f32 v11, v10;
	v14 =	vadd.f32 $2.000000030e-01, v9;
	v10 =	vand.u32 $0x7FFFFFFF, v8  }
0x4c7: {  	v9 =	vmul.f32 v12, v16;
	v10 =	vsub.f32 $0.0e+00, v10  }
0x4c8: {  	v7 =	vmax.f32 v7, $0.0e+00;
	v12 =	vpop (erf);
	v11 =	vmul.f32 v14, v19  }
0x4c9: {  	s8 =	simm.s32 $0x177F0;
	v15 =	vmul.f32 v9, v9;
	v14 =	vadd.f32 $2.000000000e+00, v12;
	v10 =	vmul.f32 $1.442695020e+00, v10  }
0x4ca: {  	v16 =	vld [tilespmem:s8+$0x0];
	v7 =	vadd.f32 v3, v7;
	v3 =	vmul.f32 v20, v0;
	v20 =	vadd.f32 $3.333333430e-01, v11  }
0x4cb: {  	v62 =	vmul.f32 $1.428571490e-01, v15;
	(erf) = vrcp.f32 v14  }
0x4cc: {  	v11 =	vadd.f32 v7, v18;
	v14 =	vand.u32 $0x7FFFFFFF, v3;
	v7 =	vmul.f32 v20, v19  }
0x4cd: {  	(erf) = vpow2.f32 v10;
	v19 =	vadd.f32 $2.000000030e-01, v62;
	v10 =	vpop (erf)  }
0x4ce: {  	v20 =	vadd.f32 v13, v13;
	v10 =	vmul.f32 v10, v17;
	v63 =	vadd.f32 $1.000000000e+00, v7  }
0x4cf: {  	v18 =	vsub.f32 $0.0e+00, v14;
	v7 =	vmul.f32 v16, v0;
	v14 =	vpop (erf);
	v17 =	vmul.f32 v19, v15  }
0x4d0: {  	s31 =	simm.s32 $0x17800;
	s0 =	simm.s32 $0x3EF0;
	v19 =	vadd.f32 $2.000000000e+00, v14;
	v13 =	vmul.f32 v10, v10;
	v16 =	vmul.f32 v63, v20  }
.LBB2_58:
0x4d1: {  	v20 =	vld [tilespmem:s31+$0x0];
	v18 =	vmul.f32 $1.442695020e+00, v18;
	v17 =	vadd.f32 $3.333333430e-01, v17;
	v21 =	vmax.f32 v1, $0.0e+00;
	v1 =	vmovc v2;
	v2 =	vmovc v4;
	s0 =	sadd.s32 $0x10, s0  }
0x4d2: {  	v4 =	vmovc v6;
	v6 =	vmovc v5;
	(erf) = vrcp.f32 v19;
	v19 =	vmul.f32 $1.428571490e-01, v13;
	v16 =	vadd.f32 v16, v21;
	p0 =	slt.u32 s0, $0x4640  }
.Ltmp28:
0x4d3: {  	v5 =	vmovc v8;
	v8 =	vmovc v3;
	v3 =	vmov v7;
	v21 =	vand.u32 $0x7FFFFFFF, v7;
	v15 =	vmul.f32 v17, v15;
	(pc) =	sbr.rel @p0 .LBB2_58-.Ltmp28, $4  }
0x4d4: {  	(erf) = vpow2.f32 v18;
	v7 =	vpop (erf);
	v17 =	vadd.f32 $2.000000030e-01, v19;
	v11 =	vadd.f32 v16, v11  }
0x4d5: {  	v16 =	vadd.f32 v9, v9;
	v9 =	vmovc v10;
	v22 =	vadd.f32 $1.000000000e+00, v15;
	v10 =	vmul.f32 v7, v12;
	v12 =	vmovc v14  }
0x4d6: {  	v18 =	vsub.f32 $0.0e+00, v21;
	v7 =	vmul.f32 v20, v0;
	v14 =	vpop (erf);
	v17 =	vmul.f32 v17, v13  }
0x4d7: {  	s31 =	sadd.s32 $0x10, s31;
	v19 =	vadd.f32 $2.000000000e+00, v14;
	v16 =	vmul.f32 v22, v16;
	v15 =	vmovc v13;
	v13 =	vmul.f32 v10, v10  }
0x4d8: {  	_ =	sdelay $0x3  }
0x4d9: {  	v20 =	vand.u32 $0x7FFFFFFF, v7;
	v21 =	vpop (erf)  }
0x4da: {  	v18 =	vmul.f32 $1.442695020e+00, v18;
	v20 =	vsub.f32 $0.0e+00, v20;
	v22 =	vpop (erf)  }
0x4db: {  	(erf) = vrcp.f32 v19;
	v19 =	vadd.f32 $2.000000000e+00, v22  }
0x4dc: {  	(erf) = vpow2.f32 v18;
	v18 =	vmul.f32 $1.442695020e+00, v20  }
0x4dd: {  	(erf) = vrcp.f32 v19  }
0x4de: {  	(erf) = vpow2.f32 v18;
	_ =	sdelay $0x5  }
0x4df: {  	v18 =	vpop (erf)  }
0x4e0: {  	v19 =	vpop (erf)  }
0x4e1: {  	v20 =	vpop (erf)  }
0x4e2: {  	v23 =	vadd.f32 $2.000000000e+00, v19;
	v24 =	vpop (erf)  }
0x4e3: {  	v25 =	vadd.f32 $2.000000000e+00, v24  }
0x4e4: {  	(erf) = vrcp.f32 v23  }
0x4e5: {  	(erf) = vrcp.f32 v25;
	_ =	sdelay $0x7  }
0x4e6: {  	v17 =	vadd.f32 $3.333333430e-01, v17;
	v26 =	vmul.f32 $1.428571490e-01, v13;
	v23 =	vpop (erf)  }
0x4e7: {  	v12 =	vmul.f32 v21, v12;
	v25 =	vpop (erf)  }
0x4e8: {  	v1 =	vmax.f32 v1, $0.0e+00;
	v15 =	vmul.f32 v17, v15;
	v17 =	vadd.f32 $2.000000030e-01, v26;
	_ =	swait.ge [sflag:s26], $0x7D0  }
0x4e9: {  	v1 =	vadd.f32 v16, v1;
	v16 =	vmul.f32 v12, v12;
	[sflag:s26] =	ssyncset.done $0x0  }
0x4ea: {  	s0 =	simm.s32 $0x17F50;
	v9 =	vadd.f32 v9, v9;
	v15 =	vadd.f32 $1.000000000e+00, v15;
	v17 =	vmul.f32 v17, v13;
	[sflag:s26] =	ssyncadd.s32 $0xFFFFF830  }
0x4eb: {  	v11 =	vadd.f32 v1, v11;
	v1 =	vmul.f32 $1.428571490e-01, v16;
	v60 =	vld [tilespmem:s0+$0x0]  }
0x4ec: {  	v9 =	vmul.f32 v15, v9;
	v15 =	vadd.f32 $3.333333430e-01, v17  }
0x4ed: {  	v2 =	vmax.f32 v2, $0.0e+00;
	v17 =	vadd.f32 $2.000000030e-01, v1  }
0x4ee: {  	s8 =	simm.s32 $0x17F60;
	v2 =	vadd.f32 v9, v2;
	v9 =	vmul.f32 v15, v13  }
0x4ef: {  	v13 =	vmul.f32 v17, v16;
	v14 =	vmul.f32 v18, v14;
	v17 =	vld [tilespmem:s8+$0x0]  }
0x4f0: {  	v10 =	vadd.f32 v10, v10;
	v9 =	vadd.f32 $1.000000000e+00, v9;
	v1 =	vmul.f32 v60, v0  }
0x4f1: {  	v4 =	vmax.f32 v4, $0.0e+00;
	v15 =	vmul.f32 v14, v14  }
0x4f2: {  	v11 =	vadd.f32 v2, v11;
	v9 =	vmul.f32 v9, v10;
	v18 =	vand.u32 $0x7FFFFFFF, v1  }
0x4f3: {  	v13 =	vadd.f32 $3.333333430e-01, v13;
	v61 =	vmul.f32 $1.428571490e-01, v15;
	v18 =	vsub.f32 $0.0e+00, v18  }
0x4f4: {  	v4 =	vadd.f32 v9, v4;
	v20 =	vmul.f32 v20, v22;
	v2 =	vmul.f32 v17, v0  }
0x4f5: {  	v9 =	vadd.f32 v12, v12;
	v13 =	vmul.f32 v13, v16;
	v10 =	vmul.f32 $1.442695020e+00, v18  }
0x4f6: {  	v16 =	vadd.f32 $2.000000030e-01, v61;
	v17 =	vand.u32 $0x7FFFFFFF, v2;
	v18 =	vmul.f32 v20, v20  }
0x4f7: {  	s1 =	simm.s32 $0x17F70;
	v12 =	vadd.f32 $1.000000000e+00, v13;
	v17 =	vsub.f32 $0.0e+00, v17;
	(erf) = vpow2.f32 v10  }
0x4f8: {  	v10 =	vmul.f32 v16, v15;
	v13 =	vmul.f32 $1.428571490e-01, v18;
	v16 =	vld [tilespmem:s1+$0x0]  }
0x4f9: {  	v11 =	vadd.f32 v4, v11;
	v4 =	vmul.f32 v12, v9;
	v12 =	vmul.f32 $1.442695020e+00, v17  }
0x4fa: {  	v6 =	vmax.f32 v6, $0.0e+00;
	v10 =	vadd.f32 $3.333333430e-01, v10;
	v9 =	vadd.f32 $2.000000030e-01, v13  }
0x4fb: {  	v6 =	vadd.f32 v4, v6;
	(erf) = vpow2.f32 v12;
	v13 =	vmul.f32 v23, v19  }
0x4fc: {  	v10 =	vmul.f32 v10, v15;
	v9 =	vmul.f32 v9, v18  }
0x4fd: {  	v6 =	vadd.f32 v6, v11;
	v12 =	vmul.f32 v13, v13;
	v4 =	vmul.f32 v16, v0  }
0x4fe: {  	v11 =	vadd.f32 v14, v14;
	s8 =	simm.s32 $0x17F80;
	v10 =	vadd.f32 $1.000000000e+00, v10  }
0x4ff: {  	v9 =	vadd.f32 $3.333333430e-01, v9;
	v16 =	vmul.f32 $1.428571490e-01, v12;
	v14 =	vand.u32 $0x7FFFFFFF, v4  }
0x500: {  	v5 =	vmax.f32 v5, $0.0e+00;
	v17 =	vld [tilespmem:s8+$0x0];
	v14 =	vsub.f32 $0.0e+00, v14  }
0x501: {  	v10 =	vmul.f32 v10, v11;
	v9 =	vmul.f32 v9, v18;
	v11 =	vadd.f32 $2.000000030e-01, v16;
	v15 =	vpop (erf)  }
0x502: {  	v16 =	vadd.f32 v20, v20;
	v19 =	vadd.f32 $2.000000000e+00, v15;
	v14 =	vmul.f32 $1.442695020e+00, v14  }
0x503: {  	v5 =	vadd.f32 v10, v5;
	v10 =	vmul.f32 v25, v24;
	v9 =	vadd.f32 $1.000000000e+00, v9  }
0x504: {  	s1 =	simm.s32 $0x17F90;
	v11 =	vmul.f32 v11, v12;
	(erf) = vrcp.f32 v19  }
0x505: {  	v5 =	vadd.f32 v5, v6;
	v6 =	vmul.f32 v17, v0;
	v17 =	vld [tilespmem:s1+$0x0];
	v9 =	vmul.f32 v9, v16  }
0x506: {  	(erf) = vpow2.f32 v14;
	v14 =	vmul.f32 v10, v10  }
0x507: {  	v8 =	vmax.f32 v8, $0.0e+00;
	v11 =	vadd.f32 $3.333333430e-01, v11  }
0x508: {  	v16 =	vpop (erf);
	v19 =	vand.u32 $0x7FFFFFFF, v6;
	v8 =	vadd.f32 v9, v8;
	v18 =	vmul.f32 $1.428571490e-01, v14  }
0x509: {  	v20 =	vadd.f32 $2.000000000e+00, v16;
	v11 =	vmul.f32 v11, v12;
	v9 =	vsub.f32 $0.0e+00, v19  }
0x50a: {  	v12 =	vadd.f32 $2.000000030e-01, v18;
	v18 =	vadd.f32 v8, v5;
	v5 =	vmul.f32 v17, v0  }
0x50b: {  	(erf) = vrcp.f32 v20  }
0x50c: {  	v8 =	vmul.f32 $1.442695020e+00, v9;
	v12 =	vmul.f32 v12, v14;
	v17 =	vand.u32 $0x7FFFFFFF, v5  }
0x50d: {  	s8 =	simm.s32 $0x17FA0;
	v11 =	vadd.f32 $1.000000000e+00, v11  }
0x50e: {  	v9 =	vadd.f32 v13, v13;
	(erf) = vpow2.f32 v8;
	v13 =	vpop (erf);
	v8 =	vadd.f32 $3.333333430e-01, v12;
	v12 =	vld [tilespmem:s8+$0x0]  }
0x50f: {  	v13 =	vmul.f32 v13, v15;
	v15 =	vsub.f32 $0.0e+00, v17;
	v17 =	vpop (erf)  }
0x510: {  	v3 =	vmax.f32 v3, $0.0e+00;
	v9 =	vmul.f32 v11, v9;
	v11 =	vadd.f32 $2.000000000e+00, v17  }
0x511: {  	v10 =	vadd.f32 v10, v10;
	v8 =	vmul.f32 v8, v14;
	v19 =	vmul.f32 v13, v13  }
0x512: {  	v3 =	vadd.f32 v9, v3;
	v14 =	vmul.f32 $1.442695020e+00, v15;
	(erf) = vrcp.f32 v11  }
0x513: {  	s1 =	simm.s32 $0x17FB0;
	v11 =	vadd.f32 $1.000000000e+00, v8;
	v9 =	vmul.f32 $1.428571490e-01, v19;
	v8 =	vmul.f32 v12, v0  }
0x514: {  	v20 =	vld [tilespmem:s1+$0x0];
	v18 =	vadd.f32 v3, v18;
	(erf) = vpow2.f32 v14  }
0x515: {  	v12 =	vpop (erf);
	v3 =	vmul.f32 v11, v10;
	v14 =	vadd.f32 $2.000000030e-01, v9;
	v10 =	vand.u32 $0x7FFFFFFF, v8  }
0x516: {  	v9 =	vmul.f32 v12, v16;
	v10 =	vsub.f32 $0.0e+00, v10  }
0x517: {  	v7 =	vmax.f32 v7, $0.0e+00;
	v12 =	vpop (erf);
	v11 =	vmul.f32 v14, v19  }
0x518: {  	s8 =	simm.s32 $0x17FC0;
	v15 =	vmul.f32 v9, v9;
	v14 =	vadd.f32 $2.000000000e+00, v12;
	v10 =	vmul.f32 $1.442695020e+00, v10  }
0x519: {  	v16 =	vld [tilespmem:s8+$0x0];
	v7 =	vadd.f32 v3, v7;
	v3 =	vmul.f32 v20, v0;
	v20 =	vadd.f32 $3.333333430e-01, v11  }
0x51a: {  	v62 =	vmul.f32 $1.428571490e-01, v15;
	(erf) = vrcp.f32 v14  }
0x51b: {  	v11 =	vadd.f32 v7, v18;
	v14 =	vand.u32 $0x7FFFFFFF, v3;
	v7 =	vmul.f32 v20, v19  }
0x51c: {  	(erf) = vpow2.f32 v10;
	v19 =	vadd.f32 $2.000000030e-01, v62;
	v10 =	vpop (erf)  }
0x51d: {  	v20 =	vadd.f32 v13, v13;
	v10 =	vmul.f32 v10, v17;
	v63 =	vadd.f32 $1.000000000e+00, v7  }
0x51e: {  	v18 =	vsub.f32 $0.0e+00, v14;
	v7 =	vmul.f32 v16, v0;
	v14 =	vpop (erf);
	v17 =	vmul.f32 v19, v15  }
0x51f: {  	s31 =	simm.s32 $0x17FD0;
	s0 =	simm.s32 $0x46C0;
	v19 =	vadd.f32 $2.000000000e+00, v14;
	v13 =	vmul.f32 v10, v10;
	v16 =	vmul.f32 v63, v20  }
.LBB2_60:
0x520: {  	v20 =	vld [tilespmem:s31+$0x0];
	v18 =	vmul.f32 $1.442695020e+00, v18;
	v17 =	vadd.f32 $3.333333430e-01, v17;
	v21 =	vmax.f32 v1, $0.0e+00;
	v1 =	vmovc v2;
	v2 =	vmovc v4;
	s0 =	sadd.s32 $0x10, s0  }
0x521: {  	v4 =	vmovc v6;
	v6 =	vmovc v5;
	(erf) = vrcp.f32 v19;
	v19 =	vmul.f32 $1.428571490e-01, v13;
	v16 =	vadd.f32 v16, v21;
	p0 =	slt.u32 s0, $0x4E10  }
.Ltmp29:
0x522: {  	v5 =	vmovc v8;
	v8 =	vmovc v3;
	v3 =	vmov v7;
	v21 =	vand.u32 $0x7FFFFFFF, v7;
	v15 =	vmul.f32 v17, v15;
	(pc) =	sbr.rel @p0 .LBB2_60-.Ltmp29, $4  }
0x523: {  	(erf) = vpow2.f32 v18;
	v7 =	vpop (erf);
	v17 =	vadd.f32 $2.000000030e-01, v19;
	v11 =	vadd.f32 v16, v11  }
0x524: {  	v16 =	vadd.f32 v9, v9;
	v9 =	vmovc v10;
	v22 =	vadd.f32 $1.000000000e+00, v15;
	v10 =	vmul.f32 v7, v12;
	v12 =	vmovc v14  }
0x525: {  	v18 =	vsub.f32 $0.0e+00, v21;
	v7 =	vmul.f32 v20, v0;
	v14 =	vpop (erf);
	v17 =	vmul.f32 v17, v13  }
0x526: {  	s31 =	sadd.s32 $0x10, s31;
	v19 =	vadd.f32 $2.000000000e+00, v14;
	v16 =	vmul.f32 v22, v16;
	v15 =	vmovc v13;
	v13 =	vmul.f32 v10, v10  }
0x527: {  	_ =	sdelay $0x3  }
0x528: {  	v20 =	vand.u32 $0x7FFFFFFF, v7;
	v21 =	vpop (erf)  }
0x529: {  	v18 =	vmul.f32 $1.442695020e+00, v18;
	v20 =	vsub.f32 $0.0e+00, v20;
	v22 =	vpop (erf)  }
0x52a: {  	(erf) = vrcp.f32 v19;
	v19 =	vadd.f32 $2.000000000e+00, v22  }
0x52b: {  	(erf) = vpow2.f32 v18;
	v18 =	vmul.f32 $1.442695020e+00, v20  }
0x52c: {  	(erf) = vrcp.f32 v19  }
0x52d: {  	(erf) = vpow2.f32 v18;
	_ =	sdelay $0x5  }
0x52e: {  	v18 =	vpop (erf)  }
0x52f: {  	v19 =	vpop (erf)  }
0x530: {  	v20 =	vpop (erf)  }
0x531: {  	v23 =	vadd.f32 $2.000000000e+00, v19;
	v24 =	vpop (erf)  }
0x532: {  	v25 =	vadd.f32 $2.000000000e+00, v24  }
0x533: {  	(erf) = vrcp.f32 v23  }
0x534: {  	(erf) = vrcp.f32 v25;
	_ =	sdelay $0x7  }
0x535: {  	v17 =	vadd.f32 $3.333333430e-01, v17;
	v26 =	vmul.f32 $1.428571490e-01, v13;
	v23 =	vpop (erf)  }
0x536: {  	v12 =	vmul.f32 v21, v12;
	v25 =	vpop (erf)  }
0x537: {  	v1 =	vmax.f32 v1, $0.0e+00;
	v15 =	vmul.f32 v17, v15;
	v17 =	vadd.f32 $2.000000030e-01, v26;
	_ =	swait.ge [sflag:s26], $0x7D0  }
0x538: {  	v1 =	vadd.f32 v16, v1;
	v16 =	vmul.f32 v12, v12;
	[sflag:s26] =	ssyncset.done $0x0  }
0x539: {  	s0 =	simm.s32 $0x18720;
	v9 =	vadd.f32 v9, v9;
	v15 =	vadd.f32 $1.000000000e+00, v15;
	v17 =	vmul.f32 v17, v13;
	[sflag:s26] =	ssyncadd.s32 $0xFFFFF830  }
0x53a: {  	v11 =	vadd.f32 v1, v11;
	v1 =	vmul.f32 $1.428571490e-01, v16;
	v60 =	vld [tilespmem:s0+$0x0]  }
0x53b: {  	v9 =	vmul.f32 v15, v9;
	v15 =	vadd.f32 $3.333333430e-01, v17  }
0x53c: {  	v2 =	vmax.f32 v2, $0.0e+00;
	v17 =	vadd.f32 $2.000000030e-01, v1  }
0x53d: {  	s8 =	simm.s32 $0x18730;
	v2 =	vadd.f32 v9, v2;
	v9 =	vmul.f32 v15, v13  }
0x53e: {  	v13 =	vmul.f32 v17, v16;
	v14 =	vmul.f32 v18, v14;
	v17 =	vld [tilespmem:s8+$0x0]  }
0x53f: {  	v10 =	vadd.f32 v10, v10;
	v9 =	vadd.f32 $1.000000000e+00, v9;
	v1 =	vmul.f32 v60, v0  }
0x540: {  	v4 =	vmax.f32 v4, $0.0e+00;
	v15 =	vmul.f32 v14, v14  }
0x541: {  	v11 =	vadd.f32 v2, v11;
	v9 =	vmul.f32 v9, v10;
	v18 =	vand.u32 $0x7FFFFFFF, v1  }
0x542: {  	v13 =	vadd.f32 $3.333333430e-01, v13;
	v61 =	vmul.f32 $1.428571490e-01, v15;
	v18 =	vsub.f32 $0.0e+00, v18  }
0x543: {  	v4 =	vadd.f32 v9, v4;
	v20 =	vmul.f32 v20, v22;
	v2 =	vmul.f32 v17, v0  }
0x544: {  	v9 =	vadd.f32 v12, v12;
	v13 =	vmul.f32 v13, v16;
	v10 =	vmul.f32 $1.442695020e+00, v18  }
0x545: {  	v16 =	vadd.f32 $2.000000030e-01, v61;
	v17 =	vand.u32 $0x7FFFFFFF, v2;
	v18 =	vmul.f32 v20, v20  }
0x546: {  	s1 =	simm.s32 $0x18740;
	v12 =	vadd.f32 $1.000000000e+00, v13;
	v17 =	vsub.f32 $0.0e+00, v17;
	(erf) = vpow2.f32 v10  }
0x547: {  	v10 =	vmul.f32 v16, v15;
	v13 =	vmul.f32 $1.428571490e-01, v18;
	v16 =	vld [tilespmem:s1+$0x0]  }
0x548: {  	v11 =	vadd.f32 v4, v11;
	v4 =	vmul.f32 v12, v9;
	v12 =	vmul.f32 $1.442695020e+00, v17  }
0x549: {  	v6 =	vmax.f32 v6, $0.0e+00;
	v10 =	vadd.f32 $3.333333430e-01, v10;
	v9 =	vadd.f32 $2.000000030e-01, v13  }
0x54a: {  	v6 =	vadd.f32 v4, v6;
	(erf) = vpow2.f32 v12;
	v13 =	vmul.f32 v23, v19  }
0x54b: {  	v10 =	vmul.f32 v10, v15;
	v9 =	vmul.f32 v9, v18  }
0x54c: {  	v6 =	vadd.f32 v6, v11;
	v12 =	vmul.f32 v13, v13;
	v4 =	vmul.f32 v16, v0  }
0x54d: {  	v11 =	vadd.f32 v14, v14;
	s8 =	simm.s32 $0x18750;
	v10 =	vadd.f32 $1.000000000e+00, v10  }
0x54e: {  	v9 =	vadd.f32 $3.333333430e-01, v9;
	v16 =	vmul.f32 $1.428571490e-01, v12;
	v14 =	vand.u32 $0x7FFFFFFF, v4  }
0x54f: {  	v5 =	vmax.f32 v5, $0.0e+00;
	v17 =	vld [tilespmem:s8+$0x0];
	v14 =	vsub.f32 $0.0e+00, v14  }
0x550: {  	v10 =	vmul.f32 v10, v11;
	v9 =	vmul.f32 v9, v18;
	v11 =	vadd.f32 $2.000000030e-01, v16;
	v15 =	vpop (erf)  }
0x551: {  	v16 =	vadd.f32 v20, v20;
	v19 =	vadd.f32 $2.000000000e+00, v15;
	v14 =	vmul.f32 $1.442695020e+00, v14  }
0x552: {  	v5 =	vadd.f32 v10, v5;
	v10 =	vmul.f32 v25, v24;
	v9 =	vadd.f32 $1.000000000e+00, v9  }
0x553: {  	s1 =	simm.s32 $0x18760;
	v11 =	vmul.f32 v11, v12;
	(erf) = vrcp.f32 v19  }
0x554: {  	v5 =	vadd.f32 v5, v6;
	v6 =	vmul.f32 v17, v0;
	v17 =	vld [tilespmem:s1+$0x0];
	v9 =	vmul.f32 v9, v16  }
0x555: {  	(erf) = vpow2.f32 v14;
	v14 =	vmul.f32 v10, v10  }
0x556: {  	v8 =	vmax.f32 v8, $0.0e+00;
	v11 =	vadd.f32 $3.333333430e-01, v11  }
0x557: {  	v16 =	vpop (erf);
	v19 =	vand.u32 $0x7FFFFFFF, v6;
	v8 =	vadd.f32 v9, v8;
	v18 =	vmul.f32 $1.428571490e-01, v14  }
0x558: {  	v20 =	vadd.f32 $2.000000000e+00, v16;
	v11 =	vmul.f32 v11, v12;
	v9 =	vsub.f32 $0.0e+00, v19  }
0x559: {  	v12 =	vadd.f32 $2.000000030e-01, v18;
	v18 =	vadd.f32 v8, v5;
	v5 =	vmul.f32 v17, v0  }
0x55a: {  	(erf) = vrcp.f32 v20  }
0x55b: {  	v8 =	vmul.f32 $1.442695020e+00, v9;
	v12 =	vmul.f32 v12, v14;
	v17 =	vand.u32 $0x7FFFFFFF, v5  }
0x55c: {  	s8 =	simm.s32 $0x18770;
	v11 =	vadd.f32 $1.000000000e+00, v11  }
0x55d: {  	v9 =	vadd.f32 v13, v13;
	(erf) = vpow2.f32 v8;
	v13 =	vpop (erf);
	v8 =	vadd.f32 $3.333333430e-01, v12;
	v12 =	vld [tilespmem:s8+$0x0]  }
0x55e: {  	v13 =	vmul.f32 v13, v15;
	v15 =	vsub.f32 $0.0e+00, v17;
	v17 =	vpop (erf)  }
0x55f: {  	v3 =	vmax.f32 v3, $0.0e+00;
	v9 =	vmul.f32 v11, v9;
	v11 =	vadd.f32 $2.000000000e+00, v17  }
0x560: {  	v10 =	vadd.f32 v10, v10;
	v8 =	vmul.f32 v8, v14;
	v19 =	vmul.f32 v13, v13  }
0x561: {  	v3 =	vadd.f32 v9, v3;
	v14 =	vmul.f32 $1.442695020e+00, v15;
	(erf) = vrcp.f32 v11  }
0x562: {  	s1 =	simm.s32 $0x18780;
	v11 =	vadd.f32 $1.000000000e+00, v8;
	v9 =	vmul.f32 $1.428571490e-01, v19;
	v8 =	vmul.f32 v12, v0  }
0x563: {  	v20 =	vld [tilespmem:s1+$0x0];
	v18 =	vadd.f32 v3, v18;
	(erf) = vpow2.f32 v14  }
0x564: {  	v12 =	vpop (erf);
	v3 =	vmul.f32 v11, v10;
	v14 =	vadd.f32 $2.000000030e-01, v9;
	v10 =	vand.u32 $0x7FFFFFFF, v8  }
0x565: {  	v9 =	vmul.f32 v12, v16;
	v10 =	vsub.f32 $0.0e+00, v10  }
0x566: {  	v7 =	vmax.f32 v7, $0.0e+00;
	v12 =	vpop (erf);
	v11 =	vmul.f32 v14, v19  }
0x567: {  	s8 =	simm.s32 $0x18790;
	v15 =	vmul.f32 v9, v9;
	v14 =	vadd.f32 $2.000000000e+00, v12;
	v10 =	vmul.f32 $1.442695020e+00, v10  }
0x568: {  	v16 =	vld [tilespmem:s8+$0x0];
	v7 =	vadd.f32 v3, v7;
	v3 =	vmul.f32 v20, v0;
	v20 =	vadd.f32 $3.333333430e-01, v11  }
0x569: {  	v62 =	vmul.f32 $1.428571490e-01, v15;
	(erf) = vrcp.f32 v14  }
0x56a: {  	v11 =	vadd.f32 v7, v18;
	v14 =	vand.u32 $0x7FFFFFFF, v3;
	v7 =	vmul.f32 v20, v19  }
0x56b: {  	(erf) = vpow2.f32 v10;
	v19 =	vadd.f32 $2.000000030e-01, v62;
	v10 =	vpop (erf)  }
0x56c: {  	v20 =	vadd.f32 v13, v13;
	v10 =	vmul.f32 v10, v17;
	v63 =	vadd.f32 $1.000000000e+00, v7  }
0x56d: {  	v18 =	vsub.f32 $0.0e+00, v14;
	v7 =	vmul.f32 v16, v0;
	v14 =	vpop (erf);
	v17 =	vmul.f32 v19, v15  }
0x56e: {  	s31 =	simm.s32 $0x187A0;
	s0 =	simm.s32 $0x4E90;
	v19 =	vadd.f32 $2.000000000e+00, v14;
	v13 =	vmul.f32 v10, v10;
	v16 =	vmul.f32 v63, v20  }
.LBB2_62:
0x56f: {  	v20 =	vld [tilespmem:s31+$0x0];
	v18 =	vmul.f32 $1.442695020e+00, v18;
	v17 =	vadd.f32 $3.333333430e-01, v17;
	v21 =	vmax.f32 v1, $0.0e+00;
	v1 =	vmovc v2;
	v2 =	vmovc v4;
	s0 =	sadd.s32 $0x10, s0  }
0x570: {  	v4 =	vmovc v6;
	v6 =	vmovc v5;
	(erf) = vrcp.f32 v19;
	v19 =	vmul.f32 $1.428571490e-01, v13;
	v16 =	vadd.f32 v16, v21;
	p0 =	slt.u32 s0, $0x55E0  }
.Ltmp30:
0x571: {  	v5 =	vmovc v8;
	v8 =	vmovc v3;
	v3 =	vmov v7;
	v21 =	vand.u32 $0x7FFFFFFF, v7;
	v15 =	vmul.f32 v17, v15;
	(pc) =	sbr.rel @p0 .LBB2_62-.Ltmp30, $4  }
0x572: {  	(erf) = vpow2.f32 v18;
	v7 =	vpop (erf);
	v17 =	vadd.f32 $2.000000030e-01, v19;
	v11 =	vadd.f32 v16, v11  }
0x573: {  	v16 =	vadd.f32 v9, v9;
	v9 =	vmovc v10;
	v22 =	vadd.f32 $1.000000000e+00, v15;
	v10 =	vmul.f32 v7, v12;
	v12 =	vmovc v14  }
0x574: {  	v18 =	vsub.f32 $0.0e+00, v21;
	v7 =	vmul.f32 v20, v0;
	v14 =	vpop (erf);
	v17 =	vmul.f32 v17, v13  }
0x575: {  	s31 =	sadd.s32 $0x10, s31;
	v19 =	vadd.f32 $2.000000000e+00, v14;
	v16 =	vmul.f32 v22, v16;
	v15 =	vmovc v13;
	v13 =	vmul.f32 v10, v10  }
0x576: {  	_ =	sdelay $0x3  }
0x577: {  	v20 =	vand.u32 $0x7FFFFFFF, v7;
	v21 =	vpop (erf)  }
0x578: {  	v18 =	vmul.f32 $1.442695020e+00, v18;
	v20 =	vsub.f32 $0.0e+00, v20;
	v22 =	vpop (erf)  }
0x579: {  	(erf) = vrcp.f32 v19;
	v19 =	vadd.f32 $2.000000000e+00, v22  }
0x57a: {  	(erf) = vpow2.f32 v18;
	v18 =	vmul.f32 $1.442695020e+00, v20  }
0x57b: {  	(erf) = vrcp.f32 v19  }
0x57c: {  	(erf) = vpow2.f32 v18;
	_ =	sdelay $0x5  }
0x57d: {  	v18 =	vpop (erf)  }
0x57e: {  	v19 =	vpop (erf)  }
0x57f: {  	v20 =	vpop (erf)  }
0x580: {  	v23 =	vadd.f32 $2.000000000e+00, v19;
	v24 =	vpop (erf)  }
0x581: {  	v25 =	vadd.f32 $2.000000000e+00, v24  }
0x582: {  	(erf) = vrcp.f32 v23  }
0x583: {  	(erf) = vrcp.f32 v25;
	_ =	sdelay $0x7  }
0x584: {  	v17 =	vadd.f32 $3.333333430e-01, v17;
	v26 =	vmul.f32 $1.428571490e-01, v13;
	v23 =	vpop (erf)  }
0x585: {  	v12 =	vmul.f32 v21, v12;
	v25 =	vpop (erf)  }
0x586: {  	v1 =	vmax.f32 v1, $0.0e+00;
	v15 =	vmul.f32 v17, v15;
	v17 =	vadd.f32 $2.000000030e-01, v26;
	_ =	swait.ge [sflag:s26], $0x7D0  }
0x587: {  	v1 =	vadd.f32 v16, v1;
	v16 =	vmul.f32 v12, v12;
	[sflag:s26] =	ssyncset.done $0x0  }
0x588: {  	s0 =	simm.s32 $0x18EF0;
	v9 =	vadd.f32 v9, v9;
	v15 =	vadd.f32 $1.000000000e+00, v15;
	v17 =	vmul.f32 v17, v13;
	[sflag:s26] =	ssyncadd.s32 $0xFFFFF830  }
0x589: {  	v11 =	vadd.f32 v1, v11;
	v1 =	vmul.f32 $1.428571490e-01, v16;
	v60 =	vld [tilespmem:s0+$0x0]  }
0x58a: {  	v9 =	vmul.f32 v15, v9;
	v15 =	vadd.f32 $3.333333430e-01, v17  }
0x58b: {  	v2 =	vmax.f32 v2, $0.0e+00;
	v17 =	vadd.f32 $2.000000030e-01, v1  }
0x58c: {  	s8 =	simm.s32 $0x18F00;
	v2 =	vadd.f32 v9, v2;
	v9 =	vmul.f32 v15, v13  }
0x58d: {  	v13 =	vmul.f32 v17, v16;
	v14 =	vmul.f32 v18, v14;
	v17 =	vld [tilespmem:s8+$0x0]  }
0x58e: {  	v10 =	vadd.f32 v10, v10;
	v9 =	vadd.f32 $1.000000000e+00, v9;
	v1 =	vmul.f32 v60, v0  }
0x58f: {  	v4 =	vmax.f32 v4, $0.0e+00;
	v15 =	vmul.f32 v14, v14  }
0x590: {  	v11 =	vadd.f32 v2, v11;
	v9 =	vmul.f32 v9, v10;
	v18 =	vand.u32 $0x7FFFFFFF, v1  }
0x591: {  	v13 =	vadd.f32 $3.333333430e-01, v13;
	v61 =	vmul.f32 $1.428571490e-01, v15;
	v18 =	vsub.f32 $0.0e+00, v18  }
0x592: {  	v4 =	vadd.f32 v9, v4;
	v20 =	vmul.f32 v20, v22;
	v2 =	vmul.f32 v17, v0  }
0x593: {  	v9 =	vadd.f32 v12, v12;
	v13 =	vmul.f32 v13, v16;
	v10 =	vmul.f32 $1.442695020e+00, v18  }
0x594: {  	v16 =	vadd.f32 $2.000000030e-01, v61;
	v17 =	vand.u32 $0x7FFFFFFF, v2;
	v18 =	vmul.f32 v20, v20  }
0x595: {  	s1 =	simm.s32 $0x18F10;
	v12 =	vadd.f32 $1.000000000e+00, v13;
	v17 =	vsub.f32 $0.0e+00, v17;
	(erf) = vpow2.f32 v10  }
0x596: {  	v10 =	vmul.f32 v16, v15;
	v13 =	vmul.f32 $1.428571490e-01, v18;
	v16 =	vld [tilespmem:s1+$0x0]  }
0x597: {  	v11 =	vadd.f32 v4, v11;
	v4 =	vmul.f32 v12, v9;
	v12 =	vmul.f32 $1.442695020e+00, v17  }
0x598: {  	v6 =	vmax.f32 v6, $0.0e+00;
	v10 =	vadd.f32 $3.333333430e-01, v10;
	v9 =	vadd.f32 $2.000000030e-01, v13  }
0x599: {  	v6 =	vadd.f32 v4, v6;
	(erf) = vpow2.f32 v12;
	v13 =	vmul.f32 v23, v19  }
0x59a: {  	v10 =	vmul.f32 v10, v15;
	v9 =	vmul.f32 v9, v18  }
0x59b: {  	v6 =	vadd.f32 v6, v11;
	v12 =	vmul.f32 v13, v13;
	v4 =	vmul.f32 v16, v0  }
0x59c: {  	v11 =	vadd.f32 v14, v14;
	s8 =	simm.s32 $0x18F20;
	v10 =	vadd.f32 $1.000000000e+00, v10  }
0x59d: {  	v9 =	vadd.f32 $3.333333430e-01, v9;
	v16 =	vmul.f32 $1.428571490e-01, v12;
	v14 =	vand.u32 $0x7FFFFFFF, v4  }
0x59e: {  	v5 =	vmax.f32 v5, $0.0e+00;
	v17 =	vld [tilespmem:s8+$0x0];
	v14 =	vsub.f32 $0.0e+00, v14  }
0x59f: {  	v10 =	vmul.f32 v10, v11;
	v9 =	vmul.f32 v9, v18;
	v11 =	vadd.f32 $2.000000030e-01, v16;
	v15 =	vpop (erf)  }
0x5a0: {  	v16 =	vadd.f32 v20, v20;
	v19 =	vadd.f32 $2.000000000e+00, v15;
	v14 =	vmul.f32 $1.442695020e+00, v14  }
0x5a1: {  	v5 =	vadd.f32 v10, v5;
	v10 =	vmul.f32 v25, v24;
	v9 =	vadd.f32 $1.000000000e+00, v9  }
0x5a2: {  	s1 =	simm.s32 $0x18F30;
	v11 =	vmul.f32 v11, v12;
	(erf) = vrcp.f32 v19  }
0x5a3: {  	v5 =	vadd.f32 v5, v6;
	v6 =	vmul.f32 v17, v0;
	v17 =	vld [tilespmem:s1+$0x0];
	v9 =	vmul.f32 v9, v16  }
0x5a4: {  	(erf) = vpow2.f32 v14;
	v14 =	vmul.f32 v10, v10  }
0x5a5: {  	v8 =	vmax.f32 v8, $0.0e+00;
	v11 =	vadd.f32 $3.333333430e-01, v11  }
0x5a6: {  	v16 =	vpop (erf);
	v19 =	vand.u32 $0x7FFFFFFF, v6;
	v8 =	vadd.f32 v9, v8;
	v18 =	vmul.f32 $1.428571490e-01, v14  }
0x5a7: {  	v20 =	vadd.f32 $2.000000000e+00, v16;
	v11 =	vmul.f32 v11, v12;
	v9 =	vsub.f32 $0.0e+00, v19  }
0x5a8: {  	v12 =	vadd.f32 $2.000000030e-01, v18;
	v18 =	vadd.f32 v8, v5;
	v5 =	vmul.f32 v17, v0  }
0x5a9: {  	(erf) = vrcp.f32 v20  }
0x5aa: {  	v8 =	vmul.f32 $1.442695020e+00, v9;
	v12 =	vmul.f32 v12, v14;
	v17 =	vand.u32 $0x7FFFFFFF, v5  }
0x5ab: {  	s8 =	simm.s32 $0x18F40;
	v11 =	vadd.f32 $1.000000000e+00, v11  }
0x5ac: {  	v9 =	vadd.f32 v13, v13;
	(erf) = vpow2.f32 v8;
	v13 =	vpop (erf);
	v8 =	vadd.f32 $3.333333430e-01, v12;
	v12 =	vld [tilespmem:s8+$0x0]  }
0x5ad: {  	v13 =	vmul.f32 v13, v15;
	v15 =	vsub.f32 $0.0e+00, v17;
	v17 =	vpop (erf)  }
0x5ae: {  	v3 =	vmax.f32 v3, $0.0e+00;
	v9 =	vmul.f32 v11, v9;
	v11 =	vadd.f32 $2.000000000e+00, v17  }
0x5af: {  	v10 =	vadd.f32 v10, v10;
	v8 =	vmul.f32 v8, v14;
	v19 =	vmul.f32 v13, v13  }
0x5b0: {  	v3 =	vadd.f32 v9, v3;
	v14 =	vmul.f32 $1.442695020e+00, v15;
	(erf) = vrcp.f32 v11  }
0x5b1: {  	s1 =	simm.s32 $0x18F50;
	v11 =	vadd.f32 $1.000000000e+00, v8;
	v9 =	vmul.f32 $1.428571490e-01, v19;
	v8 =	vmul.f32 v12, v0  }
0x5b2: {  	v20 =	vld [tilespmem:s1+$0x0];
	v18 =	vadd.f32 v3, v18;
	(erf) = vpow2.f32 v14  }
0x5b3: {  	v12 =	vpop (erf);
	v3 =	vmul.f32 v11, v10;
	v14 =	vadd.f32 $2.000000030e-01, v9;
	v10 =	vand.u32 $0x7FFFFFFF, v8  }
0x5b4: {  	v9 =	vmul.f32 v12, v16;
	v10 =	vsub.f32 $0.0e+00, v10  }
0x5b5: {  	v7 =	vmax.f32 v7, $0.0e+00;
	v12 =	vpop (erf);
	v11 =	vmul.f32 v14, v19  }
0x5b6: {  	s8 =	simm.s32 $0x18F60;
	v15 =	vmul.f32 v9, v9;
	v14 =	vadd.f32 $2.000000000e+00, v12;
	v10 =	vmul.f32 $1.442695020e+00, v10  }
0x5b7: {  	v16 =	vld [tilespmem:s8+$0x0];
	v7 =	vadd.f32 v3, v7;
	v3 =	vmul.f32 v20, v0;
	v20 =	vadd.f32 $3.333333430e-01, v11  }
0x5b8: {  	v62 =	vmul.f32 $1.428571490e-01, v15;
	(erf) = vrcp.f32 v14  }
0x5b9: {  	v11 =	vadd.f32 v7, v18;
	v14 =	vand.u32 $0x7FFFFFFF, v3;
	v7 =	vmul.f32 v20, v19  }
0x5ba: {  	(erf) = vpow2.f32 v10;
	v19 =	vadd.f32 $2.000000030e-01, v62;
	v10 =	vpop (erf)  }
0x5bb: {  	v20 =	vadd.f32 v13, v13;
	v10 =	vmul.f32 v10, v17;
	v63 =	vadd.f32 $1.000000000e+00, v7  }
0x5bc: {  	v18 =	vsub.f32 $0.0e+00, v14;
	v7 =	vmul.f32 v16, v0;
	v14 =	vpop (erf);
	v17 =	vmul.f32 v19, v15  }
0x5bd: {  	s31 =	simm.s32 $0x18F70;
	s0 =	simm.s32 $0x5660;
	v19 =	vadd.f32 $2.000000000e+00, v14;
	v13 =	vmul.f32 v10, v10;
	v16 =	vmul.f32 v63, v20  }
.LBB2_64:
0x5be: {  	v20 =	vld [tilespmem:s31+$0x0];
	v18 =	vmul.f32 $1.442695020e+00, v18;
	v17 =	vadd.f32 $3.333333430e-01, v17;
	v21 =	vmax.f32 v1, $0.0e+00;
	v1 =	vmovc v2;
	v2 =	vmovc v4;
	s0 =	sadd.s32 $0x10, s0  }
0x5bf: {  	v4 =	vmovc v6;
	v6 =	vmovc v5;
	(erf) = vrcp.f32 v19;
	v19 =	vmul.f32 $1.428571490e-01, v13;
	v16 =	vadd.f32 v16, v21;
	p0 =	slt.u32 s0, $0x5DB0  }
.Ltmp31:
0x5c0: {  	v5 =	vmovc v8;
	v8 =	vmovc v3;
	v3 =	vmov v7;
	v21 =	vand.u32 $0x7FFFFFFF, v7;
	v15 =	vmul.f32 v17, v15;
	(pc) =	sbr.rel @p0 .LBB2_64-.Ltmp31, $4  }
0x5c1: {  	(erf) = vpow2.f32 v18;
	v7 =	vpop (erf);
	v17 =	vadd.f32 $2.000000030e-01, v19;
	v11 =	vadd.f32 v16, v11  }
0x5c2: {  	v16 =	vadd.f32 v9, v9;
	v9 =	vmovc v10;
	v22 =	vadd.f32 $1.000000000e+00, v15;
	v10 =	vmul.f32 v7, v12;
	v12 =	vmovc v14  }
0x5c3: {  	v18 =	vsub.f32 $0.0e+00, v21;
	v7 =	vmul.f32 v20, v0;
	v14 =	vpop (erf);
	v17 =	vmul.f32 v17, v13  }
0x5c4: {  	s31 =	sadd.s32 $0x10, s31;
	v19 =	vadd.f32 $2.000000000e+00, v14;
	v16 =	vmul.f32 v22, v16;
	v15 =	vmovc v13;
	v13 =	vmul.f32 v10, v10  }
0x5c5: {  	_ =	sdelay $0x3  }
0x5c6: {  	v20 =	vand.u32 $0x7FFFFFFF, v7;
	v21 =	vpop (erf)  }
0x5c7: {  	v18 =	vmul.f32 $1.442695020e+00, v18;
	v20 =	vsub.f32 $0.0e+00, v20;
	v22 =	vpop (erf)  }
0x5c8: {  	(erf) = vrcp.f32 v19;
	v19 =	vadd.f32 $2.000000000e+00, v22  }
0x5c9: {  	(erf) = vpow2.f32 v18;
	v18 =	vmul.f32 $1.442695020e+00, v20  }
0x5ca: {  	(erf) = vrcp.f32 v19  }
0x5cb: {  	(erf) = vpow2.f32 v18;
	_ =	sdelay $0x5  }
0x5cc: {  	v18 =	vpop (erf)  }
0x5cd: {  	v19 =	vpop (erf)  }
0x5ce: {  	v20 =	vpop (erf)  }
0x5cf: {  	v23 =	vadd.f32 $2.000000000e+00, v19;
	v24 =	vpop (erf)  }
0x5d0: {  	v25 =	vadd.f32 $2.000000000e+00, v24  }
0x5d1: {  	(erf) = vrcp.f32 v23  }
0x5d2: {  	(erf) = vrcp.f32 v25;
	_ =	sdelay $0x7  }
0x5d3: {  	v17 =	vadd.f32 $3.333333430e-01, v17;
	v26 =	vmul.f32 $1.428571490e-01, v13;
	v23 =	vpop (erf)  }
0x5d4: {  	v12 =	vmul.f32 v21, v12;
	v25 =	vpop (erf)  }
0x5d5: {  	v1 =	vmax.f32 v1, $0.0e+00;
	v15 =	vmul.f32 v17, v15;
	v17 =	vadd.f32 $2.000000030e-01, v26;
	_ =	swait.ge [sflag:s26], $0x7D0  }
0x5d6: {  	v1 =	vadd.f32 v16, v1;
	v16 =	vmul.f32 v12, v12;
	[sflag:s26] =	ssyncset.done $0x0  }
0x5d7: {  	s0 =	simm.s32 $0x196C0;
	v9 =	vadd.f32 v9, v9;
	v15 =	vadd.f32 $1.000000000e+00, v15;
	v17 =	vmul.f32 v17, v13;
	[sflag:s26] =	ssyncadd.s32 $0xFFFFF830  }
0x5d8: {  	v11 =	vadd.f32 v1, v11;
	v1 =	vmul.f32 $1.428571490e-01, v16;
	v60 =	vld [tilespmem:s0+$0x0]  }
0x5d9: {  	v9 =	vmul.f32 v15, v9;
	v15 =	vadd.f32 $3.333333430e-01, v17  }
0x5da: {  	v2 =	vmax.f32 v2, $0.0e+00;
	v17 =	vadd.f32 $2.000000030e-01, v1  }
0x5db: {  	s8 =	simm.s32 $0x196D0;
	v2 =	vadd.f32 v9, v2;
	v9 =	vmul.f32 v15, v13  }
0x5dc: {  	v13 =	vmul.f32 v17, v16;
	v14 =	vmul.f32 v18, v14;
	v17 =	vld [tilespmem:s8+$0x0]  }
0x5dd: {  	v10 =	vadd.f32 v10, v10;
	v9 =	vadd.f32 $1.000000000e+00, v9;
	v1 =	vmul.f32 v60, v0  }
0x5de: {  	v4 =	vmax.f32 v4, $0.0e+00;
	v15 =	vmul.f32 v14, v14  }
0x5df: {  	v11 =	vadd.f32 v2, v11;
	v9 =	vmul.f32 v9, v10;
	v18 =	vand.u32 $0x7FFFFFFF, v1  }
0x5e0: {  	v13 =	vadd.f32 $3.333333430e-01, v13;
	v61 =	vmul.f32 $1.428571490e-01, v15;
	v18 =	vsub.f32 $0.0e+00, v18  }
0x5e1: {  	v4 =	vadd.f32 v9, v4;
	v20 =	vmul.f32 v20, v22;
	v2 =	vmul.f32 v17, v0  }
0x5e2: {  	v9 =	vadd.f32 v12, v12;
	v13 =	vmul.f32 v13, v16;
	v10 =	vmul.f32 $1.442695020e+00, v18  }
0x5e3: {  	v16 =	vadd.f32 $2.000000030e-01, v61;
	v17 =	vand.u32 $0x7FFFFFFF, v2;
	v18 =	vmul.f32 v20, v20  }
0x5e4: {  	s1 =	simm.s32 $0x196E0;
	v12 =	vadd.f32 $1.000000000e+00, v13;
	v17 =	vsub.f32 $0.0e+00, v17;
	(erf) = vpow2.f32 v10  }
0x5e5: {  	v10 =	vmul.f32 v16, v15;
	v13 =	vmul.f32 $1.428571490e-01, v18;
	v16 =	vld [tilespmem:s1+$0x0]  }
0x5e6: {  	v11 =	vadd.f32 v4, v11;
	v4 =	vmul.f32 v12, v9;
	v12 =	vmul.f32 $1.442695020e+00, v17  }
0x5e7: {  	v6 =	vmax.f32 v6, $0.0e+00;
	v10 =	vadd.f32 $3.333333430e-01, v10;
	v9 =	vadd.f32 $2.000000030e-01, v13  }
0x5e8: {  	v6 =	vadd.f32 v4, v6;
	(erf) = vpow2.f32 v12;
	v13 =	vmul.f32 v23, v19  }
0x5e9: {  	v10 =	vmul.f32 v10, v15;
	v9 =	vmul.f32 v9, v18  }
0x5ea: {  	v6 =	vadd.f32 v6, v11;
	v12 =	vmul.f32 v13, v13;
	v4 =	vmul.f32 v16, v0  }
0x5eb: {  	v11 =	vadd.f32 v14, v14;
	s8 =	simm.s32 $0x196F0;
	v10 =	vadd.f32 $1.000000000e+00, v10  }
0x5ec: {  	v9 =	vadd.f32 $3.333333430e-01, v9;
	v16 =	vmul.f32 $1.428571490e-01, v12;
	v14 =	vand.u32 $0x7FFFFFFF, v4  }
0x5ed: {  	v5 =	vmax.f32 v5, $0.0e+00;
	v17 =	vld [tilespmem:s8+$0x0];
	v14 =	vsub.f32 $0.0e+00, v14  }
0x5ee: {  	v10 =	vmul.f32 v10, v11;
	v9 =	vmul.f32 v9, v18;
	v11 =	vadd.f32 $2.000000030e-01, v16;
	v15 =	vpop (erf)  }
0x5ef: {  	v16 =	vadd.f32 v20, v20;
	v19 =	vadd.f32 $2.000000000e+00, v15;
	v14 =	vmul.f32 $1.442695020e+00, v14  }
0x5f0: {  	v5 =	vadd.f32 v10, v5;
	v10 =	vmul.f32 v25, v24;
	v9 =	vadd.f32 $1.000000000e+00, v9  }
0x5f1: {  	s1 =	simm.s32 $0x19700;
	v11 =	vmul.f32 v11, v12;
	(erf) = vrcp.f32 v19  }
0x5f2: {  	v5 =	vadd.f32 v5, v6;
	v6 =	vmul.f32 v17, v0;
	v17 =	vld [tilespmem:s1+$0x0];
	v9 =	vmul.f32 v9, v16  }
0x5f3: {  	(erf) = vpow2.f32 v14;
	v14 =	vmul.f32 v10, v10  }
0x5f4: {  	v8 =	vmax.f32 v8, $0.0e+00;
	v11 =	vadd.f32 $3.333333430e-01, v11  }
0x5f5: {  	v16 =	vpop (erf);
	v19 =	vand.u32 $0x7FFFFFFF, v6;
	v8 =	vadd.f32 v9, v8;
	v18 =	vmul.f32 $1.428571490e-01, v14  }
0x5f6: {  	v20 =	vadd.f32 $2.000000000e+00, v16;
	v11 =	vmul.f32 v11, v12;
	v9 =	vsub.f32 $0.0e+00, v19  }
0x5f7: {  	v12 =	vadd.f32 $2.000000030e-01, v18;
	v18 =	vadd.f32 v8, v5;
	v5 =	vmul.f32 v17, v0  }
0x5f8: {  	(erf) = vrcp.f32 v20  }
0x5f9: {  	v8 =	vmul.f32 $1.442695020e+00, v9;
	v12 =	vmul.f32 v12, v14;
	v17 =	vand.u32 $0x7FFFFFFF, v5  }
0x5fa: {  	s8 =	simm.s32 $0x19710;
	v11 =	vadd.f32 $1.000000000e+00, v11  }
0x5fb: {  	v9 =	vadd.f32 v13, v13;
	(erf) = vpow2.f32 v8;
	v13 =	vpop (erf);
	v8 =	vadd.f32 $3.333333430e-01, v12;
	v12 =	vld [tilespmem:s8+$0x0]  }
0x5fc: {  	v13 =	vmul.f32 v13, v15;
	v15 =	vsub.f32 $0.0e+00, v17;
	v17 =	vpop (erf)  }
0x5fd: {  	v3 =	vmax.f32 v3, $0.0e+00;
	v9 =	vmul.f32 v11, v9;
	v11 =	vadd.f32 $2.000000000e+00, v17  }
0x5fe: {  	v10 =	vadd.f32 v10, v10;
	v8 =	vmul.f32 v8, v14;
	v19 =	vmul.f32 v13, v13  }
0x5ff: {  	v3 =	vadd.f32 v9, v3;
	v14 =	vmul.f32 $1.442695020e+00, v15;
	(erf) = vrcp.f32 v11  }
0x600: {  	s1 =	simm.s32 $0x19720;
	v11 =	vadd.f32 $1.000000000e+00, v8;
	v9 =	vmul.f32 $1.428571490e-01, v19;
	v8 =	vmul.f32 v12, v0  }
0x601: {  	v20 =	vld [tilespmem:s1+$0x0];
	v18 =	vadd.f32 v3, v18;
	(erf) = vpow2.f32 v14  }
0x602: {  	v12 =	vpop (erf);
	v3 =	vmul.f32 v11, v10;
	v14 =	vadd.f32 $2.000000030e-01, v9;
	v10 =	vand.u32 $0x7FFFFFFF, v8  }
0x603: {  	v9 =	vmul.f32 v12, v16;
	v10 =	vsub.f32 $0.0e+00, v10  }
0x604: {  	v7 =	vmax.f32 v7, $0.0e+00;
	v12 =	vpop (erf);
	v11 =	vmul.f32 v14, v19  }
0x605: {  	s8 =	simm.s32 $0x19730;
	v15 =	vmul.f32 v9, v9;
	v14 =	vadd.f32 $2.000000000e+00, v12;
	v10 =	vmul.f32 $1.442695020e+00, v10  }
0x606: {  	v16 =	vld [tilespmem:s8+$0x0];
	v7 =	vadd.f32 v3, v7;
	v3 =	vmul.f32 v20, v0;
	v20 =	vadd.f32 $3.333333430e-01, v11  }
0x607: {  	v62 =	vmul.f32 $1.428571490e-01, v15;
	(erf) = vrcp.f32 v14  }
0x608: {  	v11 =	vadd.f32 v7, v18;
	v14 =	vand.u32 $0x7FFFFFFF, v3;
	v7 =	vmul.f32 v20, v19  }
0x609: {  	(erf) = vpow2.f32 v10;
	v19 =	vadd.f32 $2.000000030e-01, v62;
	v10 =	vpop (erf)  }
0x60a: {  	v20 =	vadd.f32 v13, v13;
	v10 =	vmul.f32 v10, v17;
	v63 =	vadd.f32 $1.000000000e+00, v7  }
0x60b: {  	v18 =	vsub.f32 $0.0e+00, v14;
	v7 =	vmul.f32 v16, v0;
	v14 =	vpop (erf);
	v17 =	vmul.f32 v19, v15  }
0x60c: {  	s31 =	simm.s32 $0x19740;
	s0 =	simm.s32 $0x5E30;
	v19 =	vadd.f32 $2.000000000e+00, v14;
	v13 =	vmul.f32 v10, v10;
	v16 =	vmul.f32 v63, v20  }
.LBB2_66:
0x60d: {  	v20 =	vld [tilespmem:s31+$0x0];
	v18 =	vmul.f32 $1.442695020e+00, v18;
	v17 =	vadd.f32 $3.333333430e-01, v17;
	v21 =	vmax.f32 v1, $0.0e+00;
	v1 =	vmovc v2;
	v2 =	vmovc v4;
	s0 =	sadd.s32 $0x10, s0  }
0x60e: {  	v4 =	vmovc v6;
	v6 =	vmovc v5;
	(erf) = vrcp.f32 v19;
	v19 =	vmul.f32 $1.428571490e-01, v13;
	v16 =	vadd.f32 v16, v21;
	p0 =	slt.u32 s0, $0x6580  }
.Ltmp32:
0x60f: {  	v5 =	vmovc v8;
	v8 =	vmovc v3;
	v3 =	vmov v7;
	v21 =	vand.u32 $0x7FFFFFFF, v7;
	v15 =	vmul.f32 v17, v15;
	(pc) =	sbr.rel @p0 .LBB2_66-.Ltmp32, $4  }
0x610: {  	(erf) = vpow2.f32 v18;
	v7 =	vpop (erf);
	v17 =	vadd.f32 $2.000000030e-01, v19;
	v11 =	vadd.f32 v16, v11  }
0x611: {  	v16 =	vadd.f32 v9, v9;
	v9 =	vmovc v10;
	v22 =	vadd.f32 $1.000000000e+00, v15;
	v10 =	vmul.f32 v7, v12;
	v12 =	vmovc v14  }
0x612: {  	v18 =	vsub.f32 $0.0e+00, v21;
	v7 =	vmul.f32 v20, v0;
	v14 =	vpop (erf);
	v17 =	vmul.f32 v17, v13  }
0x613: {  	s31 =	sadd.s32 $0x10, s31;
	v19 =	vadd.f32 $2.000000000e+00, v14;
	v16 =	vmul.f32 v22, v16;
	v15 =	vmovc v13;
	v13 =	vmul.f32 v10, v10  }
0x614: {  	_ =	sdelay $0x3  }
0x615: {  	v20 =	vand.u32 $0x7FFFFFFF, v7;
	v21 =	vpop (erf)  }
0x616: {  	v18 =	vmul.f32 $1.442695020e+00, v18;
	v20 =	vsub.f32 $0.0e+00, v20;
	v22 =	vpop (erf)  }
0x617: {  	(erf) = vrcp.f32 v19;
	v19 =	vadd.f32 $2.000000000e+00, v22  }
0x618: {  	(erf) = vpow2.f32 v18;
	v18 =	vmul.f32 $1.442695020e+00, v20  }
0x619: {  	(erf) = vrcp.f32 v19  }
0x61a: {  	(erf) = vpow2.f32 v18;
	_ =	sdelay $0x5  }
0x61b: {  	v18 =	vpop (erf)  }
0x61c: {  	v19 =	vpop (erf)  }
0x61d: {  	v20 =	vpop (erf)  }
0x61e: {  	v23 =	vadd.f32 $2.000000000e+00, v19;
	v24 =	vpop (erf)  }
0x61f: {  	v25 =	vadd.f32 $2.000000000e+00, v24  }
0x620: {  	(erf) = vrcp.f32 v23  }
0x621: {  	(erf) = vrcp.f32 v25;
	_ =	sdelay $0x7  }
0x622: {  	v17 =	vadd.f32 $3.333333430e-01, v17;
	v26 =	vmul.f32 $1.428571490e-01, v13;
	v23 =	vpop (erf)  }
0x623: {  	v12 =	vmul.f32 v21, v12;
	v25 =	vpop (erf)  }
0x624: {  	v1 =	vmax.f32 v1, $0.0e+00;
	v15 =	vmul.f32 v17, v15;
	v17 =	vadd.f32 $2.000000030e-01, v26;
	_ =	swait.ge [sflag:s26], $0x7D0  }
0x625: {  	v1 =	vadd.f32 v16, v1;
	v16 =	vmul.f32 v12, v12;
	[sflag:s26] =	ssyncset.done $0x0  }
0x626: {  	s0 =	simm.s32 $0x19E90;
	v9 =	vadd.f32 v9, v9;
	v15 =	vadd.f32 $1.000000000e+00, v15;
	v17 =	vmul.f32 v17, v13;
	[sflag:s26] =	ssyncadd.s32 $0xFFFFF830  }
0x627: {  	v11 =	vadd.f32 v1, v11;
	v1 =	vmul.f32 $1.428571490e-01, v16;
	v60 =	vld [tilespmem:s0+$0x0]  }
0x628: {  	v9 =	vmul.f32 v15, v9;
	v15 =	vadd.f32 $3.333333430e-01, v17  }
0x629: {  	v2 =	vmax.f32 v2, $0.0e+00;
	v17 =	vadd.f32 $2.000000030e-01, v1  }
0x62a: {  	s8 =	simm.s32 $0x19EA0;
	v2 =	vadd.f32 v9, v2;
	v9 =	vmul.f32 v15, v13  }
0x62b: {  	v13 =	vmul.f32 v17, v16;
	v14 =	vmul.f32 v18, v14;
	v17 =	vld [tilespmem:s8+$0x0]  }
0x62c: {  	v10 =	vadd.f32 v10, v10;
	v9 =	vadd.f32 $1.000000000e+00, v9;
	v1 =	vmul.f32 v60, v0  }
0x62d: {  	v4 =	vmax.f32 v4, $0.0e+00;
	v15 =	vmul.f32 v14, v14  }
0x62e: {  	v11 =	vadd.f32 v2, v11;
	v9 =	vmul.f32 v9, v10;
	v18 =	vand.u32 $0x7FFFFFFF, v1  }
0x62f: {  	v13 =	vadd.f32 $3.333333430e-01, v13;
	v61 =	vmul.f32 $1.428571490e-01, v15;
	v18 =	vsub.f32 $0.0e+00, v18  }
0x630: {  	v4 =	vadd.f32 v9, v4;
	v20 =	vmul.f32 v20, v22;
	v2 =	vmul.f32 v17, v0  }
0x631: {  	v9 =	vadd.f32 v12, v12;
	v13 =	vmul.f32 v13, v16;
	v10 =	vmul.f32 $1.442695020e+00, v18  }
0x632: {  	v16 =	vadd.f32 $2.000000030e-01, v61;
	v17 =	vand.u32 $0x7FFFFFFF, v2;
	v18 =	vmul.f32 v20, v20  }
0x633: {  	s1 =	simm.s32 $0x19EB0;
	v12 =	vadd.f32 $1.000000000e+00, v13;
	v17 =	vsub.f32 $0.0e+00, v17;
	(erf) = vpow2.f32 v10  }
0x634: {  	v10 =	vmul.f32 v16, v15;
	v13 =	vmul.f32 $1.428571490e-01, v18;
	v16 =	vld [tilespmem:s1+$0x0]  }
0x635: {  	v11 =	vadd.f32 v4, v11;
	v4 =	vmul.f32 v12, v9;
	v12 =	vmul.f32 $1.442695020e+00, v17  }
0x636: {  	v6 =	vmax.f32 v6, $0.0e+00;
	v10 =	vadd.f32 $3.333333430e-01, v10;
	v9 =	vadd.f32 $2.000000030e-01, v13  }
0x637: {  	v6 =	vadd.f32 v4, v6;
	(erf) = vpow2.f32 v12;
	v13 =	vmul.f32 v23, v19  }
0x638: {  	v10 =	vmul.f32 v10, v15;
	v9 =	vmul.f32 v9, v18  }
0x639: {  	v6 =	vadd.f32 v6, v11;
	v12 =	vmul.f32 v13, v13;
	v4 =	vmul.f32 v16, v0  }
0x63a: {  	v11 =	vadd.f32 v14, v14;
	s8 =	simm.s32 $0x19EC0;
	v10 =	vadd.f32 $1.000000000e+00, v10  }
0x63b: {  	v9 =	vadd.f32 $3.333333430e-01, v9;
	v16 =	vmul.f32 $1.428571490e-01, v12;
	v14 =	vand.u32 $0x7FFFFFFF, v4  }
0x63c: {  	v5 =	vmax.f32 v5, $0.0e+00;
	v17 =	vld [tilespmem:s8+$0x0];
	v14 =	vsub.f32 $0.0e+00, v14  }
0x63d: {  	v10 =	vmul.f32 v10, v11;
	v9 =	vmul.f32 v9, v18;
	v11 =	vadd.f32 $2.000000030e-01, v16;
	v15 =	vpop (erf)  }
0x63e: {  	v16 =	vadd.f32 v20, v20;
	v19 =	vadd.f32 $2.000000000e+00, v15;
	v14 =	vmul.f32 $1.442695020e+00, v14  }
0x63f: {  	v5 =	vadd.f32 v10, v5;
	v10 =	vmul.f32 v25, v24;
	v9 =	vadd.f32 $1.000000000e+00, v9  }
0x640: {  	s1 =	simm.s32 $0x19ED0;
	v11 =	vmul.f32 v11, v12;
	(erf) = vrcp.f32 v19  }
0x641: {  	v5 =	vadd.f32 v5, v6;
	v6 =	vmul.f32 v17, v0;
	v17 =	vld [tilespmem:s1+$0x0];
	v9 =	vmul.f32 v9, v16  }
0x642: {  	(erf) = vpow2.f32 v14;
	v14 =	vmul.f32 v10, v10  }
0x643: {  	v8 =	vmax.f32 v8, $0.0e+00;
	v11 =	vadd.f32 $3.333333430e-01, v11  }
0x644: {  	v16 =	vpop (erf);
	v19 =	vand.u32 $0x7FFFFFFF, v6;
	v8 =	vadd.f32 v9, v8;
	v18 =	vmul.f32 $1.428571490e-01, v14  }
0x645: {  	v20 =	vadd.f32 $2.000000000e+00, v16;
	v11 =	vmul.f32 v11, v12;
	v9 =	vsub.f32 $0.0e+00, v19  }
0x646: {  	v12 =	vadd.f32 $2.000000030e-01, v18;
	v18 =	vadd.f32 v8, v5;
	v5 =	vmul.f32 v17, v0  }
0x647: {  	(erf) = vrcp.f32 v20  }
0x648: {  	v8 =	vmul.f32 $1.442695020e+00, v9;
	v12 =	vmul.f32 v12, v14;
	v17 =	vand.u32 $0x7FFFFFFF, v5  }
0x649: {  	s8 =	simm.s32 $0x19EE0;
	v11 =	vadd.f32 $1.000000000e+00, v11  }
0x64a: {  	v9 =	vadd.f32 v13, v13;
	(erf) = vpow2.f32 v8;
	v13 =	vpop (erf);
	v8 =	vadd.f32 $3.333333430e-01, v12;
	v12 =	vld [tilespmem:s8+$0x0]  }
0x64b: {  	v13 =	vmul.f32 v13, v15;
	v15 =	vsub.f32 $0.0e+00, v17;
	v17 =	vpop (erf)  }
0x64c: {  	v3 =	vmax.f32 v3, $0.0e+00;
	v9 =	vmul.f32 v11, v9;
	v11 =	vadd.f32 $2.000000000e+00, v17  }
0x64d: {  	v10 =	vadd.f32 v10, v10;
	v8 =	vmul.f32 v8, v14;
	v19 =	vmul.f32 v13, v13  }
0x64e: {  	v3 =	vadd.f32 v9, v3;
	v14 =	vmul.f32 $1.442695020e+00, v15;
	(erf) = vrcp.f32 v11  }
0x64f: {  	s1 =	simm.s32 $0x19EF0;
	v11 =	vadd.f32 $1.000000000e+00, v8;
	v9 =	vmul.f32 $1.428571490e-01, v19;
	v8 =	vmul.f32 v12, v0  }
0x650: {  	v20 =	vld [tilespmem:s1+$0x0];
	v18 =	vadd.f32 v3, v18;
	(erf) = vpow2.f32 v14  }
0x651: {  	v12 =	vpop (erf);
	v3 =	vmul.f32 v11, v10;
	v14 =	vadd.f32 $2.000000030e-01, v9;
	v10 =	vand.u32 $0x7FFFFFFF, v8  }
0x652: {  	v9 =	vmul.f32 v12, v16;
	v10 =	vsub.f32 $0.0e+00, v10  }
0x653: {  	v7 =	vmax.f32 v7, $0.0e+00;
	v12 =	vpop (erf);
	v11 =	vmul.f32 v14, v19  }
0x654: {  	s8 =	simm.s32 $0x19F00;
	v15 =	vmul.f32 v9, v9;
	v14 =	vadd.f32 $2.000000000e+00, v12;
	v10 =	vmul.f32 $1.442695020e+00, v10  }
0x655: {  	v16 =	vld [tilespmem:s8+$0x0];
	v7 =	vadd.f32 v3, v7;
	v3 =	vmul.f32 v20, v0;
	v20 =	vadd.f32 $3.333333430e-01, v11  }
0x656: {  	v62 =	vmul.f32 $1.428571490e-01, v15;
	(erf) = vrcp.f32 v14  }
0x657: {  	v11 =	vadd.f32 v7, v18;
	v14 =	vand.u32 $0x7FFFFFFF, v3;
	v7 =	vmul.f32 v20, v19  }
0x658: {  	(erf) = vpow2.f32 v10;
	v19 =	vadd.f32 $2.000000030e-01, v62;
	v10 =	vpop (erf)  }
0x659: {  	v20 =	vadd.f32 v13, v13;
	v10 =	vmul.f32 v10, v17;
	v63 =	vadd.f32 $1.000000000e+00, v7  }
0x65a: {  	v18 =	vsub.f32 $0.0e+00, v14;
	v7 =	vmul.f32 v16, v0;
	v14 =	vpop (erf);
	v17 =	vmul.f32 v19, v15  }
0x65b: {  	s31 =	simm.s32 $0x19F10;
	s0 =	simm.s32 $0x6600;
	v19 =	vadd.f32 $2.000000000e+00, v14;
	v13 =	vmul.f32 v10, v10;
	v16 =	vmul.f32 v63, v20  }
.LBB2_68:
0x65c: {  	v20 =	vld [tilespmem:s31+$0x0];
	v18 =	vmul.f32 $1.442695020e+00, v18;
	v17 =	vadd.f32 $3.333333430e-01, v17;
	v21 =	vmax.f32 v1, $0.0e+00;
	v1 =	vmovc v2;
	v2 =	vmovc v4;
	s0 =	sadd.s32 $0x10, s0  }
0x65d: {  	v4 =	vmovc v6;
	v6 =	vmovc v5;
	(erf) = vrcp.f32 v19;
	v19 =	vmul.f32 $1.428571490e-01, v13;
	v16 =	vadd.f32 v16, v21;
	p0 =	slt.u32 s0, $0x6D50  }
.Ltmp33:
0x65e: {  	v5 =	vmovc v8;
	v8 =	vmovc v3;
	v3 =	vmov v7;
	v21 =	vand.u32 $0x7FFFFFFF, v7;
	v15 =	vmul.f32 v17, v15;
	(pc) =	sbr.rel @p0 .LBB2_68-.Ltmp33, $4  }
0x65f: {  	(erf) = vpow2.f32 v18;
	v7 =	vpop (erf);
	v17 =	vadd.f32 $2.000000030e-01, v19;
	v11 =	vadd.f32 v16, v11  }
0x660: {  	v16 =	vadd.f32 v9, v9;
	v9 =	vmovc v10;
	v22 =	vadd.f32 $1.000000000e+00, v15;
	v10 =	vmul.f32 v7, v12;
	v12 =	vmovc v14  }
0x661: {  	v18 =	vsub.f32 $0.0e+00, v21;
	v7 =	vmul.f32 v20, v0;
	v14 =	vpop (erf);
	v17 =	vmul.f32 v17, v13  }
0x662: {  	s31 =	sadd.s32 $0x10, s31;
	v19 =	vadd.f32 $2.000000000e+00, v14;
	v16 =	vmul.f32 v22, v16;
	v15 =	vmovc v13;
	v13 =	vmul.f32 v10, v10  }
0x663: {  	_ =	sdelay $0x3  }
0x664: {  	v20 =	vand.u32 $0x7FFFFFFF, v7;
	v21 =	vpop (erf)  }
0x665: {  	v18 =	vmul.f32 $1.442695020e+00, v18;
	v20 =	vsub.f32 $0.0e+00, v20;
	v22 =	vpop (erf)  }
0x666: {  	(erf) = vrcp.f32 v19;
	v19 =	vadd.f32 $2.000000000e+00, v22  }
0x667: {  	(erf) = vpow2.f32 v18;
	v18 =	vmul.f32 $1.442695020e+00, v20  }
0x668: {  	(erf) = vrcp.f32 v19  }
0x669: {  	(erf) = vpow2.f32 v18;
	_ =	sdelay $0x5  }
0x66a: {  	v18 =	vpop (erf)  }
0x66b: {  	v19 =	vpop (erf)  }
0x66c: {  	v20 =	vpop (erf)  }
0x66d: {  	v23 =	vadd.f32 $2.000000000e+00, v19;
	v24 =	vpop (erf)  }
0x66e: {  	v25 =	vadd.f32 $2.000000000e+00, v24  }
0x66f: {  	(erf) = vrcp.f32 v23  }
0x670: {  	(erf) = vrcp.f32 v25;
	_ =	sdelay $0x7  }
0x671: {  	v17 =	vadd.f32 $3.333333430e-01, v17;
	v26 =	vmul.f32 $1.428571490e-01, v13;
	v23 =	vpop (erf)  }
0x672: {  	v12 =	vmul.f32 v21, v12;
	v25 =	vpop (erf)  }
0x673: {  	v1 =	vmax.f32 v1, $0.0e+00;
	v15 =	vmul.f32 v17, v15;
	v17 =	vadd.f32 $2.000000030e-01, v26;
	_ =	swait.ge [sflag:s26], $0x7D0  }
0x674: {  	v1 =	vadd.f32 v16, v1;
	v16 =	vmul.f32 v12, v12;
	[sflag:s26] =	ssyncset.done $0x0  }
0x675: {  	s0 =	simm.s32 $0x1A660;
	v9 =	vadd.f32 v9, v9;
	v15 =	vadd.f32 $1.000000000e+00, v15;
	v17 =	vmul.f32 v17, v13;
	[sflag:s26] =	ssyncadd.s32 $0xFFFFF830  }
0x676: {  	v11 =	vadd.f32 v1, v11;
	v1 =	vmul.f32 $1.428571490e-01, v16;
	v60 =	vld [tilespmem:s0+$0x0]  }
0x677: {  	v9 =	vmul.f32 v15, v9;
	v15 =	vadd.f32 $3.333333430e-01, v17  }
0x678: {  	v2 =	vmax.f32 v2, $0.0e+00;
	v17 =	vadd.f32 $2.000000030e-01, v1  }
0x679: {  	s8 =	simm.s32 $0x1A670;
	v2 =	vadd.f32 v9, v2;
	v9 =	vmul.f32 v15, v13  }
0x67a: {  	v13 =	vmul.f32 v17, v16;
	v14 =	vmul.f32 v18, v14;
	v17 =	vld [tilespmem:s8+$0x0]  }
0x67b: {  	v10 =	vadd.f32 v10, v10;
	v9 =	vadd.f32 $1.000000000e+00, v9;
	v1 =	vmul.f32 v60, v0  }
0x67c: {  	v4 =	vmax.f32 v4, $0.0e+00;
	v15 =	vmul.f32 v14, v14  }
0x67d: {  	v11 =	vadd.f32 v2, v11;
	v9 =	vmul.f32 v9, v10;
	v18 =	vand.u32 $0x7FFFFFFF, v1  }
0x67e: {  	v13 =	vadd.f32 $3.333333430e-01, v13;
	v61 =	vmul.f32 $1.428571490e-01, v15;
	v18 =	vsub.f32 $0.0e+00, v18  }
0x67f: {  	v4 =	vadd.f32 v9, v4;
	v20 =	vmul.f32 v20, v22;
	v2 =	vmul.f32 v17, v0  }
0x680: {  	v9 =	vadd.f32 v12, v12;
	v13 =	vmul.f32 v13, v16;
	v10 =	vmul.f32 $1.442695020e+00, v18  }
0x681: {  	v16 =	vadd.f32 $2.000000030e-01, v61;
	v17 =	vand.u32 $0x7FFFFFFF, v2;
	v18 =	vmul.f32 v20, v20  }
0x682: {  	s1 =	simm.s32 $0x1A680;
	v12 =	vadd.f32 $1.000000000e+00, v13;
	v17 =	vsub.f32 $0.0e+00, v17;
	(erf) = vpow2.f32 v10  }
0x683: {  	v10 =	vmul.f32 v16, v15;
	v13 =	vmul.f32 $1.428571490e-01, v18;
	v16 =	vld [tilespmem:s1+$0x0]  }
0x684: {  	v11 =	vadd.f32 v4, v11;
	v4 =	vmul.f32 v12, v9;
	v12 =	vmul.f32 $1.442695020e+00, v17  }
0x685: {  	v6 =	vmax.f32 v6, $0.0e+00;
	v10 =	vadd.f32 $3.333333430e-01, v10;
	v9 =	vadd.f32 $2.000000030e-01, v13  }
0x686: {  	v6 =	vadd.f32 v4, v6;
	(erf) = vpow2.f32 v12;
	v13 =	vmul.f32 v23, v19  }
0x687: {  	v10 =	vmul.f32 v10, v15;
	v9 =	vmul.f32 v9, v18  }
0x688: {  	v6 =	vadd.f32 v6, v11;
	v12 =	vmul.f32 v13, v13;
	v4 =	vmul.f32 v16, v0  }
0x689: {  	v11 =	vadd.f32 v14, v14;
	s8 =	simm.s32 $0x1A690;
	v10 =	vadd.f32 $1.000000000e+00, v10  }
0x68a: {  	v9 =	vadd.f32 $3.333333430e-01, v9;
	v16 =	vmul.f32 $1.428571490e-01, v12;
	v14 =	vand.u32 $0x7FFFFFFF, v4  }
0x68b: {  	v5 =	vmax.f32 v5, $0.0e+00;
	v17 =	vld [tilespmem:s8+$0x0];
	v14 =	vsub.f32 $0.0e+00, v14  }
0x68c: {  	v10 =	vmul.f32 v10, v11;
	v9 =	vmul.f32 v9, v18;
	v11 =	vadd.f32 $2.000000030e-01, v16;
	v15 =	vpop (erf)  }
0x68d: {  	v16 =	vadd.f32 v20, v20;
	v19 =	vadd.f32 $2.000000000e+00, v15;
	v14 =	vmul.f32 $1.442695020e+00, v14  }
0x68e: {  	v5 =	vadd.f32 v10, v5;
	v10 =	vmul.f32 v25, v24;
	v9 =	vadd.f32 $1.000000000e+00, v9  }
0x68f: {  	s1 =	simm.s32 $0x1A6A0;
	v11 =	vmul.f32 v11, v12;
	(erf) = vrcp.f32 v19  }
0x690: {  	v5 =	vadd.f32 v5, v6;
	v6 =	vmul.f32 v17, v0;
	v17 =	vld [tilespmem:s1+$0x0];
	v9 =	vmul.f32 v9, v16  }
0x691: {  	(erf) = vpow2.f32 v14;
	v14 =	vmul.f32 v10, v10  }
0x692: {  	v8 =	vmax.f32 v8, $0.0e+00;
	v11 =	vadd.f32 $3.333333430e-01, v11  }
0x693: {  	v16 =	vpop (erf);
	v19 =	vand.u32 $0x7FFFFFFF, v6;
	v8 =	vadd.f32 v9, v8;
	v18 =	vmul.f32 $1.428571490e-01, v14  }
0x694: {  	v20 =	vadd.f32 $2.000000000e+00, v16;
	v11 =	vmul.f32 v11, v12;
	v9 =	vsub.f32 $0.0e+00, v19  }
0x695: {  	v12 =	vadd.f32 $2.000000030e-01, v18;
	v18 =	vadd.f32 v8, v5;
	v5 =	vmul.f32 v17, v0  }
0x696: {  	(erf) = vrcp.f32 v20  }
0x697: {  	v8 =	vmul.f32 $1.442695020e+00, v9;
	v12 =	vmul.f32 v12, v14;
	v17 =	vand.u32 $0x7FFFFFFF, v5  }
0x698: {  	s8 =	simm.s32 $0x1A6B0;
	v11 =	vadd.f32 $1.000000000e+00, v11  }
0x699: {  	v9 =	vadd.f32 v13, v13;
	(erf) = vpow2.f32 v8;
	v13 =	vpop (erf);
	v8 =	vadd.f32 $3.333333430e-01, v12;
	v12 =	vld [tilespmem:s8+$0x0]  }
0x69a: {  	v13 =	vmul.f32 v13, v15;
	v15 =	vsub.f32 $0.0e+00, v17;
	v17 =	vpop (erf)  }
0x69b: {  	v3 =	vmax.f32 v3, $0.0e+00;
	v9 =	vmul.f32 v11, v9;
	v11 =	vadd.f32 $2.000000000e+00, v17  }
0x69c: {  	v10 =	vadd.f32 v10, v10;
	v8 =	vmul.f32 v8, v14;
	v19 =	vmul.f32 v13, v13  }
0x69d: {  	v3 =	vadd.f32 v9, v3;
	v14 =	vmul.f32 $1.442695020e+00, v15;
	(erf) = vrcp.f32 v11  }
0x69e: {  	s1 =	simm.s32 $0x1A6C0;
	v11 =	vadd.f32 $1.000000000e+00, v8;
	v9 =	vmul.f32 $1.428571490e-01, v19;
	v8 =	vmul.f32 v12, v0  }
0x69f: {  	v20 =	vld [tilespmem:s1+$0x0];
	v18 =	vadd.f32 v3, v18;
	(erf) = vpow2.f32 v14  }
0x6a0: {  	v12 =	vpop (erf);
	v3 =	vmul.f32 v11, v10;
	v14 =	vadd.f32 $2.000000030e-01, v9;
	v10 =	vand.u32 $0x7FFFFFFF, v8  }
0x6a1: {  	v9 =	vmul.f32 v12, v16;
	v10 =	vsub.f32 $0.0e+00, v10  }
0x6a2: {  	v7 =	vmax.f32 v7, $0.0e+00;
	v12 =	vpop (erf);
	v11 =	vmul.f32 v14, v19  }
0x6a3: {  	s8 =	simm.s32 $0x1A6D0;
	v15 =	vmul.f32 v9, v9;
	v14 =	vadd.f32 $2.000000000e+00, v12;
	v10 =	vmul.f32 $1.442695020e+00, v10  }
0x6a4: {  	v16 =	vld [tilespmem:s8+$0x0];
	v7 =	vadd.f32 v3, v7;
	v3 =	vmul.f32 v20, v0;
	v20 =	vadd.f32 $3.333333430e-01, v11  }
0x6a5: {  	v62 =	vmul.f32 $1.428571490e-01, v15;
	(erf) = vrcp.f32 v14  }
0x6a6: {  	v11 =	vadd.f32 v7, v18;
	v14 =	vand.u32 $0x7FFFFFFF, v3;
	v7 =	vmul.f32 v20, v19  }
0x6a7: {  	(erf) = vpow2.f32 v10;
	v19 =	vadd.f32 $2.000000030e-01, v62;
	v10 =	vpop (erf)  }
0x6a8: {  	v20 =	vadd.f32 v13, v13;
	v10 =	vmul.f32 v10, v17;
	v63 =	vadd.f32 $1.000000000e+00, v7  }
0x6a9: {  	v18 =	vsub.f32 $0.0e+00, v14;
	v7 =	vmul.f32 v16, v0;
	v14 =	vpop (erf);
	v17 =	vmul.f32 v19, v15  }
0x6aa: {  	s31 =	simm.s32 $0x1A6E0;
	s0 =	simm.s32 $0x6DD0;
	v19 =	vadd.f32 $2.000000000e+00, v14;
	v13 =	vmul.f32 v10, v10;
	v16 =	vmul.f32 v63, v20  }
.LBB2_70:
0x6ab: {  	v20 =	vld [tilespmem:s31+$0x0];
	v18 =	vmul.f32 $1.442695020e+00, v18;
	v17 =	vadd.f32 $3.333333430e-01, v17;
	v21 =	vmax.f32 v1, $0.0e+00;
	v1 =	vmovc v2;
	v2 =	vmovc v4;
	s0 =	sadd.s32 $0x10, s0  }
0x6ac: {  	v4 =	vmovc v6;
	v6 =	vmovc v5;
	(erf) = vrcp.f32 v19;
	v19 =	vmul.f32 $1.428571490e-01, v13;
	v16 =	vadd.f32 v16, v21;
	p0 =	slt.u32 s0, $0x7520  }
.Ltmp34:
0x6ad: {  	v5 =	vmovc v8;
	v8 =	vmovc v3;
	v3 =	vmov v7;
	v21 =	vand.u32 $0x7FFFFFFF, v7;
	v15 =	vmul.f32 v17, v15;
	(pc) =	sbr.rel @p0 .LBB2_70-.Ltmp34, $4  }
0x6ae: {  	(erf) = vpow2.f32 v18;
	v7 =	vpop (erf);
	v17 =	vadd.f32 $2.000000030e-01, v19;
	v11 =	vadd.f32 v16, v11  }
0x6af: {  	v16 =	vadd.f32 v9, v9;
	v9 =	vmovc v10;
	v22 =	vadd.f32 $1.000000000e+00, v15;
	v10 =	vmul.f32 v7, v12;
	v12 =	vmovc v14  }
0x6b0: {  	v18 =	vsub.f32 $0.0e+00, v21;
	v7 =	vmul.f32 v20, v0;
	v14 =	vpop (erf);
	v17 =	vmul.f32 v17, v13  }
0x6b1: {  	s31 =	sadd.s32 $0x10, s31;
	v19 =	vadd.f32 $2.000000000e+00, v14;
	v16 =	vmul.f32 v22, v16;
	v15 =	vmovc v13;
	v13 =	vmul.f32 v10, v10  }
0x6b2: {  	_ =	sdelay $0x3  }
0x6b3: {  	v20 =	vand.u32 $0x7FFFFFFF, v7;
	v21 =	vpop (erf)  }
0x6b4: {  	v18 =	vmul.f32 $1.442695020e+00, v18;
	v20 =	vsub.f32 $0.0e+00, v20;
	v22 =	vpop (erf)  }
0x6b5: {  	(erf) = vrcp.f32 v19;
	v19 =	vadd.f32 $2.000000000e+00, v22  }
0x6b6: {  	(erf) = vpow2.f32 v18;
	v18 =	vmul.f32 $1.442695020e+00, v20  }
0x6b7: {  	(erf) = vrcp.f32 v19  }
0x6b8: {  	(erf) = vpow2.f32 v18;
	_ =	sdelay $0x5  }
0x6b9: {  	v18 =	vpop (erf)  }
0x6ba: {  	v19 =	vpop (erf)  }
0x6bb: {  	v20 =	vpop (erf)  }
0x6bc: {  	v23 =	vadd.f32 $2.000000000e+00, v19;
	v24 =	vpop (erf)  }
0x6bd: {  	v25 =	vadd.f32 $2.000000000e+00, v24  }
0x6be: {  	(erf) = vrcp.f32 v23  }
0x6bf: {  	(erf) = vrcp.f32 v25;
	_ =	sdelay $0x7  }
0x6c0: {  	v17 =	vadd.f32 $3.333333430e-01, v17;
	v26 =	vmul.f32 $1.428571490e-01, v13;
	v23 =	vpop (erf)  }
0x6c1: {  	v12 =	vmul.f32 v21, v12;
	v25 =	vpop (erf)  }
0x6c2: {  	v1 =	vmax.f32 v1, $0.0e+00;
	v15 =	vmul.f32 v17, v15;
	v17 =	vadd.f32 $2.000000030e-01, v26;
	_ =	swait.ge [sflag:s26], $0x7D0  }
0x6c3: {  	v1 =	vadd.f32 v16, v1;
	v16 =	vmul.f32 v12, v12;
	[sflag:s26] =	ssyncset.done $0x0  }
0x6c4: {  	s0 =	simm.s32 $0x1AE30;
	v9 =	vadd.f32 v9, v9;
	v15 =	vadd.f32 $1.000000000e+00, v15;
	v17 =	vmul.f32 v17, v13;
	[sflag:s26] =	ssyncadd.s32 $0xFFFFF830  }
0x6c5: {  	v11 =	vadd.f32 v1, v11;
	v1 =	vmul.f32 $1.428571490e-01, v16;
	v60 =	vld [tilespmem:s0+$0x0]  }
0x6c6: {  	v9 =	vmul.f32 v15, v9;
	v15 =	vadd.f32 $3.333333430e-01, v17  }
0x6c7: {  	v2 =	vmax.f32 v2, $0.0e+00;
	v17 =	vadd.f32 $2.000000030e-01, v1  }
0x6c8: {  	s8 =	simm.s32 $0x1AE40;
	v2 =	vadd.f32 v9, v2;
	v9 =	vmul.f32 v15, v13  }
0x6c9: {  	v13 =	vmul.f32 v17, v16;
	v14 =	vmul.f32 v18, v14;
	v17 =	vld [tilespmem:s8+$0x0]  }
0x6ca: {  	v10 =	vadd.f32 v10, v10;
	v9 =	vadd.f32 $1.000000000e+00, v9;
	v1 =	vmul.f32 v60, v0  }
0x6cb: {  	v4 =	vmax.f32 v4, $0.0e+00;
	v15 =	vmul.f32 v14, v14  }
0x6cc: {  	v11 =	vadd.f32 v2, v11;
	v9 =	vmul.f32 v9, v10;
	v18 =	vand.u32 $0x7FFFFFFF, v1  }
0x6cd: {  	v13 =	vadd.f32 $3.333333430e-01, v13;
	v61 =	vmul.f32 $1.428571490e-01, v15;
	v18 =	vsub.f32 $0.0e+00, v18  }
0x6ce: {  	v4 =	vadd.f32 v9, v4;
	v20 =	vmul.f32 v20, v22;
	v2 =	vmul.f32 v17, v0  }
0x6cf: {  	v9 =	vadd.f32 v12, v12;
	v13 =	vmul.f32 v13, v16;
	v10 =	vmul.f32 $1.442695020e+00, v18  }
0x6d0: {  	v16 =	vadd.f32 $2.000000030e-01, v61;
	v17 =	vand.u32 $0x7FFFFFFF, v2;
	v18 =	vmul.f32 v20, v20  }
0x6d1: {  	s1 =	simm.s32 $0x1AE50;
	v12 =	vadd.f32 $1.000000000e+00, v13;
	v17 =	vsub.f32 $0.0e+00, v17;
	(erf) = vpow2.f32 v10  }
0x6d2: {  	v10 =	vmul.f32 v16, v15;
	v13 =	vmul.f32 $1.428571490e-01, v18;
	v16 =	vld [tilespmem:s1+$0x0]  }
0x6d3: {  	v11 =	vadd.f32 v4, v11;
	v4 =	vmul.f32 v12, v9;
	v12 =	vmul.f32 $1.442695020e+00, v17  }
0x6d4: {  	v6 =	vmax.f32 v6, $0.0e+00;
	v10 =	vadd.f32 $3.333333430e-01, v10;
	v9 =	vadd.f32 $2.000000030e-01, v13  }
0x6d5: {  	v6 =	vadd.f32 v4, v6;
	(erf) = vpow2.f32 v12;
	v13 =	vmul.f32 v23, v19  }
0x6d6: {  	v10 =	vmul.f32 v10, v15;
	v9 =	vmul.f32 v9, v18  }
0x6d7: {  	v6 =	vadd.f32 v6, v11;
	v12 =	vmul.f32 v13, v13;
	v4 =	vmul.f32 v16, v0  }
0x6d8: {  	v11 =	vadd.f32 v14, v14;
	s8 =	simm.s32 $0x1AE60;
	v10 =	vadd.f32 $1.000000000e+00, v10  }
0x6d9: {  	v9 =	vadd.f32 $3.333333430e-01, v9;
	v16 =	vmul.f32 $1.428571490e-01, v12;
	v14 =	vand.u32 $0x7FFFFFFF, v4  }
0x6da: {  	v5 =	vmax.f32 v5, $0.0e+00;
	v17 =	vld [tilespmem:s8+$0x0];
	v14 =	vsub.f32 $0.0e+00, v14  }
0x6db: {  	v10 =	vmul.f32 v10, v11;
	v9 =	vmul.f32 v9, v18;
	v11 =	vadd.f32 $2.000000030e-01, v16;
	v15 =	vpop (erf)  }
0x6dc: {  	v16 =	vadd.f32 v20, v20;
	v19 =	vadd.f32 $2.000000000e+00, v15;
	v14 =	vmul.f32 $1.442695020e+00, v14  }
0x6dd: {  	v5 =	vadd.f32 v10, v5;
	v10 =	vmul.f32 v25, v24;
	v9 =	vadd.f32 $1.000000000e+00, v9  }
0x6de: {  	s1 =	simm.s32 $0x1AE70;
	v11 =	vmul.f32 v11, v12;
	(erf) = vrcp.f32 v19  }
0x6df: {  	v5 =	vadd.f32 v5, v6;
	v6 =	vmul.f32 v17, v0;
	v17 =	vld [tilespmem:s1+$0x0];
	v9 =	vmul.f32 v9, v16  }
0x6e0: {  	(erf) = vpow2.f32 v14;
	v14 =	vmul.f32 v10, v10  }
0x6e1: {  	v8 =	vmax.f32 v8, $0.0e+00;
	v11 =	vadd.f32 $3.333333430e-01, v11  }
0x6e2: {  	v16 =	vpop (erf);
	v19 =	vand.u32 $0x7FFFFFFF, v6;
	v8 =	vadd.f32 v9, v8;
	v18 =	vmul.f32 $1.428571490e-01, v14  }
0x6e3: {  	v20 =	vadd.f32 $2.000000000e+00, v16;
	v11 =	vmul.f32 v11, v12;
	v9 =	vsub.f32 $0.0e+00, v19  }
0x6e4: {  	v12 =	vadd.f32 $2.000000030e-01, v18;
	v18 =	vadd.f32 v8, v5;
	v5 =	vmul.f32 v17, v0  }
0x6e5: {  	(erf) = vrcp.f32 v20  }
0x6e6: {  	v8 =	vmul.f32 $1.442695020e+00, v9;
	v12 =	vmul.f32 v12, v14;
	v17 =	vand.u32 $0x7FFFFFFF, v5  }
0x6e7: {  	s8 =	simm.s32 $0x1AE80;
	v11 =	vadd.f32 $1.000000000e+00, v11  }
0x6e8: {  	v9 =	vadd.f32 v13, v13;
	(erf) = vpow2.f32 v8;
	v13 =	vpop (erf);
	v8 =	vadd.f32 $3.333333430e-01, v12;
	v12 =	vld [tilespmem:s8+$0x0]  }
0x6e9: {  	v13 =	vmul.f32 v13, v15;
	v15 =	vsub.f32 $0.0e+00, v17;
	v17 =	vpop (erf)  }
0x6ea: {  	v3 =	vmax.f32 v3, $0.0e+00;
	v9 =	vmul.f32 v11, v9;
	v11 =	vadd.f32 $2.000000000e+00, v17  }
0x6eb: {  	v10 =	vadd.f32 v10, v10;
	v8 =	vmul.f32 v8, v14;
	v19 =	vmul.f32 v13, v13  }
0x6ec: {  	v3 =	vadd.f32 v9, v3;
	v14 =	vmul.f32 $1.442695020e+00, v15;
	(erf) = vrcp.f32 v11  }
0x6ed: {  	s1 =	simm.s32 $0x1AE90;
	v11 =	vadd.f32 $1.000000000e+00, v8;
	v9 =	vmul.f32 $1.428571490e-01, v19;
	v8 =	vmul.f32 v12, v0  }
0x6ee: {  	v20 =	vld [tilespmem:s1+$0x0];
	v18 =	vadd.f32 v3, v18;
	(erf) = vpow2.f32 v14  }
0x6ef: {  	v12 =	vpop (erf);
	v3 =	vmul.f32 v11, v10;
	v14 =	vadd.f32 $2.000000030e-01, v9;
	v10 =	vand.u32 $0x7FFFFFFF, v8  }
0x6f0: {  	v9 =	vmul.f32 v12, v16;
	v10 =	vsub.f32 $0.0e+00, v10  }
0x6f1: {  	v7 =	vmax.f32 v7, $0.0e+00;
	v12 =	vpop (erf);
	v11 =	vmul.f32 v14, v19  }
0x6f2: {  	s8 =	simm.s32 $0x1AEA0;
	v15 =	vmul.f32 v9, v9;
	v14 =	vadd.f32 $2.000000000e+00, v12;
	v10 =	vmul.f32 $1.442695020e+00, v10  }
0x6f3: {  	v16 =	vld [tilespmem:s8+$0x0];
	v7 =	vadd.f32 v3, v7;
	v3 =	vmul.f32 v20, v0;
	v20 =	vadd.f32 $3.333333430e-01, v11  }
0x6f4: {  	v62 =	vmul.f32 $1.428571490e-01, v15;
	(erf) = vrcp.f32 v14  }
0x6f5: {  	v11 =	vadd.f32 v7, v18;
	v14 =	vand.u32 $0x7FFFFFFF, v3;
	v7 =	vmul.f32 v20, v19  }
0x6f6: {  	(erf) = vpow2.f32 v10;
	v19 =	vadd.f32 $2.000000030e-01, v62;
	v10 =	vpop (erf)  }
0x6f7: {  	v20 =	vadd.f32 v13, v13;
	v10 =	vmul.f32 v10, v17;
	v63 =	vadd.f32 $1.000000000e+00, v7  }
0x6f8: {  	v18 =	vsub.f32 $0.0e+00, v14;
	v7 =	vmul.f32 v16, v0;
	v14 =	vpop (erf);
	v17 =	vmul.f32 v19, v15  }
0x6f9: {  	s31 =	simm.s32 $0x1AEB0;
	s0 =	simm.s32 $0x75A0;
	v19 =	vadd.f32 $2.000000000e+00, v14;
	v13 =	vmul.f32 v10, v10;
	v16 =	vmul.f32 v63, v20  }
.LBB2_72:
0x6fa: {  	v20 =	vld [tilespmem:s31+$0x0];
	v18 =	vmul.f32 $1.442695020e+00, v18;
	v17 =	vadd.f32 $3.333333430e-01, v17;
	v21 =	vmax.f32 v1, $0.0e+00;
	v1 =	vmovc v2;
	v2 =	vmovc v4;
	s0 =	sadd.s32 $0x10, s0  }
0x6fb: {  	v4 =	vmovc v6;
	v6 =	vmovc v5;
	(erf) = vrcp.f32 v19;
	v19 =	vmul.f32 $1.428571490e-01, v13;
	v16 =	vadd.f32 v16, v21;
	p0 =	slt.u32 s0, $0x7CF0  }
.Ltmp35:
0x6fc: {  	v5 =	vmovc v8;
	v8 =	vmovc v3;
	v3 =	vmov v7;
	v21 =	vand.u32 $0x7FFFFFFF, v7;
	v15 =	vmul.f32 v17, v15;
	(pc) =	sbr.rel @p0 .LBB2_72-.Ltmp35, $4  }
0x6fd: {  	(erf) = vpow2.f32 v18;
	v7 =	vpop (erf);
	v17 =	vadd.f32 $2.000000030e-01, v19;
	v11 =	vadd.f32 v16, v11  }
0x6fe: {  	v16 =	vadd.f32 v9, v9;
	v9 =	vmovc v10;
	v22 =	vadd.f32 $1.000000000e+00, v15;
	v10 =	vmul.f32 v7, v12;
	v12 =	vmovc v14  }
0x6ff: {  	v18 =	vsub.f32 $0.0e+00, v21;
	v7 =	vmul.f32 v20, v0;
	v14 =	vpop (erf);
	v17 =	vmul.f32 v17, v13  }
0x700: {  	s31 =	sadd.s32 $0x10, s31;
	v19 =	vadd.f32 $2.000000000e+00, v14;
	v16 =	vmul.f32 v22, v16;
	v15 =	vmovc v13;
	v13 =	vmul.f32 v10, v10  }
0x701: {  	_ =	sdelay $0x3  }
0x702: {  	v20 =	vand.u32 $0x7FFFFFFF, v7;
	v21 =	vpop (erf)  }
0x703: {  	v18 =	vmul.f32 $1.442695020e+00, v18;
	v20 =	vsub.f32 $0.0e+00, v20;
	v22 =	vpop (erf)  }
0x704: {  	(erf) = vrcp.f32 v19;
	v19 =	vadd.f32 $2.000000000e+00, v22  }
0x705: {  	(erf) = vpow2.f32 v18;
	v18 =	vmul.f32 $1.442695020e+00, v20  }
0x706: {  	(erf) = vrcp.f32 v19  }
0x707: {  	(erf) = vpow2.f32 v18;
	_ =	sdelay $0x5  }
0x708: {  	v18 =	vpop (erf)  }
0x709: {  	v19 =	vpop (erf)  }
0x70a: {  	v20 =	vpop (erf)  }
0x70b: {  	v23 =	vadd.f32 $2.000000000e+00, v19;
	v24 =	vpop (erf)  }
0x70c: {  	v25 =	vadd.f32 $2.000000000e+00, v24  }
0x70d: {  	(erf) = vrcp.f32 v23  }
0x70e: {  	(erf) = vrcp.f32 v25;
	_ =	sdelay $0x7  }
0x70f: {  	v17 =	vadd.f32 $3.333333430e-01, v17;
	v26 =	vmul.f32 $1.428571490e-01, v13;
	v23 =	vpop (erf)  }
0x710: {  	v12 =	vmul.f32 v21, v12;
	v25 =	vpop (erf)  }
0x711: {  	v1 =	vmax.f32 v1, $0.0e+00;
	v15 =	vmul.f32 v17, v15;
	v17 =	vadd.f32 $2.000000030e-01, v26;
	_ =	swait.ge [sflag:s26], $0x7D0  }
0x712: {  	v1 =	vadd.f32 v16, v1;
	v16 =	vmul.f32 v12, v12;
	[sflag:s26] =	ssyncset.done $0x0  }
0x713: {  	s0 =	simm.s32 $0x1B600;
	v9 =	vadd.f32 v9, v9;
	v15 =	vadd.f32 $1.000000000e+00, v15;
	v17 =	vmul.f32 v17, v13;
	[sflag:s26] =	ssyncadd.s32 $0xFFFFF830  }
0x714: {  	v11 =	vadd.f32 v1, v11;
	v1 =	vmul.f32 $1.428571490e-01, v16;
	v60 =	vld [tilespmem:s0+$0x0]  }
0x715: {  	v9 =	vmul.f32 v15, v9;
	v15 =	vadd.f32 $3.333333430e-01, v17  }
0x716: {  	v2 =	vmax.f32 v2, $0.0e+00;
	v17 =	vadd.f32 $2.000000030e-01, v1  }
0x717: {  	s8 =	simm.s32 $0x1B610;
	v2 =	vadd.f32 v9, v2;
	v9 =	vmul.f32 v15, v13  }
0x718: {  	v13 =	vmul.f32 v17, v16;
	v14 =	vmul.f32 v18, v14;
	v17 =	vld [tilespmem:s8+$0x0]  }
0x719: {  	v10 =	vadd.f32 v10, v10;
	v9 =	vadd.f32 $1.000000000e+00, v9;
	v1 =	vmul.f32 v60, v0  }
0x71a: {  	v4 =	vmax.f32 v4, $0.0e+00;
	v15 =	vmul.f32 v14, v14  }
0x71b: {  	v11 =	vadd.f32 v2, v11;
	v9 =	vmul.f32 v9, v10;
	v18 =	vand.u32 $0x7FFFFFFF, v1  }
0x71c: {  	v13 =	vadd.f32 $3.333333430e-01, v13;
	v61 =	vmul.f32 $1.428571490e-01, v15;
	v18 =	vsub.f32 $0.0e+00, v18  }
0x71d: {  	v4 =	vadd.f32 v9, v4;
	v20 =	vmul.f32 v20, v22;
	v2 =	vmul.f32 v17, v0  }
0x71e: {  	v9 =	vadd.f32 v12, v12;
	v13 =	vmul.f32 v13, v16;
	v10 =	vmul.f32 $1.442695020e+00, v18  }
0x71f: {  	v16 =	vadd.f32 $2.000000030e-01, v61;
	v17 =	vand.u32 $0x7FFFFFFF, v2;
	v18 =	vmul.f32 v20, v20  }
0x720: {  	s1 =	simm.s32 $0x1B620;
	v12 =	vadd.f32 $1.000000000e+00, v13;
	v17 =	vsub.f32 $0.0e+00, v17;
	(erf) = vpow2.f32 v10  }
0x721: {  	v10 =	vmul.f32 v16, v15;
	v13 =	vmul.f32 $1.428571490e-01, v18;
	v16 =	vld [tilespmem:s1+$0x0]  }
0x722: {  	v11 =	vadd.f32 v4, v11;
	v4 =	vmul.f32 v12, v9;
	v12 =	vmul.f32 $1.442695020e+00, v17  }
0x723: {  	v6 =	vmax.f32 v6, $0.0e+00;
	v10 =	vadd.f32 $3.333333430e-01, v10;
	v9 =	vadd.f32 $2.000000030e-01, v13  }
0x724: {  	v6 =	vadd.f32 v4, v6;
	(erf) = vpow2.f32 v12;
	v13 =	vmul.f32 v23, v19  }
0x725: {  	v10 =	vmul.f32 v10, v15;
	v9 =	vmul.f32 v9, v18  }
0x726: {  	v6 =	vadd.f32 v6, v11;
	v12 =	vmul.f32 v13, v13;
	v4 =	vmul.f32 v16, v0  }
0x727: {  	v11 =	vadd.f32 v14, v14;
	s8 =	simm.s32 $0x1B630;
	v10 =	vadd.f32 $1.000000000e+00, v10  }
0x728: {  	v9 =	vadd.f32 $3.333333430e-01, v9;
	v16 =	vmul.f32 $1.428571490e-01, v12;
	v14 =	vand.u32 $0x7FFFFFFF, v4  }
0x729: {  	v5 =	vmax.f32 v5, $0.0e+00;
	v17 =	vld [tilespmem:s8+$0x0];
	v14 =	vsub.f32 $0.0e+00, v14  }
0x72a: {  	v10 =	vmul.f32 v10, v11;
	v9 =	vmul.f32 v9, v18;
	v11 =	vadd.f32 $2.000000030e-01, v16;
	v15 =	vpop (erf)  }
0x72b: {  	v16 =	vadd.f32 v20, v20;
	v19 =	vadd.f32 $2.000000000e+00, v15;
	v14 =	vmul.f32 $1.442695020e+00, v14  }
0x72c: {  	v5 =	vadd.f32 v10, v5;
	v10 =	vmul.f32 v25, v24;
	v9 =	vadd.f32 $1.000000000e+00, v9  }
0x72d: {  	s1 =	simm.s32 $0x1B640;
	v11 =	vmul.f32 v11, v12;
	(erf) = vrcp.f32 v19  }
0x72e: {  	v5 =	vadd.f32 v5, v6;
	v6 =	vmul.f32 v17, v0;
	v17 =	vld [tilespmem:s1+$0x0];
	v9 =	vmul.f32 v9, v16  }
0x72f: {  	(erf) = vpow2.f32 v14;
	v14 =	vmul.f32 v10, v10  }
0x730: {  	v8 =	vmax.f32 v8, $0.0e+00;
	v11 =	vadd.f32 $3.333333430e-01, v11  }
0x731: {  	v16 =	vpop (erf);
	v19 =	vand.u32 $0x7FFFFFFF, v6;
	v8 =	vadd.f32 v9, v8;
	v18 =	vmul.f32 $1.428571490e-01, v14  }
0x732: {  	v20 =	vadd.f32 $2.000000000e+00, v16;
	v11 =	vmul.f32 v11, v12;
	v9 =	vsub.f32 $0.0e+00, v19  }
0x733: {  	v12 =	vadd.f32 $2.000000030e-01, v18;
	v18 =	vadd.f32 v8, v5;
	v5 =	vmul.f32 v17, v0  }
0x734: {  	(erf) = vrcp.f32 v20  }
0x735: {  	v8 =	vmul.f32 $1.442695020e+00, v9;
	v12 =	vmul.f32 v12, v14;
	v17 =	vand.u32 $0x7FFFFFFF, v5  }
0x736: {  	s8 =	simm.s32 $0x1B650;
	v11 =	vadd.f32 $1.000000000e+00, v11  }
0x737: {  	v9 =	vadd.f32 v13, v13;
	(erf) = vpow2.f32 v8;
	v13 =	vpop (erf);
	v8 =	vadd.f32 $3.333333430e-01, v12;
	v12 =	vld [tilespmem:s8+$0x0]  }
0x738: {  	v13 =	vmul.f32 v13, v15;
	v15 =	vsub.f32 $0.0e+00, v17;
	v17 =	vpop (erf)  }
0x739: {  	v3 =	vmax.f32 v3, $0.0e+00;
	v9 =	vmul.f32 v11, v9;
	v11 =	vadd.f32 $2.000000000e+00, v17  }
0x73a: {  	v10 =	vadd.f32 v10, v10;
	v8 =	vmul.f32 v8, v14;
	v19 =	vmul.f32 v13, v13  }
0x73b: {  	v3 =	vadd.f32 v9, v3;
	v14 =	vmul.f32 $1.442695020e+00, v15;
	(erf) = vrcp.f32 v11  }
0x73c: {  	s1 =	simm.s32 $0x1B660;
	v11 =	vadd.f32 $1.000000000e+00, v8;
	v9 =	vmul.f32 $1.428571490e-01, v19;
	v8 =	vmul.f32 v12, v0  }
0x73d: {  	v20 =	vld [tilespmem:s1+$0x0];
	v18 =	vadd.f32 v3, v18;
	(erf) = vpow2.f32 v14  }
0x73e: {  	v12 =	vpop (erf);
	v3 =	vmul.f32 v11, v10;
	v14 =	vadd.f32 $2.000000030e-01, v9;
	v10 =	vand.u32 $0x7FFFFFFF, v8  }
0x73f: {  	v9 =	vmul.f32 v12, v16;
	v10 =	vsub.f32 $0.0e+00, v10  }
0x740: {  	v7 =	vmax.f32 v7, $0.0e+00;
	v12 =	vpop (erf);
	v11 =	vmul.f32 v14, v19  }
0x741: {  	s8 =	simm.s32 $0x1B670;
	v15 =	vmul.f32 v9, v9;
	v14 =	vadd.f32 $2.000000000e+00, v12;
	v10 =	vmul.f32 $1.442695020e+00, v10  }
0x742: {  	v16 =	vld [tilespmem:s8+$0x0];
	v7 =	vadd.f32 v3, v7;
	v3 =	vmul.f32 v20, v0;
	v20 =	vadd.f32 $3.333333430e-01, v11  }
0x743: {  	v62 =	vmul.f32 $1.428571490e-01, v15;
	(erf) = vrcp.f32 v14  }
0x744: {  	v11 =	vadd.f32 v7, v18;
	v14 =	vand.u32 $0x7FFFFFFF, v3;
	v7 =	vmul.f32 v20, v19  }
0x745: {  	(erf) = vpow2.f32 v10;
	v19 =	vadd.f32 $2.000000030e-01, v62;
	v10 =	vpop (erf)  }
0x746: {  	v20 =	vadd.f32 v13, v13;
	v10 =	vmul.f32 v10, v17;
	v63 =	vadd.f32 $1.000000000e+00, v7  }
0x747: {  	v18 =	vsub.f32 $0.0e+00, v14;
	v7 =	vmul.f32 v16, v0;
	v14 =	vpop (erf);
	v17 =	vmul.f32 v19, v15  }
0x748: {  	s31 =	simm.s32 $0x1B680;
	s0 =	simm.s32 $0x7D70;
	v19 =	vadd.f32 $2.000000000e+00, v14;
	v13 =	vmul.f32 v10, v10;
	v16 =	vmul.f32 v63, v20  }
.LBB2_74:
0x749: {  	v20 =	vld [tilespmem:s31+$0x0];
	v18 =	vmul.f32 $1.442695020e+00, v18;
	v17 =	vadd.f32 $3.333333430e-01, v17;
	v21 =	vmax.f32 v1, $0.0e+00;
	v1 =	vmovc v2;
	v2 =	vmovc v4;
	s0 =	sadd.s32 $0x10, s0  }
0x74a: {  	v4 =	vmovc v6;
	v6 =	vmovc v5;
	(erf) = vrcp.f32 v19;
	v19 =	vmul.f32 $1.428571490e-01, v13;
	v16 =	vadd.f32 v16, v21;
	p0 =	slt.u32 s0, $0x84C0  }
.Ltmp36:
0x74b: {  	v5 =	vmovc v8;
	v8 =	vmovc v3;
	v3 =	vmov v7;
	v21 =	vand.u32 $0x7FFFFFFF, v7;
	v15 =	vmul.f32 v17, v15;
	(pc) =	sbr.rel @p0 .LBB2_74-.Ltmp36, $4  }
0x74c: {  	(erf) = vpow2.f32 v18;
	v7 =	vpop (erf);
	v17 =	vadd.f32 $2.000000030e-01, v19;
	v11 =	vadd.f32 v16, v11  }
0x74d: {  	v16 =	vadd.f32 v9, v9;
	v9 =	vmovc v10;
	v22 =	vadd.f32 $1.000000000e+00, v15;
	v10 =	vmul.f32 v7, v12;
	v12 =	vmovc v14  }
0x74e: {  	v18 =	vsub.f32 $0.0e+00, v21;
	v7 =	vmul.f32 v20, v0;
	v14 =	vpop (erf);
	v17 =	vmul.f32 v17, v13  }
0x74f: {  	s31 =	sadd.s32 $0x10, s31;
	v19 =	vadd.f32 $2.000000000e+00, v14;
	v16 =	vmul.f32 v22, v16;
	v15 =	vmovc v13;
	v13 =	vmul.f32 v10, v10  }
0x750: {  	_ =	sdelay $0x3  }
0x751: {  	v20 =	vand.u32 $0x7FFFFFFF, v7;
	v21 =	vpop (erf)  }
0x752: {  	v18 =	vmul.f32 $1.442695020e+00, v18;
	v20 =	vsub.f32 $0.0e+00, v20;
	v22 =	vpop (erf)  }
0x753: {  	(erf) = vrcp.f32 v19;
	v19 =	vadd.f32 $2.000000000e+00, v22  }
0x754: {  	(erf) = vpow2.f32 v18;
	v18 =	vmul.f32 $1.442695020e+00, v20  }
0x755: {  	(erf) = vrcp.f32 v19  }
0x756: {  	(erf) = vpow2.f32 v18;
	_ =	sdelay $0x5  }
0x757: {  	v18 =	vpop (erf)  }
0x758: {  	v19 =	vpop (erf)  }
0x759: {  	v20 =	vpop (erf)  }
0x75a: {  	v23 =	vadd.f32 $2.000000000e+00, v19;
	v24 =	vpop (erf)  }
0x75b: {  	v25 =	vadd.f32 $2.000000000e+00, v24  }
0x75c: {  	(erf) = vrcp.f32 v23  }
0x75d: {  	(erf) = vrcp.f32 v25;
	_ =	sdelay $0x7  }
0x75e: {  	v17 =	vadd.f32 $3.333333430e-01, v17;
	v26 =	vmul.f32 $1.428571490e-01, v13;
	v23 =	vpop (erf)  }
0x75f: {  	v12 =	vmul.f32 v21, v12;
	v25 =	vpop (erf)  }
0x760: {  	v1 =	vmax.f32 v1, $0.0e+00;
	v15 =	vmul.f32 v17, v15;
	v17 =	vadd.f32 $2.000000030e-01, v26;
	_ =	swait.ge [sflag:s26], $0x7D0  }
0x761: {  	v1 =	vadd.f32 v16, v1;
	v16 =	vmul.f32 v12, v12;
	[sflag:s26] =	ssyncset.done $0x0  }
0x762: {  	s0 =	simm.s32 $0x1BDD0;
	v9 =	vadd.f32 v9, v9;
	v15 =	vadd.f32 $1.000000000e+00, v15;
	v17 =	vmul.f32 v17, v13;
	[sflag:s26] =	ssyncadd.s32 $0xFFFFF830  }
0x763: {  	v11 =	vadd.f32 v1, v11;
	v1 =	vmul.f32 $1.428571490e-01, v16;
	v60 =	vld [tilespmem:s0+$0x0]  }
0x764: {  	v9 =	vmul.f32 v15, v9;
	v15 =	vadd.f32 $3.333333430e-01, v17  }
0x765: {  	v2 =	vmax.f32 v2, $0.0e+00;
	v17 =	vadd.f32 $2.000000030e-01, v1  }
0x766: {  	s8 =	simm.s32 $0x1BDE0;
	v2 =	vadd.f32 v9, v2;
	v9 =	vmul.f32 v15, v13  }
0x767: {  	v13 =	vmul.f32 v17, v16;
	v14 =	vmul.f32 v18, v14;
	v17 =	vld [tilespmem:s8+$0x0]  }
0x768: {  	v10 =	vadd.f32 v10, v10;
	v9 =	vadd.f32 $1.000000000e+00, v9;
	v1 =	vmul.f32 v60, v0  }
0x769: {  	v4 =	vmax.f32 v4, $0.0e+00;
	v15 =	vmul.f32 v14, v14  }
0x76a: {  	v11 =	vadd.f32 v2, v11;
	v9 =	vmul.f32 v9, v10;
	v18 =	vand.u32 $0x7FFFFFFF, v1  }
0x76b: {  	v13 =	vadd.f32 $3.333333430e-01, v13;
	v61 =	vmul.f32 $1.428571490e-01, v15;
	v18 =	vsub.f32 $0.0e+00, v18  }
0x76c: {  	v4 =	vadd.f32 v9, v4;
	v20 =	vmul.f32 v20, v22;
	v2 =	vmul.f32 v17, v0  }
0x76d: {  	v9 =	vadd.f32 v12, v12;
	v13 =	vmul.f32 v13, v16;
	v10 =	vmul.f32 $1.442695020e+00, v18  }
0x76e: {  	v16 =	vadd.f32 $2.000000030e-01, v61;
	v17 =	vand.u32 $0x7FFFFFFF, v2;
	v18 =	vmul.f32 v20, v20  }
0x76f: {  	s1 =	simm.s32 $0x1BDF0;
	v12 =	vadd.f32 $1.000000000e+00, v13;
	v17 =	vsub.f32 $0.0e+00, v17;
	(erf) = vpow2.f32 v10  }
0x770: {  	v10 =	vmul.f32 v16, v15;
	v13 =	vmul.f32 $1.428571490e-01, v18;
	v16 =	vld [tilespmem:s1+$0x0]  }
0x771: {  	v11 =	vadd.f32 v4, v11;
	v4 =	vmul.f32 v12, v9;
	v12 =	vmul.f32 $1.442695020e+00, v17  }
0x772: {  	v6 =	vmax.f32 v6, $0.0e+00;
	v10 =	vadd.f32 $3.333333430e-01, v10;
	v9 =	vadd.f32 $2.000000030e-01, v13  }
0x773: {  	v6 =	vadd.f32 v4, v6;
	(erf) = vpow2.f32 v12;
	v13 =	vmul.f32 v23, v19  }
0x774: {  	v10 =	vmul.f32 v10, v15;
	v9 =	vmul.f32 v9, v18  }
0x775: {  	v6 =	vadd.f32 v6, v11;
	v12 =	vmul.f32 v13, v13;
	v4 =	vmul.f32 v16, v0  }
0x776: {  	v11 =	vadd.f32 v14, v14;
	s8 =	simm.s32 $0x1BE00;
	v10 =	vadd.f32 $1.000000000e+00, v10  }
0x777: {  	v9 =	vadd.f32 $3.333333430e-01, v9;
	v16 =	vmul.f32 $1.428571490e-01, v12;
	v14 =	vand.u32 $0x7FFFFFFF, v4  }
0x778: {  	v5 =	vmax.f32 v5, $0.0e+00;
	v17 =	vld [tilespmem:s8+$0x0];
	v14 =	vsub.f32 $0.0e+00, v14  }
0x779: {  	v10 =	vmul.f32 v10, v11;
	v9 =	vmul.f32 v9, v18;
	v11 =	vadd.f32 $2.000000030e-01, v16;
	v15 =	vpop (erf)  }
0x77a: {  	v16 =	vadd.f32 v20, v20;
	v19 =	vadd.f32 $2.000000000e+00, v15;
	v14 =	vmul.f32 $1.442695020e+00, v14  }
0x77b: {  	v5 =	vadd.f32 v10, v5;
	v10 =	vmul.f32 v25, v24;
	v9 =	vadd.f32 $1.000000000e+00, v9  }
0x77c: {  	s1 =	simm.s32 $0x1BE10;
	v11 =	vmul.f32 v11, v12;
	(erf) = vrcp.f32 v19  }
0x77d: {  	v5 =	vadd.f32 v5, v6;
	v6 =	vmul.f32 v17, v0;
	v17 =	vld [tilespmem:s1+$0x0];
	v9 =	vmul.f32 v9, v16  }
0x77e: {  	(erf) = vpow2.f32 v14;
	v14 =	vmul.f32 v10, v10  }
0x77f: {  	v8 =	vmax.f32 v8, $0.0e+00;
	v11 =	vadd.f32 $3.333333430e-01, v11  }
0x780: {  	v16 =	vpop (erf);
	v19 =	vand.u32 $0x7FFFFFFF, v6;
	v8 =	vadd.f32 v9, v8;
	v18 =	vmul.f32 $1.428571490e-01, v14  }
0x781: {  	v20 =	vadd.f32 $2.000000000e+00, v16;
	v11 =	vmul.f32 v11, v12;
	v9 =	vsub.f32 $0.0e+00, v19  }
0x782: {  	v12 =	vadd.f32 $2.000000030e-01, v18;
	v18 =	vadd.f32 v8, v5;
	v5 =	vmul.f32 v17, v0  }
0x783: {  	(erf) = vrcp.f32 v20  }
0x784: {  	v8 =	vmul.f32 $1.442695020e+00, v9;
	v12 =	vmul.f32 v12, v14;
	v17 =	vand.u32 $0x7FFFFFFF, v5  }
0x785: {  	s8 =	simm.s32 $0x1BE20;
	v11 =	vadd.f32 $1.000000000e+00, v11  }
0x786: {  	v9 =	vadd.f32 v13, v13;
	(erf) = vpow2.f32 v8;
	v13 =	vpop (erf);
	v8 =	vadd.f32 $3.333333430e-01, v12;
	v12 =	vld [tilespmem:s8+$0x0]  }
0x787: {  	v13 =	vmul.f32 v13, v15;
	v15 =	vsub.f32 $0.0e+00, v17;
	v17 =	vpop (erf)  }
0x788: {  	v3 =	vmax.f32 v3, $0.0e+00;
	v9 =	vmul.f32 v11, v9;
	v11 =	vadd.f32 $2.000000000e+00, v17  }
0x789: {  	v10 =	vadd.f32 v10, v10;
	v8 =	vmul.f32 v8, v14;
	v19 =	vmul.f32 v13, v13  }
0x78a: {  	v3 =	vadd.f32 v9, v3;
	v14 =	vmul.f32 $1.442695020e+00, v15;
	(erf) = vrcp.f32 v11  }
0x78b: {  	s1 =	simm.s32 $0x1BE30;
	v11 =	vadd.f32 $1.000000000e+00, v8;
	v9 =	vmul.f32 $1.428571490e-01, v19;
	v8 =	vmul.f32 v12, v0  }
0x78c: {  	v20 =	vld [tilespmem:s1+$0x0];
	v18 =	vadd.f32 v3, v18;
	(erf) = vpow2.f32 v14  }
0x78d: {  	v12 =	vpop (erf);
	v3 =	vmul.f32 v11, v10;
	v14 =	vadd.f32 $2.000000030e-01, v9;
	v10 =	vand.u32 $0x7FFFFFFF, v8  }
0x78e: {  	v9 =	vmul.f32 v12, v16;
	v10 =	vsub.f32 $0.0e+00, v10  }
0x78f: {  	v7 =	vmax.f32 v7, $0.0e+00;
	v12 =	vpop (erf);
	v11 =	vmul.f32 v14, v19  }
0x790: {  	s8 =	simm.s32 $0x1BE40;
	v15 =	vmul.f32 v9, v9;
	v14 =	vadd.f32 $2.000000000e+00, v12;
	v10 =	vmul.f32 $1.442695020e+00, v10  }
0x791: {  	v16 =	vld [tilespmem:s8+$0x0];
	v7 =	vadd.f32 v3, v7;
	v3 =	vmul.f32 v20, v0;
	v20 =	vadd.f32 $3.333333430e-01, v11  }
0x792: {  	v62 =	vmul.f32 $1.428571490e-01, v15;
	(erf) = vrcp.f32 v14  }
0x793: {  	v11 =	vadd.f32 v7, v18;
	v14 =	vand.u32 $0x7FFFFFFF, v3;
	v7 =	vmul.f32 v20, v19  }
0x794: {  	(erf) = vpow2.f32 v10;
	v19 =	vadd.f32 $2.000000030e-01, v62;
	v10 =	vpop (erf)  }
0x795: {  	v20 =	vadd.f32 v13, v13;
	v10 =	vmul.f32 v10, v17;
	v63 =	vadd.f32 $1.000000000e+00, v7  }
0x796: {  	v18 =	vsub.f32 $0.0e+00, v14;
	v7 =	vmul.f32 v16, v0;
	v14 =	vpop (erf);
	v17 =	vmul.f32 v19, v15  }
0x797: {  	s31 =	simm.s32 $0x1BE50;
	s0 =	simm.s32 $0x8540;
	v19 =	vadd.f32 $2.000000000e+00, v14;
	v13 =	vmul.f32 v10, v10;
	v16 =	vmul.f32 v63, v20  }
.LBB2_76:
0x798: {  	v20 =	vld [tilespmem:s31+$0x0];
	v18 =	vmul.f32 $1.442695020e+00, v18;
	v17 =	vadd.f32 $3.333333430e-01, v17;
	v21 =	vmax.f32 v1, $0.0e+00;
	v1 =	vmovc v2;
	v2 =	vmovc v4;
	s0 =	sadd.s32 $0x10, s0  }
0x799: {  	v4 =	vmovc v6;
	v6 =	vmovc v5;
	(erf) = vrcp.f32 v19;
	v19 =	vmul.f32 $1.428571490e-01, v13;
	v16 =	vadd.f32 v16, v21;
	p0 =	slt.u32 s0, $0x8C90  }
.Ltmp37:
0x79a: {  	v5 =	vmovc v8;
	v8 =	vmovc v3;
	v3 =	vmov v7;
	v21 =	vand.u32 $0x7FFFFFFF, v7;
	v15 =	vmul.f32 v17, v15;
	(pc) =	sbr.rel @p0 .LBB2_76-.Ltmp37, $4  }
0x79b: {  	(erf) = vpow2.f32 v18;
	v7 =	vpop (erf);
	v17 =	vadd.f32 $2.000000030e-01, v19;
	v11 =	vadd.f32 v16, v11  }
0x79c: {  	v16 =	vadd.f32 v9, v9;
	v9 =	vmovc v10;
	v22 =	vadd.f32 $1.000000000e+00, v15;
	v10 =	vmul.f32 v7, v12;
	v12 =	vmovc v14  }
0x79d: {  	v18 =	vsub.f32 $0.0e+00, v21;
	v7 =	vmul.f32 v20, v0;
	v14 =	vpop (erf);
	v17 =	vmul.f32 v17, v13  }
0x79e: {  	s31 =	sadd.s32 $0x10, s31;
	v19 =	vadd.f32 $2.000000000e+00, v14;
	v16 =	vmul.f32 v22, v16;
	v15 =	vmovc v13;
	v13 =	vmul.f32 v10, v10  }
0x79f: {  	_ =	sdelay $0x3  }
0x7a0: {  	v20 =	vand.u32 $0x7FFFFFFF, v7;
	v21 =	vpop (erf)  }
0x7a1: {  	v18 =	vmul.f32 $1.442695020e+00, v18;
	v20 =	vsub.f32 $0.0e+00, v20;
	v22 =	vpop (erf)  }
0x7a2: {  	(erf) = vrcp.f32 v19;
	v19 =	vadd.f32 $2.000000000e+00, v22  }
0x7a3: {  	(erf) = vpow2.f32 v18;
	v18 =	vmul.f32 $1.442695020e+00, v20  }
0x7a4: {  	(erf) = vrcp.f32 v19  }
0x7a5: {  	(erf) = vpow2.f32 v18;
	_ =	sdelay $0x5  }
0x7a6: {  	v18 =	vpop (erf)  }
0x7a7: {  	v19 =	vpop (erf)  }
0x7a8: {  	v20 =	vpop (erf)  }
0x7a9: {  	v23 =	vadd.f32 $2.000000000e+00, v19;
	v24 =	vpop (erf)  }
0x7aa: {  	v25 =	vadd.f32 $2.000000000e+00, v24  }
0x7ab: {  	(erf) = vrcp.f32 v23  }
0x7ac: {  	(erf) = vrcp.f32 v25;
	_ =	sdelay $0x7  }
0x7ad: {  	v17 =	vadd.f32 $3.333333430e-01, v17;
	v26 =	vmul.f32 $1.428571490e-01, v13;
	v23 =	vpop (erf)  }
0x7ae: {  	v12 =	vmul.f32 v21, v12;
	v25 =	vpop (erf)  }
0x7af: {  	v1 =	vmax.f32 v1, $0.0e+00;
	v15 =	vmul.f32 v17, v15;
	v17 =	vadd.f32 $2.000000030e-01, v26;
	_ =	swait.ge [sflag:s26], $0x7D0  }
0x7b0: {  	v1 =	vadd.f32 v16, v1;
	v16 =	vmul.f32 v12, v12;
	[sflag:s26] =	ssyncset.done $0x0  }
0x7b1: {  	s0 =	simm.s32 $0x1C5A0;
	v9 =	vadd.f32 v9, v9;
	v15 =	vadd.f32 $1.000000000e+00, v15;
	v17 =	vmul.f32 v17, v13;
	[sflag:s26] =	ssyncadd.s32 $0xFFFFF830  }
0x7b2: {  	v11 =	vadd.f32 v1, v11;
	v1 =	vmul.f32 $1.428571490e-01, v16;
	v60 =	vld [tilespmem:s0+$0x0]  }
0x7b3: {  	v9 =	vmul.f32 v15, v9;
	v15 =	vadd.f32 $3.333333430e-01, v17  }
0x7b4: {  	v2 =	vmax.f32 v2, $0.0e+00;
	v17 =	vadd.f32 $2.000000030e-01, v1  }
0x7b5: {  	s8 =	simm.s32 $0x1C5B0;
	v2 =	vadd.f32 v9, v2;
	v9 =	vmul.f32 v15, v13  }
0x7b6: {  	v13 =	vmul.f32 v17, v16;
	v14 =	vmul.f32 v18, v14;
	v17 =	vld [tilespmem:s8+$0x0]  }
0x7b7: {  	v10 =	vadd.f32 v10, v10;
	v9 =	vadd.f32 $1.000000000e+00, v9;
	v1 =	vmul.f32 v60, v0  }
0x7b8: {  	v4 =	vmax.f32 v4, $0.0e+00;
	v15 =	vmul.f32 v14, v14  }
0x7b9: {  	v11 =	vadd.f32 v2, v11;
	v9 =	vmul.f32 v9, v10;
	v18 =	vand.u32 $0x7FFFFFFF, v1  }
0x7ba: {  	v13 =	vadd.f32 $3.333333430e-01, v13;
	v61 =	vmul.f32 $1.428571490e-01, v15;
	v18 =	vsub.f32 $0.0e+00, v18  }
0x7bb: {  	v4 =	vadd.f32 v9, v4;
	v20 =	vmul.f32 v20, v22;
	v2 =	vmul.f32 v17, v0  }
0x7bc: {  	v9 =	vadd.f32 v12, v12;
	v13 =	vmul.f32 v13, v16;
	v10 =	vmul.f32 $1.442695020e+00, v18  }
0x7bd: {  	v16 =	vadd.f32 $2.000000030e-01, v61;
	v17 =	vand.u32 $0x7FFFFFFF, v2;
	v18 =	vmul.f32 v20, v20  }
0x7be: {  	s1 =	simm.s32 $0x1C5C0;
	v12 =	vadd.f32 $1.000000000e+00, v13;
	v17 =	vsub.f32 $0.0e+00, v17;
	(erf) = vpow2.f32 v10  }
0x7bf: {  	v10 =	vmul.f32 v16, v15;
	v13 =	vmul.f32 $1.428571490e-01, v18;
	v16 =	vld [tilespmem:s1+$0x0]  }
0x7c0: {  	v11 =	vadd.f32 v4, v11;
	v4 =	vmul.f32 v12, v9;
	v12 =	vmul.f32 $1.442695020e+00, v17  }
0x7c1: {  	v6 =	vmax.f32 v6, $0.0e+00;
	v10 =	vadd.f32 $3.333333430e-01, v10;
	v9 =	vadd.f32 $2.000000030e-01, v13  }
0x7c2: {  	v6 =	vadd.f32 v4, v6;
	(erf) = vpow2.f32 v12;
	v13 =	vmul.f32 v23, v19  }
0x7c3: {  	v10 =	vmul.f32 v10, v15;
	v9 =	vmul.f32 v9, v18  }
0x7c4: {  	v6 =	vadd.f32 v6, v11;
	v12 =	vmul.f32 v13, v13;
	v4 =	vmul.f32 v16, v0  }
0x7c5: {  	v11 =	vadd.f32 v14, v14;
	s8 =	simm.s32 $0x1C5D0;
	v10 =	vadd.f32 $1.000000000e+00, v10  }
0x7c6: {  	v9 =	vadd.f32 $3.333333430e-01, v9;
	v16 =	vmul.f32 $1.428571490e-01, v12;
	v14 =	vand.u32 $0x7FFFFFFF, v4  }
0x7c7: {  	v5 =	vmax.f32 v5, $0.0e+00;
	v17 =	vld [tilespmem:s8+$0x0];
	v14 =	vsub.f32 $0.0e+00, v14  }
0x7c8: {  	v10 =	vmul.f32 v10, v11;
	v9 =	vmul.f32 v9, v18;
	v11 =	vadd.f32 $2.000000030e-01, v16;
	v15 =	vpop (erf)  }
0x7c9: {  	v16 =	vadd.f32 v20, v20;
	v19 =	vadd.f32 $2.000000000e+00, v15;
	v14 =	vmul.f32 $1.442695020e+00, v14  }
0x7ca: {  	v5 =	vadd.f32 v10, v5;
	v10 =	vmul.f32 v25, v24;
	v9 =	vadd.f32 $1.000000000e+00, v9  }
0x7cb: {  	s1 =	simm.s32 $0x1C5E0;
	v11 =	vmul.f32 v11, v12;
	(erf) = vrcp.f32 v19  }
0x7cc: {  	v5 =	vadd.f32 v5, v6;
	v6 =	vmul.f32 v17, v0;
	v17 =	vld [tilespmem:s1+$0x0];
	v9 =	vmul.f32 v9, v16  }
0x7cd: {  	(erf) = vpow2.f32 v14;
	v14 =	vmul.f32 v10, v10  }
0x7ce: {  	v8 =	vmax.f32 v8, $0.0e+00;
	v11 =	vadd.f32 $3.333333430e-01, v11  }
0x7cf: {  	v16 =	vpop (erf);
	v19 =	vand.u32 $0x7FFFFFFF, v6;
	v8 =	vadd.f32 v9, v8;
	v18 =	vmul.f32 $1.428571490e-01, v14  }
0x7d0: {  	v20 =	vadd.f32 $2.000000000e+00, v16;
	v11 =	vmul.f32 v11, v12;
	v9 =	vsub.f32 $0.0e+00, v19  }
0x7d1: {  	v12 =	vadd.f32 $2.000000030e-01, v18;
	v18 =	vadd.f32 v8, v5;
	v5 =	vmul.f32 v17, v0  }
0x7d2: {  	(erf) = vrcp.f32 v20  }
0x7d3: {  	v8 =	vmul.f32 $1.442695020e+00, v9;
	v12 =	vmul.f32 v12, v14;
	v17 =	vand.u32 $0x7FFFFFFF, v5  }
0x7d4: {  	s8 =	simm.s32 $0x1C5F0;
	v11 =	vadd.f32 $1.000000000e+00, v11  }
0x7d5: {  	v9 =	vadd.f32 v13, v13;
	(erf) = vpow2.f32 v8;
	v13 =	vpop (erf);
	v8 =	vadd.f32 $3.333333430e-01, v12;
	v12 =	vld [tilespmem:s8+$0x0]  }
0x7d6: {  	v13 =	vmul.f32 v13, v15;
	v15 =	vsub.f32 $0.0e+00, v17;
	v17 =	vpop (erf)  }
0x7d7: {  	v3 =	vmax.f32 v3, $0.0e+00;
	v9 =	vmul.f32 v11, v9;
	v11 =	vadd.f32 $2.000000000e+00, v17  }
0x7d8: {  	v10 =	vadd.f32 v10, v10;
	v8 =	vmul.f32 v8, v14;
	v19 =	vmul.f32 v13, v13  }
0x7d9: {  	v3 =	vadd.f32 v9, v3;
	v14 =	vmul.f32 $1.442695020e+00, v15;
	(erf) = vrcp.f32 v11  }
0x7da: {  	s1 =	simm.s32 $0x1C600;
	v11 =	vadd.f32 $1.000000000e+00, v8;
	v9 =	vmul.f32 $1.428571490e-01, v19;
	v8 =	vmul.f32 v12, v0  }
0x7db: {  	v20 =	vld [tilespmem:s1+$0x0];
	v18 =	vadd.f32 v3, v18;
	(erf) = vpow2.f32 v14  }
0x7dc: {  	v12 =	vpop (erf);
	v3 =	vmul.f32 v11, v10;
	v14 =	vadd.f32 $2.000000030e-01, v9;
	v10 =	vand.u32 $0x7FFFFFFF, v8  }
0x7dd: {  	v9 =	vmul.f32 v12, v16;
	v10 =	vsub.f32 $0.0e+00, v10  }
0x7de: {  	v7 =	vmax.f32 v7, $0.0e+00;
	v12 =	vpop (erf);
	v11 =	vmul.f32 v14, v19  }
0x7df: {  	s8 =	simm.s32 $0x1C610;
	v15 =	vmul.f32 v9, v9;
	v14 =	vadd.f32 $2.000000000e+00, v12;
	v10 =	vmul.f32 $1.442695020e+00, v10  }
0x7e0: {  	v16 =	vld [tilespmem:s8+$0x0];
	v7 =	vadd.f32 v3, v7;
	v3 =	vmul.f32 v20, v0;
	v20 =	vadd.f32 $3.333333430e-01, v11  }
0x7e1: {  	v62 =	vmul.f32 $1.428571490e-01, v15;
	(erf) = vrcp.f32 v14  }
0x7e2: {  	v11 =	vadd.f32 v7, v18;
	v14 =	vand.u32 $0x7FFFFFFF, v3;
	v7 =	vmul.f32 v20, v19  }
0x7e3: {  	(erf) = vpow2.f32 v10;
	v19 =	vadd.f32 $2.000000030e-01, v62;
	v10 =	vpop (erf)  }
0x7e4: {  	v20 =	vadd.f32 v13, v13;
	v10 =	vmul.f32 v10, v17;
	v63 =	vadd.f32 $1.000000000e+00, v7  }
0x7e5: {  	v18 =	vsub.f32 $0.0e+00, v14;
	v7 =	vmul.f32 v16, v0;
	v14 =	vpop (erf);
	v17 =	vmul.f32 v19, v15  }
0x7e6: {  	s31 =	simm.s32 $0x1C620;
	s0 =	simm.s32 $0x8D10;
	v19 =	vadd.f32 $2.000000000e+00, v14;
	v13 =	vmul.f32 v10, v10;
	v16 =	vmul.f32 v63, v20  }
.LBB2_78:
0x7e7: {  	v20 =	vld [tilespmem:s31+$0x0];
	v18 =	vmul.f32 $1.442695020e+00, v18;
	v17 =	vadd.f32 $3.333333430e-01, v17;
	v21 =	vmax.f32 v1, $0.0e+00;
	v1 =	vmovc v2;
	v2 =	vmovc v4;
	s0 =	sadd.s32 $0x10, s0  }
0x7e8: {  	v4 =	vmovc v6;
	v6 =	vmovc v5;
	(erf) = vrcp.f32 v19;
	v19 =	vmul.f32 $1.428571490e-01, v13;
	v16 =	vadd.f32 v16, v21;
	p0 =	slt.u32 s0, $0x9460  }
.Ltmp38:
0x7e9: {  	v5 =	vmovc v8;
	v8 =	vmovc v3;
	v3 =	vmov v7;
	v21 =	vand.u32 $0x7FFFFFFF, v7;
	v15 =	vmul.f32 v17, v15;
	(pc) =	sbr.rel @p0 .LBB2_78-.Ltmp38, $4  }
0x7ea: {  	(erf) = vpow2.f32 v18;
	v7 =	vpop (erf);
	v17 =	vadd.f32 $2.000000030e-01, v19;
	v11 =	vadd.f32 v16, v11  }
0x7eb: {  	v16 =	vadd.f32 v9, v9;
	v9 =	vmovc v10;
	v22 =	vadd.f32 $1.000000000e+00, v15;
	v10 =	vmul.f32 v7, v12;
	v12 =	vmovc v14  }
0x7ec: {  	v18 =	vsub.f32 $0.0e+00, v21;
	v7 =	vmul.f32 v20, v0;
	v14 =	vpop (erf);
	v17 =	vmul.f32 v17, v13  }
0x7ed: {  	s31 =	sadd.s32 $0x10, s31;
	v19 =	vadd.f32 $2.000000000e+00, v14;
	v16 =	vmul.f32 v22, v16;
	v15 =	vmovc v13;
	v13 =	vmul.f32 v10, v10  }
0x7ee: {  	_ =	sdelay $0x3  }
0x7ef: {  	v20 =	vand.u32 $0x7FFFFFFF, v7;
	v21 =	vpop (erf)  }
0x7f0: {  	v18 =	vmul.f32 $1.442695020e+00, v18;
	v20 =	vsub.f32 $0.0e+00, v20;
	v22 =	vpop (erf)  }
0x7f1: {  	(erf) = vrcp.f32 v19;
	v19 =	vadd.f32 $2.000000000e+00, v22  }
0x7f2: {  	(erf) = vpow2.f32 v18;
	v18 =	vmul.f32 $1.442695020e+00, v20  }
0x7f3: {  	(erf) = vrcp.f32 v19  }
0x7f4: {  	(erf) = vpow2.f32 v18;
	_ =	sdelay $0x5  }
0x7f5: {  	v18 =	vpop (erf)  }
0x7f6: {  	v19 =	vpop (erf)  }
0x7f7: {  	v20 =	vpop (erf)  }
0x7f8: {  	v23 =	vadd.f32 $2.000000000e+00, v19;
	v24 =	vpop (erf)  }
0x7f9: {  	v25 =	vadd.f32 $2.000000000e+00, v24  }
0x7fa: {  	(erf) = vrcp.f32 v23  }
0x7fb: {  	(erf) = vrcp.f32 v25;
	_ =	sdelay $0x7  }
0x7fc: {  	v17 =	vadd.f32 $3.333333430e-01, v17;
	v26 =	vmul.f32 $1.428571490e-01, v13;
	v23 =	vpop (erf)  }
0x7fd: {  	v12 =	vmul.f32 v21, v12;
	v25 =	vpop (erf)  }
0x7fe: {  	v1 =	vmax.f32 v1, $0.0e+00;
	v15 =	vmul.f32 v17, v15;
	v17 =	vadd.f32 $2.000000030e-01, v26;
	_ =	swait.ge [sflag:s26], $0x7D0  }
0x7ff: {  	v1 =	vadd.f32 v16, v1;
	v16 =	vmul.f32 v12, v12;
	[sflag:s26] =	ssyncset.done $0x0  }
0x800: {  	s0 =	simm.s32 $0x1CD70;
	v9 =	vadd.f32 v9, v9;
	v15 =	vadd.f32 $1.000000000e+00, v15;
	v17 =	vmul.f32 v17, v13;
	[sflag:s26] =	ssyncadd.s32 $0xFFFFF830  }
0x801: {  	v11 =	vadd.f32 v1, v11;
	v1 =	vmul.f32 $1.428571490e-01, v16;
	v61 =	vld [tilespmem:s0+$0x0]  }
0x802: {  	v9 =	vmul.f32 v15, v9;
	v15 =	vadd.f32 $3.333333430e-01, v17  }
0x803: {  	v2 =	vmax.f32 v2, $0.0e+00;
	v17 =	vadd.f32 $2.000000030e-01, v1  }
0x804: {  	s8 =	simm.s32 $0x1CD80;
	v2 =	vadd.f32 v9, v2;
	v9 =	vmul.f32 v15, v13  }
0x805: {  	v13 =	vmul.f32 v17, v16;
	v14 =	vmul.f32 v18, v14;
	v17 =	vld [tilespmem:s8+$0x0]  }
0x806: {  	v10 =	vadd.f32 v10, v10;
	v9 =	vadd.f32 $1.000000000e+00, v9;
	v1 =	vmul.f32 v61, v0  }
0x807: {  	v4 =	vmax.f32 v4, $0.0e+00;
	v15 =	vmul.f32 v14, v14  }
0x808: {  	v11 =	vadd.f32 v2, v11;
	v9 =	vmul.f32 v9, v10;
	v18 =	vand.u32 $0x7FFFFFFF, v1  }
0x809: {  	v13 =	vadd.f32 $3.333333430e-01, v13;
	v62 =	vmul.f32 $1.428571490e-01, v15;
	v18 =	vsub.f32 $0.0e+00, v18  }
0x80a: {  	v4 =	vadd.f32 v9, v4;
	v20 =	vmul.f32 v20, v22;
	v2 =	vmul.f32 v17, v0  }
0x80b: {  	v9 =	vadd.f32 v12, v12;
	v13 =	vmul.f32 v13, v16;
	v10 =	vmul.f32 $1.442695020e+00, v18  }
0x80c: {  	v16 =	vadd.f32 $2.000000030e-01, v62;
	v17 =	vand.u32 $0x7FFFFFFF, v2;
	v18 =	vmul.f32 v20, v20  }
0x80d: {  	s1 =	simm.s32 $0x1CD90;
	v12 =	vadd.f32 $1.000000000e+00, v13;
	v17 =	vsub.f32 $0.0e+00, v17;
	(erf) = vpow2.f32 v10  }
0x80e: {  	v10 =	vmul.f32 v16, v15;
	v13 =	vmul.f32 $1.428571490e-01, v18;
	v16 =	vld [tilespmem:s1+$0x0]  }
0x80f: {  	v11 =	vadd.f32 v4, v11;
	v4 =	vmul.f32 v12, v9;
	v12 =	vmul.f32 $1.442695020e+00, v17  }
0x810: {  	v6 =	vmax.f32 v6, $0.0e+00;
	v10 =	vadd.f32 $3.333333430e-01, v10;
	v9 =	vadd.f32 $2.000000030e-01, v13  }
0x811: {  	v6 =	vadd.f32 v4, v6;
	(erf) = vpow2.f32 v12;
	v13 =	vmul.f32 v23, v19  }
0x812: {  	v10 =	vmul.f32 v10, v15;
	v9 =	vmul.f32 v9, v18  }
0x813: {  	v6 =	vadd.f32 v6, v11;
	v12 =	vmul.f32 v13, v13;
	v4 =	vmul.f32 v16, v0  }
0x814: {  	v11 =	vadd.f32 v14, v14;
	s8 =	simm.s32 $0x1CDA0;
	v10 =	vadd.f32 $1.000000000e+00, v10  }
0x815: {  	v9 =	vadd.f32 $3.333333430e-01, v9;
	v16 =	vmul.f32 $1.428571490e-01, v12;
	v14 =	vand.u32 $0x7FFFFFFF, v4  }
0x816: {  	v5 =	vmax.f32 v5, $0.0e+00;
	v17 =	vld [tilespmem:s8+$0x0];
	v14 =	vsub.f32 $0.0e+00, v14  }
0x817: {  	v10 =	vmul.f32 v10, v11;
	v9 =	vmul.f32 v9, v18;
	v11 =	vadd.f32 $2.000000030e-01, v16;
	v15 =	vpop (erf)  }
0x818: {  	v16 =	vadd.f32 v20, v20;
	v19 =	vadd.f32 $2.000000000e+00, v15;
	v14 =	vmul.f32 $1.442695020e+00, v14  }
0x819: {  	v5 =	vadd.f32 v10, v5;
	v10 =	vmul.f32 v25, v24;
	v9 =	vadd.f32 $1.000000000e+00, v9  }
0x81a: {  	s1 =	simm.s32 $0x1CDB0;
	v11 =	vmul.f32 v11, v12;
	(erf) = vrcp.f32 v19  }
0x81b: {  	v6 =	vadd.f32 v5, v6;
	v5 =	vmul.f32 v17, v0;
	v17 =	vld [tilespmem:s1+$0x0];
	v9 =	vmul.f32 v9, v16  }
0x81c: {  	(erf) = vpow2.f32 v14;
	v14 =	vmul.f32 v10, v10  }
0x81d: {  	v8 =	vmax.f32 v8, $0.0e+00;
	v11 =	vadd.f32 $3.333333430e-01, v11  }
0x81e: {  	v16 =	vpop (erf);
	v19 =	vand.u32 $0x7FFFFFFF, v5;
	v8 =	vadd.f32 v9, v8;
	v18 =	vmul.f32 $1.428571490e-01, v14  }
0x81f: {  	v20 =	vadd.f32 $2.000000000e+00, v16;
	v11 =	vmul.f32 v11, v12;
	v9 =	vsub.f32 $0.0e+00, v19  }
0x820: {  	v8 =	vadd.f32 v8, v6;
	v12 =	vadd.f32 $2.000000030e-01, v18;
	v6 =	vmul.f32 v17, v0  }
0x821: {  	(erf) = vrcp.f32 v20  }
0x822: {  	v9 =	vmul.f32 $1.442695020e+00, v9;
	v12 =	vmul.f32 v12, v14;
	v18 =	vand.u32 $0x7FFFFFFF, v6  }
0x823: {  	s8 =	simm.s32 $0x1CDC0;
	v13 =	vadd.f32 v13, v13  }
0x824: {  	v11 =	vadd.f32 $1.000000000e+00, v11;
	(erf) = vpow2.f32 v9;
	v17 =	vpop (erf);
	v9 =	vadd.f32 $3.333333430e-01, v12;
	v12 =	vld [tilespmem:s8+$0x0]  }
0x825: {  	v17 =	vmul.f32 v17, v15;
	v15 =	vsub.f32 $0.0e+00, v18;
	v18 =	vpop (erf)  }
0x826: {  	v11 =	vmul.f32 v11, v13;
	v13 =	vadd.f32 $2.000000000e+00, v18  }
0x827: {  	v3 =	vmax.f32 v3, $0.0e+00;
	v9 =	vmul.f32 v9, v14;
	v19 =	vmul.f32 v17, v17  }
0x828: {  	v11 =	vadd.f32 v11, v3;
	v14 =	vmul.f32 $1.442695020e+00, v15;
	(erf) = vrcp.f32 v13  }
0x829: {  	s1 =	simm.s32 $0x1CDD0;
	v10 =	vadd.f32 v10, v10;
	v13 =	vmul.f32 $1.428571490e-01, v19;
	v3 =	vmul.f32 v12, v0  }
0x82a: {  	v20 =	vld [tilespmem:s1+$0x0];
	v8 =	vadd.f32 v11, v8;
	v9 =	vadd.f32 $1.000000000e+00, v9  }
0x82b: {  	(erf) = vpow2.f32 v14;
	v12 =	vpop (erf);
	v13 =	vadd.f32 $2.000000030e-01, v13;
	v11 =	vand.u32 $0x7FFFFFFF, v3  }
0x82c: {  	v10 =	vmul.f32 v9, v10;
	v9 =	vmul.f32 v12, v16;
	v11 =	vsub.f32 $0.0e+00, v11  }
0x82d: {  	v7 =	vmax.f32 v7, $0.0e+00;
	v12 =	vpop (erf);
	v13 =	vmul.f32 v13, v19  }
0x82e: {  	s8 =	simm.s32 $0x1CDE0;
	v15 =	vmul.f32 v9, v9;
	v14 =	vadd.f32 $2.000000000e+00, v12;
	v11 =	vmul.f32 $1.442695020e+00, v11  }
0x82f: {  	v16 =	vld [tilespmem:s8+$0x0];
	v10 =	vadd.f32 v10, v7;
	v7 =	vmul.f32 v20, v0;
	v13 =	vadd.f32 $3.333333430e-01, v13  }
0x830: {  	v20 =	vmul.f32 $1.428571490e-01, v15;
	(erf) = vrcp.f32 v14  }
0x831: {  	v10 =	vadd.f32 v10, v8;
	v8 =	vmul.f32 v13, v19  }
0x832: {  	(erf) = vpow2.f32 v11;
	v13 =	vand.u32 $0x7FFFFFFF, v7;
	v19 =	vadd.f32 $2.000000030e-01, v20;
	v11 =	vpop (erf)  }
0x833: {  	v20 =	vadd.f32 v17, v17;
	v11 =	vmul.f32 v11, v18;
	v63 =	vadd.f32 $1.000000000e+00, v8  }
0x834: {  	v8 =	vmul.f32 v16, v0;
	v18 =	vsub.f32 $0.0e+00, v13;
	v14 =	vpop (erf);
	v17 =	vmul.f32 v19, v15  }
0x835: {  	s31 =	simm.s32 $0x1CDF0;
	s0 =	simm.s32 $0x94E0;
	v19 =	vadd.f32 $2.000000000e+00, v14;
	v13 =	vmul.f32 v11, v11;
	v16 =	vmul.f32 v63, v20  }
.LBB2_80:
0x836: {  	v20 =	vld [tilespmem:s31+$0x0];
	v18 =	vmul.f32 $1.442695020e+00, v18;
	v17 =	vadd.f32 $3.333333430e-01, v17;
	v21 =	vmax.f32 v1, $0.0e+00;
	v1 =	vmovc v2;
	v2 =	vmovc v4;
	s0 =	sadd.s32 $0x10, s0  }
0x837: {  	v4 =	vmovc v5;
	v5 =	vmovc v6;
	(erf) = vrcp.f32 v19;
	v19 =	vmul.f32 $1.428571490e-01, v13;
	v16 =	vadd.f32 v16, v21;
	p0 =	slt.u32 s0, $0x9C30  }
.Ltmp39:
0x838: {  	v6 =	vmovc v3;
	v3 =	vmovc v7;
	v7 =	vmov v8;
	v21 =	vand.u32 $0x7FFFFFFF, v8;
	v15 =	vmul.f32 v17, v15;
	(pc) =	sbr.rel @p0 .LBB2_80-.Ltmp39, $4  }
0x839: {  	(erf) = vpow2.f32 v18;
	v8 =	vpop (erf);
	v17 =	vadd.f32 $2.000000030e-01, v19;
	v10 =	vadd.f32 v16, v10  }
0x83a: {  	v16 =	vadd.f32 v9, v9;
	v9 =	vmovc v11;
	v22 =	vadd.f32 $1.000000000e+00, v15;
	v11 =	vmul.f32 v8, v12;
	v12 =	vmovc v14  }
0x83b: {  	v18 =	vsub.f32 $0.0e+00, v21;
	v8 =	vmul.f32 v20, v0;
	v14 =	vpop (erf);
	v17 =	vmul.f32 v17, v13  }
0x83c: {  	s31 =	sadd.s32 $0x10, s31;
	v19 =	vadd.f32 $2.000000000e+00, v14;
	v16 =	vmul.f32 v22, v16;
	v15 =	vmovc v13;
	v13 =	vmul.f32 v11, v11  }
0x83d: {  	_ =	sdelay $0x3  }
0x83e: {  	v20 =	vand.u32 $0x7FFFFFFF, v8;
	v21 =	vpop (erf)  }
0x83f: {  	v18 =	vmul.f32 $1.442695020e+00, v18;
	v20 =	vsub.f32 $0.0e+00, v20;
	v22 =	vpop (erf)  }
0x840: {  	(erf) = vrcp.f32 v19;
	v58 =	vadd.f32 $2.000000000e+00, v22  }
0x841: {  	v59 =	vmul.f32 $1.442695020e+00, v20;
	(erf) = vpow2.f32 v18  }
0x842: {  	(erf) = vrcp.f32 v58  }
0x843: {  	(erf) = vpow2.f32 v59;
	_ =	sdelay $0x5  }
0x844: {  	v60 =	vpop (erf)  }
0x845: {  	v17 =	vadd.f32 $3.333333430e-01, v17;
	v61 =	vmul.f32 $1.428571490e-01, v13;
	v62 =	vpop (erf)  }
0x846: {  	v63 =	vadd.f32 $2.000000000e+00, v62;
	v23 =	vpop (erf)  }
0x847: {  	v15 =	vmul.f32 v17, v15;
	v28 =	vadd.f32 $2.000000030e-01, v61;
	v29 =	vpop (erf)  }
0x848: {  	v12 =	vmul.f32 v21, v12;
	(erf) = vrcp.f32 v63;
	v30 =	vadd.f32 $2.000000000e+00, v29  }
0x849: {  	v9 =	vadd.f32 v9, v9;
	v15 =	vadd.f32 $1.000000000e+00, v15;
	v17 =	vmul.f32 v28, v13  }
0x84a: {  	v1 =	vmax.f32 v1, $0.0e+00;
	v24 =	vmul.f32 v12, v12;
	(erf) = vrcp.f32 v30  }
0x84b: {  	v1 =	vadd.f32 v16, v1;
	v9 =	vmul.f32 v15, v9  }
0x84c: {  	v2 =	vmax.f32 v2, $0.0e+00;
	v32 =	vadd.f32 $3.333333430e-01, v17;
	v31 =	vmul.f32 $1.428571490e-01, v24  }
0x84d: {  	v1 =	vadd.f32 v1, v10;
	v2 =	vadd.f32 v9, v2;
	v34 =	vmul.f32 v60, v14  }
0x84e: {  	v35 =	vmul.f32 v32, v13;
	v33 =	vadd.f32 $2.000000030e-01, v31  }
0x84f: {  	v1 =	vadd.f32 v2, v1;
	v2 =	vmul.f32 v34, v34;
	v37 =	vmul.f32 v23, v22  }
0x850: {  	v11 =	vadd.f32 v11, v11;
	v10 =	vadd.f32 $1.000000000e+00, v35;
	v36 =	vmul.f32 v33, v24  }
0x851: {  	v4 =	vmax.f32 v4, $0.0e+00;
	v38 =	vmul.f32 $1.428571490e-01, v2;
	v39 =	vmul.f32 v37, v37;
	v40 =	vpop (erf)  }
0x852: {  	v12 =	vadd.f32 v12, v12;
	v10 =	vmul.f32 v10, v11;
	v41 =	vmul.f32 v40, v62  }
0x853: {  	v13 =	vadd.f32 $3.333333430e-01, v36;
	v15 =	vadd.f32 $2.000000030e-01, v38;
	v42 =	vmul.f32 $1.428571490e-01, v39;
	v43 =	vpop (erf)  }
0x854: {  	v4 =	vadd.f32 v10, v4;
	v44 =	vmul.f32 v41, v41;
	v18 =	vmul.f32 v43, v29  }
0x855: {  	v9 =	vadd.f32 v34, v34;
	v13 =	vmul.f32 v13, v24;
	v15 =	vmul.f32 v15, v2  }
0x856: {  	v17 =	vadd.f32 $2.000000030e-01, v42;
	v45 =	vmul.f32 $1.428571490e-01, v44;
	v46 =	vmul.f32 v18, v18  }
0x857: {  	v5 =	vmax.f32 v5, $0.0e+00;
	v13 =	vadd.f32 $1.000000000e+00, v13;
	v47 =	vadd.f32 $3.333333430e-01, v15  }
0x858: {  	v48 =	vmul.f32 v17, v39;
	v49 =	vadd.f32 $2.000000030e-01, v45;
	v50 =	vmul.f32 $1.428571490e-01, v46  }
0x859: {  	v1 =	vadd.f32 v4, v1;
	v12 =	vmul.f32 v13, v12;
	v2 =	vmul.f32 v47, v2  }
0x85a: {  	v51 =	vadd.f32 $3.333333430e-01, v48;
	v52 =	vmul.f32 v49, v44;
	v53 =	vadd.f32 $2.000000030e-01, v50  }
0x85b: {  	v6 =	vmax.f32 v6, $0.0e+00;
	v5 =	vadd.f32 v12, v5;
	v2 =	vadd.f32 $1.000000000e+00, v2  }
0x85c: {  	v4 =	vmul.f32 v51, v39;
	v54 =	vadd.f32 $3.333333430e-01, v52;
	v55 =	vmul.f32 v53, v46  }
0x85d: {  	v56 =	vadd.f32 v37, v37;
	v1 =	vadd.f32 v5, v1;
	v2 =	vmul.f32 v2, v9  }
0x85e: {  	v4 =	vadd.f32 $1.000000000e+00, v4;
	v5 =	vmul.f32 v54, v44;
	v57 =	vadd.f32 $3.333333430e-01, v55  }
0x85f: {  	v58 =	vadd.f32 v41, v41;
	v2 =	vadd.f32 v2, v6  }
0x860: {  	v4 =	vmul.f32 v4, v56;
	v5 =	vadd.f32 $1.000000000e+00, v5;
	v59 =	vmul.f32 v57, v46  }
0x861: {  	v3 =	vmax.f32 v3, $0.0e+00;
	v1 =	vadd.f32 v2, v1;
	v60 =	vadd.f32 v18, v18  }
0x862: {  	v2 =	vadd.f32 v4, v3;
	v3 =	vmul.f32 v5, v58;
	v61 =	vadd.f32 $1.000000000e+00, v59  }
0x863: {  	v62 =	vmax.f32 v7, $0.0e+00  }
0x864: {  	v1 =	vadd.f32 v2, v1;
	v2 =	vadd.f32 v3, v62;
	v3 =	vmul.f32 v61, v60  }
0x865: {  	v63 =	vmax.f32 v8, $0.0e+00  }
0x866: {  	v1 =	vadd.f32 v2, v1;
	v2 =	vadd.f32 v3, v63;
	_ =	sdelay $0x1  }
0x867: {  	s30 =	sadd.s32 $0x1, s30;
	v1 =	vadd.f32 v2, v1  }
0x868: {  	p0 =	sne.s32 s30, s6  }
.Ltmp40:
0x869: {  	[tilespmem:$0x1D580] =	vst v1;
	(pc) =	sbr.rel @p0 .LBB2_1-.Ltmp40, $4  }
0x86a: {  	[hbm4b:s4+s2] =	stream.linear.scatter [tilespmem:s28], [sflag:$0x3], $0x10, $0x38;
	[tilespmem:$0x1D600] =	vst v63  }
0x86b: {  	_ =	swait.ge [sflag:s29], $0x10  }
0x86c: {  	[sflag:s29] =	ssyncset.done $0x0  }
0x86d: {  	[sflag:s29] =	ssyncadd.s32 $0xFFFFFFF0  }
0x86e: {  	_ =	sfence.sel $0x180000  }
0x86f: {  	[bflag:$0x0] =	sbarrier.arrive $0xFFFF  }
0x870: {  	_ =	strace $0x90000047  }
0x871: {  	s0 =	stileid.u32;
	[bflag:$0x2] =	sbarrier.arrive $0xFFFF  }
0x872: {  	p0 =	sne.s32 s0, $0x0;
	s0 =	rddreg [dreg:$0x1]  }
0x873: {  	s0 =	sadd.s32 @!p0 $0x100000, s0  }
0x874: {  	[sflag:s0] =	ssyncadd.tile.s32 @!p0 $0x1;
	_ =	shalt  }
.Lfunc_end2:
_tile_overlayer_lowered:
.L_overlay_start_2:
0x875: {  	(tag) =	ssettag $0x2  }
0x876: {  	s0 =	rddreg [dreg:$0x0];
	s2 =	stileid.u32  }
0x877: {  	s1 =	rddreg [dreg:$0x1];
	p0 =	sne.s32 s2, $0x0  }
0x878: {  	s3 =	rddreg [dreg:$0x2];
	[bflag:$0x3] =	sbarrier.arrive $0xFFFF;
	s2 =	simm.s32 @!p0 $0x1C03  }
0x879: {  	[timem:s3], [sflag:s2] =	dma.local @!p0 [hbm:s0], s1  }
0x87a: {  	s0 =	simm.s32 @!p0 $0x3  }
0x87b: {  	_ =	swait.ge @!p0 [sflag:s0], s1  }
0x87c: {  	s1 =	ssub.s32 @!p0 $0x0, s1;
	[sflag:s0] =	ssyncset.done @!p0 $0x0  }
0x87d: {  	[sflag:s0] =	ssyncadd.s32 @!p0 s1  }
0x87e: {  	[bflag:$0x3] =	sbarrier.arrive $0xFFFF  }
0x87f: {  	_ =	shalt  }

</sc_bundles>
